<compile_context>
chip_gen: v7x
topology: tpu7x:2x2x1
jax: 0.10.2.dev20260603
libtpu: 0.0.44.dev20260713+nightly
codegen_flags: <defaults>
</compile_context>

<pallas_src>
import jax
import jax.numpy as jnp
from jax import lax
from jax.experimental import pallas as pl
from jax.experimental.pallas import tpu as pltpu
from jax.experimental.pallas import tpu_sc as plsc

N = 16384
C = 512
R = 4
C2 = C // R

NC = 2
NS = 16
NW = NC * NS
LANES = 16

ROWS_PER_W = N // NW
CHUNK = 32
N_CHUNKS = ROWS_PER_W // CHUNK
N_QUADS = N_CHUNKS // 4
VREGS_PER_ROW = C // LANES


def _full(val):
    return jnp.full((LANES,), val, dtype=jnp.int32)


def _body(x_hbm, out_hbm, in0, in1, in2, in3, ot0, ot1,
          si0, si1, si2, si3, so0, so1):
    wid = lax.axis_index("s") * NC + lax.axis_index("c")
    row0 = wid * ROWS_PER_W

    lane = lax.iota(jnp.int32, LANES)
    lane_mod = lax.rem(lane, _full(R))
    col_k = [lax.div(lane, _full(R)) + _full(4 * k)
             for k in range(VREGS_PER_ROW)]

    def in_copy(g, buf, sem):
        return pltpu.async_copy(
            x_hbm.at[pl.ds(row0 + g * CHUNK, CHUNK), :], buf, sem)

    def out_copy(g, buf, sem):
        return pltpu.async_copy(
            buf, out_hbm.at[pl.ds((row0 + g * CHUNK) * R, CHUNK * R), :],
            sem)

    def permute(in_v, out_v):
        @plsc.parallel_loop(0, CHUNK, unroll=2)
        def row_body(n):
            rvec = jnp.full((LANES,), R * n, dtype=jnp.int32) + lane_mod
            for k in range(VREGS_PER_ROW):
                v = in_v[n, pl.ds(16 * k, LANES)]
                plsc.store_scatter(out_v, [rvec, col_k[k]], v)

    in_bufs = (in0, in1, in2, in3)
    in_sems = (si0, si1, si2, si3)
    out_bufs = (ot0, ot1)
    out_sems = (so0, so1)

    for j in range(4):
        in_copy(j, in_bufs[j], in_sems[j])

    def quad_body(i, carry):
        g = 4 * i

        def stage(q, gq):
            in_v, si = in_bufs[q], in_sems[q]
            out_v, so = out_bufs[q % 2], out_sems[q % 2]
            pltpu.make_async_copy(
                x_hbm.at[pl.ds(0, CHUNK), :], in_v, si).wait()
            if q >= 2:
                pltpu.make_async_copy(
                    out_v, out_hbm.at[pl.ds(0, CHUNK * R), :], so).wait()
            else:
                @pl.when(i > 0)
                def _():
                    pltpu.make_async_copy(
                        out_v, out_hbm.at[pl.ds(0, CHUNK * R), :], so).wait()
            permute(in_v, out_v)
            out_copy(gq, out_v, so)
            @pl.when(i < N_QUADS - 1)
            def _():
                in_copy(gq + 4, in_v, si)

        for q in range(4):
            stage(q, g + q)
        return carry

    lax.fori_loop(0, N_QUADS, quad_body, 0)

    pltpu.make_async_copy(ot0, out_hbm.at[pl.ds(0, CHUNK * R), :], so0).wait()
    pltpu.make_async_copy(ot1, out_hbm.at[pl.ds(0, CHUNK * R), :], so1).wait()


@jax.jit
def _point_shuffle(x):
    mesh = plsc.VectorSubcoreMesh(core_axis_name="c", subcore_axis_name="s")
    run = pl.kernel(
        _body,
        out_type=jax.ShapeDtypeStruct((N * R, C2), jnp.float32),
        mesh=mesh,
        scratch_types=[
            pltpu.VMEM((CHUNK, C), jnp.float32),
            pltpu.VMEM((CHUNK, C), jnp.float32),
            pltpu.VMEM((CHUNK, C), jnp.float32),
            pltpu.VMEM((CHUNK, C), jnp.float32),
            pltpu.VMEM((CHUNK * R, C2), jnp.float32),
            pltpu.VMEM((CHUNK * R, C2), jnp.float32),
            pltpu.SemaphoreType.DMA,
            pltpu.SemaphoreType.DMA,
            pltpu.SemaphoreType.DMA,
            pltpu.SemaphoreType.DMA,
            pltpu.SemaphoreType.DMA,
            pltpu.SemaphoreType.DMA,
        ],
        compiler_params=pltpu.CompilerParams(needs_layout_passes=False),
    )
    return run(x)


def kernel(x):
    return _point_shuffle(x)

# --- scband reference (transcript-rebuilt; emitter-appended) ---
"""Pipeline reference for scband-point-shuffle-85495618995012 (READ-ONLY COPY).

The authoritative reference and input builder live on the scoring server;
editing this copy changes nothing except your own understanding.
"""

import jax, jax.numpy as jnp
import numpy as np

R = 4

def setup_inputs(seed: int = 0) -> dict:
    key = jax.random.key(seed)
    x = jax.random.normal(key, (16384, 512), dtype=jnp.float32)
    return {"x": x}

def reference(x):
    # PointShuffle with batch=None: rearrange 'n (c2 r) -> (n r) c2', c2 = c // r
    n, c = x.shape
    c2 = c // R
    # einops '(c2 r)' split: channel index = c2_idx * r + r_idx
    x = x.reshape(n, c2, R)
    # output '(n r) c2': row index = n_idx * r + r_idx
    x = jnp.transpose(x, (0, 2, 1))
    return x.reshape(n * R, c2)

if __name__ == "__main__":
    import jax
    _d = setup_inputs()
    print(jax.jit(kernel)(*tuple(_d.values())))

</pallas_src>

<mosaic_0001>
#map = affine_map<(d0, d1) -> (0, 0)>
module attributes {stable_mosaic.version = 14 : i64} {
  func.func @_body(%arg0: i32, %arg1: i32, %arg2: memref<16384x512xf32, #tpu.memory_space<hbm>>, %arg3: memref<65536x128xf32, #tpu.memory_space<hbm>>, %arg4: memref<32x512xf32, #tpu.memory_space<vmem>>, %arg5: memref<32x512xf32, #tpu.memory_space<vmem>>, %arg6: memref<32x512xf32, #tpu.memory_space<vmem>>, %arg7: memref<32x512xf32, #tpu.memory_space<vmem>>, %arg8: memref<128x128xf32, #tpu.memory_space<vmem>>, %arg9: memref<128x128xf32, #tpu.memory_space<vmem>>, %arg10: memref<!tpu.dma_semaphore, #tpu.memory_space<semaphore_mem>>, %arg11: memref<!tpu.dma_semaphore, #tpu.memory_space<semaphore_mem>>, %arg12: memref<!tpu.dma_semaphore, #tpu.memory_space<semaphore_mem>>, %arg13: memref<!tpu.dma_semaphore, #tpu.memory_space<semaphore_mem>>, %arg14: memref<!tpu.dma_semaphore, #tpu.memory_space<semaphore_mem>>, %arg15: memref<!tpu.dma_semaphore, #tpu.memory_space<semaphore_mem>>) attributes {dimension_semantics = [#tpu.dimension_semantics<core_parallel>, #tpu.dimension_semantics<subcore_parallel>], iteration_bounds = array<i64: 2, 16>, scalar_prefetch = 0 : i64, scratch_operands = 12 : i64, tpu.core_type = #tpu.core_type<sc_vector_subcore>, window_params = [{transform_indices = #map}, {transform_indices = #map}]} {
    %mul3A = arith.constant 2 : i32
    %mul3A_0 = arith.muli %arg1, %mul3A : i32
    %add3A = arith.addi %mul3A_0, %arg0 : i32
    %mul3A_1 = arith.constant 512 : i32
    %mul3A_2 = arith.muli %add3A, %mul3A_1 : i32
    %iota3A = tpu.iota {dimensions = array<i32: 0>} : vector<16xi32>
    %broadcast_in_dim3A = arith.constant 4 : i32
    %broadcast_in_dim3A_3 = vector.broadcast %broadcast_in_dim3A : i32 to vector<16xi32>
    %rem3A = arith.remsi %iota3A, %broadcast_in_dim3A_3 : vector<16xi32>
    %broadcast_in_dim3A_4 = arith.constant 4 : i32
    %broadcast_in_dim3A_5 = vector.broadcast %broadcast_in_dim3A_4 : i32 to vector<16xi32>
    %div3A = arith.divsi %iota3A, %broadcast_in_dim3A_5 : vector<16xi32>
    %broadcast_in_dim3A_6 = arith.constant 0 : i32
    %broadcast_in_dim3A_7 = vector.broadcast %broadcast_in_dim3A_6 : i32 to vector<16xi32>
    %add3A_8 = arith.addi %div3A, %broadcast_in_dim3A_7 : vector<16xi32>
    %broadcast_in_dim3A_9 = arith.constant 4 : i32
    %broadcast_in_dim3A_10 = vector.broadcast %broadcast_in_dim3A_9 : i32 to vector<16xi32>
    %div3A_11 = arith.divsi %iota3A, %broadcast_in_dim3A_10 : vector<16xi32>
    %broadcast_in_dim3A_12 = arith.constant 4 : i32
    %broadcast_in_dim3A_13 = vector.broadcast %broadcast_in_dim3A_12 : i32 to vector<16xi32>
    %add3A_14 = arith.addi %div3A_11, %broadcast_in_dim3A_13 : vector<16xi32>
    %broadcast_in_dim3A_15 = arith.constant 4 : i32
    %broadcast_in_dim3A_16 = vector.broadcast %broadcast_in_dim3A_15 : i32 to vector<16xi32>
    %div3A_17 = arith.divsi %iota3A, %broadcast_in_dim3A_16 : vector<16xi32>
    %broadcast_in_dim3A_18 = arith.constant 8 : i32
    %broadcast_in_dim3A_19 = vector.broadcast %broadcast_in_dim3A_18 : i32 to vector<16xi32>
    %add3A_20 = arith.addi %div3A_17, %broadcast_in_dim3A_19 : vector<16xi32>
    %broadcast_in_dim3A_21 = arith.constant 4 : i32
    %broadcast_in_dim3A_22 = vector.broadcast %broadcast_in_dim3A_21 : i32 to vector<16xi32>
    %div3A_23 = arith.divsi %iota3A, %broadcast_in_dim3A_22 : vector<16xi32>
    %broadcast_in_dim3A_24 = arith.constant 12 : i32
    %broadcast_in_dim3A_25 = vector.broadcast %broadcast_in_dim3A_24 : i32 to vector<16xi32>
    %add3A_26 = arith.addi %div3A_23, %broadcast_in_dim3A_25 : vector<16xi32>
    %broadcast_in_dim3A_27 = arith.constant 4 : i32
    %broadcast_in_dim3A_28 = vector.broadcast %broadcast_in_dim3A_27 : i32 to vector<16xi32>
    %div3A_29 = arith.divsi %iota3A, %broadcast_in_dim3A_28 : vector<16xi32>
    %broadcast_in_dim3A_30 = arith.constant 16 : i32
    %broadcast_in_dim3A_31 = vector.broadcast %broadcast_in_dim3A_30 : i32 to vector<16xi32>
    %add3A_32 = arith.addi %div3A_29, %broadcast_in_dim3A_31 : vector<16xi32>
    %broadcast_in_dim3A_33 = arith.constant 4 : i32
    %broadcast_in_dim3A_34 = vector.broadcast %broadcast_in_dim3A_33 : i32 to vector<16xi32>
    %div3A_35 = arith.divsi %iota3A, %broadcast_in_dim3A_34 : vector<16xi32>
    %broadcast_in_dim3A_36 = arith.constant 20 : i32
    %broadcast_in_dim3A_37 = vector.broadcast %broadcast_in_dim3A_36 : i32 to vector<16xi32>
    %add3A_38 = arith.addi %div3A_35, %broadcast_in_dim3A_37 : vector<16xi32>
    %broadcast_in_dim3A_39 = arith.constant 4 : i32
    %broadcast_in_dim3A_40 = vector.broadcast %broadcast_in_dim3A_39 : i32 to vector<16xi32>
    %div3A_41 = arith.divsi %iota3A, %broadcast_in_dim3A_40 : vector<16xi32>
    %broadcast_in_dim3A_42 = arith.constant 24 : i32
    %broadcast_in_dim3A_43 = vector.broadcast %broadcast_in_dim3A_42 : i32 to vector<16xi32>
    %add3A_44 = arith.addi %div3A_41, %broadcast_in_dim3A_43 : vector<16xi32>
    %broadcast_in_dim3A_45 = arith.constant 4 : i32
    %broadcast_in_dim3A_46 = vector.broadcast %broadcast_in_dim3A_45 : i32 to vector<16xi32>
    %div3A_47 = arith.divsi %iota3A, %broadcast_in_dim3A_46 : vector<16xi32>
    %broadcast_in_dim3A_48 = arith.constant 28 : i32
    %broadcast_in_dim3A_49 = vector.broadcast %broadcast_in_dim3A_48 : i32 to vector<16xi32>
    %add3A_50 = arith.addi %div3A_47, %broadcast_in_dim3A_49 : vector<16xi32>
    %broadcast_in_dim3A_51 = arith.constant 4 : i32
    %broadcast_in_dim3A_52 = vector.broadcast %broadcast_in_dim3A_51 : i32 to vector<16xi32>
    %div3A_53 = arith.divsi %iota3A, %broadcast_in_dim3A_52 : vector<16xi32>
    %broadcast_in_dim3A_54 = arith.constant 32 : i32
    %broadcast_in_dim3A_55 = vector.broadcast %broadcast_in_dim3A_54 : i32 to vector<16xi32>
    %add3A_56 = arith.addi %div3A_53, %broadcast_in_dim3A_55 : vector<16xi32>
    %broadcast_in_dim3A_57 = arith.constant 4 : i32
    %broadcast_in_dim3A_58 = vector.broadcast %broadcast_in_dim3A_57 : i32 to vector<16xi32>
    %div3A_59 = arith.divsi %iota3A, %broadcast_in_dim3A_58 : vector<16xi32>
    %broadcast_in_dim3A_60 = arith.constant 36 : i32
    %broadcast_in_dim3A_61 = vector.broadcast %broadcast_in_dim3A_60 : i32 to vector<16xi32>
    %add3A_62 = arith.addi %div3A_59, %broadcast_in_dim3A_61 : vector<16xi32>
    %broadcast_in_dim3A_63 = arith.constant 4 : i32
    %broadcast_in_dim3A_64 = vector.broadcast %broadcast_in_dim3A_63 : i32 to vector<16xi32>
    %div3A_65 = arith.divsi %iota3A, %broadcast_in_dim3A_64 : vector<16xi32>
    %broadcast_in_dim3A_66 = arith.constant 40 : i32
    %broadcast_in_dim3A_67 = vector.broadcast %broadcast_in_dim3A_66 : i32 to vector<16xi32>
    %add3A_68 = arith.addi %div3A_65, %broadcast_in_dim3A_67 : vector<16xi32>
    %broadcast_in_dim3A_69 = arith.constant 4 : i32
    %broadcast_in_dim3A_70 = vector.broadcast %broadcast_in_dim3A_69 : i32 to vector<16xi32>
    %div3A_71 = arith.divsi %iota3A, %broadcast_in_dim3A_70 : vector<16xi32>
    %broadcast_in_dim3A_72 = arith.constant 44 : i32
    %broadcast_in_dim3A_73 = vector.broadcast %broadcast_in_dim3A_72 : i32 to vector<16xi32>
    %add3A_74 = arith.addi %div3A_71, %broadcast_in_dim3A_73 : vector<16xi32>
    %broadcast_in_dim3A_75 = arith.constant 4 : i32
    %broadcast_in_dim3A_76 = vector.broadcast %broadcast_in_dim3A_75 : i32 to vector<16xi32>
    %div3A_77 = arith.divsi %iota3A, %broadcast_in_dim3A_76 : vector<16xi32>
    %broadcast_in_dim3A_78 = arith.constant 48 : i32
    %broadcast_in_dim3A_79 = vector.broadcast %broadcast_in_dim3A_78 : i32 to vector<16xi32>
    %add3A_80 = arith.addi %div3A_77, %broadcast_in_dim3A_79 : vector<16xi32>
    %broadcast_in_dim3A_81 = arith.constant 4 : i32
    %broadcast_in_dim3A_82 = vector.broadcast %broadcast_in_dim3A_81 : i32 to vector<16xi32>
    %div3A_83 = arith.divsi %iota3A, %broadcast_in_dim3A_82 : vector<16xi32>
    %broadcast_in_dim3A_84 = arith.constant 52 : i32
    %broadcast_in_dim3A_85 = vector.broadcast %broadcast_in_dim3A_84 : i32 to vector<16xi32>
    %add3A_86 = arith.addi %div3A_83, %broadcast_in_dim3A_85 : vector<16xi32>
    %broadcast_in_dim3A_87 = arith.constant 4 : i32
    %broadcast_in_dim3A_88 = vector.broadcast %broadcast_in_dim3A_87 : i32 to vector<16xi32>
    %div3A_89 = arith.divsi %iota3A, %broadcast_in_dim3A_88 : vector<16xi32>
    %broadcast_in_dim3A_90 = arith.constant 56 : i32
    %broadcast_in_dim3A_91 = vector.broadcast %broadcast_in_dim3A_90 : i32 to vector<16xi32>
    %add3A_92 = arith.addi %div3A_89, %broadcast_in_dim3A_91 : vector<16xi32>
    %broadcast_in_dim3A_93 = arith.constant 4 : i32
    %broadcast_in_dim3A_94 = vector.broadcast %broadcast_in_dim3A_93 : i32 to vector<16xi32>
    %div3A_95 = arith.divsi %iota3A, %broadcast_in_dim3A_94 : vector<16xi32>
    %broadcast_in_dim3A_96 = arith.constant 60 : i32
    %broadcast_in_dim3A_97 = vector.broadcast %broadcast_in_dim3A_96 : i32 to vector<16xi32>
    %add3A_98 = arith.addi %div3A_95, %broadcast_in_dim3A_97 : vector<16xi32>
    %broadcast_in_dim3A_99 = arith.constant 4 : i32
    %broadcast_in_dim3A_100 = vector.broadcast %broadcast_in_dim3A_99 : i32 to vector<16xi32>
    %div3A_101 = arith.divsi %iota3A, %broadcast_in_dim3A_100 : vector<16xi32>
    %broadcast_in_dim3A_102 = arith.constant 64 : i32
    %broadcast_in_dim3A_103 = vector.broadcast %broadcast_in_dim3A_102 : i32 to vector<16xi32>
    %add3A_104 = arith.addi %div3A_101, %broadcast_in_dim3A_103 : vector<16xi32>
    %broadcast_in_dim3A_105 = arith.constant 4 : i32
    %broadcast_in_dim3A_106 = vector.broadcast %broadcast_in_dim3A_105 : i32 to vector<16xi32>
    %div3A_107 = arith.divsi %iota3A, %broadcast_in_dim3A_106 : vector<16xi32>
    %broadcast_in_dim3A_108 = arith.constant 68 : i32
    %broadcast_in_dim3A_109 = vector.broadcast %broadcast_in_dim3A_108 : i32 to vector<16xi32>
    %add3A_110 = arith.addi %div3A_107, %broadcast_in_dim3A_109 : vector<16xi32>
    %broadcast_in_dim3A_111 = arith.constant 4 : i32
    %broadcast_in_dim3A_112 = vector.broadcast %broadcast_in_dim3A_111 : i32 to vector<16xi32>
    %div3A_113 = arith.divsi %iota3A, %broadcast_in_dim3A_112 : vector<16xi32>
    %broadcast_in_dim3A_114 = arith.constant 72 : i32
    %broadcast_in_dim3A_115 = vector.broadcast %broadcast_in_dim3A_114 : i32 to vector<16xi32>
    %add3A_116 = arith.addi %div3A_113, %broadcast_in_dim3A_115 : vector<16xi32>
    %broadcast_in_dim3A_117 = arith.constant 4 : i32
    %broadcast_in_dim3A_118 = vector.broadcast %broadcast_in_dim3A_117 : i32 to vector<16xi32>
    %div3A_119 = arith.divsi %iota3A, %broadcast_in_dim3A_118 : vector<16xi32>
    %broadcast_in_dim3A_120 = arith.constant 76 : i32
    %broadcast_in_dim3A_121 = vector.broadcast %broadcast_in_dim3A_120 : i32 to vector<16xi32>
    %add3A_122 = arith.addi %div3A_119, %broadcast_in_dim3A_121 : vector<16xi32>
    %broadcast_in_dim3A_123 = arith.constant 4 : i32
    %broadcast_in_dim3A_124 = vector.broadcast %broadcast_in_dim3A_123 : i32 to vector<16xi32>
    %div3A_125 = arith.divsi %iota3A, %broadcast_in_dim3A_124 : vector<16xi32>
    %broadcast_in_dim3A_126 = arith.constant 80 : i32
    %broadcast_in_dim3A_127 = vector.broadcast %broadcast_in_dim3A_126 : i32 to vector<16xi32>
    %add3A_128 = arith.addi %div3A_125, %broadcast_in_dim3A_127 : vector<16xi32>
    %broadcast_in_dim3A_129 = arith.constant 4 : i32
    %broadcast_in_dim3A_130 = vector.broadcast %broadcast_in_dim3A_129 : i32 to vector<16xi32>
    %div3A_131 = arith.divsi %iota3A, %broadcast_in_dim3A_130 : vector<16xi32>
    %broadcast_in_dim3A_132 = arith.constant 84 : i32
    %broadcast_in_dim3A_133 = vector.broadcast %broadcast_in_dim3A_132 : i32 to vector<16xi32>
    %add3A_134 = arith.addi %div3A_131, %broadcast_in_dim3A_133 : vector<16xi32>
    %broadcast_in_dim3A_135 = arith.constant 4 : i32
    %broadcast_in_dim3A_136 = vector.broadcast %broadcast_in_dim3A_135 : i32 to vector<16xi32>
    %div3A_137 = arith.divsi %iota3A, %broadcast_in_dim3A_136 : vector<16xi32>
    %broadcast_in_dim3A_138 = arith.constant 88 : i32
    %broadcast_in_dim3A_139 = vector.broadcast %broadcast_in_dim3A_138 : i32 to vector<16xi32>
    %add3A_140 = arith.addi %div3A_137, %broadcast_in_dim3A_139 : vector<16xi32>
    %broadcast_in_dim3A_141 = arith.constant 4 : i32
    %broadcast_in_dim3A_142 = vector.broadcast %broadcast_in_dim3A_141 : i32 to vector<16xi32>
    %div3A_143 = arith.divsi %iota3A, %broadcast_in_dim3A_142 : vector<16xi32>
    %broadcast_in_dim3A_144 = arith.constant 92 : i32
    %broadcast_in_dim3A_145 = vector.broadcast %broadcast_in_dim3A_144 : i32 to vector<16xi32>
    %add3A_146 = arith.addi %div3A_143, %broadcast_in_dim3A_145 : vector<16xi32>
    %broadcast_in_dim3A_147 = arith.constant 4 : i32
    %broadcast_in_dim3A_148 = vector.broadcast %broadcast_in_dim3A_147 : i32 to vector<16xi32>
    %div3A_149 = arith.divsi %iota3A, %broadcast_in_dim3A_148 : vector<16xi32>
    %broadcast_in_dim3A_150 = arith.constant 96 : i32
    %broadcast_in_dim3A_151 = vector.broadcast %broadcast_in_dim3A_150 : i32 to vector<16xi32>
    %add3A_152 = arith.addi %div3A_149, %broadcast_in_dim3A_151 : vector<16xi32>
    %broadcast_in_dim3A_153 = arith.constant 4 : i32
    %broadcast_in_dim3A_154 = vector.broadcast %broadcast_in_dim3A_153 : i32 to vector<16xi32>
    %div3A_155 = arith.divsi %iota3A, %broadcast_in_dim3A_154 : vector<16xi32>
    %broadcast_in_dim3A_156 = arith.constant 100 : i32
    %broadcast_in_dim3A_157 = vector.broadcast %broadcast_in_dim3A_156 : i32 to vector<16xi32>
    %add3A_158 = arith.addi %div3A_155, %broadcast_in_dim3A_157 : vector<16xi32>
    %broadcast_in_dim3A_159 = arith.constant 4 : i32
    %broadcast_in_dim3A_160 = vector.broadcast %broadcast_in_dim3A_159 : i32 to vector<16xi32>
    %div3A_161 = arith.divsi %iota3A, %broadcast_in_dim3A_160 : vector<16xi32>
    %broadcast_in_dim3A_162 = arith.constant 104 : i32
    %broadcast_in_dim3A_163 = vector.broadcast %broadcast_in_dim3A_162 : i32 to vector<16xi32>
    %add3A_164 = arith.addi %div3A_161, %broadcast_in_dim3A_163 : vector<16xi32>
    %broadcast_in_dim3A_165 = arith.constant 4 : i32
    %broadcast_in_dim3A_166 = vector.broadcast %broadcast_in_dim3A_165 : i32 to vector<16xi32>
    %div3A_167 = arith.divsi %iota3A, %broadcast_in_dim3A_166 : vector<16xi32>
    %broadcast_in_dim3A_168 = arith.constant 108 : i32
    %broadcast_in_dim3A_169 = vector.broadcast %broadcast_in_dim3A_168 : i32 to vector<16xi32>
    %add3A_170 = arith.addi %div3A_167, %broadcast_in_dim3A_169 : vector<16xi32>
    %broadcast_in_dim3A_171 = arith.constant 4 : i32
    %broadcast_in_dim3A_172 = vector.broadcast %broadcast_in_dim3A_171 : i32 to vector<16xi32>
    %div3A_173 = arith.divsi %iota3A, %broadcast_in_dim3A_172 : vector<16xi32>
    %broadcast_in_dim3A_174 = arith.constant 112 : i32
    %broadcast_in_dim3A_175 = vector.broadcast %broadcast_in_dim3A_174 : i32 to vector<16xi32>
    %add3A_176 = arith.addi %div3A_173, %broadcast_in_dim3A_175 : vector<16xi32>
    %broadcast_in_dim3A_177 = arith.constant 4 : i32
    %broadcast_in_dim3A_178 = vector.broadcast %broadcast_in_dim3A_177 : i32 to vector<16xi32>
    %div3A_179 = arith.divsi %iota3A, %broadcast_in_dim3A_178 : vector<16xi32>
    %broadcast_in_dim3A_180 = arith.constant 116 : i32
    %broadcast_in_dim3A_181 = vector.broadcast %broadcast_in_dim3A_180 : i32 to vector<16xi32>
    %add3A_182 = arith.addi %div3A_179, %broadcast_in_dim3A_181 : vector<16xi32>
    %broadcast_in_dim3A_183 = arith.constant 4 : i32
    %broadcast_in_dim3A_184 = vector.broadcast %broadcast_in_dim3A_183 : i32 to vector<16xi32>
    %div3A_185 = arith.divsi %iota3A, %broadcast_in_dim3A_184 : vector<16xi32>
    %broadcast_in_dim3A_186 = arith.constant 120 : i32
    %broadcast_in_dim3A_187 = vector.broadcast %broadcast_in_dim3A_186 : i32 to vector<16xi32>
    %add3A_188 = arith.addi %div3A_185, %broadcast_in_dim3A_187 : vector<16xi32>
    %broadcast_in_dim3A_189 = arith.constant 4 : i32
    %broadcast_in_dim3A_190 = vector.broadcast %broadcast_in_dim3A_189 : i32 to vector<16xi32>
    %div3A_191 = arith.divsi %iota3A, %broadcast_in_dim3A_190 : vector<16xi32>
    %broadcast_in_dim3A_192 = arith.constant 124 : i32
    %broadcast_in_dim3A_193 = vector.broadcast %broadcast_in_dim3A_192 : i32 to vector<16xi32>
    %add3A_194 = arith.addi %div3A_191, %broadcast_in_dim3A_193 : vector<16xi32>
    %add3A_195 = arith.constant 0 : i32
    %add3A_196 = arith.addi %mul3A_2, %add3A_195 : i32
    %dma_start3A = arith.constant 0 : i32
    %dma_start3A_197 = tpu.memref_slice %arg2[%add3A_196, %dma_start3A] : memref<16384x512xf32, #tpu.memory_space<hbm>> -> memref<32x512xf32, #tpu.memory_space<hbm>>
    %dma_start3A_198 = arith.constant 0 : i32
    %dma_start3A_199 = tpu.memref_slice %arg2[%add3A_196, %dma_start3A_198] : memref<16384x512xf32, #tpu.memory_space<hbm>> -> memref<32x512xf32, #tpu.memory_space<hbm>>
    tpu.enqueue_dma source(%dma_start3A_199 : memref<32x512xf32, #tpu.memory_space<hbm>>) target(%arg4 : memref<32x512xf32, #tpu.memory_space<vmem>>) target_semaphore(%arg10 : memref<!tpu.dma_semaphore, #tpu.memory_space<semaphore_mem>>)
    %add3A_200 = arith.constant 32 : i32
    %add3A_201 = arith.addi %mul3A_2, %add3A_200 : i32
    %dma_start3A_202 = arith.constant 0 : i32
    %dma_start3A_203 = tpu.memref_slice %arg2[%add3A_201, %dma_start3A_202] : memref<16384x512xf32, #tpu.memory_space<hbm>> -> memref<32x512xf32, #tpu.memory_space<hbm>>
    %dma_start3A_204 = arith.constant 0 : i32
    %dma_start3A_205 = tpu.memref_slice %arg2[%add3A_201, %dma_start3A_204] : memref<16384x512xf32, #tpu.memory_space<hbm>> -> memref<32x512xf32, #tpu.memory_space<hbm>>
    tpu.enqueue_dma source(%dma_start3A_205 : memref<32x512xf32, #tpu.memory_space<hbm>>) target(%arg5 : memref<32x512xf32, #tpu.memory_space<vmem>>) target_semaphore(%arg11 : memref<!tpu.dma_semaphore, #tpu.memory_space<semaphore_mem>>)
    %add3A_206 = arith.constant 64 : i32
    %add3A_207 = arith.addi %mul3A_2, %add3A_206 : i32
    %dma_start3A_208 = arith.constant 0 : i32
    %dma_start3A_209 = tpu.memref_slice %arg2[%add3A_207, %dma_start3A_208] : memref<16384x512xf32, #tpu.memory_space<hbm>> -> memref<32x512xf32, #tpu.memory_space<hbm>>
    %dma_start3A_210 = arith.constant 0 : i32
    %dma_start3A_211 = tpu.memref_slice %arg2[%add3A_207, %dma_start3A_210] : memref<16384x512xf32, #tpu.memory_space<hbm>> -> memref<32x512xf32, #tpu.memory_space<hbm>>
    tpu.enqueue_dma source(%dma_start3A_211 : memref<32x512xf32, #tpu.memory_space<hbm>>) target(%arg6 : memref<32x512xf32, #tpu.memory_space<vmem>>) target_semaphore(%arg12 : memref<!tpu.dma_semaphore, #tpu.memory_space<semaphore_mem>>)
    %add3A_212 = arith.constant 96 : i32
    %add3A_213 = arith.addi %mul3A_2, %add3A_212 : i32
    %dma_start3A_214 = arith.constant 0 : i32
    %dma_start3A_215 = tpu.memref_slice %arg2[%add3A_213, %dma_start3A_214] : memref<16384x512xf32, #tpu.memory_space<hbm>> -> memref<32x512xf32, #tpu.memory_space<hbm>>
    %dma_start3A_216 = arith.constant 0 : i32
    %dma_start3A_217 = tpu.memref_slice %arg2[%add3A_213, %dma_start3A_216] : memref<16384x512xf32, #tpu.memory_space<hbm>> -> memref<32x512xf32, #tpu.memory_space<hbm>>
    tpu.enqueue_dma source(%dma_start3A_217 : memref<32x512xf32, #tpu.memory_space<hbm>>) target(%arg7 : memref<32x512xf32, #tpu.memory_space<vmem>>) target_semaphore(%arg13 : memref<!tpu.dma_semaphore, #tpu.memory_space<semaphore_mem>>)
    %scan3A = arith.constant 0 : i32
    %scan3A_218 = arith.constant 0 : i32
    %scan3A_219 = arith.constant 4 : i32
    %scan3A_220 = arith.addi %scan3A_218, %scan3A_219 : i32
    %scan3A_221 = arith.constant 1 : i32
    scf.for %scan3A_234 = %scan3A_218 to %scan3A_220 step %scan3A_221  : i32 {
      %mul3A_235 = arith.constant 4 : i32
      %mul3A_236 = arith.muli %mul3A_235, %scan3A_234 : i32
      %add3A_237 = arith.constant 0 : i32
      %add3A_238 = arith.addi %mul3A_236, %add3A_237 : i32
      %dma_wait3A_239 = arith.constant 0 : i32
      %dma_wait3A_240 = arith.constant 0 : i32
      %dma_wait3A_241 = tpu.memref_slice %arg2[%dma_wait3A_239, %dma_wait3A_240] : memref<16384x512xf32, #tpu.memory_space<hbm>> -> memref<32x512xf32, #tpu.memory_space<hbm>>
      %dma_wait3A_242 = arith.constant 0 : i32
      %dma_wait3A_243 = arith.constant 0 : i32
      %dma_wait3A_244 = tpu.memref_slice %arg2[%dma_wait3A_242, %dma_wait3A_243] : memref<16384x512xf32, #tpu.memory_space<hbm>> -> memref<32x512xf32, #tpu.memory_space<hbm>>
      tpu.wait_dma2 semaphore(%arg10 : memref<!tpu.dma_semaphore, #tpu.memory_space<semaphore_mem>>) src(%dma_wait3A_244 : memref<32x512xf32, #tpu.memory_space<hbm>>) dst(%arg4 : memref<32x512xf32, #tpu.memory_space<vmem>>)
      %gt3A = arith.constant 0 : i32
      %gt3A_245 = arith.cmpi sgt, %scan3A_234, %gt3A : i32
      %convert_element_type3A = arith.extui %gt3A_245 : i1 to i32
      %cond3A = arith.constant 0 : i32
      %cond3A_246 = arith.cmpi ne, %convert_element_type3A, %cond3A : i32
      scf.if %cond3A_246 {
        %dma_wait3A_354 = arith.constant 0 : i32
        %dma_wait3A_355 = arith.constant 0 : i32
        %dma_wait3A_356 = tpu.memref_slice %arg3[%dma_wait3A_354, %dma_wait3A_355] : memref<65536x128xf32, #tpu.memory_space<hbm>> -> memref<128x128xf32, #tpu.memory_space<hbm>>
        %dma_wait3A_357 = arith.constant 0 : i32
        %dma_wait3A_358 = arith.constant 0 : i32
        %dma_wait3A_359 = tpu.memref_slice %arg3[%dma_wait3A_357, %dma_wait3A_358] : memref<65536x128xf32, #tpu.memory_space<hbm>> -> memref<128x128xf32, #tpu.memory_space<hbm>>
        tpu.wait_dma2 semaphore(%arg14 : memref<!tpu.dma_semaphore, #tpu.memory_space<semaphore_mem>>) src(%arg8 : memref<128x128xf32, #tpu.memory_space<vmem>>) dst(%dma_wait3A_359 : memref<128x128xf32, #tpu.memory_space<hbm>>)
      } else {
      }
      %parallel_loop3A = arith.constant 0 : i32
      %parallel_loop3A_247 = arith.constant 32 : i32
      %parallel_loop3A_248 = arith.constant 1 : i32
      scf.for %parallel_loop3A_354 = %parallel_loop3A to %parallel_loop3A_247 step %parallel_loop3A_248  : i32 {
        %parallel_loop3A_355 = arith.constant 4 : i32
        %parallel_loop3A_356 = arith.muli %parallel_loop3A_355, %parallel_loop3A_354 : i32
        %parallel_loop3A_357 = vector.broadcast %parallel_loop3A_356 : i32 to vector<16xi32>
        %parallel_loop3A_358 = arith.addi %parallel_loop3A_357, %rem3A : vector<16xi32>
        %parallel_loop3A_359 = arith.index_cast %parallel_loop3A_354 : i32 to index
        %parallel_loop3A_360 = arith.constant 0 : index
        %parallel_loop3A_361 = tpu.vector_load %arg4[%parallel_loop3A_359, %parallel_loop3A_360] {strides = array<i32>} : memref<32x512xf32, #tpu.memory_space<vmem>>, vector<16xf32>,
        tpu.vector_store_idx %arg8[%parallel_loop3A_358, %add3A_8], %parallel_loop3A_361 : memref<128x128xf32, #tpu.memory_space<vmem>>[vector<16xi32>, vector<16xi32>], vector<16xf32>,
        %parallel_loop3A_362 = arith.index_cast %parallel_loop3A_354 : i32 to index
        %parallel_loop3A_363 = arith.constant 16 : index
        %parallel_loop3A_364 = tpu.vector_load %arg4[%parallel_loop3A_362, %parallel_loop3A_363] {strides = array<i32>} : memref<32x512xf32, #tpu.memory_space<vmem>>, vector<16xf32>,
        tpu.vector_store_idx %arg8[%parallel_loop3A_358, %add3A_14], %parallel_loop3A_364 : memref<128x128xf32, #tpu.memory_space<vmem>>[vector<16xi32>, vector<16xi32>], vector<16xf32>,
        %parallel_loop3A_365 = arith.index_cast %parallel_loop3A_354 : i32 to index
        %parallel_loop3A_366 = arith.constant 32 : index
        %parallel_loop3A_367 = tpu.vector_load %arg4[%parallel_loop3A_365, %parallel_loop3A_366] {strides = array<i32>} : memref<32x512xf32, #tpu.memory_space<vmem>>, vector<16xf32>,
        tpu.vector_store_idx %arg8[%parallel_loop3A_358, %add3A_20], %parallel_loop3A_367 : memref<128x128xf32, #tpu.memory_space<vmem>>[vector<16xi32>, vector<16xi32>], vector<16xf32>,
        %parallel_loop3A_368 = arith.index_cast %parallel_loop3A_354 : i32 to index
        %parallel_loop3A_369 = arith.constant 48 : index
        %parallel_loop3A_370 = tpu.vector_load %arg4[%parallel_loop3A_368, %parallel_loop3A_369] {strides = array<i32>} : memref<32x512xf32, #tpu.memory_space<vmem>>, vector<16xf32>,
        tpu.vector_store_idx %arg8[%parallel_loop3A_358, %add3A_26], %parallel_loop3A_370 : memref<128x128xf32, #tpu.memory_space<vmem>>[vector<16xi32>, vector<16xi32>], vector<16xf32>,
        %parallel_loop3A_371 = arith.index_cast %parallel_loop3A_354 : i32 to index
        %parallel_loop3A_372 = arith.constant 64 : index
        %parallel_loop3A_373 = tpu.vector_load %arg4[%parallel_loop3A_371, %parallel_loop3A_372] {strides = array<i32>} : memref<32x512xf32, #tpu.memory_space<vmem>>, vector<16xf32>,
        tpu.vector_store_idx %arg8[%parallel_loop3A_358, %add3A_32], %parallel_loop3A_373 : memref<128x128xf32, #tpu.memory_space<vmem>>[vector<16xi32>, vector<16xi32>], vector<16xf32>,
        %parallel_loop3A_374 = arith.index_cast %parallel_loop3A_354 : i32 to index
        %parallel_loop3A_375 = arith.constant 80 : index
        %parallel_loop3A_376 = tpu.vector_load %arg4[%parallel_loop3A_374, %parallel_loop3A_375] {strides = array<i32>} : memref<32x512xf32, #tpu.memory_space<vmem>>, vector<16xf32>,
        tpu.vector_store_idx %arg8[%parallel_loop3A_358, %add3A_38], %parallel_loop3A_376 : memref<128x128xf32, #tpu.memory_space<vmem>>[vector<16xi32>, vector<16xi32>], vector<16xf32>,
        %parallel_loop3A_377 = arith.index_cast %parallel_loop3A_354 : i32 to index
        %parallel_loop3A_378 = arith.constant 96 : index
        %parallel_loop3A_379 = tpu.vector_load %arg4[%parallel_loop3A_377, %parallel_loop3A_378] {strides = array<i32>} : memref<32x512xf32, #tpu.memory_space<vmem>>, vector<16xf32>,
        tpu.vector_store_idx %arg8[%parallel_loop3A_358, %add3A_44], %parallel_loop3A_379 : memref<128x128xf32, #tpu.memory_space<vmem>>[vector<16xi32>, vector<16xi32>], vector<16xf32>,
        %parallel_loop3A_380 = arith.index_cast %parallel_loop3A_354 : i32 to index
        %parallel_loop3A_381 = arith.constant 112 : index
        %parallel_loop3A_382 = tpu.vector_load %arg4[%parallel_loop3A_380, %parallel_loop3A_381] {strides = array<i32>} : memref<32x512xf32, #tpu.memory_space<vmem>>, vector<16xf32>,
        tpu.vector_store_idx %arg8[%parallel_loop3A_358, %add3A_50], %parallel_loop3A_382 : memref<128x128xf32, #tpu.memory_space<vmem>>[vector<16xi32>, vector<16xi32>], vector<16xf32>,
        %parallel_loop3A_383 = arith.index_cast %parallel_loop3A_354 : i32 to index
        %parallel_loop3A_384 = arith.constant 128 : index
        %parallel_loop3A_385 = tpu.vector_load %arg4[%parallel_loop3A_383, %parallel_loop3A_384] {strides = array<i32>} : memref<32x512xf32, #tpu.memory_space<vmem>>, vector<16xf32>,
        tpu.vector_store_idx %arg8[%parallel_loop3A_358, %add3A_56], %parallel_loop3A_385 : memref<128x128xf32, #tpu.memory_space<vmem>>[vector<16xi32>, vector<16xi32>], vector<16xf32>,
        %parallel_loop3A_386 = arith.index_cast %parallel_loop3A_354 : i32 to index
        %parallel_loop3A_387 = arith.constant 144 : index
        %parallel_loop3A_388 = tpu.vector_load %arg4[%parallel_loop3A_386, %parallel_loop3A_387] {strides = array<i32>} : memref<32x512xf32, #tpu.memory_space<vmem>>, vector<16xf32>,
        tpu.vector_store_idx %arg8[%parallel_loop3A_358, %add3A_62], %parallel_loop3A_388 : memref<128x128xf32, #tpu.memory_space<vmem>>[vector<16xi32>, vector<16xi32>], vector<16xf32>,
        %parallel_loop3A_389 = arith.index_cast %parallel_loop3A_354 : i32 to index
        %parallel_loop3A_390 = arith.constant 160 : index
        %parallel_loop3A_391 = tpu.vector_load %arg4[%parallel_loop3A_389, %parallel_loop3A_390] {strides = array<i32>} : memref<32x512xf32, #tpu.memory_space<vmem>>, vector<16xf32>,
        tpu.vector_store_idx %arg8[%parallel_loop3A_358, %add3A_68], %parallel_loop3A_391 : memref<128x128xf32, #tpu.memory_space<vmem>>[vector<16xi32>, vector<16xi32>], vector<16xf32>,
        %parallel_loop3A_392 = arith.index_cast %parallel_loop3A_354 : i32 to index
        %parallel_loop3A_393 = arith.constant 176 : index
        %parallel_loop3A_394 = tpu.vector_load %arg4[%parallel_loop3A_392, %parallel_loop3A_393] {strides = array<i32>} : memref<32x512xf32, #tpu.memory_space<vmem>>, vector<16xf32>,
        tpu.vector_store_idx %arg8[%parallel_loop3A_358, %add3A_74], %parallel_loop3A_394 : memref<128x128xf32, #tpu.memory_space<vmem>>[vector<16xi32>, vector<16xi32>], vector<16xf32>,
        %parallel_loop3A_395 = arith.index_cast %parallel_loop3A_354 : i32 to index
        %parallel_loop3A_396 = arith.constant 192 : index
        %parallel_loop3A_397 = tpu.vector_load %arg4[%parallel_loop3A_395, %parallel_loop3A_396] {strides = array<i32>} : memref<32x512xf32, #tpu.memory_space<vmem>>, vector<16xf32>,
        tpu.vector_store_idx %arg8[%parallel_loop3A_358, %add3A_80], %parallel_loop3A_397 : memref<128x128xf32, #tpu.memory_space<vmem>>[vector<16xi32>, vector<16xi32>], vector<16xf32>,
        %parallel_loop3A_398 = arith.index_cast %parallel_loop3A_354 : i32 to index
        %parallel_loop3A_399 = arith.constant 208 : index
        %parallel_loop3A_400 = tpu.vector_load %arg4[%parallel_loop3A_398, %parallel_loop3A_399] {strides = array<i32>} : memref<32x512xf32, #tpu.memory_space<vmem>>, vector<16xf32>,
        tpu.vector_store_idx %arg8[%parallel_loop3A_358, %add3A_86], %parallel_loop3A_400 : memref<128x128xf32, #tpu.memory_space<vmem>>[vector<16xi32>, vector<16xi32>], vector<16xf32>,
        %parallel_loop3A_401 = arith.index_cast %parallel_loop3A_354 : i32 to index
        %parallel_loop3A_402 = arith.constant 224 : index
        %parallel_loop3A_403 = tpu.vector_load %arg4[%parallel_loop3A_401, %parallel_loop3A_402] {strides = array<i32>} : memref<32x512xf32, #tpu.memory_space<vmem>>, vector<16xf32>,
        tpu.vector_store_idx %arg8[%parallel_loop3A_358, %add3A_92], %parallel_loop3A_403 : memref<128x128xf32, #tpu.memory_space<vmem>>[vector<16xi32>, vector<16xi32>], vector<16xf32>,
        %parallel_loop3A_404 = arith.index_cast %parallel_loop3A_354 : i32 to index
        %parallel_loop3A_405 = arith.constant 240 : index
        %parallel_loop3A_406 = tpu.vector_load %arg4[%parallel_loop3A_404, %parallel_loop3A_405] {strides = array<i32>} : memref<32x512xf32, #tpu.memory_space<vmem>>, vector<16xf32>,
        tpu.vector_store_idx %arg8[%parallel_loop3A_358, %add3A_98], %parallel_loop3A_406 : memref<128x128xf32, #tpu.memory_space<vmem>>[vector<16xi32>, vector<16xi32>], vector<16xf32>,
        %parallel_loop3A_407 = arith.index_cast %parallel_loop3A_354 : i32 to index
        %parallel_loop3A_408 = arith.constant 256 : index
        %parallel_loop3A_409 = tpu.vector_load %arg4[%parallel_loop3A_407, %parallel_loop3A_408] {strides = array<i32>} : memref<32x512xf32, #tpu.memory_space<vmem>>, vector<16xf32>,
        tpu.vector_store_idx %arg8[%parallel_loop3A_358, %add3A_104], %parallel_loop3A_409 : memref<128x128xf32, #tpu.memory_space<vmem>>[vector<16xi32>, vector<16xi32>], vector<16xf32>,
        %parallel_loop3A_410 = arith.index_cast %parallel_loop3A_354 : i32 to index
        %parallel_loop3A_411 = arith.constant 272 : index
        %parallel_loop3A_412 = tpu.vector_load %arg4[%parallel_loop3A_410, %parallel_loop3A_411] {strides = array<i32>} : memref<32x512xf32, #tpu.memory_space<vmem>>, vector<16xf32>,
        tpu.vector_store_idx %arg8[%parallel_loop3A_358, %add3A_110], %parallel_loop3A_412 : memref<128x128xf32, #tpu.memory_space<vmem>>[vector<16xi32>, vector<16xi32>], vector<16xf32>,
        %parallel_loop3A_413 = arith.index_cast %parallel_loop3A_354 : i32 to index
        %parallel_loop3A_414 = arith.constant 288 : index
        %parallel_loop3A_415 = tpu.vector_load %arg4[%parallel_loop3A_413, %parallel_loop3A_414] {strides = array<i32>} : memref<32x512xf32, #tpu.memory_space<vmem>>, vector<16xf32>,
        tpu.vector_store_idx %arg8[%parallel_loop3A_358, %add3A_116], %parallel_loop3A_415 : memref<128x128xf32, #tpu.memory_space<vmem>>[vector<16xi32>, vector<16xi32>], vector<16xf32>,
        %parallel_loop3A_416 = arith.index_cast %parallel_loop3A_354 : i32 to index
        %parallel_loop3A_417 = arith.constant 304 : index
        %parallel_loop3A_418 = tpu.vector_load %arg4[%parallel_loop3A_416, %parallel_loop3A_417] {strides = array<i32>} : memref<32x512xf32, #tpu.memory_space<vmem>>, vector<16xf32>,
        tpu.vector_store_idx %arg8[%parallel_loop3A_358, %add3A_122], %parallel_loop3A_418 : memref<128x128xf32, #tpu.memory_space<vmem>>[vector<16xi32>, vector<16xi32>], vector<16xf32>,
        %parallel_loop3A_419 = arith.index_cast %parallel_loop3A_354 : i32 to index
        %parallel_loop3A_420 = arith.constant 320 : index
        %parallel_loop3A_421 = tpu.vector_load %arg4[%parallel_loop3A_419, %parallel_loop3A_420] {strides = array<i32>} : memref<32x512xf32, #tpu.memory_space<vmem>>, vector<16xf32>,
        tpu.vector_store_idx %arg8[%parallel_loop3A_358, %add3A_128], %parallel_loop3A_421 : memref<128x128xf32, #tpu.memory_space<vmem>>[vector<16xi32>, vector<16xi32>], vector<16xf32>,
        %parallel_loop3A_422 = arith.index_cast %parallel_loop3A_354 : i32 to index
        %parallel_loop3A_423 = arith.constant 336 : index
        %parallel_loop3A_424 = tpu.vector_load %arg4[%parallel_loop3A_422, %parallel_loop3A_423] {strides = array<i32>} : memref<32x512xf32, #tpu.memory_space<vmem>>, vector<16xf32>,
        tpu.vector_store_idx %arg8[%parallel_loop3A_358, %add3A_134], %parallel_loop3A_424 : memref<128x128xf32, #tpu.memory_space<vmem>>[vector<16xi32>, vector<16xi32>], vector<16xf32>,
        %parallel_loop3A_425 = arith.index_cast %parallel_loop3A_354 : i32 to index
        %parallel_loop3A_426 = arith.constant 352 : index
        %parallel_loop3A_427 = tpu.vector_load %arg4[%parallel_loop3A_425, %parallel_loop3A_426] {strides = array<i32>} : memref<32x512xf32, #tpu.memory_space<vmem>>, vector<16xf32>,
        tpu.vector_store_idx %arg8[%parallel_loop3A_358, %add3A_140], %parallel_loop3A_427 : memref<128x128xf32, #tpu.memory_space<vmem>>[vector<16xi32>, vector<16xi32>], vector<16xf32>,
        %parallel_loop3A_428 = arith.index_cast %parallel_loop3A_354 : i32 to index
        %parallel_loop3A_429 = arith.constant 368 : index
        %parallel_loop3A_430 = tpu.vector_load %arg4[%parallel_loop3A_428, %parallel_loop3A_429] {strides = array<i32>} : memref<32x512xf32, #tpu.memory_space<vmem>>, vector<16xf32>,
        tpu.vector_store_idx %arg8[%parallel_loop3A_358, %add3A_146], %parallel_loop3A_430 : memref<128x128xf32, #tpu.memory_space<vmem>>[vector<16xi32>, vector<16xi32>], vector<16xf32>,
        %parallel_loop3A_431 = arith.index_cast %parallel_loop3A_354 : i32 to index
        %parallel_loop3A_432 = arith.constant 384 : index
        %parallel_loop3A_433 = tpu.vector_load %arg4[%parallel_loop3A_431, %parallel_loop3A_432] {strides = array<i32>} : memref<32x512xf32, #tpu.memory_space<vmem>>, vector<16xf32>,
        tpu.vector_store_idx %arg8[%parallel_loop3A_358, %add3A_152], %parallel_loop3A_433 : memref<128x128xf32, #tpu.memory_space<vmem>>[vector<16xi32>, vector<16xi32>], vector<16xf32>,
        %parallel_loop3A_434 = arith.index_cast %parallel_loop3A_354 : i32 to index
        %parallel_loop3A_435 = arith.constant 400 : index
        %parallel_loop3A_436 = tpu.vector_load %arg4[%parallel_loop3A_434, %parallel_loop3A_435] {strides = array<i32>} : memref<32x512xf32, #tpu.memory_space<vmem>>, vector<16xf32>,
        tpu.vector_store_idx %arg8[%parallel_loop3A_358, %add3A_158], %parallel_loop3A_436 : memref<128x128xf32, #tpu.memory_space<vmem>>[vector<16xi32>, vector<16xi32>], vector<16xf32>,
        %parallel_loop3A_437 = arith.index_cast %parallel_loop3A_354 : i32 to index
        %parallel_loop3A_438 = arith.constant 416 : index
        %parallel_loop3A_439 = tpu.vector_load %arg4[%parallel_loop3A_437, %parallel_loop3A_438] {strides = array<i32>} : memref<32x512xf32, #tpu.memory_space<vmem>>, vector<16xf32>,
        tpu.vector_store_idx %arg8[%parallel_loop3A_358, %add3A_164], %parallel_loop3A_439 : memref<128x128xf32, #tpu.memory_space<vmem>>[vector<16xi32>, vector<16xi32>], vector<16xf32>,
        %parallel_loop3A_440 = arith.index_cast %parallel_loop3A_354 : i32 to index
        %parallel_loop3A_441 = arith.constant 432 : index
        %parallel_loop3A_442 = tpu.vector_load %arg4[%parallel_loop3A_440, %parallel_loop3A_441] {strides = array<i32>} : memref<32x512xf32, #tpu.memory_space<vmem>>, vector<16xf32>,
        tpu.vector_store_idx %arg8[%parallel_loop3A_358, %add3A_170], %parallel_loop3A_442 : memref<128x128xf32, #tpu.memory_space<vmem>>[vector<16xi32>, vector<16xi32>], vector<16xf32>,
        %parallel_loop3A_443 = arith.index_cast %parallel_loop3A_354 : i32 to index
        %parallel_loop3A_444 = arith.constant 448 : index
        %parallel_loop3A_445 = tpu.vector_load %arg4[%parallel_loop3A_443, %parallel_loop3A_444] {strides = array<i32>} : memref<32x512xf32, #tpu.memory_space<vmem>>, vector<16xf32>,
        tpu.vector_store_idx %arg8[%parallel_loop3A_358, %add3A_176], %parallel_loop3A_445 : memref<128x128xf32, #tpu.memory_space<vmem>>[vector<16xi32>, vector<16xi32>], vector<16xf32>,
        %parallel_loop3A_446 = arith.index_cast %parallel_loop3A_354 : i32 to index
        %parallel_loop3A_447 = arith.constant 464 : index
        %parallel_loop3A_448 = tpu.vector_load %arg4[%parallel_loop3A_446, %parallel_loop3A_447] {strides = array<i32>} : memref<32x512xf32, #tpu.memory_space<vmem>>, vector<16xf32>,
        tpu.vector_store_idx %arg8[%parallel_loop3A_358, %add3A_182], %parallel_loop3A_448 : memref<128x128xf32, #tpu.memory_space<vmem>>[vector<16xi32>, vector<16xi32>], vector<16xf32>,
        %parallel_loop3A_449 = arith.index_cast %parallel_loop3A_354 : i32 to index
        %parallel_loop3A_450 = arith.constant 480 : index
        %parallel_loop3A_451 = tpu.vector_load %arg4[%parallel_loop3A_449, %parallel_loop3A_450] {strides = array<i32>} : memref<32x512xf32, #tpu.memory_space<vmem>>, vector<16xf32>,
        tpu.vector_store_idx %arg8[%parallel_loop3A_358, %add3A_188], %parallel_loop3A_451 : memref<128x128xf32, #tpu.memory_space<vmem>>[vector<16xi32>, vector<16xi32>], vector<16xf32>,
        %parallel_loop3A_452 = arith.index_cast %parallel_loop3A_354 : i32 to index
        %parallel_loop3A_453 = arith.constant 496 : index
        %parallel_loop3A_454 = tpu.vector_load %arg4[%parallel_loop3A_452, %parallel_loop3A_453] {strides = array<i32>} : memref<32x512xf32, #tpu.memory_space<vmem>>, vector<16xf32>,
        tpu.vector_store_idx %arg8[%parallel_loop3A_358, %add3A_194], %parallel_loop3A_454 : memref<128x128xf32, #tpu.memory_space<vmem>>[vector<16xi32>, vector<16xi32>], vector<16xf32>,
      } {sc.loop_unroll_factor = 2 : i64, sc.parallel_access}
      %mul3A_249 = arith.constant 32 : i32
      %mul3A_250 = arith.muli %add3A_238, %mul3A_249 : i32
      %add3A_251 = arith.addi %mul3A_2, %mul3A_250 : i32
      %mul3A_252 = arith.constant 4 : i32
      %mul3A_253 = arith.muli %add3A_251, %mul3A_252 : i32
      %dma_start3A_254 = arith.constant 0 : i32
      %dma_start3A_255 = tpu.memref_slice %arg3[%mul3A_253, %dma_start3A_254] : memref<65536x128xf32, #tpu.memory_space<hbm>> -> memref<128x128xf32, #tpu.memory_space<hbm>>
      %dma_start3A_256 = arith.constant 0 : i32
      %dma_start3A_257 = tpu.memref_slice %arg3[%mul3A_253, %dma_start3A_256] : memref<65536x128xf32, #tpu.memory_space<hbm>> -> memref<128x128xf32, #tpu.memory_space<hbm>>
      tpu.enqueue_dma source(%arg8 : memref<128x128xf32, #tpu.memory_space<vmem>>) target(%dma_start3A_257 : memref<128x128xf32, #tpu.memory_space<hbm>>) target_semaphore(%arg14 : memref<!tpu.dma_semaphore, #tpu.memory_space<semaphore_mem>>)
      %lt3A = arith.constant 3 : i32
      %lt3A_258 = arith.cmpi slt, %scan3A_234, %lt3A : i32
      %convert_element_type3A_259 = arith.extui %lt3A_258 : i1 to i32
      %cond3A_260 = arith.constant 0 : i32
      %cond3A_261 = arith.cmpi ne, %convert_element_type3A_259, %cond3A_260 : i32
      scf.if %cond3A_261 {
        %add3A_354 = arith.constant 4 : i32
        %add3A_355 = arith.addi %add3A_238, %add3A_354 : i32
        %mul3A_356 = arith.constant 32 : i32
        %mul3A_357 = arith.muli %add3A_355, %mul3A_356 : i32
        %add3A_358 = arith.addi %mul3A_2, %mul3A_357 : i32
        %dma_start3A_359 = arith.constant 0 : i32
        %dma_start3A_360 = tpu.memref_slice %arg2[%add3A_358, %dma_start3A_359] : memref<16384x512xf32, #tpu.memory_space<hbm>> -> memref<32x512xf32, #tpu.memory_space<hbm>>
        %dma_start3A_361 = arith.constant 0 : i32
        %dma_start3A_362 = tpu.memref_slice %arg2[%add3A_358, %dma_start3A_361] : memref<16384x512xf32, #tpu.memory_space<hbm>> -> memref<32x512xf32, #tpu.memory_space<hbm>>
        tpu.enqueue_dma source(%dma_start3A_362 : memref<32x512xf32, #tpu.memory_space<hbm>>) target(%arg4 : memref<32x512xf32, #tpu.memory_space<vmem>>) target_semaphore(%arg10 : memref<!tpu.dma_semaphore, #tpu.memory_space<semaphore_mem>>)
      } else {
      }
      %add3A_262 = arith.constant 1 : i32
      %add3A_263 = arith.addi %mul3A_236, %add3A_262 : i32
      %dma_wait3A_264 = arith.constant 0 : i32
      %dma_wait3A_265 = arith.constant 0 : i32
      %dma_wait3A_266 = tpu.memref_slice %arg2[%dma_wait3A_264, %dma_wait3A_265] : memref<16384x512xf32, #tpu.memory_space<hbm>> -> memref<32x512xf32, #tpu.memory_space<hbm>>
      %dma_wait3A_267 = arith.constant 0 : i32
      %dma_wait3A_268 = arith.constant 0 : i32
      %dma_wait3A_269 = tpu.memref_slice %arg2[%dma_wait3A_267, %dma_wait3A_268] : memref<16384x512xf32, #tpu.memory_space<hbm>> -> memref<32x512xf32, #tpu.memory_space<hbm>>
      tpu.wait_dma2 semaphore(%arg11 : memref<!tpu.dma_semaphore, #tpu.memory_space<semaphore_mem>>) src(%dma_wait3A_269 : memref<32x512xf32, #tpu.memory_space<hbm>>) dst(%arg5 : memref<32x512xf32, #tpu.memory_space<vmem>>)
      %gt3A_270 = arith.constant 0 : i32
      %gt3A_271 = arith.cmpi sgt, %scan3A_234, %gt3A_270 : i32
      %convert_element_type3A_272 = arith.extui %gt3A_271 : i1 to i32
      %cond3A_273 = arith.constant 0 : i32
      %cond3A_274 = arith.cmpi ne, %convert_element_type3A_272, %cond3A_273 : i32
      scf.if %cond3A_274 {
        %dma_wait3A_354 = arith.constant 0 : i32
        %dma_wait3A_355 = arith.constant 0 : i32
        %dma_wait3A_356 = tpu.memref_slice %arg3[%dma_wait3A_354, %dma_wait3A_355] : memref<65536x128xf32, #tpu.memory_space<hbm>> -> memref<128x128xf32, #tpu.memory_space<hbm>>
        %dma_wait3A_357 = arith.constant 0 : i32
        %dma_wait3A_358 = arith.constant 0 : i32
        %dma_wait3A_359 = tpu.memref_slice %arg3[%dma_wait3A_357, %dma_wait3A_358] : memref<65536x128xf32, #tpu.memory_space<hbm>> -> memref<128x128xf32, #tpu.memory_space<hbm>>
        tpu.wait_dma2 semaphore(%arg15 : memref<!tpu.dma_semaphore, #tpu.memory_space<semaphore_mem>>) src(%arg9 : memref<128x128xf32, #tpu.memory_space<vmem>>) dst(%dma_wait3A_359 : memref<128x128xf32, #tpu.memory_space<hbm>>)
      } else {
      }
      %parallel_loop3A_275 = arith.constant 0 : i32
      %parallel_loop3A_276 = arith.constant 32 : i32
      %parallel_loop3A_277 = arith.constant 1 : i32
      scf.for %parallel_loop3A_354 = %parallel_loop3A_275 to %parallel_loop3A_276 step %parallel_loop3A_277  : i32 {
        %parallel_loop3A_355 = arith.constant 4 : i32
        %parallel_loop3A_356 = arith.muli %parallel_loop3A_355, %parallel_loop3A_354 : i32
        %parallel_loop3A_357 = vector.broadcast %parallel_loop3A_356 : i32 to vector<16xi32>
        %parallel_loop3A_358 = arith.addi %parallel_loop3A_357, %rem3A : vector<16xi32>
        %parallel_loop3A_359 = arith.index_cast %parallel_loop3A_354 : i32 to index
        %parallel_loop3A_360 = arith.constant 0 : index
        %parallel_loop3A_361 = tpu.vector_load %arg5[%parallel_loop3A_359, %parallel_loop3A_360] {strides = array<i32>} : memref<32x512xf32, #tpu.memory_space<vmem>>, vector<16xf32>,
        tpu.vector_store_idx %arg9[%parallel_loop3A_358, %add3A_8], %parallel_loop3A_361 : memref<128x128xf32, #tpu.memory_space<vmem>>[vector<16xi32>, vector<16xi32>], vector<16xf32>,
        %parallel_loop3A_362 = arith.index_cast %parallel_loop3A_354 : i32 to index
        %parallel_loop3A_363 = arith.constant 16 : index
        %parallel_loop3A_364 = tpu.vector_load %arg5[%parallel_loop3A_362, %parallel_loop3A_363] {strides = array<i32>} : memref<32x512xf32, #tpu.memory_space<vmem>>, vector<16xf32>,
        tpu.vector_store_idx %arg9[%parallel_loop3A_358, %add3A_14], %parallel_loop3A_364 : memref<128x128xf32, #tpu.memory_space<vmem>>[vector<16xi32>, vector<16xi32>], vector<16xf32>,
        %parallel_loop3A_365 = arith.index_cast %parallel_loop3A_354 : i32 to index
        %parallel_loop3A_366 = arith.constant 32 : index
        %parallel_loop3A_367 = tpu.vector_load %arg5[%parallel_loop3A_365, %parallel_loop3A_366] {strides = array<i32>} : memref<32x512xf32, #tpu.memory_space<vmem>>, vector<16xf32>,
        tpu.vector_store_idx %arg9[%parallel_loop3A_358, %add3A_20], %parallel_loop3A_367 : memref<128x128xf32, #tpu.memory_space<vmem>>[vector<16xi32>, vector<16xi32>], vector<16xf32>,
        %parallel_loop3A_368 = arith.index_cast %parallel_loop3A_354 : i32 to index
        %parallel_loop3A_369 = arith.constant 48 : index
        %parallel_loop3A_370 = tpu.vector_load %arg5[%parallel_loop3A_368, %parallel_loop3A_369] {strides = array<i32>} : memref<32x512xf32, #tpu.memory_space<vmem>>, vector<16xf32>,
        tpu.vector_store_idx %arg9[%parallel_loop3A_358, %add3A_26], %parallel_loop3A_370 : memref<128x128xf32, #tpu.memory_space<vmem>>[vector<16xi32>, vector<16xi32>], vector<16xf32>,
        %parallel_loop3A_371 = arith.index_cast %parallel_loop3A_354 : i32 to index
        %parallel_loop3A_372 = arith.constant 64 : index
        %parallel_loop3A_373 = tpu.vector_load %arg5[%parallel_loop3A_371, %parallel_loop3A_372] {strides = array<i32>} : memref<32x512xf32, #tpu.memory_space<vmem>>, vector<16xf32>,
        tpu.vector_store_idx %arg9[%parallel_loop3A_358, %add3A_32], %parallel_loop3A_373 : memref<128x128xf32, #tpu.memory_space<vmem>>[vector<16xi32>, vector<16xi32>], vector<16xf32>,
        %parallel_loop3A_374 = arith.index_cast %parallel_loop3A_354 : i32 to index
        %parallel_loop3A_375 = arith.constant 80 : index
        %parallel_loop3A_376 = tpu.vector_load %arg5[%parallel_loop3A_374, %parallel_loop3A_375] {strides = array<i32>} : memref<32x512xf32, #tpu.memory_space<vmem>>, vector<16xf32>,
        tpu.vector_store_idx %arg9[%parallel_loop3A_358, %add3A_38], %parallel_loop3A_376 : memref<128x128xf32, #tpu.memory_space<vmem>>[vector<16xi32>, vector<16xi32>], vector<16xf32>,
        %parallel_loop3A_377 = arith.index_cast %parallel_loop3A_354 : i32 to index
        %parallel_loop3A_378 = arith.constant 96 : index
        %parallel_loop3A_379 = tpu.vector_load %arg5[%parallel_loop3A_377, %parallel_loop3A_378] {strides = array<i32>} : memref<32x512xf32, #tpu.memory_space<vmem>>, vector<16xf32>,
        tpu.vector_store_idx %arg9[%parallel_loop3A_358, %add3A_44], %parallel_loop3A_379 : memref<128x128xf32, #tpu.memory_space<vmem>>[vector<16xi32>, vector<16xi32>], vector<16xf32>,
        %parallel_loop3A_380 = arith.index_cast %parallel_loop3A_354 : i32 to index
        %parallel_loop3A_381 = arith.constant 112 : index
        %parallel_loop3A_382 = tpu.vector_load %arg5[%parallel_loop3A_380, %parallel_loop3A_381] {strides = array<i32>} : memref<32x512xf32, #tpu.memory_space<vmem>>, vector<16xf32>,
        tpu.vector_store_idx %arg9[%parallel_loop3A_358, %add3A_50], %parallel_loop3A_382 : memref<128x128xf32, #tpu.memory_space<vmem>>[vector<16xi32>, vector<16xi32>], vector<16xf32>,
        %parallel_loop3A_383 = arith.index_cast %parallel_loop3A_354 : i32 to index
        %parallel_loop3A_384 = arith.constant 128 : index
        %parallel_loop3A_385 = tpu.vector_load %arg5[%parallel_loop3A_383, %parallel_loop3A_384] {strides = array<i32>} : memref<32x512xf32, #tpu.memory_space<vmem>>, vector<16xf32>,
        tpu.vector_store_idx %arg9[%parallel_loop3A_358, %add3A_56], %parallel_loop3A_385 : memref<128x128xf32, #tpu.memory_space<vmem>>[vector<16xi32>, vector<16xi32>], vector<16xf32>,
        %parallel_loop3A_386 = arith.index_cast %parallel_loop3A_354 : i32 to index
        %parallel_loop3A_387 = arith.constant 144 : index
        %parallel_loop3A_388 = tpu.vector_load %arg5[%parallel_loop3A_386, %parallel_loop3A_387] {strides = array<i32>} : memref<32x512xf32, #tpu.memory_space<vmem>>, vector<16xf32>,
        tpu.vector_store_idx %arg9[%parallel_loop3A_358, %add3A_62], %parallel_loop3A_388 : memref<128x128xf32, #tpu.memory_space<vmem>>[vector<16xi32>, vector<16xi32>], vector<16xf32>,
        %parallel_loop3A_389 = arith.index_cast %parallel_loop3A_354 : i32 to index
        %parallel_loop3A_390 = arith.constant 160 : index
        %parallel_loop3A_391 = tpu.vector_load %arg5[%parallel_loop3A_389, %parallel_loop3A_390] {strides = array<i32>} : memref<32x512xf32, #tpu.memory_space<vmem>>, vector<16xf32>,
        tpu.vector_store_idx %arg9[%parallel_loop3A_358, %add3A_68], %parallel_loop3A_391 : memref<128x128xf32, #tpu.memory_space<vmem>>[vector<16xi32>, vector<16xi32>], vector<16xf32>,
        %parallel_loop3A_392 = arith.index_cast %parallel_loop3A_354 : i32 to index
        %parallel_loop3A_393 = arith.constant 176 : index
        %parallel_loop3A_394 = tpu.vector_load %arg5[%parallel_loop3A_392, %parallel_loop3A_393] {strides = array<i32>} : memref<32x512xf32, #tpu.memory_space<vmem>>, vector<16xf32>,
        tpu.vector_store_idx %arg9[%parallel_loop3A_358, %add3A_74], %parallel_loop3A_394 : memref<128x128xf32, #tpu.memory_space<vmem>>[vector<16xi32>, vector<16xi32>], vector<16xf32>,
        %parallel_loop3A_395 = arith.index_cast %parallel_loop3A_354 : i32 to index
        %parallel_loop3A_396 = arith.constant 192 : index
        %parallel_loop3A_397 = tpu.vector_load %arg5[%parallel_loop3A_395, %parallel_loop3A_396] {strides = array<i32>} : memref<32x512xf32, #tpu.memory_space<vmem>>, vector<16xf32>,
        tpu.vector_store_idx %arg9[%parallel_loop3A_358, %add3A_80], %parallel_loop3A_397 : memref<128x128xf32, #tpu.memory_space<vmem>>[vector<16xi32>, vector<16xi32>], vector<16xf32>,
        %parallel_loop3A_398 = arith.index_cast %parallel_loop3A_354 : i32 to index
        %parallel_loop3A_399 = arith.constant 208 : index
        %parallel_loop3A_400 = tpu.vector_load %arg5[%parallel_loop3A_398, %parallel_loop3A_399] {strides = array<i32>} : memref<32x512xf32, #tpu.memory_space<vmem>>, vector<16xf32>,
        tpu.vector_store_idx %arg9[%parallel_loop3A_358, %add3A_86], %parallel_loop3A_400 : memref<128x128xf32, #tpu.memory_space<vmem>>[vector<16xi32>, vector<16xi32>], vector<16xf32>,
        %parallel_loop3A_401 = arith.index_cast %parallel_loop3A_354 : i32 to index
        %parallel_loop3A_402 = arith.constant 224 : index
        %parallel_loop3A_403 = tpu.vector_load %arg5[%parallel_loop3A_401, %parallel_loop3A_402] {strides = array<i32>} : memref<32x512xf32, #tpu.memory_space<vmem>>, vector<16xf32>,
        tpu.vector_store_idx %arg9[%parallel_loop3A_358, %add3A_92], %parallel_loop3A_403 : memref<128x128xf32, #tpu.memory_space<vmem>>[vector<16xi32>, vector<16xi32>], vector<16xf32>,
        %parallel_loop3A_404 = arith.index_cast %parallel_loop3A_354 : i32 to index
        %parallel_loop3A_405 = arith.constant 240 : index
        %parallel_loop3A_406 = tpu.vector_load %arg5[%parallel_loop3A_404, %parallel_loop3A_405] {strides = array<i32>} : memref<32x512xf32, #tpu.memory_space<vmem>>, vector<16xf32>,
        tpu.vector_store_idx %arg9[%parallel_loop3A_358, %add3A_98], %parallel_loop3A_406 : memref<128x128xf32, #tpu.memory_space<vmem>>[vector<16xi32>, vector<16xi32>], vector<16xf32>,
        %parallel_loop3A_407 = arith.index_cast %parallel_loop3A_354 : i32 to index
        %parallel_loop3A_408 = arith.constant 256 : index
        %parallel_loop3A_409 = tpu.vector_load %arg5[%parallel_loop3A_407, %parallel_loop3A_408] {strides = array<i32>} : memref<32x512xf32, #tpu.memory_space<vmem>>, vector<16xf32>,
        tpu.vector_store_idx %arg9[%parallel_loop3A_358, %add3A_104], %parallel_loop3A_409 : memref<128x128xf32, #tpu.memory_space<vmem>>[vector<16xi32>, vector<16xi32>], vector<16xf32>,
        %parallel_loop3A_410 = arith.index_cast %parallel_loop3A_354 : i32 to index
        %parallel_loop3A_411 = arith.constant 272 : index
        %parallel_loop3A_412 = tpu.vector_load %arg5[%parallel_loop3A_410, %parallel_loop3A_411] {strides = array<i32>} : memref<32x512xf32, #tpu.memory_space<vmem>>, vector<16xf32>,
        tpu.vector_store_idx %arg9[%parallel_loop3A_358, %add3A_110], %parallel_loop3A_412 : memref<128x128xf32, #tpu.memory_space<vmem>>[vector<16xi32>, vector<16xi32>], vector<16xf32>,
        %parallel_loop3A_413 = arith.index_cast %parallel_loop3A_354 : i32 to index
        %parallel_loop3A_414 = arith.constant 288 : index
        %parallel_loop3A_415 = tpu.vector_load %arg5[%parallel_loop3A_413, %parallel_loop3A_414] {strides = array<i32>} : memref<32x512xf32, #tpu.memory_space<vmem>>, vector<16xf32>,
        tpu.vector_store_idx %arg9[%parallel_loop3A_358, %add3A_116], %parallel_loop3A_415 : memref<128x128xf32, #tpu.memory_space<vmem>>[vector<16xi32>, vector<16xi32>], vector<16xf32>,
        %parallel_loop3A_416 = arith.index_cast %parallel_loop3A_354 : i32 to index
        %parallel_loop3A_417 = arith.constant 304 : index
        %parallel_loop3A_418 = tpu.vector_load %arg5[%parallel_loop3A_416, %parallel_loop3A_417] {strides = array<i32>} : memref<32x512xf32, #tpu.memory_space<vmem>>, vector<16xf32>,
        tpu.vector_store_idx %arg9[%parallel_loop3A_358, %add3A_122], %parallel_loop3A_418 : memref<128x128xf32, #tpu.memory_space<vmem>>[vector<16xi32>, vector<16xi32>], vector<16xf32>,
        %parallel_loop3A_419 = arith.index_cast %parallel_loop3A_354 : i32 to index
        %parallel_loop3A_420 = arith.constant 320 : index
        %parallel_loop3A_421 = tpu.vector_load %arg5[%parallel_loop3A_419, %parallel_loop3A_420] {strides = array<i32>} : memref<32x512xf32, #tpu.memory_space<vmem>>, vector<16xf32>,
        tpu.vector_store_idx %arg9[%parallel_loop3A_358, %add3A_128], %parallel_loop3A_421 : memref<128x128xf32, #tpu.memory_space<vmem>>[vector<16xi32>, vector<16xi32>], vector<16xf32>,
        %parallel_loop3A_422 = arith.index_cast %parallel_loop3A_354 : i32 to index
        %parallel_loop3A_423 = arith.constant 336 : index
        %parallel_loop3A_424 = tpu.vector_load %arg5[%parallel_loop3A_422, %parallel_loop3A_423] {strides = array<i32>} : memref<32x512xf32, #tpu.memory_space<vmem>>, vector<16xf32>,
        tpu.vector_store_idx %arg9[%parallel_loop3A_358, %add3A_134], %parallel_loop3A_424 : memref<128x128xf32, #tpu.memory_space<vmem>>[vector<16xi32>, vector<16xi32>], vector<16xf32>,
        %parallel_loop3A_425 = arith.index_cast %parallel_loop3A_354 : i32 to index
        %parallel_loop3A_426 = arith.constant 352 : index
        %parallel_loop3A_427 = tpu.vector_load %arg5[%parallel_loop3A_425, %parallel_loop3A_426] {strides = array<i32>} : memref<32x512xf32, #tpu.memory_space<vmem>>, vector<16xf32>,
        tpu.vector_store_idx %arg9[%parallel_loop3A_358, %add3A_140], %parallel_loop3A_427 : memref<128x128xf32, #tpu.memory_space<vmem>>[vector<16xi32>, vector<16xi32>], vector<16xf32>,
        %parallel_loop3A_428 = arith.index_cast %parallel_loop3A_354 : i32 to index
        %parallel_loop3A_429 = arith.constant 368 : index
        %parallel_loop3A_430 = tpu.vector_load %arg5[%parallel_loop3A_428, %parallel_loop3A_429] {strides = array<i32>} : memref<32x512xf32, #tpu.memory_space<vmem>>, vector<16xf32>,
        tpu.vector_store_idx %arg9[%parallel_loop3A_358, %add3A_146], %parallel_loop3A_430 : memref<128x128xf32, #tpu.memory_space<vmem>>[vector<16xi32>, vector<16xi32>], vector<16xf32>,
        %parallel_loop3A_431 = arith.index_cast %parallel_loop3A_354 : i32 to index
        %parallel_loop3A_432 = arith.constant 384 : index
        %parallel_loop3A_433 = tpu.vector_load %arg5[%parallel_loop3A_431, %parallel_loop3A_432] {strides = array<i32>} : memref<32x512xf32, #tpu.memory_space<vmem>>, vector<16xf32>,
        tpu.vector_store_idx %arg9[%parallel_loop3A_358, %add3A_152], %parallel_loop3A_433 : memref<128x128xf32, #tpu.memory_space<vmem>>[vector<16xi32>, vector<16xi32>], vector<16xf32>,
        %parallel_loop3A_434 = arith.index_cast %parallel_loop3A_354 : i32 to index
        %parallel_loop3A_435 = arith.constant 400 : index
        %parallel_loop3A_436 = tpu.vector_load %arg5[%parallel_loop3A_434, %parallel_loop3A_435] {strides = array<i32>} : memref<32x512xf32, #tpu.memory_space<vmem>>, vector<16xf32>,
        tpu.vector_store_idx %arg9[%parallel_loop3A_358, %add3A_158], %parallel_loop3A_436 : memref<128x128xf32, #tpu.memory_space<vmem>>[vector<16xi32>, vector<16xi32>], vector<16xf32>,
        %parallel_loop3A_437 = arith.index_cast %parallel_loop3A_354 : i32 to index
        %parallel_loop3A_438 = arith.constant 416 : index
        %parallel_loop3A_439 = tpu.vector_load %arg5[%parallel_loop3A_437, %parallel_loop3A_438] {strides = array<i32>} : memref<32x512xf32, #tpu.memory_space<vmem>>, vector<16xf32>,
        tpu.vector_store_idx %arg9[%parallel_loop3A_358, %add3A_164], %parallel_loop3A_439 : memref<128x128xf32, #tpu.memory_space<vmem>>[vector<16xi32>, vector<16xi32>], vector<16xf32>,
        %parallel_loop3A_440 = arith.index_cast %parallel_loop3A_354 : i32 to index
        %parallel_loop3A_441 = arith.constant 432 : index
        %parallel_loop3A_442 = tpu.vector_load %arg5[%parallel_loop3A_440, %parallel_loop3A_441] {strides = array<i32>} : memref<32x512xf32, #tpu.memory_space<vmem>>, vector<16xf32>,
        tpu.vector_store_idx %arg9[%parallel_loop3A_358, %add3A_170], %parallel_loop3A_442 : memref<128x128xf32, #tpu.memory_space<vmem>>[vector<16xi32>, vector<16xi32>], vector<16xf32>,
        %parallel_loop3A_443 = arith.index_cast %parallel_loop3A_354 : i32 to index
        %parallel_loop3A_444 = arith.constant 448 : index
        %parallel_loop3A_445 = tpu.vector_load %arg5[%parallel_loop3A_443, %parallel_loop3A_444] {strides = array<i32>} : memref<32x512xf32, #tpu.memory_space<vmem>>, vector<16xf32>,
        tpu.vector_store_idx %arg9[%parallel_loop3A_358, %add3A_176], %parallel_loop3A_445 : memref<128x128xf32, #tpu.memory_space<vmem>>[vector<16xi32>, vector<16xi32>], vector<16xf32>,
        %parallel_loop3A_446 = arith.index_cast %parallel_loop3A_354 : i32 to index
        %parallel_loop3A_447 = arith.constant 464 : index
        %parallel_loop3A_448 = tpu.vector_load %arg5[%parallel_loop3A_446, %parallel_loop3A_447] {strides = array<i32>} : memref<32x512xf32, #tpu.memory_space<vmem>>, vector<16xf32>,
        tpu.vector_store_idx %arg9[%parallel_loop3A_358, %add3A_182], %parallel_loop3A_448 : memref<128x128xf32, #tpu.memory_space<vmem>>[vector<16xi32>, vector<16xi32>], vector<16xf32>,
        %parallel_loop3A_449 = arith.index_cast %parallel_loop3A_354 : i32 to index
        %parallel_loop3A_450 = arith.constant 480 : index
        %parallel_loop3A_451 = tpu.vector_load %arg5[%parallel_loop3A_449, %parallel_loop3A_450] {strides = array<i32>} : memref<32x512xf32, #tpu.memory_space<vmem>>, vector<16xf32>,
        tpu.vector_store_idx %arg9[%parallel_loop3A_358, %add3A_188], %parallel_loop3A_451 : memref<128x128xf32, #tpu.memory_space<vmem>>[vector<16xi32>, vector<16xi32>], vector<16xf32>,
        %parallel_loop3A_452 = arith.index_cast %parallel_loop3A_354 : i32 to index
        %parallel_loop3A_453 = arith.constant 496 : index
        %parallel_loop3A_454 = tpu.vector_load %arg5[%parallel_loop3A_452, %parallel_loop3A_453] {strides = array<i32>} : memref<32x512xf32, #tpu.memory_space<vmem>>, vector<16xf32>,
        tpu.vector_store_idx %arg9[%parallel_loop3A_358, %add3A_194], %parallel_loop3A_454 : memref<128x128xf32, #tpu.memory_space<vmem>>[vector<16xi32>, vector<16xi32>], vector<16xf32>,
      } {sc.loop_unroll_factor = 2 : i64, sc.parallel_access}
      %mul3A_278 = arith.constant 32 : i32
      %mul3A_279 = arith.muli %add3A_263, %mul3A_278 : i32
      %add3A_280 = arith.addi %mul3A_2, %mul3A_279 : i32
      %mul3A_281 = arith.constant 4 : i32
      %mul3A_282 = arith.muli %add3A_280, %mul3A_281 : i32
      %dma_start3A_283 = arith.constant 0 : i32
      %dma_start3A_284 = tpu.memref_slice %arg3[%mul3A_282, %dma_start3A_283] : memref<65536x128xf32, #tpu.memory_space<hbm>> -> memref<128x128xf32, #tpu.memory_space<hbm>>
      %dma_start3A_285 = arith.constant 0 : i32
      %dma_start3A_286 = tpu.memref_slice %arg3[%mul3A_282, %dma_start3A_285] : memref<65536x128xf32, #tpu.memory_space<hbm>> -> memref<128x128xf32, #tpu.memory_space<hbm>>
      tpu.enqueue_dma source(%arg9 : memref<128x128xf32, #tpu.memory_space<vmem>>) target(%dma_start3A_286 : memref<128x128xf32, #tpu.memory_space<hbm>>) target_semaphore(%arg15 : memref<!tpu.dma_semaphore, #tpu.memory_space<semaphore_mem>>)
      %lt3A_287 = arith.constant 3 : i32
      %lt3A_288 = arith.cmpi slt, %scan3A_234, %lt3A_287 : i32
      %convert_element_type3A_289 = arith.extui %lt3A_288 : i1 to i32
      %cond3A_290 = arith.constant 0 : i32
      %cond3A_291 = arith.cmpi ne, %convert_element_type3A_289, %cond3A_290 : i32
      scf.if %cond3A_291 {
        %add3A_354 = arith.constant 4 : i32
        %add3A_355 = arith.addi %add3A_263, %add3A_354 : i32
        %mul3A_356 = arith.constant 32 : i32
        %mul3A_357 = arith.muli %add3A_355, %mul3A_356 : i32
        %add3A_358 = arith.addi %mul3A_2, %mul3A_357 : i32
        %dma_start3A_359 = arith.constant 0 : i32
        %dma_start3A_360 = tpu.memref_slice %arg2[%add3A_358, %dma_start3A_359] : memref<16384x512xf32, #tpu.memory_space<hbm>> -> memref<32x512xf32, #tpu.memory_space<hbm>>
        %dma_start3A_361 = arith.constant 0 : i32
        %dma_start3A_362 = tpu.memref_slice %arg2[%add3A_358, %dma_start3A_361] : memref<16384x512xf32, #tpu.memory_space<hbm>> -> memref<32x512xf32, #tpu.memory_space<hbm>>
        tpu.enqueue_dma source(%dma_start3A_362 : memref<32x512xf32, #tpu.memory_space<hbm>>) target(%arg5 : memref<32x512xf32, #tpu.memory_space<vmem>>) target_semaphore(%arg11 : memref<!tpu.dma_semaphore, #tpu.memory_space<semaphore_mem>>)
      } else {
      }
      %add3A_292 = arith.constant 2 : i32
      %add3A_293 = arith.addi %mul3A_236, %add3A_292 : i32
      %dma_wait3A_294 = arith.constant 0 : i32
      %dma_wait3A_295 = arith.constant 0 : i32
      %dma_wait3A_296 = tpu.memref_slice %arg2[%dma_wait3A_294, %dma_wait3A_295] : memref<16384x512xf32, #tpu.memory_space<hbm>> -> memref<32x512xf32, #tpu.memory_space<hbm>>
      %dma_wait3A_297 = arith.constant 0 : i32
      %dma_wait3A_298 = arith.constant 0 : i32
      %dma_wait3A_299 = tpu.memref_slice %arg2[%dma_wait3A_297, %dma_wait3A_298] : memref<16384x512xf32, #tpu.memory_space<hbm>> -> memref<32x512xf32, #tpu.memory_space<hbm>>
      tpu.wait_dma2 semaphore(%arg12 : memref<!tpu.dma_semaphore, #tpu.memory_space<semaphore_mem>>) src(%dma_wait3A_299 : memref<32x512xf32, #tpu.memory_space<hbm>>) dst(%arg6 : memref<32x512xf32, #tpu.memory_space<vmem>>)
      %dma_wait3A_300 = arith.constant 0 : i32
      %dma_wait3A_301 = arith.constant 0 : i32
      %dma_wait3A_302 = tpu.memref_slice %arg3[%dma_wait3A_300, %dma_wait3A_301] : memref<65536x128xf32, #tpu.memory_space<hbm>> -> memref<128x128xf32, #tpu.memory_space<hbm>>
      %dma_wait3A_303 = arith.constant 0 : i32
      %dma_wait3A_304 = arith.constant 0 : i32
      %dma_wait3A_305 = tpu.memref_slice %arg3[%dma_wait3A_303, %dma_wait3A_304] : memref<65536x128xf32, #tpu.memory_space<hbm>> -> memref<128x128xf32, #tpu.memory_space<hbm>>
      tpu.wait_dma2 semaphore(%arg14 : memref<!tpu.dma_semaphore, #tpu.memory_space<semaphore_mem>>) src(%arg8 : memref<128x128xf32, #tpu.memory_space<vmem>>) dst(%dma_wait3A_305 : memref<128x128xf32, #tpu.memory_space<hbm>>)
      %parallel_loop3A_306 = arith.constant 0 : i32
      %parallel_loop3A_307 = arith.constant 32 : i32
      %parallel_loop3A_308 = arith.constant 1 : i32
      scf.for %parallel_loop3A_354 = %parallel_loop3A_306 to %parallel_loop3A_307 step %parallel_loop3A_308  : i32 {
        %parallel_loop3A_355 = arith.constant 4 : i32
        %parallel_loop3A_356 = arith.muli %parallel_loop3A_355, %parallel_loop3A_354 : i32
        %parallel_loop3A_357 = vector.broadcast %parallel_loop3A_356 : i32 to vector<16xi32>
        %parallel_loop3A_358 = arith.addi %parallel_loop3A_357, %rem3A : vector<16xi32>
        %parallel_loop3A_359 = arith.index_cast %parallel_loop3A_354 : i32 to index
        %parallel_loop3A_360 = arith.constant 0 : index
        %parallel_loop3A_361 = tpu.vector_load %arg6[%parallel_loop3A_359, %parallel_loop3A_360] {strides = array<i32>} : memref<32x512xf32, #tpu.memory_space<vmem>>, vector<16xf32>,
        tpu.vector_store_idx %arg8[%parallel_loop3A_358, %add3A_8], %parallel_loop3A_361 : memref<128x128xf32, #tpu.memory_space<vmem>>[vector<16xi32>, vector<16xi32>], vector<16xf32>,
        %parallel_loop3A_362 = arith.index_cast %parallel_loop3A_354 : i32 to index
        %parallel_loop3A_363 = arith.constant 16 : index
        %parallel_loop3A_364 = tpu.vector_load %arg6[%parallel_loop3A_362, %parallel_loop3A_363] {strides = array<i32>} : memref<32x512xf32, #tpu.memory_space<vmem>>, vector<16xf32>,
        tpu.vector_store_idx %arg8[%parallel_loop3A_358, %add3A_14], %parallel_loop3A_364 : memref<128x128xf32, #tpu.memory_space<vmem>>[vector<16xi32>, vector<16xi32>], vector<16xf32>,
        %parallel_loop3A_365 = arith.index_cast %parallel_loop3A_354 : i32 to index
        %parallel_loop3A_366 = arith.constant 32 : index
        %parallel_loop3A_367 = tpu.vector_load %arg6[%parallel_loop3A_365, %parallel_loop3A_366] {strides = array<i32>} : memref<32x512xf32, #tpu.memory_space<vmem>>, vector<16xf32>,
        tpu.vector_store_idx %arg8[%parallel_loop3A_358, %add3A_20], %parallel_loop3A_367 : memref<128x128xf32, #tpu.memory_space<vmem>>[vector<16xi32>, vector<16xi32>], vector<16xf32>,
        %parallel_loop3A_368 = arith.index_cast %parallel_loop3A_354 : i32 to index
        %parallel_loop3A_369 = arith.constant 48 : index
        %parallel_loop3A_370 = tpu.vector_load %arg6[%parallel_loop3A_368, %parallel_loop3A_369] {strides = array<i32>} : memref<32x512xf32, #tpu.memory_space<vmem>>, vector<16xf32>,
        tpu.vector_store_idx %arg8[%parallel_loop3A_358, %add3A_26], %parallel_loop3A_370 : memref<128x128xf32, #tpu.memory_space<vmem>>[vector<16xi32>, vector<16xi32>], vector<16xf32>,
        %parallel_loop3A_371 = arith.index_cast %parallel_loop3A_354 : i32 to index
        %parallel_loop3A_372 = arith.constant 64 : index
        %parallel_loop3A_373 = tpu.vector_load %arg6[%parallel_loop3A_371, %parallel_loop3A_372] {strides = array<i32>} : memref<32x512xf32, #tpu.memory_space<vmem>>, vector<16xf32>,
        tpu.vector_store_idx %arg8[%parallel_loop3A_358, %add3A_32], %parallel_loop3A_373 : memref<128x128xf32, #tpu.memory_space<vmem>>[vector<16xi32>, vector<16xi32>], vector<16xf32>,
        %parallel_loop3A_374 = arith.index_cast %parallel_loop3A_354 : i32 to index
        %parallel_loop3A_375 = arith.constant 80 : index
        %parallel_loop3A_376 = tpu.vector_load %arg6[%parallel_loop3A_374, %parallel_loop3A_375] {strides = array<i32>} : memref<32x512xf32, #tpu.memory_space<vmem>>, vector<16xf32>,
        tpu.vector_store_idx %arg8[%parallel_loop3A_358, %add3A_38], %parallel_loop3A_376 : memref<128x128xf32, #tpu.memory_space<vmem>>[vector<16xi32>, vector<16xi32>], vector<16xf32>,
        %parallel_loop3A_377 = arith.index_cast %parallel_loop3A_354 : i32 to index
        %parallel_loop3A_378 = arith.constant 96 : index
        %parallel_loop3A_379 = tpu.vector_load %arg6[%parallel_loop3A_377, %parallel_loop3A_378] {strides = array<i32>} : memref<32x512xf32, #tpu.memory_space<vmem>>, vector<16xf32>,
        tpu.vector_store_idx %arg8[%parallel_loop3A_358, %add3A_44], %parallel_loop3A_379 : memref<128x128xf32, #tpu.memory_space<vmem>>[vector<16xi32>, vector<16xi32>], vector<16xf32>,
        %parallel_loop3A_380 = arith.index_cast %parallel_loop3A_354 : i32 to index
        %parallel_loop3A_381 = arith.constant 112 : index
        %parallel_loop3A_382 = tpu.vector_load %arg6[%parallel_loop3A_380, %parallel_loop3A_381] {strides = array<i32>} : memref<32x512xf32, #tpu.memory_space<vmem>>, vector<16xf32>,
        tpu.vector_store_idx %arg8[%parallel_loop3A_358, %add3A_50], %parallel_loop3A_382 : memref<128x128xf32, #tpu.memory_space<vmem>>[vector<16xi32>, vector<16xi32>], vector<16xf32>,
        %parallel_loop3A_383 = arith.index_cast %parallel_loop3A_354 : i32 to index
        %parallel_loop3A_384 = arith.constant 128 : index
        %parallel_loop3A_385 = tpu.vector_load %arg6[%parallel_loop3A_383, %parallel_loop3A_384] {strides = array<i32>} : memref<32x512xf32, #tpu.memory_space<vmem>>, vector<16xf32>,
        tpu.vector_store_idx %arg8[%parallel_loop3A_358, %add3A_56], %parallel_loop3A_385 : memref<128x128xf32, #tpu.memory_space<vmem>>[vector<16xi32>, vector<16xi32>], vector<16xf32>,
        %parallel_loop3A_386 = arith.index_cast %parallel_loop3A_354 : i32 to index
        %parallel_loop3A_387 = arith.constant 144 : index
        %parallel_loop3A_388 = tpu.vector_load %arg6[%parallel_loop3A_386, %parallel_loop3A_387] {strides = array<i32>} : memref<32x512xf32, #tpu.memory_space<vmem>>, vector<16xf32>,
        tpu.vector_store_idx %arg8[%parallel_loop3A_358, %add3A_62], %parallel_loop3A_388 : memref<128x128xf32, #tpu.memory_space<vmem>>[vector<16xi32>, vector<16xi32>], vector<16xf32>,
        %parallel_loop3A_389 = arith.index_cast %parallel_loop3A_354 : i32 to index
        %parallel_loop3A_390 = arith.constant 160 : index
        %parallel_loop3A_391 = tpu.vector_load %arg6[%parallel_loop3A_389, %parallel_loop3A_390] {strides = array<i32>} : memref<32x512xf32, #tpu.memory_space<vmem>>, vector<16xf32>,
        tpu.vector_store_idx %arg8[%parallel_loop3A_358, %add3A_68], %parallel_loop3A_391 : memref<128x128xf32, #tpu.memory_space<vmem>>[vector<16xi32>, vector<16xi32>], vector<16xf32>,
        %parallel_loop3A_392 = arith.index_cast %parallel_loop3A_354 : i32 to index
        %parallel_loop3A_393 = arith.constant 176 : index
        %parallel_loop3A_394 = tpu.vector_load %arg6[%parallel_loop3A_392, %parallel_loop3A_393] {strides = array<i32>} : memref<32x512xf32, #tpu.memory_space<vmem>>, vector<16xf32>,
        tpu.vector_store_idx %arg8[%parallel_loop3A_358, %add3A_74], %parallel_loop3A_394 : memref<128x128xf32, #tpu.memory_space<vmem>>[vector<16xi32>, vector<16xi32>], vector<16xf32>,
        %parallel_loop3A_395 = arith.index_cast %parallel_loop3A_354 : i32 to index
        %parallel_loop3A_396 = arith.constant 192 : index
        %parallel_loop3A_397 = tpu.vector_load %arg6[%parallel_loop3A_395, %parallel_loop3A_396] {strides = array<i32>} : memref<32x512xf32, #tpu.memory_space<vmem>>, vector<16xf32>,
        tpu.vector_store_idx %arg8[%parallel_loop3A_358, %add3A_80], %parallel_loop3A_397 : memref<128x128xf32, #tpu.memory_space<vmem>>[vector<16xi32>, vector<16xi32>], vector<16xf32>,
        %parallel_loop3A_398 = arith.index_cast %parallel_loop3A_354 : i32 to index
        %parallel_loop3A_399 = arith.constant 208 : index
        %parallel_loop3A_400 = tpu.vector_load %arg6[%parallel_loop3A_398, %parallel_loop3A_399] {strides = array<i32>} : memref<32x512xf32, #tpu.memory_space<vmem>>, vector<16xf32>,
        tpu.vector_store_idx %arg8[%parallel_loop3A_358, %add3A_86], %parallel_loop3A_400 : memref<128x128xf32, #tpu.memory_space<vmem>>[vector<16xi32>, vector<16xi32>], vector<16xf32>,
        %parallel_loop3A_401 = arith.index_cast %parallel_loop3A_354 : i32 to index
        %parallel_loop3A_402 = arith.constant 224 : index
        %parallel_loop3A_403 = tpu.vector_load %arg6[%parallel_loop3A_401, %parallel_loop3A_402] {strides = array<i32>} : memref<32x512xf32, #tpu.memory_space<vmem>>, vector<16xf32>,
        tpu.vector_store_idx %arg8[%parallel_loop3A_358, %add3A_92], %parallel_loop3A_403 : memref<128x128xf32, #tpu.memory_space<vmem>>[vector<16xi32>, vector<16xi32>], vector<16xf32>,
        %parallel_loop3A_404 = arith.index_cast %parallel_loop3A_354 : i32 to index
        %parallel_loop3A_405 = arith.constant 240 : index
        %parallel_loop3A_406 = tpu.vector_load %arg6[%parallel_loop3A_404, %parallel_loop3A_405] {strides = array<i32>} : memref<32x512xf32, #tpu.memory_space<vmem>>, vector<16xf32>,
        tpu.vector_store_idx %arg8[%parallel_loop3A_358, %add3A_98], %parallel_loop3A_406 : memref<128x128xf32, #tpu.memory_space<vmem>>[vector<16xi32>, vector<16xi32>], vector<16xf32>,
        %parallel_loop3A_407 = arith.index_cast %parallel_loop3A_354 : i32 to index
        %parallel_loop3A_408 = arith.constant 256 : index
        %parallel_loop3A_409 = tpu.vector_load %arg6[%parallel_loop3A_407, %parallel_loop3A_408] {strides = array<i32>} : memref<32x512xf32, #tpu.memory_space<vmem>>, vector<16xf32>,
        tpu.vector_store_idx %arg8[%parallel_loop3A_358, %add3A_104], %parallel_loop3A_409 : memref<128x128xf32, #tpu.memory_space<vmem>>[vector<16xi32>, vector<16xi32>], vector<16xf32>,
        %parallel_loop3A_410 = arith.index_cast %parallel_loop3A_354 : i32 to index
        %parallel_loop3A_411 = arith.constant 272 : index
        %parallel_loop3A_412 = tpu.vector_load %arg6[%parallel_loop3A_410, %parallel_loop3A_411] {strides = array<i32>} : memref<32x512xf32, #tpu.memory_space<vmem>>, vector<16xf32>,
        tpu.vector_store_idx %arg8[%parallel_loop3A_358, %add3A_110], %parallel_loop3A_412 : memref<128x128xf32, #tpu.memory_space<vmem>>[vector<16xi32>, vector<16xi32>], vector<16xf32>,
        %parallel_loop3A_413 = arith.index_cast %parallel_loop3A_354 : i32 to index
        %parallel_loop3A_414 = arith.constant 288 : index
        %parallel_loop3A_415 = tpu.vector_load %arg6[%parallel_loop3A_413, %parallel_loop3A_414] {strides = array<i32>} : memref<32x512xf32, #tpu.memory_space<vmem>>, vector<16xf32>,
        tpu.vector_store_idx %arg8[%parallel_loop3A_358, %add3A_116], %parallel_loop3A_415 : memref<128x128xf32, #tpu.memory_space<vmem>>[vector<16xi32>, vector<16xi32>], vector<16xf32>,
        %parallel_loop3A_416 = arith.index_cast %parallel_loop3A_354 : i32 to index
        %parallel_loop3A_417 = arith.constant 304 : index
        %parallel_loop3A_418 = tpu.vector_load %arg6[%parallel_loop3A_416, %parallel_loop3A_417] {strides = array<i32>} : memref<32x512xf32, #tpu.memory_space<vmem>>, vector<16xf32>,
        tpu.vector_store_idx %arg8[%parallel_loop3A_358, %add3A_122], %parallel_loop3A_418 : memref<128x128xf32, #tpu.memory_space<vmem>>[vector<16xi32>, vector<16xi32>], vector<16xf32>,
        %parallel_loop3A_419 = arith.index_cast %parallel_loop3A_354 : i32 to index
        %parallel_loop3A_420 = arith.constant 320 : index
        %parallel_loop3A_421 = tpu.vector_load %arg6[%parallel_loop3A_419, %parallel_loop3A_420] {strides = array<i32>} : memref<32x512xf32, #tpu.memory_space<vmem>>, vector<16xf32>,
        tpu.vector_store_idx %arg8[%parallel_loop3A_358, %add3A_128], %parallel_loop3A_421 : memref<128x128xf32, #tpu.memory_space<vmem>>[vector<16xi32>, vector<16xi32>], vector<16xf32>,
        %parallel_loop3A_422 = arith.index_cast %parallel_loop3A_354 : i32 to index
        %parallel_loop3A_423 = arith.constant 336 : index
        %parallel_loop3A_424 = tpu.vector_load %arg6[%parallel_loop3A_422, %parallel_loop3A_423] {strides = array<i32>} : memref<32x512xf32, #tpu.memory_space<vmem>>, vector<16xf32>,
        tpu.vector_store_idx %arg8[%parallel_loop3A_358, %add3A_134], %parallel_loop3A_424 : memref<128x128xf32, #tpu.memory_space<vmem>>[vector<16xi32>, vector<16xi32>], vector<16xf32>,
        %parallel_loop3A_425 = arith.index_cast %parallel_loop3A_354 : i32 to index
        %parallel_loop3A_426 = arith.constant 352 : index
        %parallel_loop3A_427 = tpu.vector_load %arg6[%parallel_loop3A_425, %parallel_loop3A_426] {strides = array<i32>} : memref<32x512xf32, #tpu.memory_space<vmem>>, vector<16xf32>,
        tpu.vector_store_idx %arg8[%parallel_loop3A_358, %add3A_140], %parallel_loop3A_427 : memref<128x128xf32, #tpu.memory_space<vmem>>[vector<16xi32>, vector<16xi32>], vector<16xf32>,
        %parallel_loop3A_428 = arith.index_cast %parallel_loop3A_354 : i32 to index
        %parallel_loop3A_429 = arith.constant 368 : index
        %parallel_loop3A_430 = tpu.vector_load %arg6[%parallel_loop3A_428, %parallel_loop3A_429] {strides = array<i32>} : memref<32x512xf32, #tpu.memory_space<vmem>>, vector<16xf32>,
        tpu.vector_store_idx %arg8[%parallel_loop3A_358, %add3A_146], %parallel_loop3A_430 : memref<128x128xf32, #tpu.memory_space<vmem>>[vector<16xi32>, vector<16xi32>], vector<16xf32>,
        %parallel_loop3A_431 = arith.index_cast %parallel_loop3A_354 : i32 to index
        %parallel_loop3A_432 = arith.constant 384 : index
        %parallel_loop3A_433 = tpu.vector_load %arg6[%parallel_loop3A_431, %parallel_loop3A_432] {strides = array<i32>} : memref<32x512xf32, #tpu.memory_space<vmem>>, vector<16xf32>,
        tpu.vector_store_idx %arg8[%parallel_loop3A_358, %add3A_152], %parallel_loop3A_433 : memref<128x128xf32, #tpu.memory_space<vmem>>[vector<16xi32>, vector<16xi32>], vector<16xf32>,
        %parallel_loop3A_434 = arith.index_cast %parallel_loop3A_354 : i32 to index
        %parallel_loop3A_435 = arith.constant 400 : index
        %parallel_loop3A_436 = tpu.vector_load %arg6[%parallel_loop3A_434, %parallel_loop3A_435] {strides = array<i32>} : memref<32x512xf32, #tpu.memory_space<vmem>>, vector<16xf32>,
        tpu.vector_store_idx %arg8[%parallel_loop3A_358, %add3A_158], %parallel_loop3A_436 : memref<128x128xf32, #tpu.memory_space<vmem>>[vector<16xi32>, vector<16xi32>], vector<16xf32>,
        %parallel_loop3A_437 = arith.index_cast %parallel_loop3A_354 : i32 to index
        %parallel_loop3A_438 = arith.constant 416 : index
        %parallel_loop3A_439 = tpu.vector_load %arg6[%parallel_loop3A_437, %parallel_loop3A_438] {strides = array<i32>} : memref<32x512xf32, #tpu.memory_space<vmem>>, vector<16xf32>,
        tpu.vector_store_idx %arg8[%parallel_loop3A_358, %add3A_164], %parallel_loop3A_439 : memref<128x128xf32, #tpu.memory_space<vmem>>[vector<16xi32>, vector<16xi32>], vector<16xf32>,
        %parallel_loop3A_440 = arith.index_cast %parallel_loop3A_354 : i32 to index
        %parallel_loop3A_441 = arith.constant 432 : index
        %parallel_loop3A_442 = tpu.vector_load %arg6[%parallel_loop3A_440, %parallel_loop3A_441] {strides = array<i32>} : memref<32x512xf32, #tpu.memory_space<vmem>>, vector<16xf32>,
        tpu.vector_store_idx %arg8[%parallel_loop3A_358, %add3A_170], %parallel_loop3A_442 : memref<128x128xf32, #tpu.memory_space<vmem>>[vector<16xi32>, vector<16xi32>], vector<16xf32>,
        %parallel_loop3A_443 = arith.index_cast %parallel_loop3A_354 : i32 to index
        %parallel_loop3A_444 = arith.constant 448 : index
        %parallel_loop3A_445 = tpu.vector_load %arg6[%parallel_loop3A_443, %parallel_loop3A_444] {strides = array<i32>} : memref<32x512xf32, #tpu.memory_space<vmem>>, vector<16xf32>,
        tpu.vector_store_idx %arg8[%parallel_loop3A_358, %add3A_176], %parallel_loop3A_445 : memref<128x128xf32, #tpu.memory_space<vmem>>[vector<16xi32>, vector<16xi32>], vector<16xf32>,
        %parallel_loop3A_446 = arith.index_cast %parallel_loop3A_354 : i32 to index
        %parallel_loop3A_447 = arith.constant 464 : index
        %parallel_loop3A_448 = tpu.vector_load %arg6[%parallel_loop3A_446, %parallel_loop3A_447] {strides = array<i32>} : memref<32x512xf32, #tpu.memory_space<vmem>>, vector<16xf32>,
        tpu.vector_store_idx %arg8[%parallel_loop3A_358, %add3A_182], %parallel_loop3A_448 : memref<128x128xf32, #tpu.memory_space<vmem>>[vector<16xi32>, vector<16xi32>], vector<16xf32>,
        %parallel_loop3A_449 = arith.index_cast %parallel_loop3A_354 : i32 to index
        %parallel_loop3A_450 = arith.constant 480 : index
        %parallel_loop3A_451 = tpu.vector_load %arg6[%parallel_loop3A_449, %parallel_loop3A_450] {strides = array<i32>} : memref<32x512xf32, #tpu.memory_space<vmem>>, vector<16xf32>,
        tpu.vector_store_idx %arg8[%parallel_loop3A_358, %add3A_188], %parallel_loop3A_451 : memref<128x128xf32, #tpu.memory_space<vmem>>[vector<16xi32>, vector<16xi32>], vector<16xf32>,
        %parallel_loop3A_452 = arith.index_cast %parallel_loop3A_354 : i32 to index
        %parallel_loop3A_453 = arith.constant 496 : index
        %parallel_loop3A_454 = tpu.vector_load %arg6[%parallel_loop3A_452, %parallel_loop3A_453] {strides = array<i32>} : memref<32x512xf32, #tpu.memory_space<vmem>>, vector<16xf32>,
        tpu.vector_store_idx %arg8[%parallel_loop3A_358, %add3A_194], %parallel_loop3A_454 : memref<128x128xf32, #tpu.memory_space<vmem>>[vector<16xi32>, vector<16xi32>], vector<16xf32>,
      } {sc.loop_unroll_factor = 2 : i64, sc.parallel_access}
      %mul3A_309 = arith.constant 32 : i32
      %mul3A_310 = arith.muli %add3A_293, %mul3A_309 : i32
      %add3A_311 = arith.addi %mul3A_2, %mul3A_310 : i32
      %mul3A_312 = arith.constant 4 : i32
      %mul3A_313 = arith.muli %add3A_311, %mul3A_312 : i32
      %dma_start3A_314 = arith.constant 0 : i32
      %dma_start3A_315 = tpu.memref_slice %arg3[%mul3A_313, %dma_start3A_314] : memref<65536x128xf32, #tpu.memory_space<hbm>> -> memref<128x128xf32, #tpu.memory_space<hbm>>
      %dma_start3A_316 = arith.constant 0 : i32
      %dma_start3A_317 = tpu.memref_slice %arg3[%mul3A_313, %dma_start3A_316] : memref<65536x128xf32, #tpu.memory_space<hbm>> -> memref<128x128xf32, #tpu.memory_space<hbm>>
      tpu.enqueue_dma source(%arg8 : memref<128x128xf32, #tpu.memory_space<vmem>>) target(%dma_start3A_317 : memref<128x128xf32, #tpu.memory_space<hbm>>) target_semaphore(%arg14 : memref<!tpu.dma_semaphore, #tpu.memory_space<semaphore_mem>>)
      %lt3A_318 = arith.constant 3 : i32
      %lt3A_319 = arith.cmpi slt, %scan3A_234, %lt3A_318 : i32
      %convert_element_type3A_320 = arith.extui %lt3A_319 : i1 to i32
      %cond3A_321 = arith.constant 0 : i32
      %cond3A_322 = arith.cmpi ne, %convert_element_type3A_320, %cond3A_321 : i32
      scf.if %cond3A_322 {
        %add3A_354 = arith.constant 4 : i32
        %add3A_355 = arith.addi %add3A_293, %add3A_354 : i32
        %mul3A_356 = arith.constant 32 : i32
        %mul3A_357 = arith.muli %add3A_355, %mul3A_356 : i32
        %add3A_358 = arith.addi %mul3A_2, %mul3A_357 : i32
        %dma_start3A_359 = arith.constant 0 : i32
        %dma_start3A_360 = tpu.memref_slice %arg2[%add3A_358, %dma_start3A_359] : memref<16384x512xf32, #tpu.memory_space<hbm>> -> memref<32x512xf32, #tpu.memory_space<hbm>>
        %dma_start3A_361 = arith.constant 0 : i32
        %dma_start3A_362 = tpu.memref_slice %arg2[%add3A_358, %dma_start3A_361] : memref<16384x512xf32, #tpu.memory_space<hbm>> -> memref<32x512xf32, #tpu.memory_space<hbm>>
        tpu.enqueue_dma source(%dma_start3A_362 : memref<32x512xf32, #tpu.memory_space<hbm>>) target(%arg6 : memref<32x512xf32, #tpu.memory_space<vmem>>) target_semaphore(%arg12 : memref<!tpu.dma_semaphore, #tpu.memory_space<semaphore_mem>>)
      } else {
      }
      %add3A_323 = arith.constant 3 : i32
      %add3A_324 = arith.addi %mul3A_236, %add3A_323 : i32
      %dma_wait3A_325 = arith.constant 0 : i32
      %dma_wait3A_326 = arith.constant 0 : i32
      %dma_wait3A_327 = tpu.memref_slice %arg2[%dma_wait3A_325, %dma_wait3A_326] : memref<16384x512xf32, #tpu.memory_space<hbm>> -> memref<32x512xf32, #tpu.memory_space<hbm>>
      %dma_wait3A_328 = arith.constant 0 : i32
      %dma_wait3A_329 = arith.constant 0 : i32
      %dma_wait3A_330 = tpu.memref_slice %arg2[%dma_wait3A_328, %dma_wait3A_329] : memref<16384x512xf32, #tpu.memory_space<hbm>> -> memref<32x512xf32, #tpu.memory_space<hbm>>
      tpu.wait_dma2 semaphore(%arg13 : memref<!tpu.dma_semaphore, #tpu.memory_space<semaphore_mem>>) src(%dma_wait3A_330 : memref<32x512xf32, #tpu.memory_space<hbm>>) dst(%arg7 : memref<32x512xf32, #tpu.memory_space<vmem>>)
      %dma_wait3A_331 = arith.constant 0 : i32
      %dma_wait3A_332 = arith.constant 0 : i32
      %dma_wait3A_333 = tpu.memref_slice %arg3[%dma_wait3A_331, %dma_wait3A_332] : memref<65536x128xf32, #tpu.memory_space<hbm>> -> memref<128x128xf32, #tpu.memory_space<hbm>>
      %dma_wait3A_334 = arith.constant 0 : i32
      %dma_wait3A_335 = arith.constant 0 : i32
      %dma_wait3A_336 = tpu.memref_slice %arg3[%dma_wait3A_334, %dma_wait3A_335] : memref<65536x128xf32, #tpu.memory_space<hbm>> -> memref<128x128xf32, #tpu.memory_space<hbm>>
      tpu.wait_dma2 semaphore(%arg15 : memref<!tpu.dma_semaphore, #tpu.memory_space<semaphore_mem>>) src(%arg9 : memref<128x128xf32, #tpu.memory_space<vmem>>) dst(%dma_wait3A_336 : memref<128x128xf32, #tpu.memory_space<hbm>>)
      %parallel_loop3A_337 = arith.constant 0 : i32
      %parallel_loop3A_338 = arith.constant 32 : i32
      %parallel_loop3A_339 = arith.constant 1 : i32
      scf.for %parallel_loop3A_354 = %parallel_loop3A_337 to %parallel_loop3A_338 step %parallel_loop3A_339  : i32 {
        %parallel_loop3A_355 = arith.constant 4 : i32
        %parallel_loop3A_356 = arith.muli %parallel_loop3A_355, %parallel_loop3A_354 : i32
        %parallel_loop3A_357 = vector.broadcast %parallel_loop3A_356 : i32 to vector<16xi32>
        %parallel_loop3A_358 = arith.addi %parallel_loop3A_357, %rem3A : vector<16xi32>
        %parallel_loop3A_359 = arith.index_cast %parallel_loop3A_354 : i32 to index
        %parallel_loop3A_360 = arith.constant 0 : index
        %parallel_loop3A_361 = tpu.vector_load %arg7[%parallel_loop3A_359, %parallel_loop3A_360] {strides = array<i32>} : memref<32x512xf32, #tpu.memory_space<vmem>>, vector<16xf32>,
        tpu.vector_store_idx %arg9[%parallel_loop3A_358, %add3A_8], %parallel_loop3A_361 : memref<128x128xf32, #tpu.memory_space<vmem>>[vector<16xi32>, vector<16xi32>], vector<16xf32>,
        %parallel_loop3A_362 = arith.index_cast %parallel_loop3A_354 : i32 to index
        %parallel_loop3A_363 = arith.constant 16 : index
        %parallel_loop3A_364 = tpu.vector_load %arg7[%parallel_loop3A_362, %parallel_loop3A_363] {strides = array<i32>} : memref<32x512xf32, #tpu.memory_space<vmem>>, vector<16xf32>,
        tpu.vector_store_idx %arg9[%parallel_loop3A_358, %add3A_14], %parallel_loop3A_364 : memref<128x128xf32, #tpu.memory_space<vmem>>[vector<16xi32>, vector<16xi32>], vector<16xf32>,
        %parallel_loop3A_365 = arith.index_cast %parallel_loop3A_354 : i32 to index
        %parallel_loop3A_366 = arith.constant 32 : index
        %parallel_loop3A_367 = tpu.vector_load %arg7[%parallel_loop3A_365, %parallel_loop3A_366] {strides = array<i32>} : memref<32x512xf32, #tpu.memory_space<vmem>>, vector<16xf32>,
        tpu.vector_store_idx %arg9[%parallel_loop3A_358, %add3A_20], %parallel_loop3A_367 : memref<128x128xf32, #tpu.memory_space<vmem>>[vector<16xi32>, vector<16xi32>], vector<16xf32>,
        %parallel_loop3A_368 = arith.index_cast %parallel_loop3A_354 : i32 to index
        %parallel_loop3A_369 = arith.constant 48 : index
        %parallel_loop3A_370 = tpu.vector_load %arg7[%parallel_loop3A_368, %parallel_loop3A_369] {strides = array<i32>} : memref<32x512xf32, #tpu.memory_space<vmem>>, vector<16xf32>,
        tpu.vector_store_idx %arg9[%parallel_loop3A_358, %add3A_26], %parallel_loop3A_370 : memref<128x128xf32, #tpu.memory_space<vmem>>[vector<16xi32>, vector<16xi32>], vector<16xf32>,
        %parallel_loop3A_371 = arith.index_cast %parallel_loop3A_354 : i32 to index
        %parallel_loop3A_372 = arith.constant 64 : index
        %parallel_loop3A_373 = tpu.vector_load %arg7[%parallel_loop3A_371, %parallel_loop3A_372] {strides = array<i32>} : memref<32x512xf32, #tpu.memory_space<vmem>>, vector<16xf32>,
        tpu.vector_store_idx %arg9[%parallel_loop3A_358, %add3A_32], %parallel_loop3A_373 : memref<128x128xf32, #tpu.memory_space<vmem>>[vector<16xi32>, vector<16xi32>], vector<16xf32>,
        %parallel_loop3A_374 = arith.index_cast %parallel_loop3A_354 : i32 to index
        %parallel_loop3A_375 = arith.constant 80 : index
        %parallel_loop3A_376 = tpu.vector_load %arg7[%parallel_loop3A_374, %parallel_loop3A_375] {strides = array<i32>} : memref<32x512xf32, #tpu.memory_space<vmem>>, vector<16xf32>,
        tpu.vector_store_idx %arg9[%parallel_loop3A_358, %add3A_38], %parallel_loop3A_376 : memref<128x128xf32, #tpu.memory_space<vmem>>[vector<16xi32>, vector<16xi32>], vector<16xf32>,
        %parallel_loop3A_377 = arith.index_cast %parallel_loop3A_354 : i32 to index
        %parallel_loop3A_378 = arith.constant 96 : index
        %parallel_loop3A_379 = tpu.vector_load %arg7[%parallel_loop3A_377, %parallel_loop3A_378] {strides = array<i32>} : memref<32x512xf32, #tpu.memory_space<vmem>>, vector<16xf32>,
        tpu.vector_store_idx %arg9[%parallel_loop3A_358, %add3A_44], %parallel_loop3A_379 : memref<128x128xf32, #tpu.memory_space<vmem>>[vector<16xi32>, vector<16xi32>], vector<16xf32>,
        %parallel_loop3A_380 = arith.index_cast %parallel_loop3A_354 : i32 to index
        %parallel_loop3A_381 = arith.constant 112 : index
        %parallel_loop3A_382 = tpu.vector_load %arg7[%parallel_loop3A_380, %parallel_loop3A_381] {strides = array<i32>} : memref<32x512xf32, #tpu.memory_space<vmem>>, vector<16xf32>,
        tpu.vector_store_idx %arg9[%parallel_loop3A_358, %add3A_50], %parallel_loop3A_382 : memref<128x128xf32, #tpu.memory_space<vmem>>[vector<16xi32>, vector<16xi32>], vector<16xf32>,
        %parallel_loop3A_383 = arith.index_cast %parallel_loop3A_354 : i32 to index
        %parallel_loop3A_384 = arith.constant 128 : index
        %parallel_loop3A_385 = tpu.vector_load %arg7[%parallel_loop3A_383, %parallel_loop3A_384] {strides = array<i32>} : memref<32x512xf32, #tpu.memory_space<vmem>>, vector<16xf32>,
        tpu.vector_store_idx %arg9[%parallel_loop3A_358, %add3A_56], %parallel_loop3A_385 : memref<128x128xf32, #tpu.memory_space<vmem>>[vector<16xi32>, vector<16xi32>], vector<16xf32>,
        %parallel_loop3A_386 = arith.index_cast %parallel_loop3A_354 : i32 to index
        %parallel_loop3A_387 = arith.constant 144 : index
        %parallel_loop3A_388 = tpu.vector_load %arg7[%parallel_loop3A_386, %parallel_loop3A_387] {strides = array<i32>} : memref<32x512xf32, #tpu.memory_space<vmem>>, vector<16xf32>,
        tpu.vector_store_idx %arg9[%parallel_loop3A_358, %add3A_62], %parallel_loop3A_388 : memref<128x128xf32, #tpu.memory_space<vmem>>[vector<16xi32>, vector<16xi32>], vector<16xf32>,
        %parallel_loop3A_389 = arith.index_cast %parallel_loop3A_354 : i32 to index
        %parallel_loop3A_390 = arith.constant 160 : index
        %parallel_loop3A_391 = tpu.vector_load %arg7[%parallel_loop3A_389, %parallel_loop3A_390] {strides = array<i32>} : memref<32x512xf32, #tpu.memory_space<vmem>>, vector<16xf32>,
        tpu.vector_store_idx %arg9[%parallel_loop3A_358, %add3A_68], %parallel_loop3A_391 : memref<128x128xf32, #tpu.memory_space<vmem>>[vector<16xi32>, vector<16xi32>], vector<16xf32>,
        %parallel_loop3A_392 = arith.index_cast %parallel_loop3A_354 : i32 to index
        %parallel_loop3A_393 = arith.constant 176 : index
        %parallel_loop3A_394 = tpu.vector_load %arg7[%parallel_loop3A_392, %parallel_loop3A_393] {strides = array<i32>} : memref<32x512xf32, #tpu.memory_space<vmem>>, vector<16xf32>,
        tpu.vector_store_idx %arg9[%parallel_loop3A_358, %add3A_74], %parallel_loop3A_394 : memref<128x128xf32, #tpu.memory_space<vmem>>[vector<16xi32>, vector<16xi32>], vector<16xf32>,
        %parallel_loop3A_395 = arith.index_cast %parallel_loop3A_354 : i32 to index
        %parallel_loop3A_396 = arith.constant 192 : index
        %parallel_loop3A_397 = tpu.vector_load %arg7[%parallel_loop3A_395, %parallel_loop3A_396] {strides = array<i32>} : memref<32x512xf32, #tpu.memory_space<vmem>>, vector<16xf32>,
        tpu.vector_store_idx %arg9[%parallel_loop3A_358, %add3A_80], %parallel_loop3A_397 : memref<128x128xf32, #tpu.memory_space<vmem>>[vector<16xi32>, vector<16xi32>], vector<16xf32>,
        %parallel_loop3A_398 = arith.index_cast %parallel_loop3A_354 : i32 to index
        %parallel_loop3A_399 = arith.constant 208 : index
        %parallel_loop3A_400 = tpu.vector_load %arg7[%parallel_loop3A_398, %parallel_loop3A_399] {strides = array<i32>} : memref<32x512xf32, #tpu.memory_space<vmem>>, vector<16xf32>,
        tpu.vector_store_idx %arg9[%parallel_loop3A_358, %add3A_86], %parallel_loop3A_400 : memref<128x128xf32, #tpu.memory_space<vmem>>[vector<16xi32>, vector<16xi32>], vector<16xf32>,
        %parallel_loop3A_401 = arith.index_cast %parallel_loop3A_354 : i32 to index
        %parallel_loop3A_402 = arith.constant 224 : index
        %parallel_loop3A_403 = tpu.vector_load %arg7[%parallel_loop3A_401, %parallel_loop3A_402] {strides = array<i32>} : memref<32x512xf32, #tpu.memory_space<vmem>>, vector<16xf32>,
        tpu.vector_store_idx %arg9[%parallel_loop3A_358, %add3A_92], %parallel_loop3A_403 : memref<128x128xf32, #tpu.memory_space<vmem>>[vector<16xi32>, vector<16xi32>], vector<16xf32>,
        %parallel_loop3A_404 = arith.index_cast %parallel_loop3A_354 : i32 to index
        %parallel_loop3A_405 = arith.constant 240 : index
        %parallel_loop3A_406 = tpu.vector_load %arg7[%parallel_loop3A_404, %parallel_loop3A_405] {strides = array<i32>} : memref<32x512xf32, #tpu.memory_space<vmem>>, vector<16xf32>,
        tpu.vector_store_idx %arg9[%parallel_loop3A_358, %add3A_98], %parallel_loop3A_406 : memref<128x128xf32, #tpu.memory_space<vmem>>[vector<16xi32>, vector<16xi32>], vector<16xf32>,
        %parallel_loop3A_407 = arith.index_cast %parallel_loop3A_354 : i32 to index
        %parallel_loop3A_408 = arith.constant 256 : index
        %parallel_loop3A_409 = tpu.vector_load %arg7[%parallel_loop3A_407, %parallel_loop3A_408] {strides = array<i32>} : memref<32x512xf32, #tpu.memory_space<vmem>>, vector<16xf32>,
        tpu.vector_store_idx %arg9[%parallel_loop3A_358, %add3A_104], %parallel_loop3A_409 : memref<128x128xf32, #tpu.memory_space<vmem>>[vector<16xi32>, vector<16xi32>], vector<16xf32>,
        %parallel_loop3A_410 = arith.index_cast %parallel_loop3A_354 : i32 to index
        %parallel_loop3A_411 = arith.constant 272 : index
        %parallel_loop3A_412 = tpu.vector_load %arg7[%parallel_loop3A_410, %parallel_loop3A_411] {strides = array<i32>} : memref<32x512xf32, #tpu.memory_space<vmem>>, vector<16xf32>,
        tpu.vector_store_idx %arg9[%parallel_loop3A_358, %add3A_110], %parallel_loop3A_412 : memref<128x128xf32, #tpu.memory_space<vmem>>[vector<16xi32>, vector<16xi32>], vector<16xf32>,
        %parallel_loop3A_413 = arith.index_cast %parallel_loop3A_354 : i32 to index
        %parallel_loop3A_414 = arith.constant 288 : index
        %parallel_loop3A_415 = tpu.vector_load %arg7[%parallel_loop3A_413, %parallel_loop3A_414] {strides = array<i32>} : memref<32x512xf32, #tpu.memory_space<vmem>>, vector<16xf32>,
        tpu.vector_store_idx %arg9[%parallel_loop3A_358, %add3A_116], %parallel_loop3A_415 : memref<128x128xf32, #tpu.memory_space<vmem>>[vector<16xi32>, vector<16xi32>], vector<16xf32>,
        %parallel_loop3A_416 = arith.index_cast %parallel_loop3A_354 : i32 to index
        %parallel_loop3A_417 = arith.constant 304 : index
        %parallel_loop3A_418 = tpu.vector_load %arg7[%parallel_loop3A_416, %parallel_loop3A_417] {strides = array<i32>} : memref<32x512xf32, #tpu.memory_space<vmem>>, vector<16xf32>,
        tpu.vector_store_idx %arg9[%parallel_loop3A_358, %add3A_122], %parallel_loop3A_418 : memref<128x128xf32, #tpu.memory_space<vmem>>[vector<16xi32>, vector<16xi32>], vector<16xf32>,
        %parallel_loop3A_419 = arith.index_cast %parallel_loop3A_354 : i32 to index
        %parallel_loop3A_420 = arith.constant 320 : index
        %parallel_loop3A_421 = tpu.vector_load %arg7[%parallel_loop3A_419, %parallel_loop3A_420] {strides = array<i32>} : memref<32x512xf32, #tpu.memory_space<vmem>>, vector<16xf32>,
        tpu.vector_store_idx %arg9[%parallel_loop3A_358, %add3A_128], %parallel_loop3A_421 : memref<128x128xf32, #tpu.memory_space<vmem>>[vector<16xi32>, vector<16xi32>], vector<16xf32>,
        %parallel_loop3A_422 = arith.index_cast %parallel_loop3A_354 : i32 to index
        %parallel_loop3A_423 = arith.constant 336 : index
        %parallel_loop3A_424 = tpu.vector_load %arg7[%parallel_loop3A_422, %parallel_loop3A_423] {strides = array<i32>} : memref<32x512xf32, #tpu.memory_space<vmem>>, vector<16xf32>,
        tpu.vector_store_idx %arg9[%parallel_loop3A_358, %add3A_134], %parallel_loop3A_424 : memref<128x128xf32, #tpu.memory_space<vmem>>[vector<16xi32>, vector<16xi32>], vector<16xf32>,
        %parallel_loop3A_425 = arith.index_cast %parallel_loop3A_354 : i32 to index
        %parallel_loop3A_426 = arith.constant 352 : index
        %parallel_loop3A_427 = tpu.vector_load %arg7[%parallel_loop3A_425, %parallel_loop3A_426] {strides = array<i32>} : memref<32x512xf32, #tpu.memory_space<vmem>>, vector<16xf32>,
        tpu.vector_store_idx %arg9[%parallel_loop3A_358, %add3A_140], %parallel_loop3A_427 : memref<128x128xf32, #tpu.memory_space<vmem>>[vector<16xi32>, vector<16xi32>], vector<16xf32>,
        %parallel_loop3A_428 = arith.index_cast %parallel_loop3A_354 : i32 to index
        %parallel_loop3A_429 = arith.constant 368 : index
        %parallel_loop3A_430 = tpu.vector_load %arg7[%parallel_loop3A_428, %parallel_loop3A_429] {strides = array<i32>} : memref<32x512xf32, #tpu.memory_space<vmem>>, vector<16xf32>,
        tpu.vector_store_idx %arg9[%parallel_loop3A_358, %add3A_146], %parallel_loop3A_430 : memref<128x128xf32, #tpu.memory_space<vmem>>[vector<16xi32>, vector<16xi32>], vector<16xf32>,
        %parallel_loop3A_431 = arith.index_cast %parallel_loop3A_354 : i32 to index
        %parallel_loop3A_432 = arith.constant 384 : index
        %parallel_loop3A_433 = tpu.vector_load %arg7[%parallel_loop3A_431, %parallel_loop3A_432] {strides = array<i32>} : memref<32x512xf32, #tpu.memory_space<vmem>>, vector<16xf32>,
        tpu.vector_store_idx %arg9[%parallel_loop3A_358, %add3A_152], %parallel_loop3A_433 : memref<128x128xf32, #tpu.memory_space<vmem>>[vector<16xi32>, vector<16xi32>], vector<16xf32>,
        %parallel_loop3A_434 = arith.index_cast %parallel_loop3A_354 : i32 to index
        %parallel_loop3A_435 = arith.constant 400 : index
        %parallel_loop3A_436 = tpu.vector_load %arg7[%parallel_loop3A_434, %parallel_loop3A_435] {strides = array<i32>} : memref<32x512xf32, #tpu.memory_space<vmem>>, vector<16xf32>,
        tpu.vector_store_idx %arg9[%parallel_loop3A_358, %add3A_158], %parallel_loop3A_436 : memref<128x128xf32, #tpu.memory_space<vmem>>[vector<16xi32>, vector<16xi32>], vector<16xf32>,
        %parallel_loop3A_437 = arith.index_cast %parallel_loop3A_354 : i32 to index
        %parallel_loop3A_438 = arith.constant 416 : index
        %parallel_loop3A_439 = tpu.vector_load %arg7[%parallel_loop3A_437, %parallel_loop3A_438] {strides = array<i32>} : memref<32x512xf32, #tpu.memory_space<vmem>>, vector<16xf32>,
        tpu.vector_store_idx %arg9[%parallel_loop3A_358, %add3A_164], %parallel_loop3A_439 : memref<128x128xf32, #tpu.memory_space<vmem>>[vector<16xi32>, vector<16xi32>], vector<16xf32>,
        %parallel_loop3A_440 = arith.index_cast %parallel_loop3A_354 : i32 to index
        %parallel_loop3A_441 = arith.constant 432 : index
        %parallel_loop3A_442 = tpu.vector_load %arg7[%parallel_loop3A_440, %parallel_loop3A_441] {strides = array<i32>} : memref<32x512xf32, #tpu.memory_space<vmem>>, vector<16xf32>,
        tpu.vector_store_idx %arg9[%parallel_loop3A_358, %add3A_170], %parallel_loop3A_442 : memref<128x128xf32, #tpu.memory_space<vmem>>[vector<16xi32>, vector<16xi32>], vector<16xf32>,
        %parallel_loop3A_443 = arith.index_cast %parallel_loop3A_354 : i32 to index
        %parallel_loop3A_444 = arith.constant 448 : index
        %parallel_loop3A_445 = tpu.vector_load %arg7[%parallel_loop3A_443, %parallel_loop3A_444] {strides = array<i32>} : memref<32x512xf32, #tpu.memory_space<vmem>>, vector<16xf32>,
        tpu.vector_store_idx %arg9[%parallel_loop3A_358, %add3A_176], %parallel_loop3A_445 : memref<128x128xf32, #tpu.memory_space<vmem>>[vector<16xi32>, vector<16xi32>], vector<16xf32>,
        %parallel_loop3A_446 = arith.index_cast %parallel_loop3A_354 : i32 to index
        %parallel_loop3A_447 = arith.constant 464 : index
        %parallel_loop3A_448 = tpu.vector_load %arg7[%parallel_loop3A_446, %parallel_loop3A_447] {strides = array<i32>} : memref<32x512xf32, #tpu.memory_space<vmem>>, vector<16xf32>,
        tpu.vector_store_idx %arg9[%parallel_loop3A_358, %add3A_182], %parallel_loop3A_448 : memref<128x128xf32, #tpu.memory_space<vmem>>[vector<16xi32>, vector<16xi32>], vector<16xf32>,
        %parallel_loop3A_449 = arith.index_cast %parallel_loop3A_354 : i32 to index
        %parallel_loop3A_450 = arith.constant 480 : index
        %parallel_loop3A_451 = tpu.vector_load %arg7[%parallel_loop3A_449, %parallel_loop3A_450] {strides = array<i32>} : memref<32x512xf32, #tpu.memory_space<vmem>>, vector<16xf32>,
        tpu.vector_store_idx %arg9[%parallel_loop3A_358, %add3A_188], %parallel_loop3A_451 : memref<128x128xf32, #tpu.memory_space<vmem>>[vector<16xi32>, vector<16xi32>], vector<16xf32>,
        %parallel_loop3A_452 = arith.index_cast %parallel_loop3A_354 : i32 to index
        %parallel_loop3A_453 = arith.constant 496 : index
        %parallel_loop3A_454 = tpu.vector_load %arg7[%parallel_loop3A_452, %parallel_loop3A_453] {strides = array<i32>} : memref<32x512xf32, #tpu.memory_space<vmem>>, vector<16xf32>,
        tpu.vector_store_idx %arg9[%parallel_loop3A_358, %add3A_194], %parallel_loop3A_454 : memref<128x128xf32, #tpu.memory_space<vmem>>[vector<16xi32>, vector<16xi32>], vector<16xf32>,
      } {sc.loop_unroll_factor = 2 : i64, sc.parallel_access}
      %mul3A_340 = arith.constant 32 : i32
      %mul3A_341 = arith.muli %add3A_324, %mul3A_340 : i32
      %add3A_342 = arith.addi %mul3A_2, %mul3A_341 : i32
      %mul3A_343 = arith.constant 4 : i32
      %mul3A_344 = arith.muli %add3A_342, %mul3A_343 : i32
      %dma_start3A_345 = arith.constant 0 : i32
      %dma_start3A_346 = tpu.memref_slice %arg3[%mul3A_344, %dma_start3A_345] : memref<65536x128xf32, #tpu.memory_space<hbm>> -> memref<128x128xf32, #tpu.memory_space<hbm>>
      %dma_start3A_347 = arith.constant 0 : i32
      %dma_start3A_348 = tpu.memref_slice %arg3[%mul3A_344, %dma_start3A_347] : memref<65536x128xf32, #tpu.memory_space<hbm>> -> memref<128x128xf32, #tpu.memory_space<hbm>>
      tpu.enqueue_dma source(%arg9 : memref<128x128xf32, #tpu.memory_space<vmem>>) target(%dma_start3A_348 : memref<128x128xf32, #tpu.memory_space<hbm>>) target_semaphore(%arg15 : memref<!tpu.dma_semaphore, #tpu.memory_space<semaphore_mem>>)
      %lt3A_349 = arith.constant 3 : i32
      %lt3A_350 = arith.cmpi slt, %scan3A_234, %lt3A_349 : i32
      %convert_element_type3A_351 = arith.extui %lt3A_350 : i1 to i32
      %cond3A_352 = arith.constant 0 : i32
      %cond3A_353 = arith.cmpi ne, %convert_element_type3A_351, %cond3A_352 : i32
      scf.if %cond3A_353 {
        %add3A_354 = arith.constant 4 : i32
        %add3A_355 = arith.addi %add3A_324, %add3A_354 : i32
        %mul3A_356 = arith.constant 32 : i32
        %mul3A_357 = arith.muli %add3A_355, %mul3A_356 : i32
        %add3A_358 = arith.addi %mul3A_2, %mul3A_357 : i32
        %dma_start3A_359 = arith.constant 0 : i32
        %dma_start3A_360 = tpu.memref_slice %arg2[%add3A_358, %dma_start3A_359] : memref<16384x512xf32, #tpu.memory_space<hbm>> -> memref<32x512xf32, #tpu.memory_space<hbm>>
        %dma_start3A_361 = arith.constant 0 : i32
        %dma_start3A_362 = tpu.memref_slice %arg2[%add3A_358, %dma_start3A_361] : memref<16384x512xf32, #tpu.memory_space<hbm>> -> memref<32x512xf32, #tpu.memory_space<hbm>>
        tpu.enqueue_dma source(%dma_start3A_362 : memref<32x512xf32, #tpu.memory_space<hbm>>) target(%arg7 : memref<32x512xf32, #tpu.memory_space<vmem>>) target_semaphore(%arg13 : memref<!tpu.dma_semaphore, #tpu.memory_space<semaphore_mem>>)
      } else {
      }
    }
    %scan3A_222 = arith.constant 4 : i32
    %dma_wait3A = arith.constant 0 : i32
    %dma_wait3A_223 = arith.constant 0 : i32
    %dma_wait3A_224 = tpu.memref_slice %arg3[%dma_wait3A, %dma_wait3A_223] : memref<65536x128xf32, #tpu.memory_space<hbm>> -> memref<128x128xf32, #tpu.memory_space<hbm>>
    %dma_wait3A_225 = arith.constant 0 : i32
    %dma_wait3A_226 = arith.constant 0 : i32
    %dma_wait3A_227 = tpu.memref_slice %arg3[%dma_wait3A_225, %dma_wait3A_226] : memref<65536x128xf32, #tpu.memory_space<hbm>> -> memref<128x128xf32, #tpu.memory_space<hbm>>
    tpu.wait_dma2 semaphore(%arg14 : memref<!tpu.dma_semaphore, #tpu.memory_space<semaphore_mem>>) src(%arg8 : memref<128x128xf32, #tpu.memory_space<vmem>>) dst(%dma_wait3A_227 : memref<128x128xf32, #tpu.memory_space<hbm>>)
    %dma_wait3A_228 = arith.constant 0 : i32
    %dma_wait3A_229 = arith.constant 0 : i32
    %dma_wait3A_230 = tpu.memref_slice %arg3[%dma_wait3A_228, %dma_wait3A_229] : memref<65536x128xf32, #tpu.memory_space<hbm>> -> memref<128x128xf32, #tpu.memory_space<hbm>>
    %dma_wait3A_231 = arith.constant 0 : i32
    %dma_wait3A_232 = arith.constant 0 : i32
    %dma_wait3A_233 = tpu.memref_slice %arg3[%dma_wait3A_231, %dma_wait3A_232] : memref<65536x128xf32, #tpu.memory_space<hbm>> -> memref<128x128xf32, #tpu.memory_space<hbm>>
    tpu.wait_dma2 semaphore(%arg15 : memref<!tpu.dma_semaphore, #tpu.memory_space<semaphore_mem>>) src(%arg9 : memref<128x128xf32, #tpu.memory_space<vmem>>) dst(%dma_wait3A_233 : memref<128x128xf32, #tpu.memory_space<hbm>>)
    return
  }
}

</mosaic_0001>

<sc_bundles>
// kernel: _point_shuffle.3.cloned.1.call-start
scs
__scs_entry_jumppad:
0x0: {  	(pc) =	sbr.rel $0x88, $3  }
0x1: {  	(tag) =	ssettag $0x0;
	lr =	simm.s32 $0x1  }
0x2: {  	[smem:$0x3FA0] =	sst lr;
	_ =	strace $0xD0000000  }
0x3: {  	_ = 	snop  }
0x4: {  	_ = 	snop  }
0x5: {  	_ = 	snop  }
0x6: {  	_ = 	snop  }
0x7: {  	_ = 	snop  }
__scs_overlays_trampoline_lowered:
0x8: {  	[smem:$0x3FAF] =	sst s0  }
0x9: {  	[smem:$0x3FB0] =	sst s1  }
0xa: {  	[smem:$0x3FB1] =	sst s2  }
0xb: {  	[smem:$0x3FB2] =	sst s3  }
0xc: {  	[smem:$0x3FB3] =	sst s4  }
0xd: {  	[smem:$0x3FB4] =	sst s5  }
0xe: {  	[smem:$0x3FB5] =	sst s6  }
0xf: {  	[smem:$0x3FB6] =	sst s7  }
0x10: {  	[smem:$0x3FB7] =	sst s8  }
0x11: {  	[smem:$0x3FB8] =	sst s9;
	s0 =	simm.s32 @!p0 $0x0  }
0x12: {  	s1 =	sld [smem:$0x3F9E];
	s0 =	simm.s32 @p0 $0x1  }
0x13: {  	[smem:$0x3FB9] =	sst s0;
	s0 =	simm.s32 @!p1 $0x0  }
0x14: {  	s2 =	sld [smem:$0x3F9D];
	s0 =	simm.s32 @p1 $0x1  }
0x15: {  	[smem:$0x3FBA] =	sst s0;
	s0 =	simm.s32 @!p2 $0x0  }
0x16: {  	s3 =	sld [smem:$0x3FDB];
	s0 =	simm.s32 @p2 $0x1  }
0x17: {  	s4 =	simm.s32 $0x1BF5;
	[smem:$0x3FBC] =	sst s0  }
0x18: {  	s0 =	sld [smem:$0x3F9F];
	_ =	swait.ge [sflag:s4], $0x0  }
0x19: {  	s7 =	sld [smem:$0x3FA0]  }
0x1a: {  	s8 =	sadd.s32 $0xFFFFE003, lr  }
0x1b: {  	s9 =	sadd.s32 $0xFFFFFEF7, lr;
	s5 =	simm.s32 $0xFFFFFFFF;
	p2 =	slt.u32 s8, $0xFFFFF086  }
0x1c: {  	p1 =	slt.u32 s9, $0xF7A;
	s5 =	simm.s32 @!p2 $0x0  }
0x1d: {  	s5 =	simm.s32 @p1 $0x1;
	p0 =	seq.s32 s7, s2  }
0x1e: {  	s7 =	smul.u32 @!p0 $0xF7A, s2;
	p2 =	seq.s32 @!p0 s5, $0x0  }
0x1f: {  	s9 =	smul.u32 $0xF7A, s1;
	s8 =	simm.s32 @!p0 $0x1BF5;
	p2 =	por !p2, p0  }
0x20: {  	[sflag:s8] =	ssyncset.s32 @!p0 $0xFFFFF086;
	s6 =	sadd.s32 @!p0 s3, s7;
	s7 =	simm.s32 @!p0 $0x108  }
0x21: {  	s3 =	sadd.s32 s3, s9;
	s6 =	sadd.s32 @!p0 $0x88, s6;
	s7 =	simm.s32 @p2 $0x1082  }
0x22: {  	[simem:s7], [sflag:s8] =	dma.local @!p0 [hbm:s6], $0xF7A  }
0x23: {  	s9 =	sor.u32 $0xD0000000, s2;
	s6 =	simm.s32 $0x108;
	_ =	swait.ge @!p0 [sflag:s8], $0x0  }
0x24: {  	s3 =	sadd.s32 $0x88, s3;
	s6 =	simm.s32 @!p1 $0x1082;
	[sflag:s4] =	ssyncset.s32 $0xFFFFF086  }
0x25: {  	[simem:s6], [sflag:s4] =	dma.local [hbm:s3], $0xF7A  }
0x26: {  	[smem:$0x3FA0] =	sst s1;
	(tag) =	ssettag s2;
	_ =	strace s9  }
0x27: {  	s1 =	sld [smem:$0x3FB0]  }
0x28: {  	s2 =	sld [smem:$0x3FB1]  }
0x29: {  	s4 =	sld [smem:$0x3FB3]  }
0x2a: {  	p0 =	seq.s32 s5, $0x0;
	s5 =	sld [smem:$0x3FB4]  }
0x2b: {  	s6 =	sld [smem:$0x3FB5]  }
0x2c: {  	s7 =	sld [smem:$0x3FB6]  }
0x2d: {  	s3 =	simm.s32 $0x108;
	s8 =	sld [smem:$0x3FB7]  }
0x2e: {  	s3 =	simm.s32 @!p0 $0x1082;
	s9 =	sld [smem:$0x3FB8]  }
0x2f: {  	lr =	sadd.s32 s0, s3;
	s0 =	sld [smem:$0x3FAF]  }
0x30: {  	s3 =	sld [smem:$0x3FB2]  }
0x31: {  	[smem:$0x3FBB] =	sst s10  }
0x32: {  	s10 =	sld [smem:$0x3FB9];
	_ =	sdelay $0x3  }
0x33: {  	p0 =	seq.s32 s10, $0x1;
	s10 =	sld [smem:$0x3FBB];
	_ =	sdelay $0x3  }
0x34: {  	[smem:$0x3FBB] =	sst s10  }
0x35: {  	s10 =	sld [smem:$0x3FBA];
	_ =	sdelay $0x3  }
0x36: {  	p1 =	seq.s32 s10, $0x1;
	s10 =	sld [smem:$0x3FBB];
	_ =	sdelay $0x3  }
0x37: {  	[smem:$0x3FBB] =	sst s10  }
0x38: {  	s10 =	sld [smem:$0x3FBC]  }
0x39: {  	_ = 	snop;
	(pc) =	sbr.ind lr, $3  }
0x3a: {  	_ = 	snop  }
0x3b: {  	_ = 	snop  }
0x3c: {  	p2 =	seq.s32 s10, $0x1;
	s10 =	sld [smem:$0x3FBB]  }
0x3d: {  	_ =	shalt  }
0x3e: {  	_ =	shalt  }
0x3f: {  	_ =	shalt  }
0x40: {  	_ =	shalt  }
0x41: {  	_ =	shalt  }
0x42: {  	_ =	shalt  }
0x43: {  	_ =	shalt  }
0x44: {  	_ =	shalt  }
0x45: {  	_ =	shalt  }
0x46: {  	_ =	shalt  }
0x47: {  	_ =	shalt  }
0x48: {  	_ =	shalt  }
0x49: {  	_ =	shalt  }
0x4a: {  	_ =	shalt  }
0x4b: {  	_ =	shalt  }
0x4c: {  	_ =	shalt  }
0x4d: {  	_ =	shalt  }
0x4e: {  	_ =	shalt  }
0x4f: {  	_ =	shalt  }
0x50: {  	_ =	shalt  }
0x51: {  	_ =	shalt  }
0x52: {  	_ =	shalt  }
0x53: {  	_ =	shalt  }
0x54: {  	_ =	shalt  }
0x55: {  	_ =	shalt  }
0x56: {  	_ =	shalt  }
0x57: {  	_ =	shalt  }
0x58: {  	_ =	shalt  }
0x59: {  	_ =	shalt  }
0x5a: {  	_ =	shalt  }
0x5b: {  	_ =	shalt  }
0x5c: {  	_ =	shalt  }
0x5d: {  	_ =	shalt  }
0x5e: {  	_ =	shalt  }
0x5f: {  	_ =	shalt  }
0x60: {  	_ =	shalt  }
0x61: {  	_ =	shalt  }
0x62: {  	_ =	shalt  }
0x63: {  	_ =	shalt  }
0x64: {  	_ =	shalt  }
0x65: {  	_ =	shalt  }
0x66: {  	_ =	shalt  }
0x67: {  	_ =	shalt  }
0x68: {  	_ =	shalt  }
0x69: {  	_ =	shalt  }
0x6a: {  	_ =	shalt  }
0x6b: {  	_ =	shalt  }
0x6c: {  	_ =	shalt  }
0x6d: {  	_ =	shalt  }
0x6e: {  	_ =	shalt  }
0x6f: {  	_ =	shalt  }
0x70: {  	_ =	shalt  }
0x71: {  	_ =	shalt  }
0x72: {  	_ =	shalt  }
0x73: {  	_ =	shalt  }
0x74: {  	_ =	shalt  }
0x75: {  	_ =	shalt  }
0x76: {  	_ =	shalt  }
0x77: {  	_ =	shalt  }
0x78: {  	_ =	shalt  }
0x79: {  	_ =	shalt  }
0x7a: {  	_ =	shalt  }
0x7b: {  	_ =	shalt  }
0x7c: {  	_ =	shalt  }
0x7d: {  	_ =	shalt  }
0x7e: {  	_ =	shalt  }
0x7f: {  	_ =	shalt  }
0x80: {  	_ =	shalt  }
0x81: {  	_ =	shalt  }
0x82: {  	_ =	shalt  }
0x83: {  	_ =	shalt  }
0x84: {  	_ =	shalt  }
0x85: {  	_ =	shalt  }
0x86: {  	_ =	shalt  }
0x87: {  	_ =	shalt  }
.Lfunc_end0:
.L_simem_size_0:
called_computation_lowered:
.L_overlay_start_0:
0x88: {  	s2 =	sld [smem:$0x3FD9]  }
0x89: {  	s3 =	sld [smem:$0x3FFE];
	_ =	sdelay $0x1  }
0x8a: {  	s1 =	srdreg.scid  }
0x8b: {  	s0 =	sand.u32 $0x1, s1  }
0x8c: {  	s18 =	sshll.u32 s0, $0xA;
	s2 =	sadd.s32 s3, s2  }
0x8d: {  	s2 =	sadd.s32 s2, s18  }
0x8e: {  	[smem:$0x3FC7] =	sst s2  }
0x8f: {  	_ = 	snop  }
0x90: {  	s2 =	sld [smem:$0x3FC9]  }
0x91: {  	s19 =	sld [smem:$0x3FD0];
	(tm) =	ssettm $0x1  }
0x92: {  	s4 =	sld [smem:$0x3FFB];
	_ =	sdelay $0x3  }
0x93: {  	_ =	strace s4  }
0x94: {  	s4 =	sld [smem:$0x3FFC];
	_ =	sdelay $0x3  }
0x95: {  	_ =	strace s4  }
0x96: {  	s4 =	sld [smem:$0x3FFD];
	_ =	sdelay $0x3  }
0x97: {  	_ =	strace s4  }
0x98: {  	_ =	strace $0x8FFFFFFF  }
0x99: {  	s20 =	sld [smem:$0x3FDB];
	_ =	sdelay $0x1  }
0x9a: {  	s5 =	simm.s32 $_scs_section_size  }
0x9b: {  	s6 =	simm.s32 $_size__tile_overlayer_lowered;
	s7 =	simm.s32 $_tile_overlayer_lowered  }
0x9c: {  	s23 =	simm.s32 $0x1BFF;
	s22 =	sshll.u32 s7, $0x1;
	s4 =	sadd.s32 s5, s20  }
0x9d: {  	s8 =	simm.s32 $0x0;
	s21 =	sshll.u32 s6, $0x1;
	s6 =	sadd.s32 s22, s4  }
0x9e: {  	[timem:s8], [sflag:s23] =	dma.local [hbm:s6], s21  }
0x9f: {  	_ =	swait.ge [sflag:s23], s21  }
0xa0: {  	s5 =	ssub.s32 $0x0, s21;
	[sflag:s23] =	ssyncset.done $0x0  }
0xa1: {  	[sflag:s23] =	ssyncadd.s32 s5;
	_ =	sdelay $0x1  }
0xa2: {  	s24 =	simm.s32 $0x1B8B  }
0xa3: {  	_ =	swait.ge [sflag:s24], $0x1  }
0xa4: {  	[sflag:s24] =	ssyncset.done $0x0  }
0xa5: {  	s25 =	simm.s32 $0x1B8E;
	[sflag:s24] =	ssyncadd.s32 $0xFFFFFFFF  }
0xa6: {  	s26 =	simm.s32 $execute0_lowered;
	[smem:$0x3FD2] =	sst s25  }
0xa7: {  	s5 =	sshll.u32 s26, $0x1;
	_ =	strace $0x80000046;
	[dreg:$0x1] =	wrdreg $0xFFFFFFFF  }
0xa8: {  	s28 =	simm.s32 $_size_execute0_lowered;
	s4 =	sadd.s32 s4, s5;
	[dreg:$0x0] =	wrdreg $0x0  }
0xa9: {  	s5 =	sshll.u32 s28, $0x1;
	[dreg:$0x2] =	wrdreg s4  }
0xaa: {  	[dreg:$0x3] =	wrdreg s5  }
0xab: {  	[dreg:$0x4] =	wrdreg $0xC0  }
0xac: {  	_ =	task [dreg:s8], $0x5FFFF  }
0xad: {  	[dreg:$0x1] =	wrdreg $0xFFFFFFFF  }
0xae: {  	[dreg:$0x0] =	wrdreg $0x60  }
0xaf: {  	[dreg:$0x2] =	wrdreg s2  }
0xb0: {  	[dreg:$0x3] =	wrdreg s19  }
0xb1: {  	[dreg:$0x4] =	wrdreg $0x9  }
0xb2: {  	_ =	task.clear_ibuf [dreg:s8], $0x5FFFF;
	_ =	strace $0x90000046  }
0xb3: {  	s29 =	simm.s32 $0x9;
	_ =	strace $0x80000048  }
0xb4: {  	_ =	swait.ge [sflag:s29], $0x1  }
0xb5: {  	[sflag:s29] =	ssyncadd.s32 $0xFFFFFFFF  }
0xb6: {  	_ =	strace $0x90000048  }
0xb7: {  	_ =	sfence  }
0xb8: {  	s30 =	sld [smem:$0x0];
	_ =	sdelay $0x2  }
0xb9: {  	s31 =	sshll.u32 s1, $0xD;
	s1 =	sshrl.u32 s1, $0x2  }
0xba: {  	s3 =	sand.u32 $0x4000, s31;
	s1 =	sadd.s32 s1, s30  }
0xbb: {  	s0 =	sor.u32 s3, s0;
	s1 =	sshll.u32 s1, $0x11  }
0xbc: {  	s0 =	sor.u32 s1, s0  }
0xbd: {  	s0 =	sadd.s32 $0x8F2B, s0  }
0xbe: {  	[sflag:s0] =	ssyncadd.remote.s32 $0x1  }
0xbf: {  	_ =	sfence.sel $0xFFFF  }
0xc0: {  	[dreg:$0x0] =	wrdreg $0xFFFFFFFF;
	(pc) =	sbr.abs _section_cstart, $3  }
0xc1: {  	[dreg:$0x1] =	wrdreg $0xFFFFFFFF  }
0xc2: {  	_ =	task.clear_ibuf [dreg:s8], $0x2FFFF;
	_ =	strace $0x9FFFFFFF  }
0xc3: {  	(tm) =	ssettm $0x7FFFFFFF  }
tec
execute0_lowered:
.L_overlay_start_1:
0x0: {  	(tag) =	ssettag $0x1  }
0x1: {  	s0 =	srdreg.scid  }
0x2: {  	s1 =	rddreg [dreg:$0x0];
	s2 =	stileid.u32  }
0x3: {  	s5 =	rddreg [dreg:$0x1];
	s4 =	simm.s32 $0x0;
	s0 =	sand.u32 $0x1, s0  }
0x4: {  	v0 =	vlaneseq.u32;
	s19 =	simm.s32 $0x1;
	s2 =	sshll.u32 s2, $0xA;
	s3 =	sshll.u32 s0, $0x9  }
0x5: {  	s20 =	simm.s32 $0x10000;
	v1 =	vand.u32 $0x3, v0;
	v0 =	vshrl.u32 v0, $0x2;
	[smem:$0x7FF] =	sst s4;
	s6 =	sor.u32 s3, s2  }
0x6: {  	v1 =	vmul.u32 $0x80, v1;
	v2 =	vor.u32 $0x4, v0;
	_ =	strace $0x80000047;
	s28 =	sor.u32 $0x80, s6;
	[dreg:$0x3] =	wrdreg s6  }
0x7: {  	s21 =	simm.s32 $0x2;
	v3 =	vor.u32 $0x8, v0;
	v4 =	vor.u32 $0xC, v0;
	v5 =	vor.u32 $0x10, v0;
	s29 =	sor.u32 $0xA0, s6;
	[dreg:$0x9] =	wrdreg s28  }
0x8: {  	s0 =	ssub.s32 $0x2, s0;
	v6 =	vor.u32 $0x14, v0;
	v7 =	vor.u32 $0x18, v0;
	v8 =	vor.u32 $0x1C, v0;
	s30 =	sor.u32 $0xC0, s6;
	[dreg:$0xa] =	wrdreg s29  }
0x9: {  	v9 =	vor.u32 $0x20, v0;
	v10 =	vor.u32 $0x24, v0;
	v11 =	vor.u32 $0x28, v0;
	s2 =	sshll.u32 s6, $0x6;
	s31 =	sor.u32 $0xE0, s6;
	[dreg:$0xb] =	wrdreg s30  }
0xa: {  	v12 =	vor.u32 $0x2C, v0;
	v13 =	vor.u32 $0x30, v0;
	v14 =	vor.u32 $0x34, v0;
	s23 =	sshrl.u32 s0, $0x1;
	s7 =	sadd.s32 s1, s2;
	[dreg:$0xc] =	wrdreg s31  }
0xb: {  	v15 =	vor.u32 $0x38, v0;
	v16 =	vor.u32 $0x3C, v0;
	v17 =	vor.u32 $0x40, v0;
	s0 =	ssub.s32 s0, s23;
	s2 =	sadd.s32 s5, s2;
	[dreg:$0x4] =	wrdreg s7  }
.Ltmp0:
0xc: {  	v18 =	vor.u32 $0x44, v0;
	v19 =	vor.u32 $0x48, v0;
	v20 =	vor.u32 $0x4C, v0;
	s0 =	smax.u32 s0, $0x1;
	[dreg:$0x8] =	wrdreg s2;
	(pc) =	sbr.rel .LBB2_1-.Ltmp0, $4  }
0xd: {  	s22 =	simm.s32 $0x6;
	v21 =	vor.u32 $0x50, v0;
	v22 =	vor.u32 $0x54, v0;
	v23 =	vor.u32 $0x58, v0;
	s24 =	sadd.s32 $0x800, s7;
	[dreg:$0xd] =	wrdreg s0  }
0xe: {  	v24 =	vor.u32 $0x5C, v0;
	v25 =	vor.u32 $0x60, v0;
	v26 =	vor.u32 $0x64, v0;
	s23 =	simm.s32 $0x14000;
	s25 =	sadd.s32 $0x1000, s7;
	[dreg:$0x5] =	wrdreg s24  }
0xf: {  	v27 =	vor.u32 $0x68, v0;
	v28 =	vor.u32 $0x6C, v0;
	v29 =	vor.u32 $0x70, v0;
	s26 =	sadd.s32 $0x1800, s7;
	s2 =	simm.s32 $0x0;
	[dreg:$0x6] =	wrdreg s25  }
0x10: {  	v30 =	vor.u32 $0x74, v0;
	v31 =	vor.u32 $0x78, v0;
	v32 =	vor.u32 $0x7C, v0;
	[dreg:$0x7] =	wrdreg s26;
	s24 =	simm.s32 $0x3;
	s25 =	simm.s32 $0x5  }
.LBB2_16:
0x11: {  	_ =	swait.ge [sflag:s25], $0x4000  }
0x12: {  	[sflag:s25] =	ssyncset.done $0x0  }
0x13: {  	[sflag:s25] =	ssyncadd.s32 $0xFFFFC000  }
0x14: {  	_ =	swait.ge [sflag:s22], $0x4000  }
0x15: {  	s2 =	rddreg [dreg:$0xe]  }
0x16: {  	s0 =	rddreg [dreg:$0xd];
	s2 =	sadd.s32 $0x1, s2  }
0x17: {  	p0 =	sne.s32 s2, s0  }
.Ltmp1:
0x18: {  	_ = 	snop;
	(pc) =	sbr.rel @!p0 .LBB2_17-.Ltmp1, $3  }
0x19: {  	_ =	sdelay $0x1  }
0x1a: {  	[sflag:s22] =	ssyncset.done $0x0  }
0x1b: {  	[sflag:s22] =	ssyncadd.s32 $0xFFFFC000  }
.LBB2_1:
0x1c: {  	[dreg:$0xe] =	wrdreg s2  }
0x1d: {  	s0 =	rddreg [dreg:$0x4]  }
0x1e: {  	[tilespmem:s4], [sflag:$0x1] =	stream.linear.gather [hbm4b:s0+s4], $0x4000, $0x38;
	[tilespmem:$0x18000] =	vst v63  }
0x1f: {  	s17 =	rddreg [dreg:$0x5];
	s18 =	simm.s32 $0x4000  }
0x20: {  	[tilespmem:s18], [sflag:$0x2] =	stream.linear.gather [hbm4b:s17+s4], $0x4000, $0x38;
	[tilespmem:$0x18000] =	vst v63  }
0x21: {  	s26 =	rddreg [dreg:$0x6];
	s29 =	simm.s32 $0x8000  }
0x22: {  	[tilespmem:s29], [sflag:$0x3] =	stream.linear.gather [hbm4b:s26+s4], $0x4000, $0x38;
	[tilespmem:$0x18000] =	vst v63  }
0x23: {  	s30 =	rddreg [dreg:$0x7];
	s31 =	simm.s32 $0xC000;
	s28 =	simm.s32 $0x0  }
0x24: {  	[tilespmem:s31], [sflag:$0x4] =	stream.linear.gather [hbm4b:s30+s4], $0x4000, $0x38;
	[tilespmem:$0x18000] =	vst v63  }
.LBB2_2:
0x25: {  	_ =	swait.ge [sflag:s19], $0x4000  }
0x26: {  	p0 =	seq.s32 s28, $0x0;
	[sflag:s19] =	ssyncset.done $0x0  }
0x27: {  	s2 =	simm.s32 $0x4;
	s0 =	simm.s32 @!p0 $0x5;
	[sflag:s19] =	ssyncadd.s32 $0xFFFFC000  }
0x28: {  	s5 =	simm.s32 $0x80;
	s3 =	simm.s32 $0x0;
	v33 =	vmov s2;
	_ =	swait.ge @!p0 [sflag:s0], $0x4000  }
0x29: {  	s17 =	sand.u32 $0x3000, s3;
	s5 =	sand.u32 $0x380, s5;
	v33 =	vshll.u32 v33, $0x7;
	[sflag:s0] =	ssyncset.done @!p0 $0x0  }
0x2a: {  	s5 =	sor.u32 s5, s17;
	v42 =	vor.u32 v1, v33;
	[sflag:s0] =	ssyncadd.s32 @!p0 $0xFFFFC000  }
0x2b: {  	v33 =	vor.u32 v0, v42;
	v34 =	vld [tilespmem:s5+$0x0];
	_ =	sdelay $0x4  }
0x2c: {  	[tilespmem:v33+s20+$0x0] =	vst.idx.msk $0xffff, v34  }
0x2d: {  	v56 =	vor.u32 v2, v42;
	v34 =	vld [tilespmem:s5+$0x10];
	_ =	sdelay $0x4  }
0x2e: {  	[tilespmem:v56+s20+$0x0] =	vst.idx.msk $0xffff, v34  }
0x2f: {  	v57 =	vor.u32 v3, v42;
	v34 =	vld [tilespmem:s5+$0x20];
	_ =	sdelay $0x4  }
0x30: {  	[tilespmem:v57+s20+$0x0] =	vst.idx.msk $0xffff, v34  }
0x31: {  	v58 =	vor.u32 v4, v42;
	v34 =	vld [tilespmem:s5+$0x30];
	_ =	sdelay $0x4  }
0x32: {  	[tilespmem:v58+s20+$0x0] =	vst.idx.msk $0xffff, v34  }
0x33: {  	v59 =	vor.u32 v5, v42;
	v34 =	vld [tilespmem:s5+$0x40];
	_ =	sdelay $0x4  }
0x34: {  	[tilespmem:v59+s20+$0x0] =	vst.idx.msk $0xffff, v34  }
0x35: {  	v60 =	vor.u32 v6, v42;
	v33 =	vld [tilespmem:s5+$0x50];
	_ =	sdelay $0x4  }
0x36: {  	[tilespmem:v60+s20+$0x0] =	vst.idx.msk $0xffff, v33  }
0x37: {  	v61 =	vor.u32 v7, v42;
	v33 =	vld [tilespmem:s5+$0x60];
	_ =	sdelay $0x4  }
0x38: {  	[tilespmem:v61+s20+$0x0] =	vst.idx.msk $0xffff, v33  }
0x39: {  	v62 =	vor.u32 v8, v42;
	v33 =	vld [tilespmem:s5+$0x70];
	_ =	sdelay $0x4  }
0x3a: {  	[tilespmem:v62+s20+$0x0] =	vst.idx.msk $0xffff, v33  }
0x3b: {  	s18 =	simm.s32 $0x0;
	v63 =	vor.u32 v9, v42;
	v33 =	vld [tilespmem:s5+$0x400]  }
0x3c: {  	s6 =	simm.s32 $0x0;
	v35 =	vmov s18  }
0x3d: {  	s26 =	sand.u32 $0x300, s6;
	v35 =	vshll.u32 v35, $0x7  }
0x3e: {  	s11 =	sor.u32 s26, s17;
	v43 =	vor.u32 v1, v35  }
0x3f: {  	v36 =	vor.u32 v0, v43;
	v41 =	vld [tilespmem:s11+$0x0]  }
0x40: {  	[tilespmem:v63+s20+$0x0] =	vst.idx.msk $0xffff, v33  }
0x41: {  	v44 =	vor.u32 v10, v42;
	v33 =	vld [tilespmem:s5+$0x410];
	_ =	sdelay $0x2  }
0x42: {  	[tilespmem:v36+s20+$0x0] =	vst.idx.msk $0xffff, v41  }
0x43: {  	s6 =	simm.s32 $0xC;
	v45 =	vor.u32 v2, v43;
	v35 =	vld [tilespmem:s11+$0x10]  }
0x44: {  	s7 =	simm.s32 $0x180;
	s30 =	simm.s32 $0x400;
	v37 =	vmov s6;
	[tilespmem:v44+s20+$0x0] =	vst.idx.msk $0xffff, v33  }
0x45: {  	s8 =	sand.u32 $0x3000, s30;
	s2 =	sand.u32 $0x380, s7;
	v46 =	vshll.u32 v37, $0x7;
	v47 =	vor.u32 v11, v42;
	v34 =	vld [tilespmem:s5+$0x420]  }
0x46: {  	s6 =	sor.u32 s2, s8;
	v33 =	vor.u32 v1, v46  }
0x47: {  	v39 =	vld [tilespmem:s6+$0x0];
	v38 =	vor.u32 v0, v33  }
0x48: {  	[tilespmem:v45+s20+$0x0] =	vst.idx.msk $0xffff, v35  }
0x49: {  	v48 =	vor.u32 v3, v43;
	v35 =	vld [tilespmem:s11+$0x20]  }
0x4a: {  	[tilespmem:v47+s20+$0x0] =	vst.idx.msk $0xffff, v34  }
0x4b: {  	v49 =	vor.u32 v12, v42;
	v34 =	vld [tilespmem:s5+$0x430]  }
0x4c: {  	[tilespmem:v38+s20+$0x0] =	vst.idx.msk $0xffff, v39  }
0x4d: {  	v50 =	vor.u32 v2, v33;
	v39 =	vld [tilespmem:s6+$0x10]  }
0x4e: {  	[tilespmem:v48+s20+$0x0] =	vst.idx.msk $0xffff, v35  }
0x4f: {  	v51 =	vor.u32 v4, v43;
	v35 =	vld [tilespmem:s11+$0x30]  }
0x50: {  	[tilespmem:v49+s20+$0x0] =	vst.idx.msk $0xffff, v34  }
0x51: {  	v52 =	vor.u32 v13, v42;
	v34 =	vld [tilespmem:s5+$0x440]  }
0x52: {  	[tilespmem:v50+s20+$0x0] =	vst.idx.msk $0xffff, v39  }
0x53: {  	v53 =	vor.u32 v3, v33;
	v39 =	vld [tilespmem:s6+$0x20]  }
0x54: {  	[tilespmem:v51+s20+$0x0] =	vst.idx.msk $0xffff, v35  }
0x55: {  	v54 =	vor.u32 v5, v43;
	v35 =	vld [tilespmem:s11+$0x40]  }
0x56: {  	[tilespmem:v52+s20+$0x0] =	vst.idx.msk $0xffff, v34  }
0x57: {  	v55 =	vor.u32 v14, v42;
	v34 =	vld [tilespmem:s5+$0x450]  }
0x58: {  	[tilespmem:v53+s20+$0x0] =	vst.idx.msk $0xffff, v39  }
0x59: {  	v56 =	vor.u32 v4, v33;
	v39 =	vld [tilespmem:s6+$0x30]  }
0x5a: {  	[tilespmem:v54+s20+$0x0] =	vst.idx.msk $0xffff, v35  }
0x5b: {  	v57 =	vor.u32 v6, v43;
	v35 =	vld [tilespmem:s11+$0x50]  }
0x5c: {  	[tilespmem:v55+s20+$0x0] =	vst.idx.msk $0xffff, v34  }
0x5d: {  	v58 =	vor.u32 v15, v42;
	v34 =	vld [tilespmem:s5+$0x460]  }
0x5e: {  	[tilespmem:v56+s20+$0x0] =	vst.idx.msk $0xffff, v39  }
0x5f: {  	v59 =	vor.u32 v5, v33;
	v39 =	vld [tilespmem:s6+$0x40]  }
0x60: {  	[tilespmem:v57+s20+$0x0] =	vst.idx.msk $0xffff, v35  }
0x61: {  	v60 =	vor.u32 v7, v43;
	v35 =	vld [tilespmem:s11+$0x60]  }
0x62: {  	[tilespmem:v58+s20+$0x0] =	vst.idx.msk $0xffff, v34  }
0x63: {  	v61 =	vor.u32 v16, v42;
	v34 =	vld [tilespmem:s5+$0x470]  }
0x64: {  	[tilespmem:v59+s20+$0x0] =	vst.idx.msk $0xffff, v39  }
0x65: {  	v62 =	vor.u32 v6, v33;
	v38 =	vld [tilespmem:s6+$0x50]  }
0x66: {  	[tilespmem:v60+s20+$0x0] =	vst.idx.msk $0xffff, v35  }
0x67: {  	v35 =	vld [tilespmem:s11+$0x70];
	v63 =	vor.u32 v8, v43  }
0x68: {  	[tilespmem:v61+s20+$0x0] =	vst.idx.msk $0xffff, v34  }
0x69: {  	v44 =	vor.u32 v17, v42;
	v34 =	vld [tilespmem:s5+$0x800]  }
0x6a: {  	[tilespmem:v62+s20+$0x0] =	vst.idx.msk $0xffff, v38  }
0x6b: {  	v45 =	vor.u32 v7, v33;
	v38 =	vld [tilespmem:s6+$0x60]  }
0x6c: {  	[tilespmem:v63+s20+$0x0] =	vst.idx.msk $0xffff, v35  }
0x6d: {  	v35 =	vld [tilespmem:s11+$0x400];
	v46 =	vor.u32 v9, v43  }
0x6e: {  	[tilespmem:v44+s20+$0x0] =	vst.idx.msk $0xffff, v34  }
0x6f: {  	v47 =	vor.u32 v18, v42;
	v34 =	vld [tilespmem:s5+$0x810]  }
0x70: {  	[tilespmem:v45+s20+$0x0] =	vst.idx.msk $0xffff, v38  }
0x71: {  	v48 =	vor.u32 v8, v33;
	v38 =	vld [tilespmem:s6+$0x70]  }
0x72: {  	[tilespmem:v46+s20+$0x0] =	vst.idx.msk $0xffff, v35  }
0x73: {  	v35 =	vld [tilespmem:s11+$0x410];
	v49 =	vor.u32 v10, v43  }
0x74: {  	[tilespmem:v47+s20+$0x0] =	vst.idx.msk $0xffff, v34  }
0x75: {  	v50 =	vor.u32 v19, v42;
	v34 =	vld [tilespmem:s5+$0x820]  }
0x76: {  	[tilespmem:v48+s20+$0x0] =	vst.idx.msk $0xffff, v38  }
0x77: {  	v51 =	vor.u32 v9, v33;
	v38 =	vld [tilespmem:s6+$0x400]  }
0x78: {  	[tilespmem:v49+s20+$0x0] =	vst.idx.msk $0xffff, v35  }
0x79: {  	v35 =	vld [tilespmem:s11+$0x420];
	v52 =	vor.u32 v11, v43  }
0x7a: {  	s9 =	simm.s32 $0x8;
	[tilespmem:v50+s20+$0x0] =	vst.idx.msk $0xffff, v34  }
0x7b: {  	s7 =	simm.s32 $0x100;
	v40 =	vor.u32 v20, v42;
	v53 =	vmov s9;
	v37 =	vld [tilespmem:s5+$0x830]  }
0x7c: {  	s12 =	simm.s32 $0x10;
	s10 =	sand.u32 $0x300, s7;
	v34 =	vshll.u32 v53, $0x7;
	[tilespmem:v51+s20+$0x0] =	vst.idx.msk $0xffff, v38  }
0x7d: {  	s13 =	simm.s32 $0x200;
	s2 =	simm.s32 $0x800;
	s0 =	sor.u32 s10, s8;
	v54 =	vor.u32 v10, v33;
	v55 =	vmov s12;
	v34 =	vor.u32 v1, v34;
	v38 =	vld [tilespmem:s6+$0x410]  }
0x7e: {  	s7 =	sand.u32 $0x300, s13;
	s8 =	sand.u32 $0x3000, s2;
	v41 =	vld [tilespmem:s0+$0x0];
	s9 =	simm.s32 $0x14;
	[tilespmem:v52+s20+$0x0] =	vst.idx.msk $0xffff, v35;
	v35 =	vshll.u32 v55, $0x7;
	v44 =	vor.u32 v0, v34  }
0x7f: {  	s14 =	simm.s32 $0x280;
	s16 =	sor.u32 s7, s8;
	v57 =	vor.u32 v12, v43;
	v56 =	vld [tilespmem:s11+$0x430];
	v35 =	vor.u32 v1, v35;
	v58 =	vmov s9  }
0x80: {  	s7 =	sand.u32 $0x380, s14;
	v60 =	vor.u32 v0, v35;
	v59 =	vld [tilespmem:s16+$0x0];
	v36 =	vshll.u32 v58, $0x7;
	[tilespmem:v40+s20+$0x0] =	vst.idx.msk $0xffff, v37  }
0x81: {  	s17 =	sor.u32 s7, s8;
	v46 =	vor.u32 v21, v42;
	v36 =	vor.u32 v1, v36;
	v45 =	vld [tilespmem:s5+$0x840]  }
0x82: {  	v49 =	vor.u32 v0, v36;
	v50 =	vld [tilespmem:s17+$0x0];
	[tilespmem:v54+s20+$0x0] =	vst.idx.msk $0xffff, v38  }
0x83: {  	v62 =	vor.u32 v11, v33;
	[tilespmem:v44+s20+$0x0] =	vst.idx.msk $0xffff, v41;
	v61 =	vld [tilespmem:s6+$0x420]  }
0x84: {  	[tilespmem:v57+s20+$0x0] =	vst.idx.msk $0xffff, v56;
	v48 =	vor.u32 v2, v34;
	v47 =	vld [tilespmem:s0+$0x10]  }
0x85: {  	v63 =	vor.u32 v13, v43;
	[tilespmem:v60+s20+$0x0] =	vst.idx.msk $0xffff, v59;
	v37 =	vld [tilespmem:s11+$0x440]  }
0x86: {  	v53 =	vor.u32 v2, v35;
	v38 =	vld [tilespmem:s16+$0x10];
	[tilespmem:v46+s20+$0x0] =	vst.idx.msk $0xffff, v45  }
0x87: {  	v52 =	vor.u32 v22, v42;
	[tilespmem:v49+s20+$0x0] =	vst.idx.msk $0xffff, v50;
	v45 =	vld [tilespmem:s5+$0x850]  }
0x88: {  	v56 =	vor.u32 v2, v36;
	v50 =	vld [tilespmem:s17+$0x10];
	[tilespmem:v62+s20+$0x0] =	vst.idx.msk $0xffff, v61  }
0x89: {  	v54 =	vor.u32 v12, v33;
	[tilespmem:v48+s20+$0x0] =	vst.idx.msk $0xffff, v47;
	v41 =	vld [tilespmem:s6+$0x430]  }
0x8a: {  	v55 =	vor.u32 v3, v34;
	[tilespmem:v63+s20+$0x0] =	vst.idx.msk $0xffff, v37;
	v47 =	vld [tilespmem:s0+$0x20]  }
0x8b: {  	v57 =	vor.u32 v14, v43;
	[tilespmem:v53+s20+$0x0] =	vst.idx.msk $0xffff, v38;
	v37 =	vld [tilespmem:s11+$0x450]  }
0x8c: {  	v59 =	vor.u32 v3, v35;
	v38 =	vld [tilespmem:s16+$0x20];
	[tilespmem:v52+s20+$0x0] =	vst.idx.msk $0xffff, v45  }
0x8d: {  	v58 =	vor.u32 v23, v42;
	[tilespmem:v56+s20+$0x0] =	vst.idx.msk $0xffff, v50;
	v45 =	vld [tilespmem:s5+$0x860]  }
0x8e: {  	v62 =	vor.u32 v3, v36;
	v50 =	vld [tilespmem:s17+$0x20];
	[tilespmem:v54+s20+$0x0] =	vst.idx.msk $0xffff, v41  }
0x8f: {  	v60 =	vor.u32 v13, v33;
	[tilespmem:v55+s20+$0x0] =	vst.idx.msk $0xffff, v47;
	v41 =	vld [tilespmem:s6+$0x440]  }
0x90: {  	v61 =	vor.u32 v4, v34;
	[tilespmem:v57+s20+$0x0] =	vst.idx.msk $0xffff, v37;
	v47 =	vld [tilespmem:s0+$0x30]  }
0x91: {  	v63 =	vor.u32 v15, v43;
	[tilespmem:v59+s20+$0x0] =	vst.idx.msk $0xffff, v38;
	v37 =	vld [tilespmem:s11+$0x460]  }
0x92: {  	v53 =	vor.u32 v4, v35;
	v38 =	vld [tilespmem:s16+$0x30];
	[tilespmem:v58+s20+$0x0] =	vst.idx.msk $0xffff, v45  }
0x93: {  	[tilespmem:v62+s20+$0x0] =	vst.idx.msk $0xffff, v50;
	v52 =	vor.u32 v24, v42;
	v45 =	vld [tilespmem:s5+$0x870]  }
0x94: {  	v56 =	vor.u32 v4, v36;
	v50 =	vld [tilespmem:s17+$0x30];
	[tilespmem:v60+s20+$0x0] =	vst.idx.msk $0xffff, v41  }
0x95: {  	s15 =	sand.u32 $0x7, s3;
	v54 =	vor.u32 v14, v33;
	[tilespmem:v61+s20+$0x0] =	vst.idx.msk $0xffff, v47;
	v41 =	vld [tilespmem:s6+$0x450]  }
0x96: {  	v55 =	vor.u32 v5, v34;
	[tilespmem:v63+s20+$0x0] =	vst.idx.msk $0xffff, v37;
	s5 =	sshll.u32 s15, $0x7;
	v47 =	vld [tilespmem:s0+$0x40]  }
0x97: {  	v57 =	vor.u32 v16, v43;
	[tilespmem:v53+s20+$0x0] =	vst.idx.msk $0xffff, v38;
	v37 =	vld [tilespmem:s11+$0x470];
	s15 =	sadd.s32 $0x80, s5  }
0x98: {  	v59 =	vor.u32 v5, v35;
	v38 =	vld [tilespmem:s16+$0x40];
	s5 =	sor.u32 $0xC00, s15;
	[tilespmem:v52+s20+$0x0] =	vst.idx.msk $0xffff, v45  }
0x99: {  	[tilespmem:v56+s20+$0x0] =	vst.idx.msk $0xffff, v50;
	v58 =	vor.u32 v25, v42;
	v45 =	vld [tilespmem:s5+$0x0]  }
0x9a: {  	v62 =	vor.u32 v5, v36;
	v50 =	vld [tilespmem:s17+$0x40];
	[tilespmem:v54+s20+$0x0] =	vst.idx.msk $0xffff, v41  }
0x9b: {  	v60 =	vor.u32 v15, v33;
	[tilespmem:v55+s20+$0x0] =	vst.idx.msk $0xffff, v47;
	v41 =	vld [tilespmem:s6+$0x460]  }
0x9c: {  	v61 =	vor.u32 v6, v34;
	[tilespmem:v57+s20+$0x0] =	vst.idx.msk $0xffff, v37;
	v47 =	vld [tilespmem:s0+$0x50]  }
0x9d: {  	v63 =	vor.u32 v17, v43;
	[tilespmem:v59+s20+$0x0] =	vst.idx.msk $0xffff, v38;
	v37 =	vld [tilespmem:s11+$0x800]  }
0x9e: {  	v53 =	vor.u32 v6, v35;
	s18 =	sor.u32 $0xC10, s15;
	v38 =	vld [tilespmem:s16+$0x50];
	[tilespmem:v58+s20+$0x0] =	vst.idx.msk $0xffff, v45  }
0x9f: {  	[tilespmem:v62+s20+$0x0] =	vst.idx.msk $0xffff, v50;
	v52 =	vor.u32 v26, v42;
	v45 =	vld [tilespmem:s18+$0x0]  }
0xa0: {  	v56 =	vor.u32 v6, v36;
	v49 =	vld [tilespmem:s17+$0x50];
	[tilespmem:v60+s20+$0x0] =	vst.idx.msk $0xffff, v41  }
0xa1: {  	v54 =	vor.u32 v16, v33;
	[tilespmem:v61+s20+$0x0] =	vst.idx.msk $0xffff, v47;
	v41 =	vld [tilespmem:s6+$0x470]  }
0xa2: {  	v55 =	vor.u32 v7, v34;
	[tilespmem:v63+s20+$0x0] =	vst.idx.msk $0xffff, v37;
	v47 =	vld [tilespmem:s0+$0x60]  }
0xa3: {  	v57 =	vor.u32 v18, v43;
	[tilespmem:v53+s20+$0x0] =	vst.idx.msk $0xffff, v38;
	v37 =	vld [tilespmem:s11+$0x810]  }
0xa4: {  	s26 =	sor.u32 $0xC20, s15;
	v59 =	vor.u32 v7, v35;
	v38 =	vld [tilespmem:s16+$0x60];
	[tilespmem:v52+s20+$0x0] =	vst.idx.msk $0xffff, v45  }
0xa5: {  	[tilespmem:v56+s20+$0x0] =	vst.idx.msk $0xffff, v49;
	v58 =	vor.u32 v27, v42;
	v45 =	vld [tilespmem:s26+$0x0]  }
0xa6: {  	v62 =	vor.u32 v7, v36;
	v49 =	vld [tilespmem:s17+$0x60];
	[tilespmem:v54+s20+$0x0] =	vst.idx.msk $0xffff, v41  }
0xa7: {  	v60 =	vor.u32 v17, v33;
	[tilespmem:v55+s20+$0x0] =	vst.idx.msk $0xffff, v47;
	v41 =	vld [tilespmem:s6+$0x800]  }
0xa8: {  	v61 =	vor.u32 v8, v34;
	[tilespmem:v57+s20+$0x0] =	vst.idx.msk $0xffff, v37;
	v47 =	vld [tilespmem:s0+$0x70]  }
0xa9: {  	v63 =	vor.u32 v19, v43;
	[tilespmem:v59+s20+$0x0] =	vst.idx.msk $0xffff, v38;
	v37 =	vld [tilespmem:s11+$0x820]  }
0xaa: {  	s7 =	sor.u32 $0xC30, s15;
	v53 =	vor.u32 v8, v35;
	v38 =	vld [tilespmem:s16+$0x70];
	[tilespmem:v58+s20+$0x0] =	vst.idx.msk $0xffff, v45  }
0xab: {  	[tilespmem:v62+s20+$0x0] =	vst.idx.msk $0xffff, v49;
	v52 =	vor.u32 v28, v42;
	v45 =	vld [tilespmem:s7+$0x0]  }
0xac: {  	v56 =	vor.u32 v8, v36;
	v49 =	vld [tilespmem:s17+$0x70];
	[tilespmem:v60+s20+$0x0] =	vst.idx.msk $0xffff, v41  }
0xad: {  	v54 =	vor.u32 v18, v33;
	[tilespmem:v61+s20+$0x0] =	vst.idx.msk $0xffff, v47;
	v41 =	vld [tilespmem:s6+$0x810]  }
0xae: {  	v55 =	vor.u32 v9, v34;
	[tilespmem:v63+s20+$0x0] =	vst.idx.msk $0xffff, v37;
	v47 =	vld [tilespmem:s0+$0x400]  }
0xaf: {  	v57 =	vor.u32 v20, v43;
	[tilespmem:v53+s20+$0x0] =	vst.idx.msk $0xffff, v38;
	v37 =	vld [tilespmem:s11+$0x830]  }
0xb0: {  	s8 =	sor.u32 $0xC40, s15;
	v59 =	vor.u32 v9, v35;
	v38 =	vld [tilespmem:s16+$0x400];
	[tilespmem:v52+s20+$0x0] =	vst.idx.msk $0xffff, v45  }
0xb1: {  	[tilespmem:v56+s20+$0x0] =	vst.idx.msk $0xffff, v49;
	v58 =	vor.u32 v29, v42;
	v45 =	vld [tilespmem:s8+$0x0]  }
0xb2: {  	v62 =	vor.u32 v9, v36;
	v49 =	vld [tilespmem:s17+$0x400];
	[tilespmem:v54+s20+$0x0] =	vst.idx.msk $0xffff, v41  }
0xb3: {  	v60 =	vor.u32 v19, v33;
	[tilespmem:v55+s20+$0x0] =	vst.idx.msk $0xffff, v47;
	v41 =	vld [tilespmem:s6+$0x820]  }
0xb4: {  	v61 =	vor.u32 v10, v34;
	[tilespmem:v57+s20+$0x0] =	vst.idx.msk $0xffff, v37;
	v47 =	vld [tilespmem:s0+$0x410]  }
0xb5: {  	v63 =	vor.u32 v21, v43;
	[tilespmem:v59+s20+$0x0] =	vst.idx.msk $0xffff, v38;
	v37 =	vld [tilespmem:s11+$0x840]  }
0xb6: {  	s9 =	sor.u32 $0xC50, s15;
	v53 =	vor.u32 v10, v35;
	v38 =	vld [tilespmem:s16+$0x410];
	[tilespmem:v58+s20+$0x0] =	vst.idx.msk $0xffff, v45  }
0xb7: {  	[tilespmem:v62+s20+$0x0] =	vst.idx.msk $0xffff, v49;
	v52 =	vor.u32 v30, v42;
	v45 =	vld [tilespmem:s9+$0x0]  }
0xb8: {  	v56 =	vor.u32 v10, v36;
	v49 =	vld [tilespmem:s17+$0x410];
	[tilespmem:v60+s20+$0x0] =	vst.idx.msk $0xffff, v41  }
0xb9: {  	v54 =	vor.u32 v20, v33;
	[tilespmem:v61+s20+$0x0] =	vst.idx.msk $0xffff, v47;
	v41 =	vld [tilespmem:s6+$0x830]  }
0xba: {  	s12 =	simm.s32 $0x18;
	v55 =	vor.u32 v11, v34;
	[tilespmem:v63+s20+$0x0] =	vst.idx.msk $0xffff, v37;
	v47 =	vld [tilespmem:s0+$0x420]  }
0xbb: {  	s13 =	simm.s32 $0x300;
	v57 =	vor.u32 v22, v43;
	[tilespmem:v53+s20+$0x0] =	vst.idx.msk $0xffff, v38;
	v40 =	vld [tilespmem:s11+$0x850];
	v60 =	vmov s12;
	s9 =	simm.s32 $0xC00  }
0xbc: {  	v51 =	vor.u32 v11, v35;
	s10 =	sor.u32 $0xC60, s15;
	s5 =	sand.u32 $0x300, s13;
	v39 =	vld [tilespmem:s16+$0x420];
	v37 =	vshll.u32 v60, $0x7;
	s14 =	sand.u32 $0x3000, s9;
	[tilespmem:v52+s20+$0x0] =	vst.idx.msk $0xffff, v45  }
0xbd: {  	[tilespmem:v56+s20+$0x0] =	vst.idx.msk $0xffff, v49;
	v58 =	vor.u32 v31, v42;
	v37 =	vor.u32 v1, v37;
	s7 =	sor.u32 s5, s14;
	v59 =	vld [tilespmem:s10+$0x0]  }
0xbe: {  	v63 =	vld [tilespmem:s7+$0x0];
	[tilespmem:v54+s20+$0x0] =	vst.idx.msk $0xffff, v41;
	v52 =	vor.u32 v0, v37  }
0xbf: {  	v44 =	vor.u32 v21, v33;
	[tilespmem:v55+s20+$0x0] =	vst.idx.msk $0xffff, v47;
	v41 =	vld [tilespmem:s6+$0x840];
	s10 =	simm.s32 $0x1C  }
0xc0: {  	s18 =	simm.s32 $0x380;
	v61 =	vor.u32 v12, v34;
	[tilespmem:v57+s20+$0x0] =	vst.idx.msk $0xffff, v40;
	v47 =	vld [tilespmem:s0+$0x430];
	v62 =	vmov s10  }
0xc1: {  	v56 =	vor.u32 v23, v43;
	s5 =	sand.u32 $0x380, s18;
	[tilespmem:v51+s20+$0x0] =	vst.idx.msk $0xffff, v39;
	v45 =	vld [tilespmem:s11+$0x860];
	v55 =	vshll.u32 v62, $0x7  }
0xc2: {  	s8 =	sor.u32 s5, s14;
	v57 =	vld [tilespmem:s17+$0x420];
	v38 =	vor.u32 v1, v55;
	[tilespmem:v58+s20+$0x0] =	vst.idx.msk $0xffff, v59;
	v58 =	vor.u32 v11, v36  }
0xc3: {  	v60 =	vld [tilespmem:s8+$0x0];
	[tilespmem:v52+s20+$0x0] =	vst.idx.msk $0xffff, v63;
	v59 =	vor.u32 v0, v38  }
0xc4: {  	v63 =	vor.u32 v2, v37;
	[tilespmem:v44+s20+$0x0] =	vst.idx.msk $0xffff, v41;
	v50 =	vld [tilespmem:s7+$0x10]  }
0xc5: {  	[tilespmem:v61+s20+$0x0] =	vst.idx.msk $0xffff, v47;
	v41 =	vld [tilespmem:s6+$0x850];
	v61 =	vor.u32 v22, v33  }
0xc6: {  	v62 =	vor.u32 v13, v34;
	[tilespmem:v56+s20+$0x0] =	vst.idx.msk $0xffff, v45;
	v47 =	vld [tilespmem:s0+$0x440]  }
0xc7: {  	v56 =	vld [tilespmem:s11+$0x870];
	[tilespmem:v58+s20+$0x0] =	vst.idx.msk $0xffff, v57;
	v57 =	vor.u32 v24, v43  }
0xc8: {  	[tilespmem:v59+s20+$0x0] =	vst.idx.msk $0xffff, v60;
	v59 =	vor.u32 v12, v36;
	v58 =	vld [tilespmem:s17+$0x430]  }
0xc9: {  	s3 =	sand.u32 $0x3, s3;
	v60 =	vor.u32 v2, v38;
	[tilespmem:v63+s20+$0x0] =	vst.idx.msk $0xffff, v50;
	v51 =	vld [tilespmem:s8+$0x10]  }
0xca: {  	s3 =	sshll.u32 s3, $0x8;
	v63 =	vor.u32 v3, v37;
	[tilespmem:v61+s20+$0x0] =	vst.idx.msk $0xffff, v41;
	v50 =	vld [tilespmem:s7+$0x20]  }
0xcb: {  	s3 =	sadd.s32 $0x0, s3;
	v61 =	vor.u32 v23, v33;
	[tilespmem:v62+s20+$0x0] =	vst.idx.msk $0xffff, v47;
	v41 =	vld [tilespmem:s6+$0x860]  }
0xcc: {  	s26 =	sor.u32 $0xC00, s3;
	v62 =	vor.u32 v14, v34;
	v47 =	vld [tilespmem:s0+$0x450];
	[tilespmem:v57+s20+$0x0] =	vst.idx.msk $0xffff, v56  }
0xcd: {  	v56 =	vor.u32 v25, v43;
	[tilespmem:v59+s20+$0x0] =	vst.idx.msk $0xffff, v58;
	v39 =	vld [tilespmem:s26+$0x0]  }
0xce: {  	v57 =	vor.u32 v13, v36;
	[tilespmem:v60+s20+$0x0] =	vst.idx.msk $0xffff, v51;
	v45 =	vld [tilespmem:s17+$0x440]  }
0xcf: {  	v58 =	vor.u32 v3, v38;
	[tilespmem:v63+s20+$0x0] =	vst.idx.msk $0xffff, v50;
	v51 =	vld [tilespmem:s8+$0x20]  }
0xd0: {  	[tilespmem:v61+s20+$0x0] =	vst.idx.msk $0xffff, v41;
	v50 =	vld [tilespmem:s7+$0x30];
	v61 =	vor.u32 v4, v37  }
0xd1: {  	v59 =	vor.u32 v24, v33;
	[tilespmem:v62+s20+$0x0] =	vst.idx.msk $0xffff, v47;
	v41 =	vld [tilespmem:s6+$0x870]  }
0xd2: {  	s11 =	sor.u32 $0xC10, s3;
	v60 =	vor.u32 v15, v34;
	s6 =	simm.s32 $0x2;
	v47 =	vld [tilespmem:s0+$0x460];
	[tilespmem:v56+s20+$0x0] =	vst.idx.msk $0xffff, v39  }
0xd3: {  	v62 =	vor.u32 v26, v43;
	s10 =	sand.u32 $0x7, s6;
	[tilespmem:v57+s20+$0x0] =	vst.idx.msk $0xffff, v45;
	v39 =	vld [tilespmem:s11+$0x0]  }
0xd4: {  	v63 =	vor.u32 v14, v36;
	s5 =	sshll.u32 s10, $0x7;
	[tilespmem:v58+s20+$0x0] =	vst.idx.msk $0xffff, v51;
	v45 =	vld [tilespmem:s17+$0x450]  }
0xd5: {  	s31 =	sadd.s32 $0x480, s5;
	v56 =	vor.u32 v4, v38;
	[tilespmem:v61+s20+$0x0] =	vst.idx.msk $0xffff, v50;
	v51 =	vld [tilespmem:s8+$0x30]  }
0xd6: {  	s5 =	sor.u32 $0xC00, s31;
	[tilespmem:v59+s20+$0x0] =	vst.idx.msk $0xffff, v41;
	v50 =	vld [tilespmem:s7+$0x40];
	v59 =	vor.u32 v5, v37  }
0xd7: {  	v57 =	vor.u32 v25, v33;
	[tilespmem:v60+s20+$0x0] =	vst.idx.msk $0xffff, v47;
	v41 =	vld [tilespmem:s5+$0x0]  }
0xd8: {  	s12 =	sor.u32 $0xC20, s3;
	v58 =	vor.u32 v16, v34;
	v47 =	vld [tilespmem:s0+$0x470];
	[tilespmem:v62+s20+$0x0] =	vst.idx.msk $0xffff, v39  }
0xd9: {  	v60 =	vor.u32 v27, v43;
	[tilespmem:v63+s20+$0x0] =	vst.idx.msk $0xffff, v45;
	v39 =	vld [tilespmem:s12+$0x0]  }
0xda: {  	v61 =	vor.u32 v15, v36;
	[tilespmem:v56+s20+$0x0] =	vst.idx.msk $0xffff, v51;
	v45 =	vld [tilespmem:s17+$0x460]  }
0xdb: {  	v62 =	vor.u32 v5, v38;
	[tilespmem:v59+s20+$0x0] =	vst.idx.msk $0xffff, v50;
	v51 =	vld [tilespmem:s8+$0x40]  }
0xdc: {  	s13 =	sor.u32 $0xC10, s31;
	[tilespmem:v57+s20+$0x0] =	vst.idx.msk $0xffff, v41;
	v50 =	vld [tilespmem:s7+$0x50];
	v57 =	vor.u32 v6, v37  }
0xdd: {  	v63 =	vor.u32 v26, v33;
	[tilespmem:v58+s20+$0x0] =	vst.idx.msk $0xffff, v47;
	v41 =	vld [tilespmem:s13+$0x0]  }
0xde: {  	s14 =	sor.u32 $0xC30, s3;
	v56 =	vor.u32 v17, v34;
	v47 =	vld [tilespmem:s0+$0x800];
	[tilespmem:v60+s20+$0x0] =	vst.idx.msk $0xffff, v39  }
0xdf: {  	v58 =	vor.u32 v28, v43;
	[tilespmem:v61+s20+$0x0] =	vst.idx.msk $0xffff, v45;
	v39 =	vld [tilespmem:s14+$0x0]  }
0xe0: {  	v59 =	vor.u32 v16, v36;
	[tilespmem:v62+s20+$0x0] =	vst.idx.msk $0xffff, v51;
	v45 =	vld [tilespmem:s17+$0x470]  }
0xe1: {  	v60 =	vor.u32 v6, v38;
	[tilespmem:v57+s20+$0x0] =	vst.idx.msk $0xffff, v50;
	v49 =	vld [tilespmem:s8+$0x50]  }
0xe2: {  	s18 =	sor.u32 $0xC20, s31;
	[tilespmem:v63+s20+$0x0] =	vst.idx.msk $0xffff, v41;
	v50 =	vld [tilespmem:s7+$0x60];
	v63 =	vor.u32 v7, v37  }
0xe3: {  	v61 =	vor.u32 v27, v33;
	[tilespmem:v56+s20+$0x0] =	vst.idx.msk $0xffff, v47;
	v41 =	vld [tilespmem:s18+$0x0]  }
0xe4: {  	s26 =	sor.u32 $0xC40, s3;
	v62 =	vor.u32 v18, v34;
	v47 =	vld [tilespmem:s0+$0x810];
	[tilespmem:v58+s20+$0x0] =	vst.idx.msk $0xffff, v39  }
0xe5: {  	v56 =	vor.u32 v29, v43;
	[tilespmem:v59+s20+$0x0] =	vst.idx.msk $0xffff, v45;
	v39 =	vld [tilespmem:s26+$0x0]  }
0xe6: {  	v57 =	vor.u32 v17, v36;
	[tilespmem:v60+s20+$0x0] =	vst.idx.msk $0xffff, v49;
	v45 =	vld [tilespmem:s17+$0x800]  }
0xe7: {  	v58 =	vor.u32 v7, v38;
	[tilespmem:v63+s20+$0x0] =	vst.idx.msk $0xffff, v50;
	v49 =	vld [tilespmem:s8+$0x60]  }
0xe8: {  	s10 =	sor.u32 $0xC30, s31;
	[tilespmem:v61+s20+$0x0] =	vst.idx.msk $0xffff, v41;
	v50 =	vld [tilespmem:s7+$0x70];
	v61 =	vor.u32 v8, v37  }
0xe9: {  	v59 =	vor.u32 v28, v33;
	[tilespmem:v62+s20+$0x0] =	vst.idx.msk $0xffff, v47;
	v41 =	vld [tilespmem:s10+$0x0]  }
0xea: {  	v60 =	vor.u32 v19, v34;
	v47 =	vld [tilespmem:s0+$0x820];
	[tilespmem:v56+s20+$0x0] =	vst.idx.msk $0xffff, v39  }
0xeb: {  	s11 =	sor.u32 $0xC50, s3;
	[tilespmem:v57+s20+$0x0] =	vst.idx.msk $0xffff, v45  }
0xec: {  	v62 =	vor.u32 v30, v43;
	v39 =	vld [tilespmem:s11+$0x0];
	[tilespmem:v58+s20+$0x0] =	vst.idx.msk $0xffff, v49  }
0xed: {  	v63 =	vor.u32 v18, v36;
	[tilespmem:v61+s20+$0x0] =	vst.idx.msk $0xffff, v50;
	v45 =	vld [tilespmem:s17+$0x810]  }
0xee: {  	v56 =	vor.u32 v8, v38;
	v49 =	vld [tilespmem:s8+$0x70];
	[tilespmem:v59+s20+$0x0] =	vst.idx.msk $0xffff, v41  }
0xef: {  	v50 =	vld [tilespmem:s7+$0x400];
	v59 =	vor.u32 v9, v37;
	[tilespmem:v60+s20+$0x0] =	vst.idx.msk $0xffff, v47  }
0xf0: {  	s12 =	sor.u32 $0xC40, s31;
	v58 =	vor.u32 v20, v34;
	v47 =	vld [tilespmem:s0+$0x830]  }
0xf1: {  	s13 =	sor.u32 $0xC60, s3;
	v57 =	vor.u32 v29, v33;
	v41 =	vld [tilespmem:s12+$0x0];
	[tilespmem:v62+s20+$0x0] =	vst.idx.msk $0xffff, v39  }
0xf2: {  	v40 =	vor.u32 v31, v43;
	[tilespmem:v63+s20+$0x0] =	vst.idx.msk $0xffff, v45;
	v39 =	vld [tilespmem:s13+$0x0]  }
0xf3: {  	v60 =	vor.u32 v19, v36;
	[tilespmem:v56+s20+$0x0] =	vst.idx.msk $0xffff, v49;
	v45 =	vld [tilespmem:s17+$0x820]  }
0xf4: {  	v61 =	vor.u32 v9, v38;
	[tilespmem:v59+s20+$0x0] =	vst.idx.msk $0xffff, v50;
	v49 =	vld [tilespmem:s8+$0x400]  }
0xf5: {  	v56 =	vor.u32 v10, v37;
	v55 =	vld [tilespmem:s7+$0x410];
	[tilespmem:v58+s20+$0x0] =	vst.idx.msk $0xffff, v47  }
0xf6: {  	v54 =	vor.u32 v21, v34;
	s14 =	sor.u32 $0xC50, s31;
	[tilespmem:v57+s20+$0x0] =	vst.idx.msk $0xffff, v41;
	v63 =	vld [tilespmem:s0+$0x840]  }
0xf7: {  	v53 =	vor.u32 v30, v33;
	s3 =	sor.u32 $0xC70, s3;
	v62 =	vld [tilespmem:s14+$0x0];
	[tilespmem:v40+s20+$0x0] =	vst.idx.msk $0xffff, v39  }
0xf8: {  	[tilespmem:v60+s20+$0x0] =	vst.idx.msk $0xffff, v45;
	v44 =	vld [tilespmem:s3+$0x0];
	v45 =	vor.u32 v32, v43  }
0xf9: {  	s18 =	sor.u32 $0xC70, s15;
	[tilespmem:v61+s20+$0x0] =	vst.idx.msk $0xffff, v49;
	v49 =	vor.u32 v20, v36;
	v47 =	vld [tilespmem:s17+$0x830]  }
0xfa: {  	s29 =	sshll.u32 s28, $0x7;
	v48 =	vor.u32 v22, v34;
	v42 =	vor.u32 v32, v42;
	s15 =	simm.s32 $0xC00;
	v43 =	vld [tilespmem:s18+$0x0];
	[tilespmem:v56+s20+$0x0] =	vst.idx.msk $0xffff, v55  }
0xfb: {  	v51 =	vor.u32 v10, v38;
	s26 =	simm.s32 $0x6;
	s10 =	sor.u32 $0xC60, s31;
	s11 =	simm.s32 $0x1;
	v41 =	vor.u32 v31, v33;
	v50 =	vld [tilespmem:s8+$0x410];
	[tilespmem:v54+s20+$0x0] =	vst.idx.msk $0xffff, v63  }
0xfc: {  	s14 =	simm.s32 $0x24;
	v40 =	vor.u32 v31, v36;
	v39 =	vor.u32 v31, v38;
	s3 =	simm.s32 $0x480;
	s18 =	simm.s32 $0x480;
	[tilespmem:v53+s20+$0x0] =	vst.idx.msk $0xffff, v62;
	v46 =	vld [tilespmem:s0+$0x850]  }
.LBB2_3:
0xfd: {  	s5 =	sadd.s32 $0xFFFFFFFC, s14;
	s12 =	sadd.s32 $0xFFFFFF80, s18;
	v52 =	vmov s14;
	s26 =	sadd.s32 $0x2, s26;
	v53 =	vld [tilespmem:s10+$0x0];
	[tilespmem:v45+s20+$0x0] =	vst.idx.msk $0xffff, v44  }
0xfe: {  	v54 =	vor.u32 v11, v37;
	s9 =	sadd.s32 $0x400, s9;
	v44 =	vmov s5;
	s5 =	sand.u32 $0x300, s12;
	v45 =	vshll.u32 v52, $0x7;
	p1 =	slt.u32 s26, $0x1E;
	v52 =	vld [tilespmem:s7+$0x420];
	[tilespmem:v49+s20+$0x0] =	vst.idx.msk $0xffff, v47  }
0xff: {  	s10 =	sand.u32 $0x3000, s9;
	v49 =	vor.u32 v21, v36;
	v44 =	vshll.u32 v44, $0x7;
	v47 =	vld [tilespmem:s17+$0x840];
	[tilespmem:v42+s20+$0x0] =	vst.idx.msk $0xffff, v43  }
0x100: {  	s5 =	sor.u32 s5, s10;
	v43 =	vor.u32 v1, v44;
	[tilespmem:v51+s20+$0x0] =	vst.idx.msk $0xffff, v50;
	v42 =	vld [tilespmem:s16+$0x430];
	v44 =	vor.u32 v12, v35  }
0x101: {  	s12 =	sand.u32 $0x380, s18;
	v50 =	vld [tilespmem:s5+$0x0];
	v51 =	vor.u32 v0, v43;
	[tilespmem:v48+s20+$0x0] =	vst.idx.msk $0xffff, v46  }
0x102: {  	s10 =	sor.u32 s12, s10;
	v46 =	vor.u32 v1, v45;
	v48 =	vor.u32 v23, v34;
	v45 =	vld [tilespmem:s0+$0x860];
	[tilespmem:v41+s20+$0x0] =	vst.idx.msk $0xffff, v53;
	v41 =	vmov v40  }
0x103: {  	v53 =	vor.u32 v0, v46;
	v40 =	vmov v39;
	[tilespmem:v54+s20+$0x0] =	vst.idx.msk $0xffff, v52;
	v52 =	vld [tilespmem:s8+$0x420];
	v54 =	vor.u32 v11, v38  }
0x104: {  	v39 =	vor.u32 v31, v46;
	v55 =	vld [tilespmem:s10+$0x0];
	[tilespmem:v49+s20+$0x0] =	vst.idx.msk $0xffff, v47  }
0x105: {  	[tilespmem:v44+s20+$0x0] =	vst.idx.msk $0xffff, v42;
	v42 =	vld [tilespmem:s17+$0x850];
	v44 =	vor.u32 v22, v36  }
0x106: {  	v49 =	vor.u32 v13, v35;
	[tilespmem:v51+s20+$0x0] =	vst.idx.msk $0xffff, v50;
	v47 =	vld [tilespmem:s16+$0x440]  }
0x107: {  	v51 =	vor.u32 v2, v43;
	v50 =	vld [tilespmem:s5+$0x10];
	[tilespmem:v48+s20+$0x0] =	vst.idx.msk $0xffff, v45  }
0x108: {  	v48 =	vor.u32 v24, v34;
	[tilespmem:v54+s20+$0x0] =	vst.idx.msk $0xffff, v52;
	v45 =	vld [tilespmem:s0+$0x870];
	s0 =	smov.u32 s16;
	s16 =	smov.u32 s7;
	s7 =	smov.u32 s5  }
0x109: {  	v52 =	vor.u32 v2, v46;
	v54 =	vor.u32 v12, v38;
	[tilespmem:v53+s20+$0x0] =	vst.idx.msk $0xffff, v55;
	v53 =	vld [tilespmem:s8+$0x430]  }
0x10a: {  	s5 =	sand.u32 $0x3, s11;
	v55 =	vld [tilespmem:s10+$0x10];
	[tilespmem:v44+s20+$0x0] =	vst.idx.msk $0xffff, v42  }
0x10b: {  	s5 =	sshll.u32 s5, $0x8;
	v44 =	vor.u32 v23, v36;
	[tilespmem:v49+s20+$0x0] =	vst.idx.msk $0xffff, v47;
	v42 =	vld [tilespmem:s17+$0x860]  }
0x10c: {  	s5 =	sadd.s32 s5, s30;
	s30 =	smov.u32 s2;
	s2 =	smov.u32 s15;
	v49 =	vor.u32 v14, v35;
	[tilespmem:v51+s20+$0x0] =	vst.idx.msk $0xffff, v50;
	v47 =	vld [tilespmem:s0+$0x450]  }
0x10d: {  	s15 =	smov.u32 s9;
	s12 =	sor.u32 $0xC00, s5;
	v51 =	vor.u32 v3, v43;
	v50 =	vld [tilespmem:s7+$0x20];
	[tilespmem:v48+s20+$0x0] =	vst.idx.msk $0xffff, v45  }
0x10e: {  	v48 =	vor.u32 v25, v34;
	[tilespmem:v54+s20+$0x0] =	vst.idx.msk $0xffff, v53;
	v45 =	vld [tilespmem:s12+$0x0]  }
0x10f: {  	v54 =	vor.u32 v13, v38;
	[tilespmem:v52+s20+$0x0] =	vst.idx.msk $0xffff, v55;
	v52 =	vor.u32 v3, v46;
	v53 =	vld [tilespmem:s8+$0x440]  }
0x110: {  	v55 =	vld [tilespmem:s10+$0x20];
	[tilespmem:v44+s20+$0x0] =	vst.idx.msk $0xffff, v42  }
0x111: {  	s6 =	sadd.s32 $0x2, s6;
	v44 =	vor.u32 v24, v36;
	[tilespmem:v49+s20+$0x0] =	vst.idx.msk $0xffff, v47;
	v42 =	vld [tilespmem:s17+$0x870];
	s17 =	smov.u32 s8;
	s8 =	smov.u32 s10  }
0x112: {  	v49 =	vor.u32 v15, v35;
	[tilespmem:v51+s20+$0x0] =	vst.idx.msk $0xffff, v50;
	v47 =	vld [tilespmem:s0+$0x460]  }
0x113: {  	s3 =	sadd.s32 $0x400, s3;
	s12 =	sor.u32 $0xC10, s5;
	s10 =	sand.u32 $0x7, s6;
	v51 =	vor.u32 v4, v43;
	v50 =	vld [tilespmem:s7+$0x30];
	[tilespmem:v48+s20+$0x0] =	vst.idx.msk $0xffff, v45  }
0x114: {  	s10 =	sshll.u32 s10, $0x7;
	v48 =	vor.u32 v26, v34;
	[tilespmem:v54+s20+$0x0] =	vst.idx.msk $0xffff, v53;
	v45 =	vld [tilespmem:s12+$0x0]  }
0x115: {  	s10 =	sadd.s32 s10, s3;
	v54 =	vor.u32 v14, v38;
	[tilespmem:v52+s20+$0x0] =	vst.idx.msk $0xffff, v55;
	v52 =	vor.u32 v4, v46;
	v53 =	vld [tilespmem:s17+$0x450]  }
0x116: {  	s12 =	sor.u32 $0xC00, s10;
	v55 =	vld [tilespmem:s8+$0x30];
	[tilespmem:v44+s20+$0x0] =	vst.idx.msk $0xffff, v42  }
0x117: {  	v44 =	vor.u32 v25, v36;
	[tilespmem:v49+s20+$0x0] =	vst.idx.msk $0xffff, v47;
	v42 =	vld [tilespmem:s12+$0x0]  }
0x118: {  	v49 =	vor.u32 v16, v35;
	[tilespmem:v51+s20+$0x0] =	vst.idx.msk $0xffff, v50;
	v47 =	vld [tilespmem:s0+$0x470]  }
0x119: {  	s12 =	sor.u32 $0xC20, s5;
	v51 =	vor.u32 v5, v43;
	v50 =	vld [tilespmem:s7+$0x40];
	[tilespmem:v48+s20+$0x0] =	vst.idx.msk $0xffff, v45  }
0x11a: {  	v48 =	vor.u32 v27, v34;
	[tilespmem:v54+s20+$0x0] =	vst.idx.msk $0xffff, v53;
	v45 =	vld [tilespmem:s12+$0x0]  }
0x11b: {  	v54 =	vor.u32 v15, v38;
	[tilespmem:v52+s20+$0x0] =	vst.idx.msk $0xffff, v55;
	v52 =	vor.u32 v5, v46;
	v53 =	vld [tilespmem:s17+$0x460]  }
0x11c: {  	s12 =	sor.u32 $0xC10, s10;
	v55 =	vld [tilespmem:s8+$0x40];
	[tilespmem:v44+s20+$0x0] =	vst.idx.msk $0xffff, v42  }
0x11d: {  	v44 =	vor.u32 v26, v36;
	[tilespmem:v49+s20+$0x0] =	vst.idx.msk $0xffff, v47;
	v42 =	vld [tilespmem:s12+$0x0]  }
0x11e: {  	v49 =	vor.u32 v17, v35;
	[tilespmem:v51+s20+$0x0] =	vst.idx.msk $0xffff, v50;
	v47 =	vld [tilespmem:s0+$0x800]  }
0x11f: {  	s12 =	sor.u32 $0xC30, s5;
	v51 =	vor.u32 v6, v43;
	v50 =	vld [tilespmem:s7+$0x50];
	[tilespmem:v48+s20+$0x0] =	vst.idx.msk $0xffff, v45  }
0x120: {  	v48 =	vor.u32 v28, v34;
	[tilespmem:v54+s20+$0x0] =	vst.idx.msk $0xffff, v53;
	v45 =	vld [tilespmem:s12+$0x0]  }
0x121: {  	v53 =	vor.u32 v16, v38;
	[tilespmem:v52+s20+$0x0] =	vst.idx.msk $0xffff, v55;
	v52 =	vld [tilespmem:s17+$0x470]  }
0x122: {  	s12 =	sor.u32 $0xC20, s10;
	v55 =	vor.u32 v6, v46;
	v54 =	vld [tilespmem:s8+$0x50];
	[tilespmem:v44+s20+$0x0] =	vst.idx.msk $0xffff, v42  }
0x123: {  	v44 =	vor.u32 v27, v36;
	[tilespmem:v49+s20+$0x0] =	vst.idx.msk $0xffff, v47;
	v42 =	vld [tilespmem:s12+$0x0]  }
0x124: {  	v49 =	vor.u32 v18, v35;
	[tilespmem:v51+s20+$0x0] =	vst.idx.msk $0xffff, v50;
	v47 =	vld [tilespmem:s0+$0x810]  }
0x125: {  	s12 =	sor.u32 $0xC40, s5;
	v51 =	vor.u32 v7, v43;
	v50 =	vld [tilespmem:s7+$0x60];
	[tilespmem:v48+s20+$0x0] =	vst.idx.msk $0xffff, v45  }
0x126: {  	v48 =	vor.u32 v29, v34;
	[tilespmem:v53+s20+$0x0] =	vst.idx.msk $0xffff, v52;
	v45 =	vld [tilespmem:s12+$0x0]  }
0x127: {  	v53 =	vor.u32 v17, v38;
	[tilespmem:v55+s20+$0x0] =	vst.idx.msk $0xffff, v54;
	v52 =	vld [tilespmem:s17+$0x800]  }
0x128: {  	s12 =	sor.u32 $0xC30, s10;
	v55 =	vor.u32 v7, v46;
	v54 =	vld [tilespmem:s8+$0x60];
	[tilespmem:v44+s20+$0x0] =	vst.idx.msk $0xffff, v42  }
0x129: {  	v44 =	vor.u32 v28, v36;
	[tilespmem:v49+s20+$0x0] =	vst.idx.msk $0xffff, v47;
	v42 =	vld [tilespmem:s12+$0x0]  }
0x12a: {  	v49 =	vor.u32 v19, v35;
	[tilespmem:v51+s20+$0x0] =	vst.idx.msk $0xffff, v50;
	v47 =	vld [tilespmem:s0+$0x820]  }
0x12b: {  	s12 =	sor.u32 $0xC50, s5;
	v51 =	vor.u32 v8, v43;
	v50 =	vld [tilespmem:s7+$0x70];
	[tilespmem:v48+s20+$0x0] =	vst.idx.msk $0xffff, v45  }
0x12c: {  	v48 =	vor.u32 v30, v34;
	[tilespmem:v53+s20+$0x0] =	vst.idx.msk $0xffff, v52;
	v45 =	vld [tilespmem:s12+$0x0]  }
0x12d: {  	v53 =	vor.u32 v18, v38;
	[tilespmem:v55+s20+$0x0] =	vst.idx.msk $0xffff, v54;
	v52 =	vld [tilespmem:s17+$0x810]  }
0x12e: {  	s12 =	sor.u32 $0xC40, s10;
	v55 =	vor.u32 v8, v46;
	v54 =	vld [tilespmem:s8+$0x70];
	[tilespmem:v44+s20+$0x0] =	vst.idx.msk $0xffff, v42  }
0x12f: {  	v44 =	vor.u32 v29, v36;
	[tilespmem:v49+s20+$0x0] =	vst.idx.msk $0xffff, v47;
	v42 =	vld [tilespmem:s12+$0x0]  }
0x130: {  	v49 =	vor.u32 v20, v35;
	[tilespmem:v51+s20+$0x0] =	vst.idx.msk $0xffff, v50;
	v47 =	vld [tilespmem:s0+$0x830]  }
0x131: {  	s12 =	sor.u32 $0xC60, s5;
	v51 =	vor.u32 v9, v43;
	v50 =	vld [tilespmem:s7+$0x400];
	[tilespmem:v48+s20+$0x0] =	vst.idx.msk $0xffff, v45  }
0x132: {  	v48 =	vor.u32 v31, v34;
	[tilespmem:v53+s20+$0x0] =	vst.idx.msk $0xffff, v52;
	v45 =	vld [tilespmem:s12+$0x0]  }
0x133: {  	v53 =	vor.u32 v19, v38;
	[tilespmem:v55+s20+$0x0] =	vst.idx.msk $0xffff, v54;
	v52 =	vld [tilespmem:s17+$0x820]  }
0x134: {  	s12 =	sor.u32 $0xC50, s10;
	v55 =	vor.u32 v9, v46;
	v54 =	vld [tilespmem:s8+$0x400];
	[tilespmem:v44+s20+$0x0] =	vst.idx.msk $0xffff, v42  }
0x135: {  	v57 =	vor.u32 v30, v36;
	[tilespmem:v49+s20+$0x0] =	vst.idx.msk $0xffff, v47;
	v56 =	vld [tilespmem:s12+$0x0]  }
0x136: {  	v59 =	vor.u32 v21, v35;
	[tilespmem:v51+s20+$0x0] =	vst.idx.msk $0xffff, v50;
	v58 =	vld [tilespmem:s0+$0x840]  }
0x137: {  	v61 =	vor.u32 v10, v43;
	s5 =	sor.u32 $0xC70, s5;
	v60 =	vld [tilespmem:s7+$0x410];
	[tilespmem:v48+s20+$0x0] =	vst.idx.msk $0xffff, v45  }
.Ltmp2:
0x138: {  	v42 =	vor.u32 v32, v33;
	v45 =	vor.u32 v32, v34;
	v34 =	vmov v35;
	[tilespmem:v53+s20+$0x0] =	vst.idx.msk $0xffff, v52;
	v44 =	vld [tilespmem:s5+$0x0];
	s5 =	sor.u32 $0xC70, s31;
	s31 =	smov.u32 s10;
	(pc) =	sbr.rel @p1 .LBB2_3-.Ltmp2, $4  }
0x139: {  	v33 =	vmovc v36;
	v49 =	vor.u32 v20, v38;
	v35 =	vmov v37;
	v37 =	vmov v43;
	[tilespmem:v55+s20+$0x0] =	vst.idx.msk $0xffff, v54;
	v47 =	vld [tilespmem:s17+$0x830]  }
0x13a: {  	v36 =	vmov v38;
	v38 =	vmov v46;
	[tilespmem:v57+s20+$0x0] =	vst.idx.msk $0xffff, v56;
	v43 =	vld [tilespmem:s5+$0x0]  }
0x13b: {  	s11 =	sadd.s32 $0x1, s11;
	v51 =	vor.u32 v10, v38;
	v50 =	vld [tilespmem:s8+$0x410];
	[tilespmem:v59+s20+$0x0] =	vst.idx.msk $0xffff, v58  }
0x13c: {  	s14 =	sadd.s32 $0x8, s14;
	s18 =	sadd.s32 $0x100, s18;
	v48 =	vor.u32 v22, v34;
	s10 =	sor.u32 $0xC60, s31;
	[tilespmem:v61+s20+$0x0] =	vst.idx.msk $0xffff, v60;
	v46 =	vld [tilespmem:s0+$0x850]  }
0x13d: {  	_ =	sdelay $0x3  }
0x13e: {  	v52 =	vld [tilespmem:s7+$0x420];
	v53 =	vor.u32 v11, v37;
	[tilespmem:v51+s20+$0x0] =	vst.idx.msk $0xffff, v50  }
0x13f: {  	v59 =	vor.u32 v11, v38;
	v50 =	vld [tilespmem:s8+$0x420];
	_ =	sdelay $0x2  }
0x140: {  	v54 =	vld [tilespmem:s16+$0x430];
	v55 =	vor.u32 v12, v35  }
0x141: {  	[tilespmem:v53+s20+$0x0] =	vst.idx.msk $0xffff, v52  }
0x142: {  	v61 =	vor.u32 v12, v37;
	v60 =	vld [tilespmem:s7+$0x430];
	[tilespmem:v59+s20+$0x0] =	vst.idx.msk $0xffff, v50  }
0x143: {  	v63 =	vor.u32 v12, v38;
	v62 =	vld [tilespmem:s8+$0x430];
	_ =	sdelay $0x1  }
0x144: {  	[tilespmem:v55+s20+$0x0] =	vst.idx.msk $0xffff, v54  }
0x145: {  	v57 =	vor.u32 v13, v35;
	v54 =	vld [tilespmem:s16+$0x440]  }
0x146: {  	[tilespmem:v61+s20+$0x0] =	vst.idx.msk $0xffff, v60  }
0x147: {  	v58 =	vor.u32 v13, v37;
	v50 =	vld [tilespmem:s7+$0x440];
	[tilespmem:v63+s20+$0x0] =	vst.idx.msk $0xffff, v62  }
0x148: {  	v59 =	vor.u32 v13, v38;
	v52 =	vld [tilespmem:s8+$0x440];
	_ =	sdelay $0x1  }
0x149: {  	[tilespmem:v57+s20+$0x0] =	vst.idx.msk $0xffff, v54  }
0x14a: {  	v60 =	vor.u32 v14, v35;
	v54 =	vld [tilespmem:s16+$0x450]  }
0x14b: {  	[tilespmem:v58+s20+$0x0] =	vst.idx.msk $0xffff, v50  }
0x14c: {  	v61 =	vor.u32 v14, v37;
	v50 =	vld [tilespmem:s7+$0x450];
	[tilespmem:v59+s20+$0x0] =	vst.idx.msk $0xffff, v52  }
0x14d: {  	v62 =	vor.u32 v14, v38;
	v52 =	vld [tilespmem:s8+$0x450];
	_ =	sdelay $0x1  }
0x14e: {  	[tilespmem:v60+s20+$0x0] =	vst.idx.msk $0xffff, v54  }
0x14f: {  	v63 =	vor.u32 v15, v35;
	v54 =	vld [tilespmem:s16+$0x460]  }
0x150: {  	[tilespmem:v61+s20+$0x0] =	vst.idx.msk $0xffff, v50  }
0x151: {  	v57 =	vor.u32 v15, v37;
	v50 =	vld [tilespmem:s7+$0x460];
	[tilespmem:v62+s20+$0x0] =	vst.idx.msk $0xffff, v52  }
0x152: {  	v58 =	vor.u32 v15, v38;
	v52 =	vld [tilespmem:s8+$0x460];
	_ =	sdelay $0x1  }
0x153: {  	[tilespmem:v63+s20+$0x0] =	vst.idx.msk $0xffff, v54  }
0x154: {  	v59 =	vor.u32 v16, v35;
	v54 =	vld [tilespmem:s16+$0x470]  }
0x155: {  	[tilespmem:v57+s20+$0x0] =	vst.idx.msk $0xffff, v50  }
0x156: {  	v60 =	vor.u32 v16, v37;
	v50 =	vld [tilespmem:s7+$0x470];
	[tilespmem:v58+s20+$0x0] =	vst.idx.msk $0xffff, v52  }
0x157: {  	v61 =	vor.u32 v16, v38;
	v52 =	vld [tilespmem:s8+$0x470];
	_ =	sdelay $0x1  }
0x158: {  	[tilespmem:v59+s20+$0x0] =	vst.idx.msk $0xffff, v54  }
0x159: {  	v62 =	vor.u32 v17, v35;
	v54 =	vld [tilespmem:s16+$0x800]  }
0x15a: {  	[tilespmem:v60+s20+$0x0] =	vst.idx.msk $0xffff, v50  }
0x15b: {  	v63 =	vor.u32 v17, v37;
	v50 =	vld [tilespmem:s7+$0x800];
	[tilespmem:v61+s20+$0x0] =	vst.idx.msk $0xffff, v52  }
0x15c: {  	v57 =	vor.u32 v17, v38;
	v52 =	vld [tilespmem:s8+$0x800];
	_ =	sdelay $0x1  }
0x15d: {  	[tilespmem:v62+s20+$0x0] =	vst.idx.msk $0xffff, v54  }
0x15e: {  	v58 =	vor.u32 v18, v35;
	v54 =	vld [tilespmem:s16+$0x810]  }
0x15f: {  	[tilespmem:v63+s20+$0x0] =	vst.idx.msk $0xffff, v50  }
0x160: {  	v59 =	vor.u32 v18, v37;
	v50 =	vld [tilespmem:s7+$0x810];
	[tilespmem:v57+s20+$0x0] =	vst.idx.msk $0xffff, v52  }
0x161: {  	v60 =	vor.u32 v18, v38;
	v52 =	vld [tilespmem:s8+$0x810];
	_ =	sdelay $0x1  }
0x162: {  	[tilespmem:v58+s20+$0x0] =	vst.idx.msk $0xffff, v54  }
0x163: {  	v61 =	vor.u32 v19, v35;
	v54 =	vld [tilespmem:s16+$0x820]  }
0x164: {  	[tilespmem:v59+s20+$0x0] =	vst.idx.msk $0xffff, v50  }
0x165: {  	v62 =	vor.u32 v19, v37;
	v50 =	vld [tilespmem:s7+$0x820];
	[tilespmem:v60+s20+$0x0] =	vst.idx.msk $0xffff, v52  }
0x166: {  	v63 =	vor.u32 v19, v38;
	v52 =	vld [tilespmem:s8+$0x820];
	_ =	sdelay $0x1  }
0x167: {  	[tilespmem:v61+s20+$0x0] =	vst.idx.msk $0xffff, v54  }
0x168: {  	v57 =	vor.u32 v20, v35;
	v54 =	vld [tilespmem:s16+$0x830]  }
0x169: {  	[tilespmem:v62+s20+$0x0] =	vst.idx.msk $0xffff, v50  }
0x16a: {  	v58 =	vor.u32 v20, v37;
	v50 =	vld [tilespmem:s7+$0x830];
	[tilespmem:v63+s20+$0x0] =	vst.idx.msk $0xffff, v52  }
0x16b: {  	v59 =	vor.u32 v20, v38;
	v52 =	vld [tilespmem:s8+$0x830];
	_ =	sdelay $0x1  }
0x16c: {  	[tilespmem:v57+s20+$0x0] =	vst.idx.msk $0xffff, v54  }
0x16d: {  	[tilespmem:v49+s20+$0x0] =	vst.idx.msk $0xffff, v47;
	v61 =	vor.u32 v21, v35;
	v60 =	vld [tilespmem:s16+$0x840]  }
0x16e: {  	v62 =	vld [tilespmem:s17+$0x840];
	v63 =	vor.u32 v21, v36;
	[tilespmem:v58+s20+$0x0] =	vst.idx.msk $0xffff, v50  }
0x16f: {  	v57 =	vor.u32 v21, v37;
	v50 =	vld [tilespmem:s7+$0x840];
	[tilespmem:v59+s20+$0x0] =	vst.idx.msk $0xffff, v52  }
0x170: {  	v58 =	vor.u32 v21, v38;
	v52 =	vld [tilespmem:s8+$0x840];
	_ =	sdelay $0x1  }
0x171: {  	[tilespmem:v61+s20+$0x0] =	vst.idx.msk $0xffff, v60  }
0x172: {  	v47 =	vld [tilespmem:s16+$0x850];
	[tilespmem:v63+s20+$0x0] =	vst.idx.msk $0xffff, v62;
	v59 =	vor.u32 v22, v35  }
0x173: {  	v60 =	vor.u32 v22, v36;
	v54 =	vld [tilespmem:s17+$0x850];
	[tilespmem:v57+s20+$0x0] =	vst.idx.msk $0xffff, v50  }
0x174: {  	v61 =	vor.u32 v22, v37;
	v50 =	vld [tilespmem:s7+$0x850];
	[tilespmem:v58+s20+$0x0] =	vst.idx.msk $0xffff, v52  }
0x175: {  	[tilespmem:v48+s20+$0x0] =	vst.idx.msk $0xffff, v46;
	v63 =	vor.u32 v22, v38;
	v62 =	vld [tilespmem:s8+$0x850]  }
0x176: {  	v57 =	vld [tilespmem:s0+$0x860];
	v58 =	vor.u32 v23, v34  }
0x177: {  	[tilespmem:v59+s20+$0x0] =	vst.idx.msk $0xffff, v47  }
0x178: {  	[tilespmem:v60+s20+$0x0] =	vst.idx.msk $0xffff, v54;
	v59 =	vor.u32 v23, v35;
	v47 =	vld [tilespmem:s16+$0x860]  }
0x179: {  	v60 =	vor.u32 v23, v36;
	v54 =	vld [tilespmem:s17+$0x860];
	[tilespmem:v61+s20+$0x0] =	vst.idx.msk $0xffff, v50  }
0x17a: {  	v61 =	vld [tilespmem:s7+$0x860];
	[tilespmem:v63+s20+$0x0] =	vst.idx.msk $0xffff, v62;
	v62 =	vor.u32 v23, v37  }
0x17b: {  	[tilespmem:v58+s20+$0x0] =	vst.idx.msk $0xffff, v57;
	v57 =	vor.u32 v23, v38;
	v63 =	vld [tilespmem:s8+$0x860];
	_ =	sdelay $0x1  }
0x17c: {  	s9 =	sand.u32 $0x3, s11;
	s6 =	sadd.s32 $0x2, s6;
	v58 =	vor.u32 v24, v34;
	[tilespmem:v59+s20+$0x0] =	vst.idx.msk $0xffff, v47;
	v52 =	vld [tilespmem:s0+$0x870]  }
0x17d: {  	s3 =	sadd.s32 $0x400, s3;
	s12 =	sand.u32 $0x7, s6;
	s6 =	sadd.s32 $0x2, s6;
	[tilespmem:v60+s20+$0x0] =	vst.idx.msk $0xffff, v54;
	v59 =	vor.u32 v24, v35;
	v47 =	vld [tilespmem:s16+$0x870]  }
0x17e: {  	s6 =	sand.u32 $0x7, s6;
	v60 =	vor.u32 v24, v36;
	s0 =	sshll.u32 s9, $0x8;
	v54 =	vld [tilespmem:s17+$0x870];
	s9 =	sadd.s32 $0x1, s11;
	[tilespmem:v62+s20+$0x0] =	vst.idx.msk $0xffff, v61  }
0x17f: {  	s5 =	sadd.s32 s0, s30;
	s0 =	sshll.u32 s12, $0x7;
	s12 =	sand.u32 $0x3, s9;
	v61 =	vor.u32 v24, v37;
	[tilespmem:v57+s20+$0x0] =	vst.idx.msk $0xffff, v63;
	v46 =	vld [tilespmem:s7+$0x870]  }
0x180: {  	s18 =	sshll.u32 s6, $0x7;
	s16 =	sadd.s32 $0x1, s9;
	s12 =	sshll.u32 s12, $0x8;
	v62 =	vor.u32 v24, v38;
	v50 =	vld [tilespmem:s8+$0x870]  }
0x181: {  	s13 =	sor.u32 $0xC00, s5;
	s2 =	sadd.s32 s12, s2;
	[tilespmem:v58+s20+$0x0] =	vst.idx.msk $0xffff, v52;
	s8 =	sand.u32 $0x3, s16  }
0x182: {  	s0 =	sadd.s32 s0, s3;
	s17 =	sor.u32 $0xC00, s2;
	[tilespmem:v59+s20+$0x0] =	vst.idx.msk $0xffff, v47;
	v52 =	vld [tilespmem:s13+$0x0];
	v63 =	vor.u32 v25, v34;
	s8 =	sshll.u32 s8, $0x8  }
0x183: {  	s3 =	sadd.s32 $0x400, s3;
	s14 =	sor.u32 $0xC00, s0;
	[tilespmem:v60+s20+$0x0] =	vst.idx.msk $0xffff, v54;
	v47 =	vld [tilespmem:s17+$0x0];
	v57 =	vor.u32 v25, v35;
	s6 =	sadd.s32 s8, s15  }
0x184: {  	s3 =	sadd.s32 s18, s3;
	v58 =	vor.u32 v25, v36;
	v54 =	vld [tilespmem:s14+$0x0];
	s26 =	sor.u32 $0xC00, s6;
	[tilespmem:v61+s20+$0x0] =	vst.idx.msk $0xffff, v46  }
0x185: {  	s30 =	sor.u32 $0xC00, s3;
	v59 =	vor.u32 v25, v37;
	[tilespmem:v62+s20+$0x0] =	vst.idx.msk $0xffff, v50;
	v46 =	vld [tilespmem:s26+$0x0]  }
0x186: {  	v60 =	vor.u32 v25, v38;
	v50 =	vld [tilespmem:s30+$0x0]  }
0x187: {  	s9 =	sor.u32 $0xC10, s5;
	[tilespmem:v63+s20+$0x0] =	vst.idx.msk $0xffff, v52  }
0x188: {  	s11 =	sor.u32 $0xC10, s2;
	v61 =	vor.u32 v26, v34;
	[tilespmem:v57+s20+$0x0] =	vst.idx.msk $0xffff, v47;
	v52 =	vld [tilespmem:s9+$0x0]  }
0x189: {  	s12 =	sor.u32 $0xC10, s0;
	[tilespmem:v58+s20+$0x0] =	vst.idx.msk $0xffff, v54;
	v47 =	vld [tilespmem:s11+$0x0];
	v62 =	vor.u32 v26, v35  }
0x18a: {  	s13 =	sor.u32 $0xC10, s6;
	v63 =	vor.u32 v26, v36;
	v54 =	vld [tilespmem:s12+$0x0];
	[tilespmem:v59+s20+$0x0] =	vst.idx.msk $0xffff, v46  }
0x18b: {  	s14 =	sor.u32 $0xC10, s3;
	v57 =	vor.u32 v26, v37;
	[tilespmem:v60+s20+$0x0] =	vst.idx.msk $0xffff, v50;
	v46 =	vld [tilespmem:s13+$0x0]  }
0x18c: {  	v58 =	vor.u32 v26, v38;
	v50 =	vld [tilespmem:s14+$0x0]  }
0x18d: {  	s15 =	sor.u32 $0xC20, s5;
	[tilespmem:v61+s20+$0x0] =	vst.idx.msk $0xffff, v52  }
0x18e: {  	s16 =	sor.u32 $0xC20, s2;
	v59 =	vor.u32 v27, v34;
	[tilespmem:v62+s20+$0x0] =	vst.idx.msk $0xffff, v47;
	v52 =	vld [tilespmem:s15+$0x0]  }
0x18f: {  	s17 =	sor.u32 $0xC20, s0;
	[tilespmem:v63+s20+$0x0] =	vst.idx.msk $0xffff, v54;
	v47 =	vld [tilespmem:s16+$0x0];
	v60 =	vor.u32 v27, v35  }
0x190: {  	s18 =	sor.u32 $0xC20, s6;
	v61 =	vor.u32 v27, v36;
	v54 =	vld [tilespmem:s17+$0x0];
	[tilespmem:v57+s20+$0x0] =	vst.idx.msk $0xffff, v46  }
0x191: {  	s26 =	sor.u32 $0xC20, s3;
	v62 =	vor.u32 v27, v37;
	[tilespmem:v58+s20+$0x0] =	vst.idx.msk $0xffff, v50;
	v46 =	vld [tilespmem:s18+$0x0]  }
0x192: {  	v63 =	vor.u32 v27, v38;
	v50 =	vld [tilespmem:s26+$0x0]  }
0x193: {  	s30 =	sor.u32 $0xC30, s5;
	[tilespmem:v59+s20+$0x0] =	vst.idx.msk $0xffff, v52  }
0x194: {  	s8 =	sor.u32 $0xC30, s2;
	v57 =	vor.u32 v28, v34;
	[tilespmem:v60+s20+$0x0] =	vst.idx.msk $0xffff, v47;
	v52 =	vld [tilespmem:s30+$0x0]  }
0x195: {  	s9 =	sor.u32 $0xC30, s0;
	[tilespmem:v61+s20+$0x0] =	vst.idx.msk $0xffff, v54;
	v47 =	vld [tilespmem:s8+$0x0];
	v58 =	vor.u32 v28, v35  }
0x196: {  	s11 =	sor.u32 $0xC30, s6;
	v59 =	vor.u32 v28, v36;
	v54 =	vld [tilespmem:s9+$0x0];
	[tilespmem:v62+s20+$0x0] =	vst.idx.msk $0xffff, v46  }
0x197: {  	s12 =	sor.u32 $0xC30, s3;
	v60 =	vor.u32 v28, v37;
	[tilespmem:v63+s20+$0x0] =	vst.idx.msk $0xffff, v50;
	v46 =	vld [tilespmem:s11+$0x0]  }
0x198: {  	v61 =	vor.u32 v28, v38;
	v50 =	vld [tilespmem:s12+$0x0]  }
0x199: {  	s13 =	sor.u32 $0xC40, s5;
	[tilespmem:v57+s20+$0x0] =	vst.idx.msk $0xffff, v52  }
0x19a: {  	s14 =	sor.u32 $0xC40, s2;
	v62 =	vor.u32 v29, v34;
	[tilespmem:v58+s20+$0x0] =	vst.idx.msk $0xffff, v47;
	v52 =	vld [tilespmem:s13+$0x0]  }
0x19b: {  	v49 =	vor.u32 v29, v35;
	s15 =	sor.u32 $0xC40, s0;
	[tilespmem:v59+s20+$0x0] =	vst.idx.msk $0xffff, v54;
	v47 =	vld [tilespmem:s14+$0x0]  }
0x19c: {  	v56 =	vor.u32 v29, v36;
	s16 =	sor.u32 $0xC40, s6;
	v63 =	vld [tilespmem:s15+$0x0];
	[tilespmem:v60+s20+$0x0] =	vst.idx.msk $0xffff, v46  }
0x19d: {  	s17 =	sor.u32 $0xC40, s3;
	v58 =	vor.u32 v29, v37;
	[tilespmem:v61+s20+$0x0] =	vst.idx.msk $0xffff, v50;
	v57 =	vld [tilespmem:s16+$0x0]  }
0x19e: {  	[tilespmem:v45+s20+$0x0] =	vst.idx.msk $0xffff, v44;
	v60 =	vor.u32 v29, v38;
	v59 =	vld [tilespmem:s17+$0x0]  }
0x19f: {  	s18 =	sor.u32 $0xC50, s5;
	[tilespmem:v62+s20+$0x0] =	vst.idx.msk $0xffff, v52  }
0x1a0: {  	s26 =	sor.u32 $0xC50, s2;
	v62 =	vor.u32 v30, v34;
	[tilespmem:v49+s20+$0x0] =	vst.idx.msk $0xffff, v47;
	v61 =	vld [tilespmem:s18+$0x0]  }
0x1a1: {  	s30 =	sor.u32 $0xC50, s0;
	[tilespmem:v56+s20+$0x0] =	vst.idx.msk $0xffff, v63;
	v63 =	vor.u32 v30, v35;
	v46 =	vld [tilespmem:s26+$0x0]  }
0x1a2: {  	s9 =	sor.u32 $0xC50, s6;
	v56 =	vor.u32 v30, v36;
	v48 =	vld [tilespmem:s30+$0x0];
	[tilespmem:v58+s20+$0x0] =	vst.idx.msk $0xffff, v57  }
0x1a3: {  	s11 =	sor.u32 $0xC50, s3;
	v57 =	vor.u32 v30, v37;
	[tilespmem:v60+s20+$0x0] =	vst.idx.msk $0xffff, v59;
	v50 =	vld [tilespmem:s9+$0x0]  }
0x1a4: {  	[tilespmem:v42+s20+$0x0] =	vst.idx.msk $0xffff, v43;
	v59 =	vor.u32 v30, v38;
	v58 =	vld [tilespmem:s11+$0x0]  }
0x1a5: {  	s12 =	sor.u32 $0xC60, s5;
	[tilespmem:v62+s20+$0x0] =	vst.idx.msk $0xffff, v61;
	v62 =	vld [tilespmem:s10+$0x0]  }
0x1a6: {  	s13 =	sor.u32 $0xC60, s2;
	v61 =	vor.u32 v31, v34;
	[tilespmem:v63+s20+$0x0] =	vst.idx.msk $0xffff, v46;
	v60 =	vld [tilespmem:s12+$0x0]  }
0x1a7: {  	s14 =	sor.u32 $0xC60, s0;
	[tilespmem:v56+s20+$0x0] =	vst.idx.msk $0xffff, v48;
	v63 =	vor.u32 v31, v35;
	v46 =	vld [tilespmem:s13+$0x0]  }
0x1a8: {  	s15 =	sor.u32 $0xC60, s6;
	v48 =	vld [tilespmem:s14+$0x0];
	[tilespmem:v57+s20+$0x0] =	vst.idx.msk $0xffff, v50  }
0x1a9: {  	s16 =	sor.u32 $0xC60, s3;
	v50 =	vor.u32 v31, v37;
	[tilespmem:v59+s20+$0x0] =	vst.idx.msk $0xffff, v58;
	v49 =	vld [tilespmem:s15+$0x0]  }
0x1aa: {  	s17 =	sor.u32 $0xC70, s31;
	[tilespmem:v41+s20+$0x0] =	vst.idx.msk $0xffff, v62;
	v51 =	vld [tilespmem:s16+$0x0]  }
0x1ab: {  	v33 =	vor.u32 v32, v33;
	s5 =	sor.u32 $0xC70, s5;
	[tilespmem:v61+s20+$0x0] =	vst.idx.msk $0xffff, v60;
	v55 =	vld [tilespmem:s17+$0x0]  }
0x1ac: {  	v54 =	vor.u32 v32, v34;
	s2 =	sor.u32 $0xC70, s2;
	[tilespmem:v63+s20+$0x0] =	vst.idx.msk $0xffff, v46;
	v53 =	vld [tilespmem:s5+$0x0]  }
0x1ad: {  	s0 =	sor.u32 $0xC70, s0;
	[tilespmem:v40+s20+$0x0] =	vst.idx.msk $0xffff, v48;
	v57 =	vor.u32 v32, v35;
	v56 =	vld [tilespmem:s2+$0x0]  }
0x1ae: {  	s18 =	sor.u32 $0xC70, s6;
	v58 =	vor.u32 v32, v36;
	v59 =	vld [tilespmem:s0+$0x0];
	[tilespmem:v50+s20+$0x0] =	vst.idx.msk $0xffff, v49  }
0x1af: {  	s26 =	sor.u32 $0xC70, s3;
	v61 =	vor.u32 v32, v37;
	[tilespmem:v39+s20+$0x0] =	vst.idx.msk $0xffff, v51;
	v60 =	vld [tilespmem:s18+$0x0]  }
0x1b0: {  	v62 =	vor.u32 v32, v38;
	[tilespmem:v33+s20+$0x0] =	vst.idx.msk $0xffff, v55;
	v63 =	vld [tilespmem:s26+$0x0]  }
0x1b1: {  	[tilespmem:v54+s20+$0x0] =	vst.idx.msk $0xffff, v53  }
0x1b2: {  	[tilespmem:v57+s20+$0x0] =	vst.idx.msk $0xffff, v56  }
0x1b3: {  	p1 =	sne.s32 s28, $0x3;
	[tilespmem:v58+s20+$0x0] =	vst.idx.msk $0xffff, v59  }
.Ltmp3:
0x1b4: {  	[tilespmem:v61+s20+$0x0] =	vst.idx.msk $0xffff, v60;
	(pc) =	sbr.rel @p1 .LBB2_6-.Ltmp3, $4  }
0x1b5: {  	[tilespmem:v62+s20+$0x0] =	vst.idx.msk $0xffff, v63  }
0x1b6: {  	s30 =	sshll.u32 s28, $0xD;
	s31 =	rddreg [dreg:$0x8]  }
0x1b7: {  	s0 =	sadd.s32 s30, s31  }
0x1b8: {  	[hbm4b:s0+s4] =	stream.linear.scatter [tilespmem:s20], [sflag:$0x5], $0x4000, $0x38;
	[tilespmem:$0x18000] =	vst v63  }
.Ltmp4:
0x1b9: {  	(pc) =	sbr.rel .LBB2_7-.Ltmp4, $4  }
0x1ba: {  	_ = 	snop  }
0x1bb: {  	_ =	swait.ge [sflag:s21], $0x4000  }
0x1bc: {  	[sflag:s21] =	ssyncset.done $0x0  }
0x1bd: {  	[sflag:s21] =	ssyncadd.s32 $0xFFFFC000  }
.LBB2_6:
0x1be: {  	s0 =	rddreg [dreg:$0x9]  }
0x1bf: {  	s0 =	sadd.s32 s29, s0  }
0x1c0: {  	s0 =	sshll.u32 s0, $0x6  }
.Ltmp5:
0x1c1: {  	s0 =	sadd.s32 s1, s0;
	(pc) =	sbr.rel @p0 .LBB2_8-.Ltmp5, $4  }
0x1c2: {  	[tilespmem:s4], [sflag:$0x1] =	stream.linear.gather [hbm4b:s0+s4], $0x4000, $0x38;
	[tilespmem:$0x18000] =	vst v63  }
0x1c3: {  	_ =	swait.ge [sflag:s21], $0x4000  }
0x1c4: {  	[sflag:s21] =	ssyncset.done $0x0  }
0x1c5: {  	[sflag:s21] =	ssyncadd.s32 $0xFFFFC000  }
.LBB2_7:
0x1c6: {  	_ =	swait.ge [sflag:s22], $0x4000  }
0x1c7: {  	[sflag:s22] =	ssyncset.done $0x0  }
0x1c8: {  	[sflag:s22] =	ssyncadd.s32 $0xFFFFC000  }
.LBB2_8:
0x1c9: {  	s0 =	simm.s32 $0x4;
	s3 =	simm.s32 $0x0  }
0x1ca: {  	s2 =	simm.s32 $0x80;
	s5 =	sand.u32 $0x3000, s3;
	v33 =	vmov s0  }
0x1cb: {  	s2 =	sand.u32 $0x380, s2;
	s26 =	sor.u32 $0x4000, s5;
	v33 =	vshll.u32 v33, $0x7  }
0x1cc: {  	s5 =	sor.u32 s2, s26;
	v41 =	vor.u32 v1, v33  }
0x1cd: {  	v33 =	vor.u32 v0, v41;
	v34 =	vld [tilespmem:s5+$0x0];
	_ =	sdelay $0x4  }
0x1ce: {  	[tilespmem:v33+s23+$0x0] =	vst.idx.msk $0xffff, v34  }
0x1cf: {  	v55 =	vor.u32 v2, v41;
	v34 =	vld [tilespmem:s5+$0x10];
	_ =	sdelay $0x4  }
0x1d0: {  	[tilespmem:v55+s23+$0x0] =	vst.idx.msk $0xffff, v34  }
0x1d1: {  	v56 =	vor.u32 v3, v41;
	v34 =	vld [tilespmem:s5+$0x20];
	_ =	sdelay $0x4  }
0x1d2: {  	[tilespmem:v56+s23+$0x0] =	vst.idx.msk $0xffff, v34  }
0x1d3: {  	v57 =	vor.u32 v4, v41;
	v34 =	vld [tilespmem:s5+$0x30];
	_ =	sdelay $0x4  }
0x1d4: {  	[tilespmem:v57+s23+$0x0] =	vst.idx.msk $0xffff, v34  }
0x1d5: {  	v58 =	vor.u32 v5, v41;
	v34 =	vld [tilespmem:s5+$0x40];
	_ =	sdelay $0x4  }
0x1d6: {  	[tilespmem:v58+s23+$0x0] =	vst.idx.msk $0xffff, v34  }
0x1d7: {  	v59 =	vor.u32 v6, v41;
	v33 =	vld [tilespmem:s5+$0x50];
	_ =	sdelay $0x4  }
0x1d8: {  	[tilespmem:v59+s23+$0x0] =	vst.idx.msk $0xffff, v33  }
0x1d9: {  	v60 =	vor.u32 v7, v41;
	v33 =	vld [tilespmem:s5+$0x60];
	_ =	sdelay $0x4  }
0x1da: {  	[tilespmem:v60+s23+$0x0] =	vst.idx.msk $0xffff, v33  }
0x1db: {  	v61 =	vor.u32 v8, v41;
	v33 =	vld [tilespmem:s5+$0x70];
	_ =	sdelay $0x4  }
0x1dc: {  	[tilespmem:v61+s23+$0x0] =	vst.idx.msk $0xffff, v33  }
0x1dd: {  	s6 =	simm.s32 $0x0;
	v62 =	vor.u32 v9, v41;
	v33 =	vld [tilespmem:s5+$0x400]  }
0x1de: {  	s7 =	simm.s32 $0x0;
	v35 =	vmov s6  }
0x1df: {  	v35 =	vshll.u32 v35, $0x7;
	s2 =	sand.u32 $0x300, s7  }
0x1e0: {  	v42 =	vor.u32 v1, v35;
	s15 =	sor.u32 s2, s26  }
0x1e1: {  	v36 =	vor.u32 v0, v42;
	v63 =	vld [tilespmem:s15+$0x0]  }
0x1e2: {  	[tilespmem:v62+s23+$0x0] =	vst.idx.msk $0xffff, v33  }
0x1e3: {  	v40 =	vor.u32 v10, v41;
	v33 =	vld [tilespmem:s5+$0x410];
	_ =	sdelay $0x2  }
0x1e4: {  	[tilespmem:v36+s23+$0x0] =	vst.idx.msk $0xffff, v63  }
0x1e5: {  	s8 =	simm.s32 $0xC;
	s30 =	simm.s32 $0x400;
	v43 =	vor.u32 v2, v42;
	v35 =	vld [tilespmem:s15+$0x10]  }
0x1e6: {  	s9 =	sand.u32 $0x3000, s30;
	s6 =	simm.s32 $0x180;
	v37 =	vmov s8;
	[tilespmem:v40+s23+$0x0] =	vst.idx.msk $0xffff, v33  }
0x1e7: {  	s10 =	sor.u32 $0x4000, s9;
	v44 =	vshll.u32 v37, $0x7;
	s11 =	sand.u32 $0x380, s6;
	v45 =	vor.u32 v11, v41;
	v34 =	vld [tilespmem:s5+$0x420]  }
0x1e8: {  	s11 =	sor.u32 s11, s10;
	v33 =	vor.u32 v1, v44  }
0x1e9: {  	v39 =	vld [tilespmem:s11+$0x0];
	v38 =	vor.u32 v0, v33  }
0x1ea: {  	[tilespmem:v43+s23+$0x0] =	vst.idx.msk $0xffff, v35  }
0x1eb: {  	v46 =	vor.u32 v3, v42;
	v35 =	vld [tilespmem:s15+$0x20]  }
0x1ec: {  	[tilespmem:v45+s23+$0x0] =	vst.idx.msk $0xffff, v34  }
0x1ed: {  	v47 =	vor.u32 v12, v41;
	v34 =	vld [tilespmem:s5+$0x430]  }
0x1ee: {  	[tilespmem:v38+s23+$0x0] =	vst.idx.msk $0xffff, v39  }
0x1ef: {  	v48 =	vor.u32 v2, v33;
	v39 =	vld [tilespmem:s11+$0x10]  }
0x1f0: {  	[tilespmem:v46+s23+$0x0] =	vst.idx.msk $0xffff, v35  }
0x1f1: {  	v49 =	vor.u32 v4, v42;
	v35 =	vld [tilespmem:s15+$0x30]  }
0x1f2: {  	[tilespmem:v47+s23+$0x0] =	vst.idx.msk $0xffff, v34  }
0x1f3: {  	v50 =	vor.u32 v13, v41;
	v34 =	vld [tilespmem:s5+$0x440]  }
0x1f4: {  	[tilespmem:v48+s23+$0x0] =	vst.idx.msk $0xffff, v39  }
0x1f5: {  	v51 =	vor.u32 v3, v33;
	v39 =	vld [tilespmem:s11+$0x20]  }
0x1f6: {  	[tilespmem:v49+s23+$0x0] =	vst.idx.msk $0xffff, v35  }
0x1f7: {  	v52 =	vor.u32 v5, v42;
	v35 =	vld [tilespmem:s15+$0x40]  }
0x1f8: {  	[tilespmem:v50+s23+$0x0] =	vst.idx.msk $0xffff, v34  }
0x1f9: {  	v53 =	vor.u32 v14, v41;
	v34 =	vld [tilespmem:s5+$0x450]  }
0x1fa: {  	[tilespmem:v51+s23+$0x0] =	vst.idx.msk $0xffff, v39  }
0x1fb: {  	v54 =	vor.u32 v4, v33;
	v39 =	vld [tilespmem:s11+$0x30]  }
0x1fc: {  	[tilespmem:v52+s23+$0x0] =	vst.idx.msk $0xffff, v35  }
0x1fd: {  	v55 =	vor.u32 v6, v42;
	v35 =	vld [tilespmem:s15+$0x50]  }
0x1fe: {  	[tilespmem:v53+s23+$0x0] =	vst.idx.msk $0xffff, v34  }
0x1ff: {  	v56 =	vor.u32 v15, v41;
	v34 =	vld [tilespmem:s5+$0x460]  }
0x200: {  	[tilespmem:v54+s23+$0x0] =	vst.idx.msk $0xffff, v39  }
0x201: {  	v57 =	vor.u32 v5, v33;
	v39 =	vld [tilespmem:s11+$0x40]  }
0x202: {  	[tilespmem:v55+s23+$0x0] =	vst.idx.msk $0xffff, v35  }
0x203: {  	v58 =	vor.u32 v7, v42;
	v35 =	vld [tilespmem:s15+$0x60]  }
0x204: {  	[tilespmem:v56+s23+$0x0] =	vst.idx.msk $0xffff, v34  }
0x205: {  	v59 =	vor.u32 v16, v41;
	v34 =	vld [tilespmem:s5+$0x470]  }
0x206: {  	[tilespmem:v57+s23+$0x0] =	vst.idx.msk $0xffff, v39  }
0x207: {  	v60 =	vor.u32 v6, v33;
	v38 =	vld [tilespmem:s11+$0x50]  }
0x208: {  	[tilespmem:v58+s23+$0x0] =	vst.idx.msk $0xffff, v35  }
0x209: {  	v35 =	vld [tilespmem:s15+$0x70];
	v61 =	vor.u32 v8, v42  }
0x20a: {  	[tilespmem:v59+s23+$0x0] =	vst.idx.msk $0xffff, v34  }
0x20b: {  	v62 =	vor.u32 v17, v41;
	v34 =	vld [tilespmem:s5+$0x800]  }
0x20c: {  	[tilespmem:v60+s23+$0x0] =	vst.idx.msk $0xffff, v38  }
0x20d: {  	v63 =	vor.u32 v7, v33;
	v38 =	vld [tilespmem:s11+$0x60]  }
0x20e: {  	[tilespmem:v61+s23+$0x0] =	vst.idx.msk $0xffff, v35  }
0x20f: {  	v43 =	vor.u32 v9, v42;
	v35 =	vld [tilespmem:s15+$0x400]  }
0x210: {  	[tilespmem:v62+s23+$0x0] =	vst.idx.msk $0xffff, v34  }
0x211: {  	v44 =	vor.u32 v18, v41;
	v34 =	vld [tilespmem:s5+$0x810]  }
0x212: {  	[tilespmem:v63+s23+$0x0] =	vst.idx.msk $0xffff, v38  }
0x213: {  	v45 =	vor.u32 v8, v33;
	v38 =	vld [tilespmem:s11+$0x70]  }
0x214: {  	[tilespmem:v43+s23+$0x0] =	vst.idx.msk $0xffff, v35  }
0x215: {  	v46 =	vor.u32 v10, v42;
	v35 =	vld [tilespmem:s15+$0x410]  }
0x216: {  	[tilespmem:v44+s23+$0x0] =	vst.idx.msk $0xffff, v34  }
0x217: {  	v47 =	vor.u32 v19, v41;
	v34 =	vld [tilespmem:s5+$0x820]  }
0x218: {  	[tilespmem:v45+s23+$0x0] =	vst.idx.msk $0xffff, v38  }
0x219: {  	v48 =	vor.u32 v9, v33;
	v38 =	vld [tilespmem:s11+$0x400]  }
0x21a: {  	[tilespmem:v46+s23+$0x0] =	vst.idx.msk $0xffff, v35  }
0x21b: {  	v49 =	vor.u32 v11, v42;
	v35 =	vld [tilespmem:s15+$0x420]  }
0x21c: {  	s12 =	simm.s32 $0x8;
	[tilespmem:v47+s23+$0x0] =	vst.idx.msk $0xffff, v34  }
0x21d: {  	s13 =	simm.s32 $0x100;
	v40 =	vor.u32 v20, v41;
	v50 =	vmov s12;
	v37 =	vld [tilespmem:s5+$0x830]  }
0x21e: {  	s31 =	simm.s32 $0x800;
	s14 =	simm.s32 $0x10;
	s2 =	sand.u32 $0x300, s13;
	v34 =	vshll.u32 v50, $0x7;
	[tilespmem:v48+s23+$0x0] =	vst.idx.msk $0xffff, v38  }
0x21f: {  	s17 =	simm.s32 $0x200;
	s16 =	sand.u32 $0x3000, s31;
	s2 =	sor.u32 s2, s10;
	v52 =	vmov s14;
	v51 =	vor.u32 v10, v33;
	v34 =	vor.u32 v1, v34;
	v38 =	vld [tilespmem:s11+$0x410]  }
0x220: {  	s0 =	sand.u32 $0x300, s17;
	s6 =	sor.u32 $0x4000, s16;
	s7 =	simm.s32 $0x14;
	v43 =	vld [tilespmem:s2+$0x0];
	[tilespmem:v49+s23+$0x0] =	vst.idx.msk $0xffff, v35;
	v35 =	vshll.u32 v52, $0x7;
	v44 =	vor.u32 v0, v34  }
0x221: {  	s8 =	simm.s32 $0x280;
	s0 =	sor.u32 s0, s6;
	v55 =	vmov s7;
	v35 =	vor.u32 v1, v35;
	v53 =	vld [tilespmem:s15+$0x430];
	v54 =	vor.u32 v12, v42  }
0x222: {  	s18 =	sand.u32 $0x380, s8;
	v36 =	vshll.u32 v55, $0x7;
	v56 =	vld [tilespmem:s0+$0x0];
	v57 =	vor.u32 v0, v35;
	[tilespmem:v40+s23+$0x0] =	vst.idx.msk $0xffff, v37  }
0x223: {  	s16 =	sor.u32 s18, s6;
	v36 =	vor.u32 v1, v36;
	v46 =	vor.u32 v21, v41;
	v45 =	vld [tilespmem:s5+$0x840]  }
0x224: {  	v49 =	vor.u32 v0, v36;
	v50 =	vld [tilespmem:s16+$0x0];
	[tilespmem:v51+s23+$0x0] =	vst.idx.msk $0xffff, v38  }
0x225: {  	v59 =	vor.u32 v11, v33;
	[tilespmem:v44+s23+$0x0] =	vst.idx.msk $0xffff, v43;
	v58 =	vld [tilespmem:s11+$0x420]  }
0x226: {  	[tilespmem:v54+s23+$0x0] =	vst.idx.msk $0xffff, v53;
	v48 =	vor.u32 v2, v34;
	v47 =	vld [tilespmem:s2+$0x10]  }
0x227: {  	[tilespmem:v57+s23+$0x0] =	vst.idx.msk $0xffff, v56;
	v60 =	vor.u32 v13, v42;
	v37 =	vld [tilespmem:s15+$0x440]  }
0x228: {  	v62 =	vor.u32 v2, v35;
	v38 =	vld [tilespmem:s0+$0x10];
	[tilespmem:v46+s23+$0x0] =	vst.idx.msk $0xffff, v45  }
0x229: {  	v61 =	vor.u32 v22, v41;
	[tilespmem:v49+s23+$0x0] =	vst.idx.msk $0xffff, v50;
	v45 =	vld [tilespmem:s5+$0x850]  }
0x22a: {  	v53 =	vor.u32 v2, v36;
	v50 =	vld [tilespmem:s16+$0x10];
	[tilespmem:v59+s23+$0x0] =	vst.idx.msk $0xffff, v58  }
0x22b: {  	v63 =	vor.u32 v12, v33;
	[tilespmem:v48+s23+$0x0] =	vst.idx.msk $0xffff, v47;
	v43 =	vld [tilespmem:s11+$0x430]  }
0x22c: {  	v52 =	vor.u32 v3, v34;
	[tilespmem:v60+s23+$0x0] =	vst.idx.msk $0xffff, v37;
	v47 =	vld [tilespmem:s2+$0x20]  }
0x22d: {  	v54 =	vor.u32 v14, v42;
	[tilespmem:v62+s23+$0x0] =	vst.idx.msk $0xffff, v38;
	v37 =	vld [tilespmem:s15+$0x450]  }
0x22e: {  	v56 =	vor.u32 v3, v35;
	v38 =	vld [tilespmem:s0+$0x20];
	[tilespmem:v61+s23+$0x0] =	vst.idx.msk $0xffff, v45  }
0x22f: {  	v55 =	vor.u32 v23, v41;
	[tilespmem:v53+s23+$0x0] =	vst.idx.msk $0xffff, v50;
	v45 =	vld [tilespmem:s5+$0x860]  }
0x230: {  	v59 =	vor.u32 v3, v36;
	v50 =	vld [tilespmem:s16+$0x20];
	[tilespmem:v63+s23+$0x0] =	vst.idx.msk $0xffff, v43  }
0x231: {  	v57 =	vor.u32 v13, v33;
	[tilespmem:v52+s23+$0x0] =	vst.idx.msk $0xffff, v47;
	v43 =	vld [tilespmem:s11+$0x440]  }
0x232: {  	v58 =	vor.u32 v4, v34;
	[tilespmem:v54+s23+$0x0] =	vst.idx.msk $0xffff, v37;
	v47 =	vld [tilespmem:s2+$0x30]  }
0x233: {  	v60 =	vor.u32 v15, v42;
	[tilespmem:v56+s23+$0x0] =	vst.idx.msk $0xffff, v38;
	v37 =	vld [tilespmem:s15+$0x460]  }
0x234: {  	v62 =	vor.u32 v4, v35;
	v38 =	vld [tilespmem:s0+$0x30];
	[tilespmem:v55+s23+$0x0] =	vst.idx.msk $0xffff, v45  }
0x235: {  	[tilespmem:v59+s23+$0x0] =	vst.idx.msk $0xffff, v50;
	v61 =	vor.u32 v24, v41;
	v45 =	vld [tilespmem:s5+$0x870]  }
0x236: {  	v53 =	vor.u32 v4, v36;
	v50 =	vld [tilespmem:s16+$0x30];
	[tilespmem:v57+s23+$0x0] =	vst.idx.msk $0xffff, v43  }
0x237: {  	s26 =	sand.u32 $0x7, s3;
	v63 =	vor.u32 v14, v33;
	[tilespmem:v58+s23+$0x0] =	vst.idx.msk $0xffff, v47;
	v43 =	vld [tilespmem:s11+$0x450]  }
0x238: {  	v52 =	vor.u32 v5, v34;
	[tilespmem:v60+s23+$0x0] =	vst.idx.msk $0xffff, v37;
	s5 =	sshll.u32 s26, $0x7;
	v47 =	vld [tilespmem:s2+$0x40]  }
0x239: {  	v54 =	vor.u32 v16, v42;
	[tilespmem:v62+s23+$0x0] =	vst.idx.msk $0xffff, v38;
	v37 =	vld [tilespmem:s15+$0x470];
	s26 =	sadd.s32 $0x80, s5  }
0x23a: {  	v56 =	vor.u32 v5, v35;
	v38 =	vld [tilespmem:s0+$0x40];
	s5 =	sor.u32 $0xC00, s26;
	[tilespmem:v61+s23+$0x0] =	vst.idx.msk $0xffff, v45  }
0x23b: {  	[tilespmem:v53+s23+$0x0] =	vst.idx.msk $0xffff, v50;
	v55 =	vor.u32 v25, v41;
	v45 =	vld [tilespmem:s5+$0x4000]  }
0x23c: {  	v59 =	vor.u32 v5, v36;
	v50 =	vld [tilespmem:s16+$0x40];
	[tilespmem:v63+s23+$0x0] =	vst.idx.msk $0xffff, v43  }
0x23d: {  	v57 =	vor.u32 v15, v33;
	[tilespmem:v52+s23+$0x0] =	vst.idx.msk $0xffff, v47;
	v43 =	vld [tilespmem:s11+$0x460]  }
0x23e: {  	v58 =	vor.u32 v6, v34;
	[tilespmem:v54+s23+$0x0] =	vst.idx.msk $0xffff, v37;
	v47 =	vld [tilespmem:s2+$0x50]  }
0x23f: {  	v60 =	vor.u32 v17, v42;
	[tilespmem:v56+s23+$0x0] =	vst.idx.msk $0xffff, v38;
	v37 =	vld [tilespmem:s15+$0x800]  }
0x240: {  	v62 =	vor.u32 v6, v35;
	s6 =	sor.u32 $0xC10, s26;
	v38 =	vld [tilespmem:s0+$0x50];
	[tilespmem:v55+s23+$0x0] =	vst.idx.msk $0xffff, v45  }
0x241: {  	[tilespmem:v59+s23+$0x0] =	vst.idx.msk $0xffff, v50;
	v61 =	vor.u32 v26, v41;
	v45 =	vld [tilespmem:s6+$0x4000]  }
0x242: {  	v53 =	vor.u32 v6, v36;
	v49 =	vld [tilespmem:s16+$0x50];
	[tilespmem:v57+s23+$0x0] =	vst.idx.msk $0xffff, v43  }
0x243: {  	v63 =	vor.u32 v16, v33;
	[tilespmem:v58+s23+$0x0] =	vst.idx.msk $0xffff, v47;
	v43 =	vld [tilespmem:s11+$0x470]  }
0x244: {  	v52 =	vor.u32 v7, v34;
	[tilespmem:v60+s23+$0x0] =	vst.idx.msk $0xffff, v37;
	v47 =	vld [tilespmem:s2+$0x60]  }
0x245: {  	v54 =	vor.u32 v18, v42;
	[tilespmem:v62+s23+$0x0] =	vst.idx.msk $0xffff, v38;
	v37 =	vld [tilespmem:s15+$0x810]  }
0x246: {  	s7 =	sor.u32 $0xC20, s26;
	v56 =	vor.u32 v7, v35;
	v38 =	vld [tilespmem:s0+$0x60];
	[tilespmem:v61+s23+$0x0] =	vst.idx.msk $0xffff, v45  }
0x247: {  	[tilespmem:v53+s23+$0x0] =	vst.idx.msk $0xffff, v49;
	v55 =	vor.u32 v27, v41;
	v45 =	vld [tilespmem:s7+$0x4000]  }
0x248: {  	v59 =	vor.u32 v7, v36;
	v49 =	vld [tilespmem:s16+$0x60];
	[tilespmem:v63+s23+$0x0] =	vst.idx.msk $0xffff, v43  }
0x249: {  	v57 =	vor.u32 v17, v33;
	[tilespmem:v52+s23+$0x0] =	vst.idx.msk $0xffff, v47;
	v43 =	vld [tilespmem:s11+$0x800]  }
0x24a: {  	v58 =	vor.u32 v8, v34;
	[tilespmem:v54+s23+$0x0] =	vst.idx.msk $0xffff, v37;
	v47 =	vld [tilespmem:s2+$0x70]  }
0x24b: {  	v60 =	vor.u32 v19, v42;
	[tilespmem:v56+s23+$0x0] =	vst.idx.msk $0xffff, v38;
	v37 =	vld [tilespmem:s15+$0x820]  }
0x24c: {  	s8 =	sor.u32 $0xC30, s26;
	v62 =	vor.u32 v8, v35;
	v38 =	vld [tilespmem:s0+$0x70];
	[tilespmem:v55+s23+$0x0] =	vst.idx.msk $0xffff, v45  }
0x24d: {  	[tilespmem:v59+s23+$0x0] =	vst.idx.msk $0xffff, v49;
	v61 =	vor.u32 v28, v41;
	v45 =	vld [tilespmem:s8+$0x4000]  }
0x24e: {  	v53 =	vor.u32 v8, v36;
	v49 =	vld [tilespmem:s16+$0x70];
	[tilespmem:v57+s23+$0x0] =	vst.idx.msk $0xffff, v43  }
0x24f: {  	v63 =	vor.u32 v18, v33;
	[tilespmem:v58+s23+$0x0] =	vst.idx.msk $0xffff, v47;
	v43 =	vld [tilespmem:s11+$0x810]  }
0x250: {  	v52 =	vor.u32 v9, v34;
	[tilespmem:v60+s23+$0x0] =	vst.idx.msk $0xffff, v37;
	v47 =	vld [tilespmem:s2+$0x400]  }
0x251: {  	v54 =	vor.u32 v20, v42;
	[tilespmem:v62+s23+$0x0] =	vst.idx.msk $0xffff, v38;
	v37 =	vld [tilespmem:s15+$0x830]  }
0x252: {  	s9 =	sor.u32 $0xC40, s26;
	v56 =	vor.u32 v9, v35;
	v38 =	vld [tilespmem:s0+$0x400];
	[tilespmem:v61+s23+$0x0] =	vst.idx.msk $0xffff, v45  }
0x253: {  	[tilespmem:v53+s23+$0x0] =	vst.idx.msk $0xffff, v49;
	v55 =	vor.u32 v29, v41;
	v45 =	vld [tilespmem:s9+$0x4000]  }
0x254: {  	v59 =	vor.u32 v9, v36;
	v49 =	vld [tilespmem:s16+$0x400];
	[tilespmem:v63+s23+$0x0] =	vst.idx.msk $0xffff, v43  }
0x255: {  	v57 =	vor.u32 v19, v33;
	[tilespmem:v52+s23+$0x0] =	vst.idx.msk $0xffff, v47;
	v43 =	vld [tilespmem:s11+$0x820]  }
0x256: {  	v58 =	vor.u32 v10, v34;
	[tilespmem:v54+s23+$0x0] =	vst.idx.msk $0xffff, v37;
	v47 =	vld [tilespmem:s2+$0x410]  }
0x257: {  	v60 =	vor.u32 v21, v42;
	[tilespmem:v56+s23+$0x0] =	vst.idx.msk $0xffff, v38;
	v37 =	vld [tilespmem:s15+$0x840]  }
0x258: {  	s10 =	sor.u32 $0xC50, s26;
	v62 =	vor.u32 v10, v35;
	v38 =	vld [tilespmem:s0+$0x410];
	[tilespmem:v55+s23+$0x0] =	vst.idx.msk $0xffff, v45  }
0x259: {  	[tilespmem:v59+s23+$0x0] =	vst.idx.msk $0xffff, v49;
	v61 =	vor.u32 v30, v41;
	v45 =	vld [tilespmem:s10+$0x4000]  }
0x25a: {  	v49 =	vld [tilespmem:s16+$0x410];
	[tilespmem:v57+s23+$0x0] =	vst.idx.msk $0xffff, v43;
	v55 =	vor.u32 v10, v36  }
0x25b: {  	v63 =	vor.u32 v20, v33;
	[tilespmem:v58+s23+$0x0] =	vst.idx.msk $0xffff, v47;
	v43 =	vld [tilespmem:s11+$0x830]  }
0x25c: {  	s13 =	simm.s32 $0x18;
	s7 =	simm.s32 $0xC00;
	v54 =	vor.u32 v11, v34;
	[tilespmem:v60+s23+$0x0] =	vst.idx.msk $0xffff, v37;
	v47 =	vld [tilespmem:s2+$0x420]  }
0x25d: {  	s17 =	simm.s32 $0x300;
	s14 =	sand.u32 $0x3000, s7;
	v56 =	vor.u32 v22, v42;
	v59 =	vmov s13;
	[tilespmem:v62+s23+$0x0] =	vst.idx.msk $0xffff, v38;
	v40 =	vld [tilespmem:s15+$0x850]  }
0x25e: {  	v51 =	vor.u32 v11, v35;
	s12 =	sor.u32 $0xC60, s26;
	s6 =	sand.u32 $0x300, s17;
	s5 =	sor.u32 $0x4000, s14;
	v37 =	vshll.u32 v59, $0x7;
	v39 =	vld [tilespmem:s0+$0x420];
	[tilespmem:v61+s23+$0x0] =	vst.idx.msk $0xffff, v45  }
0x25f: {  	s8 =	sor.u32 s6, s5;
	v57 =	vor.u32 v31, v41;
	v37 =	vor.u32 v1, v37;
	[tilespmem:v55+s23+$0x0] =	vst.idx.msk $0xffff, v49;
	v58 =	vld [tilespmem:s12+$0x4000]  }
0x260: {  	v52 =	vor.u32 v0, v37;
	[tilespmem:v63+s23+$0x0] =	vst.idx.msk $0xffff, v43;
	v61 =	vld [tilespmem:s8+$0x0]  }
0x261: {  	v44 =	vor.u32 v21, v33;
	s9 =	simm.s32 $0x1C;
	[tilespmem:v54+s23+$0x0] =	vst.idx.msk $0xffff, v47;
	v43 =	vld [tilespmem:s11+$0x840]  }
0x262: {  	v48 =	vor.u32 v12, v34;
	s6 =	simm.s32 $0x380;
	v60 =	vmov s9;
	[tilespmem:v56+s23+$0x0] =	vst.idx.msk $0xffff, v40;
	v47 =	vld [tilespmem:s2+$0x430]  }
0x263: {  	s18 =	sand.u32 $0x380, s6;
	v62 =	vshll.u32 v60, $0x7;
	[tilespmem:v51+s23+$0x0] =	vst.idx.msk $0xffff, v39;
	v45 =	vld [tilespmem:s15+$0x860];
	v63 =	vor.u32 v23, v42  }
0x264: {  	s9 =	sor.u32 s18, s5;
	v38 =	vor.u32 v1, v62;
	v56 =	vld [tilespmem:s16+$0x420];
	[tilespmem:v57+s23+$0x0] =	vst.idx.msk $0xffff, v58;
	v57 =	vor.u32 v11, v36  }
0x265: {  	v59 =	vld [tilespmem:s9+$0x0];
	[tilespmem:v52+s23+$0x0] =	vst.idx.msk $0xffff, v61;
	v58 =	vor.u32 v0, v38  }
0x266: {  	v62 =	vor.u32 v2, v37;
	[tilespmem:v44+s23+$0x0] =	vst.idx.msk $0xffff, v43;
	v50 =	vld [tilespmem:s8+$0x10]  }
0x267: {  	v60 =	vor.u32 v22, v33;
	[tilespmem:v48+s23+$0x0] =	vst.idx.msk $0xffff, v47;
	v43 =	vld [tilespmem:s11+$0x850]  }
0x268: {  	v61 =	vor.u32 v13, v34;
	[tilespmem:v63+s23+$0x0] =	vst.idx.msk $0xffff, v45;
	v47 =	vld [tilespmem:s2+$0x440]  }
0x269: {  	v63 =	vld [tilespmem:s15+$0x870];
	[tilespmem:v57+s23+$0x0] =	vst.idx.msk $0xffff, v56;
	v56 =	vor.u32 v24, v42  }
0x26a: {  	[tilespmem:v58+s23+$0x0] =	vst.idx.msk $0xffff, v59;
	v58 =	vor.u32 v12, v36;
	v57 =	vld [tilespmem:s16+$0x430]  }
0x26b: {  	s3 =	sand.u32 $0x3, s3;
	v59 =	vor.u32 v2, v38;
	[tilespmem:v62+s23+$0x0] =	vst.idx.msk $0xffff, v50;
	v51 =	vld [tilespmem:s9+$0x10]  }
0x26c: {  	s3 =	sshll.u32 s3, $0x8;
	v62 =	vor.u32 v3, v37;
	[tilespmem:v60+s23+$0x0] =	vst.idx.msk $0xffff, v43;
	v50 =	vld [tilespmem:s8+$0x20]  }
0x26d: {  	s3 =	sadd.s32 $0x0, s3;
	v60 =	vor.u32 v23, v33;
	[tilespmem:v61+s23+$0x0] =	vst.idx.msk $0xffff, v47;
	v43 =	vld [tilespmem:s11+$0x860]  }
0x26e: {  	s10 =	sor.u32 $0xC00, s3;
	v61 =	vor.u32 v14, v34;
	v47 =	vld [tilespmem:s2+$0x450];
	[tilespmem:v56+s23+$0x0] =	vst.idx.msk $0xffff, v63  }
0x26f: {  	v63 =	vor.u32 v25, v42;
	[tilespmem:v58+s23+$0x0] =	vst.idx.msk $0xffff, v57;
	v39 =	vld [tilespmem:s10+$0x4000]  }
0x270: {  	v56 =	vor.u32 v13, v36;
	[tilespmem:v59+s23+$0x0] =	vst.idx.msk $0xffff, v51;
	v45 =	vld [tilespmem:s16+$0x440]  }
0x271: {  	v57 =	vor.u32 v3, v38;
	[tilespmem:v62+s23+$0x0] =	vst.idx.msk $0xffff, v50;
	v51 =	vld [tilespmem:s9+$0x20]  }
0x272: {  	[tilespmem:v60+s23+$0x0] =	vst.idx.msk $0xffff, v43;
	v50 =	vld [tilespmem:s8+$0x30];
	v60 =	vor.u32 v4, v37  }
0x273: {  	v58 =	vor.u32 v24, v33;
	[tilespmem:v61+s23+$0x0] =	vst.idx.msk $0xffff, v47;
	v43 =	vld [tilespmem:s11+$0x870]  }
0x274: {  	s15 =	simm.s32 $0x2;
	v59 =	vor.u32 v15, v34;
	s10 =	sor.u32 $0xC10, s3;
	v47 =	vld [tilespmem:s2+$0x460];
	[tilespmem:v63+s23+$0x0] =	vst.idx.msk $0xffff, v39  }
0x275: {  	s11 =	sand.u32 $0x7, s15;
	v61 =	vor.u32 v26, v42;
	[tilespmem:v56+s23+$0x0] =	vst.idx.msk $0xffff, v45;
	v39 =	vld [tilespmem:s10+$0x4000]  }
0x276: {  	v62 =	vor.u32 v14, v36;
	s5 =	sshll.u32 s11, $0x7;
	[tilespmem:v57+s23+$0x0] =	vst.idx.msk $0xffff, v51;
	v45 =	vld [tilespmem:s16+$0x450]  }
0x277: {  	s17 =	sadd.s32 $0x480, s5;
	v63 =	vor.u32 v4, v38;
	[tilespmem:v60+s23+$0x0] =	vst.idx.msk $0xffff, v50;
	v51 =	vld [tilespmem:s9+$0x30]  }
0x278: {  	s5 =	sor.u32 $0xC00, s17;
	[tilespmem:v58+s23+$0x0] =	vst.idx.msk $0xffff, v43;
	v50 =	vld [tilespmem:s8+$0x40];
	v58 =	vor.u32 v5, v37  }
0x279: {  	v56 =	vor.u32 v25, v33;
	[tilespmem:v59+s23+$0x0] =	vst.idx.msk $0xffff, v47;
	v43 =	vld [tilespmem:s5+$0x4000]  }
0x27a: {  	s12 =	sor.u32 $0xC20, s3;
	v57 =	vor.u32 v16, v34;
	v47 =	vld [tilespmem:s2+$0x470];
	[tilespmem:v61+s23+$0x0] =	vst.idx.msk $0xffff, v39  }
0x27b: {  	v59 =	vor.u32 v27, v42;
	[tilespmem:v62+s23+$0x0] =	vst.idx.msk $0xffff, v45;
	v39 =	vld [tilespmem:s12+$0x4000]  }
0x27c: {  	v60 =	vor.u32 v15, v36;
	[tilespmem:v63+s23+$0x0] =	vst.idx.msk $0xffff, v51;
	v45 =	vld [tilespmem:s16+$0x460]  }
0x27d: {  	v61 =	vor.u32 v5, v38;
	[tilespmem:v58+s23+$0x0] =	vst.idx.msk $0xffff, v50;
	v51 =	vld [tilespmem:s9+$0x40]  }
0x27e: {  	s13 =	sor.u32 $0xC10, s17;
	[tilespmem:v56+s23+$0x0] =	vst.idx.msk $0xffff, v43;
	v50 =	vld [tilespmem:s8+$0x50];
	v56 =	vor.u32 v6, v37  }
0x27f: {  	v62 =	vor.u32 v26, v33;
	[tilespmem:v57+s23+$0x0] =	vst.idx.msk $0xffff, v47;
	v43 =	vld [tilespmem:s13+$0x4000]  }
0x280: {  	s14 =	sor.u32 $0xC30, s3;
	v63 =	vor.u32 v17, v34;
	v47 =	vld [tilespmem:s2+$0x800];
	[tilespmem:v59+s23+$0x0] =	vst.idx.msk $0xffff, v39  }
0x281: {  	v57 =	vor.u32 v28, v42;
	[tilespmem:v60+s23+$0x0] =	vst.idx.msk $0xffff, v45;
	v39 =	vld [tilespmem:s14+$0x4000]  }
0x282: {  	v58 =	vor.u32 v16, v36;
	[tilespmem:v61+s23+$0x0] =	vst.idx.msk $0xffff, v51;
	v45 =	vld [tilespmem:s16+$0x470]  }
0x283: {  	v59 =	vor.u32 v6, v38;
	[tilespmem:v56+s23+$0x0] =	vst.idx.msk $0xffff, v50;
	v49 =	vld [tilespmem:s9+$0x50]  }
0x284: {  	s18 =	sor.u32 $0xC20, s17;
	[tilespmem:v62+s23+$0x0] =	vst.idx.msk $0xffff, v43;
	v50 =	vld [tilespmem:s8+$0x60];
	v62 =	vor.u32 v7, v37  }
0x285: {  	v60 =	vor.u32 v27, v33;
	[tilespmem:v63+s23+$0x0] =	vst.idx.msk $0xffff, v47;
	v43 =	vld [tilespmem:s18+$0x4000]  }
0x286: {  	s10 =	sor.u32 $0xC40, s3;
	v61 =	vor.u32 v18, v34;
	v47 =	vld [tilespmem:s2+$0x810];
	[tilespmem:v57+s23+$0x0] =	vst.idx.msk $0xffff, v39  }
0x287: {  	v63 =	vor.u32 v29, v42;
	[tilespmem:v58+s23+$0x0] =	vst.idx.msk $0xffff, v45;
	v39 =	vld [tilespmem:s10+$0x4000]  }
0x288: {  	v56 =	vor.u32 v17, v36;
	[tilespmem:v59+s23+$0x0] =	vst.idx.msk $0xffff, v49;
	v45 =	vld [tilespmem:s16+$0x800]  }
0x289: {  	v57 =	vor.u32 v7, v38;
	[tilespmem:v62+s23+$0x0] =	vst.idx.msk $0xffff, v50;
	v49 =	vld [tilespmem:s9+$0x60]  }
0x28a: {  	s11 =	sor.u32 $0xC30, s17;
	[tilespmem:v60+s23+$0x0] =	vst.idx.msk $0xffff, v43;
	v50 =	vld [tilespmem:s8+$0x70];
	v60 =	vor.u32 v8, v37  }
0x28b: {  	v58 =	vor.u32 v28, v33;
	[tilespmem:v61+s23+$0x0] =	vst.idx.msk $0xffff, v47;
	v43 =	vld [tilespmem:s11+$0x4000]  }
0x28c: {  	s12 =	sor.u32 $0xC50, s3;
	v59 =	vor.u32 v19, v34;
	v47 =	vld [tilespmem:s2+$0x820];
	[tilespmem:v63+s23+$0x0] =	vst.idx.msk $0xffff, v39  }
0x28d: {  	v61 =	vor.u32 v30, v42;
	[tilespmem:v56+s23+$0x0] =	vst.idx.msk $0xffff, v45;
	v39 =	vld [tilespmem:s12+$0x4000]  }
0x28e: {  	v62 =	vor.u32 v18, v36;
	[tilespmem:v57+s23+$0x0] =	vst.idx.msk $0xffff, v49;
	v45 =	vld [tilespmem:s16+$0x810]  }
0x28f: {  	v63 =	vor.u32 v8, v38;
	[tilespmem:v60+s23+$0x0] =	vst.idx.msk $0xffff, v50;
	v49 =	vld [tilespmem:s9+$0x70]  }
0x290: {  	s13 =	sor.u32 $0xC40, s17;
	[tilespmem:v58+s23+$0x0] =	vst.idx.msk $0xffff, v43;
	v50 =	vld [tilespmem:s8+$0x400];
	v58 =	vor.u32 v9, v37  }
0x291: {  	v56 =	vor.u32 v29, v33;
	[tilespmem:v59+s23+$0x0] =	vst.idx.msk $0xffff, v47;
	v43 =	vld [tilespmem:s13+$0x4000]  }
0x292: {  	s14 =	sor.u32 $0xC60, s3;
	v57 =	vor.u32 v20, v34;
	v47 =	vld [tilespmem:s2+$0x830];
	[tilespmem:v61+s23+$0x0] =	vst.idx.msk $0xffff, v39  }
0x293: {  	v59 =	vor.u32 v31, v42;
	[tilespmem:v62+s23+$0x0] =	vst.idx.msk $0xffff, v45;
	v39 =	vld [tilespmem:s14+$0x4000]  }
0x294: {  	v60 =	vor.u32 v19, v36;
	[tilespmem:v63+s23+$0x0] =	vst.idx.msk $0xffff, v49;
	v45 =	vld [tilespmem:s16+$0x820]  }
0x295: {  	v61 =	vor.u32 v9, v38;
	[tilespmem:v58+s23+$0x0] =	vst.idx.msk $0xffff, v50;
	v49 =	vld [tilespmem:s9+$0x400]  }
0x296: {  	s18 =	sor.u32 $0xC50, s17;
	[tilespmem:v56+s23+$0x0] =	vst.idx.msk $0xffff, v43  }
0x297: {  	v62 =	vor.u32 v30, v33;
	[tilespmem:v57+s23+$0x0] =	vst.idx.msk $0xffff, v47;
	v44 =	vld [tilespmem:s18+$0x4000]  }
0x298: {  	v63 =	vor.u32 v21, v34;
	v48 =	vld [tilespmem:s2+$0x840];
	[tilespmem:v59+s23+$0x0] =	vst.idx.msk $0xffff, v39  }
0x299: {  	v54 =	vor.u32 v10, v37;
	s3 =	sor.u32 $0xC70, s3;
	v53 =	vld [tilespmem:s8+$0x410];
	[tilespmem:v60+s23+$0x0] =	vst.idx.msk $0xffff, v45  }
0x29a: {  	v45 =	vld [tilespmem:s3+$0x4000];
	[tilespmem:v61+s23+$0x0] =	vst.idx.msk $0xffff, v49;
	v49 =	vor.u32 v32, v42  }
0x29b: {  	s26 =	sor.u32 $0xC70, s26;
	v50 =	vor.u32 v20, v36;
	v46 =	vld [tilespmem:s16+$0x830]  }
0x29c: {  	v40 =	vor.u32 v31, v36;
	v47 =	vld [tilespmem:s26+$0x4000];
	[tilespmem:v62+s23+$0x0] =	vst.idx.msk $0xffff, v44;
	v44 =	vor.u32 v32, v41  }
0x29d: {  	v52 =	vor.u32 v22, v34;
	s5 =	sor.u32 $0xC60, s17;
	s11 =	simm.s32 $0x6;
	s14 =	simm.s32 $0x1000;
	v42 =	vld [tilespmem:s9+$0x410];
	[tilespmem:v63+s23+$0x0] =	vst.idx.msk $0xffff, v48;
	v48 =	vor.u32 v10, v38  }
0x29e: {  	v43 =	vor.u32 v31, v33;
	s26 =	simm.s32 $0x480;
	s18 =	simm.s32 $0x24;
	v39 =	vor.u32 v31, v38;
	s3 =	simm.s32 $0x1;
	[tilespmem:v54+s23+$0x0] =	vst.idx.msk $0xffff, v53;
	v51 =	vld [tilespmem:s2+$0x850]  }
.LBB2_9:
0x29f: {  	s10 =	sadd.s32 $0xFFFFFFFC, s18;
	s12 =	sand.u32 $0x3000, s14;
	s6 =	sadd.s32 $0x100, s6;
	v53 =	vld [tilespmem:s5+$0x4000];
	[tilespmem:v49+s23+$0x0] =	vst.idx.msk $0xffff, v45  }
0x2a0: {  	s11 =	sadd.s32 $0x2, s11;
	v49 =	vor.u32 v11, v37;
	v41 =	vmov s10;
	s5 =	sadd.s32 $0xFFFFFF80, s6;
	s10 =	sor.u32 $0x4000, s12;
	v45 =	vld [tilespmem:s8+$0x420];
	[tilespmem:v50+s23+$0x0] =	vst.idx.msk $0xffff, v46  }
0x2a1: {  	p0 =	slt.u32 s11, $0x1E;
	v50 =	vor.u32 v21, v36;
	v41 =	vshll.u32 v41, $0x7;
	s5 =	sand.u32 $0x300, s5;
	v46 =	vld [tilespmem:s16+$0x840];
	[tilespmem:v44+s23+$0x0] =	vst.idx.msk $0xffff, v47  }
0x2a2: {  	v44 =	vmov s18;
	s5 =	sor.u32 s5, s10;
	v41 =	vor.u32 v1, v41;
	[tilespmem:v48+s23+$0x0] =	vst.idx.msk $0xffff, v42;
	v47 =	vld [tilespmem:s0+$0x430];
	v48 =	vor.u32 v12, v35  }
0x2a3: {  	s12 =	sand.u32 $0x380, s6;
	v42 =	vshll.u32 v44, $0x7;
	v54 =	vld [tilespmem:s5+$0x0];
	v55 =	vor.u32 v0, v41;
	[tilespmem:v52+s23+$0x0] =	vst.idx.msk $0xffff, v51  }
0x2a4: {  	s10 =	sor.u32 s12, s10;
	v42 =	vor.u32 v1, v42;
	v51 =	vor.u32 v23, v34;
	v44 =	vld [tilespmem:s2+$0x860];
	[tilespmem:v43+s23+$0x0] =	vst.idx.msk $0xffff, v53;
	v43 =	vmov v40  }
0x2a5: {  	v52 =	vor.u32 v0, v42;
	v40 =	vmov v39;
	[tilespmem:v49+s23+$0x0] =	vst.idx.msk $0xffff, v45;
	v45 =	vld [tilespmem:s9+$0x420];
	v49 =	vor.u32 v11, v38  }
0x2a6: {  	v39 =	vor.u32 v31, v42;
	v53 =	vld [tilespmem:s10+$0x0];
	[tilespmem:v50+s23+$0x0] =	vst.idx.msk $0xffff, v46  }
0x2a7: {  	[tilespmem:v48+s23+$0x0] =	vst.idx.msk $0xffff, v47;
	v46 =	vld [tilespmem:s16+$0x850];
	v47 =	vor.u32 v22, v36  }
0x2a8: {  	v50 =	vor.u32 v13, v35;
	[tilespmem:v55+s23+$0x0] =	vst.idx.msk $0xffff, v54;
	v48 =	vld [tilespmem:s0+$0x440]  }
0x2a9: {  	v55 =	vor.u32 v2, v41;
	v54 =	vld [tilespmem:s5+$0x10];
	[tilespmem:v51+s23+$0x0] =	vst.idx.msk $0xffff, v44  }
0x2aa: {  	[tilespmem:v49+s23+$0x0] =	vst.idx.msk $0xffff, v45;
	v44 =	vld [tilespmem:s2+$0x870];
	v45 =	vor.u32 v24, v34;
	s2 =	smov.u32 s0;
	s0 =	smov.u32 s8;
	s8 =	smov.u32 s5  }
0x2ab: {  	v49 =	vor.u32 v2, v42;
	[tilespmem:v52+s23+$0x0] =	vst.idx.msk $0xffff, v53;
	v51 =	vld [tilespmem:s9+$0x430];
	v52 =	vor.u32 v12, v38  }
0x2ac: {  	s5 =	sand.u32 $0x3, s3;
	v53 =	vld [tilespmem:s10+$0x10];
	[tilespmem:v47+s23+$0x0] =	vst.idx.msk $0xffff, v46  }
0x2ad: {  	s5 =	sshll.u32 s5, $0x8;
	v47 =	vor.u32 v23, v36;
	[tilespmem:v50+s23+$0x0] =	vst.idx.msk $0xffff, v48;
	v46 =	vld [tilespmem:s16+$0x860]  }
0x2ae: {  	s5 =	sadd.s32 s5, s30;
	s30 =	smov.u32 s31;
	s31 =	smov.u32 s7;
	v50 =	vor.u32 v14, v35;
	[tilespmem:v55+s23+$0x0] =	vst.idx.msk $0xffff, v54;
	v48 =	vld [tilespmem:s2+$0x450]  }
0x2af: {  	s7 =	smov.u32 s14;
	s12 =	sor.u32 $0xC00, s5;
	v55 =	vor.u32 v3, v41;
	v54 =	vld [tilespmem:s8+$0x20];
	[tilespmem:v45+s23+$0x0] =	vst.idx.msk $0xffff, v44  }
0x2b0: {  	v45 =	vor.u32 v25, v34;
	[tilespmem:v52+s23+$0x0] =	vst.idx.msk $0xffff, v51;
	v44 =	vld [tilespmem:s12+$0x4000]  }
0x2b1: {  	v52 =	vor.u32 v13, v38;
	[tilespmem:v49+s23+$0x0] =	vst.idx.msk $0xffff, v53;
	v49 =	vor.u32 v3, v42;
	v51 =	vld [tilespmem:s9+$0x440]  }
0x2b2: {  	v53 =	vld [tilespmem:s10+$0x20];
	[tilespmem:v47+s23+$0x0] =	vst.idx.msk $0xffff, v46  }
0x2b3: {  	s15 =	sadd.s32 $0x2, s15;
	v47 =	vor.u32 v24, v36;
	[tilespmem:v50+s23+$0x0] =	vst.idx.msk $0xffff, v48;
	v46 =	vld [tilespmem:s16+$0x870];
	s16 =	smov.u32 s9;
	s9 =	smov.u32 s10  }
0x2b4: {  	v50 =	vor.u32 v15, v35;
	[tilespmem:v55+s23+$0x0] =	vst.idx.msk $0xffff, v54;
	v48 =	vld [tilespmem:s2+$0x460]  }
0x2b5: {  	s26 =	sadd.s32 $0x400, s26;
	s12 =	sor.u32 $0xC10, s5;
	s10 =	sand.u32 $0x7, s15;
	v55 =	vor.u32 v4, v41;
	v54 =	vld [tilespmem:s8+$0x30];
	[tilespmem:v45+s23+$0x0] =	vst.idx.msk $0xffff, v44  }
0x2b6: {  	s10 =	sshll.u32 s10, $0x7;
	v45 =	vor.u32 v26, v34;
	[tilespmem:v52+s23+$0x0] =	vst.idx.msk $0xffff, v51;
	v44 =	vld [tilespmem:s12+$0x4000]  }
0x2b7: {  	s10 =	sadd.s32 s10, s26;
	v52 =	vor.u32 v14, v38;
	[tilespmem:v49+s23+$0x0] =	vst.idx.msk $0xffff, v53;
	v49 =	vor.u32 v4, v42;
	v51 =	vld [tilespmem:s16+$0x450]  }
0x2b8: {  	s12 =	sor.u32 $0xC00, s10;
	v53 =	vld [tilespmem:s9+$0x30];
	[tilespmem:v47+s23+$0x0] =	vst.idx.msk $0xffff, v46  }
0x2b9: {  	v47 =	vor.u32 v25, v36;
	[tilespmem:v50+s23+$0x0] =	vst.idx.msk $0xffff, v48;
	v46 =	vld [tilespmem:s12+$0x4000]  }
0x2ba: {  	v50 =	vor.u32 v16, v35;
	[tilespmem:v55+s23+$0x0] =	vst.idx.msk $0xffff, v54;
	v48 =	vld [tilespmem:s2+$0x470]  }
0x2bb: {  	s12 =	sor.u32 $0xC20, s5;
	v55 =	vor.u32 v5, v41;
	v54 =	vld [tilespmem:s8+$0x40];
	[tilespmem:v45+s23+$0x0] =	vst.idx.msk $0xffff, v44  }
0x2bc: {  	v45 =	vor.u32 v27, v34;
	[tilespmem:v52+s23+$0x0] =	vst.idx.msk $0xffff, v51;
	v44 =	vld [tilespmem:s12+$0x4000]  }
0x2bd: {  	v52 =	vor.u32 v15, v38;
	[tilespmem:v49+s23+$0x0] =	vst.idx.msk $0xffff, v53;
	v49 =	vor.u32 v5, v42;
	v51 =	vld [tilespmem:s16+$0x460]  }
0x2be: {  	s12 =	sor.u32 $0xC10, s10;
	v53 =	vld [tilespmem:s9+$0x40];
	[tilespmem:v47+s23+$0x0] =	vst.idx.msk $0xffff, v46  }
0x2bf: {  	v47 =	vor.u32 v26, v36;
	[tilespmem:v50+s23+$0x0] =	vst.idx.msk $0xffff, v48;
	v46 =	vld [tilespmem:s12+$0x4000]  }
0x2c0: {  	v50 =	vor.u32 v17, v35;
	[tilespmem:v55+s23+$0x0] =	vst.idx.msk $0xffff, v54;
	v48 =	vld [tilespmem:s2+$0x800]  }
0x2c1: {  	s12 =	sor.u32 $0xC30, s5;
	v55 =	vor.u32 v6, v41;
	v54 =	vld [tilespmem:s8+$0x50];
	[tilespmem:v45+s23+$0x0] =	vst.idx.msk $0xffff, v44  }
0x2c2: {  	v45 =	vor.u32 v28, v34;
	[tilespmem:v52+s23+$0x0] =	vst.idx.msk $0xffff, v51;
	v44 =	vld [tilespmem:s12+$0x4000]  }
0x2c3: {  	v51 =	vor.u32 v16, v38;
	[tilespmem:v49+s23+$0x0] =	vst.idx.msk $0xffff, v53;
	v49 =	vld [tilespmem:s16+$0x470]  }
0x2c4: {  	s12 =	sor.u32 $0xC20, s10;
	v53 =	vor.u32 v6, v42;
	v52 =	vld [tilespmem:s9+$0x50];
	[tilespmem:v47+s23+$0x0] =	vst.idx.msk $0xffff, v46  }
0x2c5: {  	v47 =	vor.u32 v27, v36;
	[tilespmem:v50+s23+$0x0] =	vst.idx.msk $0xffff, v48;
	v46 =	vld [tilespmem:s12+$0x4000]  }
0x2c6: {  	v50 =	vor.u32 v18, v35;
	[tilespmem:v55+s23+$0x0] =	vst.idx.msk $0xffff, v54;
	v48 =	vld [tilespmem:s2+$0x810]  }
0x2c7: {  	s12 =	sor.u32 $0xC40, s5;
	v55 =	vor.u32 v7, v41;
	v54 =	vld [tilespmem:s8+$0x60];
	[tilespmem:v45+s23+$0x0] =	vst.idx.msk $0xffff, v44  }
0x2c8: {  	v45 =	vor.u32 v29, v34;
	[tilespmem:v51+s23+$0x0] =	vst.idx.msk $0xffff, v49;
	v44 =	vld [tilespmem:s12+$0x4000]  }
0x2c9: {  	v51 =	vor.u32 v17, v38;
	[tilespmem:v53+s23+$0x0] =	vst.idx.msk $0xffff, v52;
	v49 =	vld [tilespmem:s16+$0x800]  }
0x2ca: {  	s12 =	sor.u32 $0xC30, s10;
	v53 =	vor.u32 v7, v42;
	v52 =	vld [tilespmem:s9+$0x60];
	[tilespmem:v47+s23+$0x0] =	vst.idx.msk $0xffff, v46  }
0x2cb: {  	v47 =	vor.u32 v28, v36;
	[tilespmem:v50+s23+$0x0] =	vst.idx.msk $0xffff, v48;
	v46 =	vld [tilespmem:s12+$0x4000]  }
0x2cc: {  	v50 =	vor.u32 v19, v35;
	[tilespmem:v55+s23+$0x0] =	vst.idx.msk $0xffff, v54;
	v48 =	vld [tilespmem:s2+$0x820]  }
0x2cd: {  	s12 =	sor.u32 $0xC50, s5;
	v55 =	vor.u32 v8, v41;
	v54 =	vld [tilespmem:s8+$0x70];
	[tilespmem:v45+s23+$0x0] =	vst.idx.msk $0xffff, v44  }
0x2ce: {  	v45 =	vor.u32 v30, v34;
	[tilespmem:v51+s23+$0x0] =	vst.idx.msk $0xffff, v49;
	v44 =	vld [tilespmem:s12+$0x4000]  }
0x2cf: {  	v51 =	vor.u32 v18, v38;
	[tilespmem:v53+s23+$0x0] =	vst.idx.msk $0xffff, v52;
	v49 =	vld [tilespmem:s16+$0x810]  }
0x2d0: {  	s12 =	sor.u32 $0xC40, s10;
	v53 =	vor.u32 v8, v42;
	v52 =	vld [tilespmem:s9+$0x70];
	[tilespmem:v47+s23+$0x0] =	vst.idx.msk $0xffff, v46  }
0x2d1: {  	v47 =	vor.u32 v29, v36;
	[tilespmem:v50+s23+$0x0] =	vst.idx.msk $0xffff, v48;
	v46 =	vld [tilespmem:s12+$0x4000]  }
0x2d2: {  	v50 =	vor.u32 v20, v35;
	[tilespmem:v55+s23+$0x0] =	vst.idx.msk $0xffff, v54;
	v48 =	vld [tilespmem:s2+$0x830]  }
0x2d3: {  	s12 =	sor.u32 $0xC60, s5;
	v55 =	vor.u32 v9, v41;
	v54 =	vld [tilespmem:s8+$0x400];
	[tilespmem:v45+s23+$0x0] =	vst.idx.msk $0xffff, v44  }
0x2d4: {  	v45 =	vor.u32 v31, v34;
	[tilespmem:v51+s23+$0x0] =	vst.idx.msk $0xffff, v49;
	v44 =	vld [tilespmem:s12+$0x4000]  }
0x2d5: {  	v51 =	vor.u32 v19, v38;
	[tilespmem:v53+s23+$0x0] =	vst.idx.msk $0xffff, v52;
	v49 =	vld [tilespmem:s16+$0x820]  }
0x2d6: {  	s12 =	sor.u32 $0xC50, s10;
	v53 =	vor.u32 v9, v42;
	v52 =	vld [tilespmem:s9+$0x400];
	[tilespmem:v47+s23+$0x0] =	vst.idx.msk $0xffff, v46  }
0x2d7: {  	[tilespmem:v50+s23+$0x0] =	vst.idx.msk $0xffff, v48;
	v47 =	vld [tilespmem:s12+$0x4000];
	v48 =	vor.u32 v30, v36  }
0x2d8: {  	[tilespmem:v55+s23+$0x0] =	vst.idx.msk $0xffff, v54;
	v54 =	vld [tilespmem:s2+$0x840];
	v55 =	vor.u32 v21, v35  }
0x2d9: {  	v57 =	vor.u32 v10, v41;
	s5 =	sor.u32 $0xC70, s5;
	v56 =	vld [tilespmem:s8+$0x410];
	[tilespmem:v45+s23+$0x0] =	vst.idx.msk $0xffff, v44  }
.Ltmp6:
0x2da: {  	v44 =	vor.u32 v32, v33;
	[tilespmem:v51+s23+$0x0] =	vst.idx.msk $0xffff, v49;
	v45 =	vld [tilespmem:s5+$0x4000];
	v49 =	vor.u32 v32, v34;
	s5 =	sor.u32 $0xC70, s17;
	v34 =	vmov v35;
	s17 =	smov.u32 s10;
	(pc) =	sbr.rel @p0 .LBB2_9-.Ltmp6, $4  }
0x2db: {  	v50 =	vor.u32 v20, v38;
	v33 =	vmovc v36;
	v35 =	vmov v37;
	v37 =	vmov v41;
	[tilespmem:v53+s23+$0x0] =	vst.idx.msk $0xffff, v52;
	v46 =	vld [tilespmem:s16+$0x830]  }
0x2dc: {  	v36 =	vmov v38;
	v38 =	vmov v42;
	[tilespmem:v48+s23+$0x0] =	vst.idx.msk $0xffff, v47;
	v47 =	vld [tilespmem:s5+$0x4000]  }
0x2dd: {  	s3 =	sadd.s32 $0x1, s3;
	v48 =	vor.u32 v10, v38;
	v42 =	vld [tilespmem:s9+$0x410];
	[tilespmem:v55+s23+$0x0] =	vst.idx.msk $0xffff, v54  }
0x2de: {  	s18 =	sadd.s32 $0x8, s18;
	s14 =	sadd.s32 $0x400, s14;
	v52 =	vor.u32 v22, v34;
	s5 =	sor.u32 $0xC60, s17;
	[tilespmem:v57+s23+$0x0] =	vst.idx.msk $0xffff, v56;
	v51 =	vld [tilespmem:s2+$0x850]  }
0x2df: {  	_ =	sdelay $0x2  }
0x2e0: {  	v41 =	vld [tilespmem:s5+$0x4000]  }
0x2e1: {  	v59 =	vld [tilespmem:s8+$0x420];
	v60 =	vor.u32 v11, v37;
	[tilespmem:v48+s23+$0x0] =	vst.idx.msk $0xffff, v42  }
0x2e2: {  	[tilespmem:v49+s23+$0x0] =	vst.idx.msk $0xffff, v45;
	v56 =	vor.u32 v11, v38;
	v55 =	vld [tilespmem:s9+$0x420]  }
0x2e3: {  	v62 =	vld [tilespmem:s0+$0x430];
	v63 =	vor.u32 v12, v35;
	[tilespmem:v50+s23+$0x0] =	vst.idx.msk $0xffff, v46  }
0x2e4: {  	v61 =	vor.u32 v21, v36;
	v46 =	vld [tilespmem:s16+$0x840];
	[tilespmem:v52+s23+$0x0] =	vst.idx.msk $0xffff, v51  }
0x2e5: {  	[tilespmem:v43+s23+$0x0] =	vst.idx.msk $0xffff, v41  }
0x2e6: {  	v54 =	vor.u32 v23, v34;
	v53 =	vld [tilespmem:s2+$0x860];
	[tilespmem:v60+s23+$0x0] =	vst.idx.msk $0xffff, v59  }
0x2e7: {  	v59 =	vor.u32 v12, v37;
	v58 =	vld [tilespmem:s8+$0x430];
	[tilespmem:v56+s23+$0x0] =	vst.idx.msk $0xffff, v55  }
0x2e8: {  	[tilespmem:v63+s23+$0x0] =	vst.idx.msk $0xffff, v62;
	v60 =	vor.u32 v12, v38;
	v43 =	vld [tilespmem:s9+$0x430]  }
0x2e9: {  	v57 =	vld [tilespmem:s0+$0x440];
	[tilespmem:v61+s23+$0x0] =	vst.idx.msk $0xffff, v46;
	v61 =	vor.u32 v13, v35  }
0x2ea: {  	[tilespmem:v44+s23+$0x0] =	vst.idx.msk $0xffff, v47  }
0x2eb: {  	[tilespmem:v54+s23+$0x0] =	vst.idx.msk $0xffff, v53  }
0x2ec: {  	v44 =	vld [tilespmem:s16+$0x850];
	[tilespmem:v59+s23+$0x0] =	vst.idx.msk $0xffff, v58  }
0x2ed: {  	v62 =	vor.u32 v13, v37;
	v41 =	vld [tilespmem:s8+$0x440];
	[tilespmem:v60+s23+$0x0] =	vst.idx.msk $0xffff, v43  }
0x2ee: {  	v63 =	vor.u32 v13, v38;
	[tilespmem:v61+s23+$0x0] =	vst.idx.msk $0xffff, v57;
	v43 =	vld [tilespmem:s9+$0x440]  }
0x2ef: {  	v48 =	vor.u32 v14, v35;
	v45 =	vld [tilespmem:s0+$0x450];
	_ =	sdelay $0x2  }
0x2f0: {  	[tilespmem:v62+s23+$0x0] =	vst.idx.msk $0xffff, v41  }
0x2f1: {  	v49 =	vor.u32 v14, v37;
	v41 =	vld [tilespmem:s8+$0x450];
	[tilespmem:v63+s23+$0x0] =	vst.idx.msk $0xffff, v43  }
0x2f2: {  	v50 =	vor.u32 v14, v38;
	[tilespmem:v48+s23+$0x0] =	vst.idx.msk $0xffff, v45;
	v43 =	vld [tilespmem:s9+$0x450]  }
0x2f3: {  	v51 =	vor.u32 v15, v35;
	v45 =	vld [tilespmem:s0+$0x460];
	_ =	sdelay $0x2  }
0x2f4: {  	[tilespmem:v49+s23+$0x0] =	vst.idx.msk $0xffff, v41  }
0x2f5: {  	v52 =	vor.u32 v15, v37;
	v41 =	vld [tilespmem:s8+$0x460];
	[tilespmem:v50+s23+$0x0] =	vst.idx.msk $0xffff, v43  }
0x2f6: {  	v53 =	vor.u32 v15, v38;
	[tilespmem:v51+s23+$0x0] =	vst.idx.msk $0xffff, v45;
	v43 =	vld [tilespmem:s9+$0x460]  }
0x2f7: {  	v54 =	vor.u32 v16, v35;
	v45 =	vld [tilespmem:s0+$0x470];
	_ =	sdelay $0x2  }
0x2f8: {  	[tilespmem:v52+s23+$0x0] =	vst.idx.msk $0xffff, v41  }
0x2f9: {  	v55 =	vor.u32 v16, v37;
	v41 =	vld [tilespmem:s8+$0x470];
	[tilespmem:v53+s23+$0x0] =	vst.idx.msk $0xffff, v43  }
0x2fa: {  	v56 =	vor.u32 v16, v38;
	[tilespmem:v54+s23+$0x0] =	vst.idx.msk $0xffff, v45;
	v43 =	vld [tilespmem:s9+$0x470]  }
0x2fb: {  	v57 =	vor.u32 v17, v35;
	v45 =	vld [tilespmem:s0+$0x800];
	_ =	sdelay $0x2  }
0x2fc: {  	[tilespmem:v55+s23+$0x0] =	vst.idx.msk $0xffff, v41  }
0x2fd: {  	v58 =	vor.u32 v17, v37;
	v41 =	vld [tilespmem:s8+$0x800];
	[tilespmem:v56+s23+$0x0] =	vst.idx.msk $0xffff, v43  }
0x2fe: {  	v59 =	vor.u32 v17, v38;
	[tilespmem:v57+s23+$0x0] =	vst.idx.msk $0xffff, v45;
	v43 =	vld [tilespmem:s9+$0x800]  }
0x2ff: {  	v60 =	vor.u32 v18, v35;
	v45 =	vld [tilespmem:s0+$0x810];
	_ =	sdelay $0x2  }
0x300: {  	[tilespmem:v58+s23+$0x0] =	vst.idx.msk $0xffff, v41  }
0x301: {  	v61 =	vor.u32 v18, v37;
	v41 =	vld [tilespmem:s8+$0x810];
	[tilespmem:v59+s23+$0x0] =	vst.idx.msk $0xffff, v43  }
0x302: {  	v62 =	vor.u32 v18, v38;
	[tilespmem:v60+s23+$0x0] =	vst.idx.msk $0xffff, v45;
	v43 =	vld [tilespmem:s9+$0x810]  }
0x303: {  	v63 =	vor.u32 v19, v35;
	v45 =	vld [tilespmem:s0+$0x820];
	_ =	sdelay $0x2  }
0x304: {  	[tilespmem:v61+s23+$0x0] =	vst.idx.msk $0xffff, v41  }
0x305: {  	v48 =	vor.u32 v19, v37;
	v41 =	vld [tilespmem:s8+$0x820];
	[tilespmem:v62+s23+$0x0] =	vst.idx.msk $0xffff, v43  }
0x306: {  	v49 =	vor.u32 v19, v38;
	[tilespmem:v63+s23+$0x0] =	vst.idx.msk $0xffff, v45;
	v43 =	vld [tilespmem:s9+$0x820]  }
0x307: {  	v50 =	vor.u32 v20, v35;
	v45 =	vld [tilespmem:s0+$0x830];
	_ =	sdelay $0x2  }
0x308: {  	[tilespmem:v48+s23+$0x0] =	vst.idx.msk $0xffff, v41  }
0x309: {  	v51 =	vor.u32 v20, v37;
	v41 =	vld [tilespmem:s8+$0x830];
	[tilespmem:v49+s23+$0x0] =	vst.idx.msk $0xffff, v43  }
0x30a: {  	v52 =	vor.u32 v20, v38;
	[tilespmem:v50+s23+$0x0] =	vst.idx.msk $0xffff, v45;
	v43 =	vld [tilespmem:s9+$0x830]  }
0x30b: {  	v53 =	vor.u32 v21, v35;
	v45 =	vld [tilespmem:s0+$0x840];
	_ =	sdelay $0x2  }
0x30c: {  	[tilespmem:v51+s23+$0x0] =	vst.idx.msk $0xffff, v41  }
0x30d: {  	v54 =	vor.u32 v21, v37;
	v41 =	vld [tilespmem:s8+$0x840];
	[tilespmem:v52+s23+$0x0] =	vst.idx.msk $0xffff, v43  }
0x30e: {  	v55 =	vor.u32 v21, v38;
	[tilespmem:v53+s23+$0x0] =	vst.idx.msk $0xffff, v45;
	v43 =	vld [tilespmem:s9+$0x840]  }
0x30f: {  	v56 =	vor.u32 v22, v35;
	v45 =	vld [tilespmem:s0+$0x850]  }
0x310: {  	v57 =	vor.u32 v22, v36;
	_ =	sdelay $0x1  }
0x311: {  	[tilespmem:v54+s23+$0x0] =	vst.idx.msk $0xffff, v41  }
0x312: {  	v58 =	vor.u32 v22, v37;
	v41 =	vld [tilespmem:s8+$0x850];
	[tilespmem:v55+s23+$0x0] =	vst.idx.msk $0xffff, v43  }
0x313: {  	v59 =	vor.u32 v22, v38;
	[tilespmem:v56+s23+$0x0] =	vst.idx.msk $0xffff, v45;
	v43 =	vld [tilespmem:s9+$0x850]  }
0x314: {  	[tilespmem:v57+s23+$0x0] =	vst.idx.msk $0xffff, v44;
	v61 =	vor.u32 v23, v35;
	v60 =	vld [tilespmem:s0+$0x860]  }
0x315: {  	v63 =	vor.u32 v23, v36;
	v62 =	vld [tilespmem:s16+$0x860];
	_ =	sdelay $0x1  }
0x316: {  	v54 =	vld [tilespmem:s2+$0x870];
	v55 =	vor.u32 v24, v34;
	[tilespmem:v58+s23+$0x0] =	vst.idx.msk $0xffff, v41  }
0x317: {  	v52 =	vor.u32 v23, v37;
	v41 =	vld [tilespmem:s8+$0x860];
	[tilespmem:v59+s23+$0x0] =	vst.idx.msk $0xffff, v43  }
0x318: {  	s14 =	sand.u32 $0x3, s3;
	v53 =	vor.u32 v23, v38;
	[tilespmem:v61+s23+$0x0] =	vst.idx.msk $0xffff, v60;
	v43 =	vld [tilespmem:s9+$0x860]  }
0x319: {  	[tilespmem:v63+s23+$0x0] =	vst.idx.msk $0xffff, v62;
	s2 =	sshll.u32 s14, $0x8;
	v56 =	vor.u32 v24, v35;
	v44 =	vld [tilespmem:s0+$0x870]  }
0x31a: {  	s15 =	sadd.s32 $0x2, s15;
	s18 =	sadd.s32 $0x1, s3;
	v57 =	vor.u32 v24, v36;
	v47 =	vld [tilespmem:s16+$0x870];
	s2 =	sadd.s32 s2, s30  }
0x31b: {  	s10 =	sadd.s32 $0x400, s26;
	s11 =	sand.u32 $0x3, s18;
	s26 =	sor.u32 $0xC00, s2;
	[tilespmem:v55+s23+$0x0] =	vst.idx.msk $0xffff, v54  }
0x31c: {  	s6 =	sand.u32 $0x7, s15;
	s11 =	sshll.u32 s11, $0x8;
	v60 =	vor.u32 v25, v34;
	v49 =	vld [tilespmem:s26+$0x4000];
	[tilespmem:v52+s23+$0x0] =	vst.idx.msk $0xffff, v41  }
0x31d: {  	s13 =	sadd.s32 $0x1, s18;
	s3 =	sadd.s32 s11, s31;
	s16 =	sshll.u32 s6, $0x7;
	v58 =	vor.u32 v24, v37;
	v41 =	vld [tilespmem:s8+$0x870];
	[tilespmem:v53+s23+$0x0] =	vst.idx.msk $0xffff, v43  }
0x31e: {  	s5 =	sadd.s32 $0x2, s15;
	s15 =	sor.u32 $0xC00, s3;
	s0 =	sadd.s32 s16, s10;
	v59 =	vor.u32 v24, v38;
	[tilespmem:v56+s23+$0x0] =	vst.idx.msk $0xffff, v44;
	v43 =	vld [tilespmem:s9+$0x870]  }
0x31f: {  	s5 =	sand.u32 $0x7, s5;
	[tilespmem:v57+s23+$0x0] =	vst.idx.msk $0xffff, v47;
	s14 =	sand.u32 $0x3, s13;
	v61 =	vor.u32 v25, v35;
	s12 =	sor.u32 $0xC00, s0;
	v44 =	vld [tilespmem:s15+$0x4000]  }
0x320: {  	s5 =	sshll.u32 s5, $0x7;
	v62 =	vor.u32 v25, v36;
	s6 =	sshll.u32 s14, $0x8;
	v47 =	vld [tilespmem:s12+$0x4000]  }
0x321: {  	s6 =	sadd.s32 s6, s7;
	s16 =	sadd.s32 $0x400, s10;
	s26 =	sor.u32 $0xC10, s2;
	[tilespmem:v60+s23+$0x0] =	vst.idx.msk $0xffff, v49  }
0x322: {  	s7 =	sor.u32 $0xC00, s6;
	s5 =	sadd.s32 s5, s16;
	v49 =	vld [tilespmem:s26+$0x4000];
	v53 =	vor.u32 v26, v34;
	[tilespmem:v58+s23+$0x0] =	vst.idx.msk $0xffff, v41  }
0x323: {  	v63 =	vor.u32 v25, v37;
	s18 =	sor.u32 $0xC00, s5;
	v41 =	vld [tilespmem:s7+$0x4000];
	[tilespmem:v59+s23+$0x0] =	vst.idx.msk $0xffff, v43  }
0x324: {  	v52 =	vor.u32 v25, v38;
	s9 =	sor.u32 $0xC10, s3;
	[tilespmem:v61+s23+$0x0] =	vst.idx.msk $0xffff, v44;
	v43 =	vld [tilespmem:s18+$0x4000]  }
0x325: {  	s10 =	sor.u32 $0xC10, s0;
	v54 =	vor.u32 v26, v35;
	[tilespmem:v62+s23+$0x0] =	vst.idx.msk $0xffff, v47;
	v44 =	vld [tilespmem:s9+$0x4000]  }
0x326: {  	v55 =	vor.u32 v26, v36;
	v47 =	vld [tilespmem:s10+$0x4000]  }
0x327: {  	s13 =	sor.u32 $0xC20, s2;
	[tilespmem:v53+s23+$0x0] =	vst.idx.msk $0xffff, v49  }
0x328: {  	s11 =	sor.u32 $0xC10, s6;
	v58 =	vor.u32 v27, v34;
	v49 =	vld [tilespmem:s13+$0x4000];
	[tilespmem:v63+s23+$0x0] =	vst.idx.msk $0xffff, v41  }
0x329: {  	s12 =	sor.u32 $0xC10, s5;
	v56 =	vor.u32 v26, v37;
	v41 =	vld [tilespmem:s11+$0x4000];
	[tilespmem:v52+s23+$0x0] =	vst.idx.msk $0xffff, v43  }
0x32a: {  	v57 =	vor.u32 v26, v38;
	s14 =	sor.u32 $0xC20, s3;
	[tilespmem:v54+s23+$0x0] =	vst.idx.msk $0xffff, v44;
	v43 =	vld [tilespmem:s12+$0x4000]  }
0x32b: {  	s15 =	sor.u32 $0xC20, s0;
	[tilespmem:v55+s23+$0x0] =	vst.idx.msk $0xffff, v47;
	v59 =	vor.u32 v27, v35;
	v44 =	vld [tilespmem:s14+$0x4000]  }
0x32c: {  	v60 =	vor.u32 v27, v36;
	v47 =	vld [tilespmem:s15+$0x4000]  }
0x32d: {  	s26 =	sor.u32 $0xC30, s2;
	[tilespmem:v58+s23+$0x0] =	vst.idx.msk $0xffff, v49  }
0x32e: {  	s16 =	sor.u32 $0xC20, s6;
	v63 =	vor.u32 v28, v34;
	v49 =	vld [tilespmem:s26+$0x4000];
	[tilespmem:v56+s23+$0x0] =	vst.idx.msk $0xffff, v41  }
0x32f: {  	v61 =	vor.u32 v27, v37;
	s18 =	sor.u32 $0xC20, s5;
	v41 =	vld [tilespmem:s16+$0x4000];
	[tilespmem:v57+s23+$0x0] =	vst.idx.msk $0xffff, v43  }
0x330: {  	v62 =	vor.u32 v27, v38;
	s9 =	sor.u32 $0xC30, s3;
	[tilespmem:v59+s23+$0x0] =	vst.idx.msk $0xffff, v44;
	v43 =	vld [tilespmem:s18+$0x4000]  }
0x331: {  	s10 =	sor.u32 $0xC30, s0;
	[tilespmem:v60+s23+$0x0] =	vst.idx.msk $0xffff, v47;
	v52 =	vor.u32 v28, v35;
	v44 =	vld [tilespmem:s9+$0x4000]  }
0x332: {  	v53 =	vor.u32 v28, v36;
	v47 =	vld [tilespmem:s10+$0x4000]  }
0x333: {  	s13 =	sor.u32 $0xC40, s2;
	[tilespmem:v63+s23+$0x0] =	vst.idx.msk $0xffff, v49  }
0x334: {  	s11 =	sor.u32 $0xC30, s6;
	v56 =	vor.u32 v29, v34;
	v49 =	vld [tilespmem:s13+$0x4000];
	[tilespmem:v61+s23+$0x0] =	vst.idx.msk $0xffff, v41  }
0x335: {  	v54 =	vor.u32 v28, v37;
	s12 =	sor.u32 $0xC30, s5;
	v41 =	vld [tilespmem:s11+$0x4000];
	[tilespmem:v62+s23+$0x0] =	vst.idx.msk $0xffff, v43  }
0x336: {  	v55 =	vor.u32 v28, v38;
	s14 =	sor.u32 $0xC40, s3;
	[tilespmem:v52+s23+$0x0] =	vst.idx.msk $0xffff, v44;
	v43 =	vld [tilespmem:s12+$0x4000]  }
0x337: {  	s15 =	sor.u32 $0xC40, s0;
	[tilespmem:v53+s23+$0x0] =	vst.idx.msk $0xffff, v47;
	v57 =	vor.u32 v29, v35;
	v44 =	vld [tilespmem:s14+$0x4000]  }
0x338: {  	v58 =	vor.u32 v29, v36;
	v47 =	vld [tilespmem:s15+$0x4000]  }
0x339: {  	s26 =	sor.u32 $0xC50, s2;
	[tilespmem:v56+s23+$0x0] =	vst.idx.msk $0xffff, v49  }
0x33a: {  	s16 =	sor.u32 $0xC40, s6;
	v61 =	vor.u32 v30, v34;
	v49 =	vld [tilespmem:s26+$0x4000];
	[tilespmem:v54+s23+$0x0] =	vst.idx.msk $0xffff, v41  }
0x33b: {  	v59 =	vor.u32 v29, v37;
	s18 =	sor.u32 $0xC40, s5;
	v41 =	vld [tilespmem:s16+$0x4000];
	[tilespmem:v55+s23+$0x0] =	vst.idx.msk $0xffff, v43  }
0x33c: {  	s8 =	sor.u32 $0xC50, s3;
	v60 =	vor.u32 v29, v38;
	[tilespmem:v57+s23+$0x0] =	vst.idx.msk $0xffff, v44;
	v43 =	vld [tilespmem:s18+$0x4000]  }
0x33d: {  	s9 =	sor.u32 $0xC50, s0;
	[tilespmem:v58+s23+$0x0] =	vst.idx.msk $0xffff, v47;
	v62 =	vor.u32 v30, v35;
	v44 =	vld [tilespmem:s8+$0x4000]  }
0x33e: {  	v63 =	vor.u32 v30, v36;
	v47 =	vld [tilespmem:s9+$0x4000]  }
0x33f: {  	s12 =	sor.u32 $0xC60, s2;
	[tilespmem:v61+s23+$0x0] =	vst.idx.msk $0xffff, v49  }
0x340: {  	s10 =	sor.u32 $0xC50, s6;
	v54 =	vor.u32 v31, v34;
	v49 =	vld [tilespmem:s12+$0x4000];
	[tilespmem:v59+s23+$0x0] =	vst.idx.msk $0xffff, v41  }
0x341: {  	s11 =	sor.u32 $0xC50, s5;
	v52 =	vor.u32 v30, v37;
	v41 =	vld [tilespmem:s10+$0x4000];
	[tilespmem:v60+s23+$0x0] =	vst.idx.msk $0xffff, v43  }
0x342: {  	v53 =	vor.u32 v30, v38;
	s13 =	sor.u32 $0xC60, s3;
	[tilespmem:v62+s23+$0x0] =	vst.idx.msk $0xffff, v44;
	v43 =	vld [tilespmem:s11+$0x4000]  }
0x343: {  	s14 =	sor.u32 $0xC60, s0;
	[tilespmem:v63+s23+$0x0] =	vst.idx.msk $0xffff, v47;
	v55 =	vor.u32 v31, v35;
	v44 =	vld [tilespmem:s13+$0x4000]  }
0x344: {  	v47 =	vld [tilespmem:s14+$0x4000];
	s18 =	sor.u32 $0xC70, s17  }
0x345: {  	v33 =	vor.u32 v32, v33;
	s2 =	sor.u32 $0xC70, s2;
	v59 =	vld [tilespmem:s18+$0x4000];
	[tilespmem:v54+s23+$0x0] =	vst.idx.msk $0xffff, v49  }
0x346: {  	s15 =	sor.u32 $0xC60, s6;
	v58 =	vor.u32 v32, v34;
	v57 =	vld [tilespmem:s2+$0x4000];
	[tilespmem:v52+s23+$0x0] =	vst.idx.msk $0xffff, v41  }
0x347: {  	v56 =	vor.u32 v31, v37;
	s16 =	sor.u32 $0xC60, s5;
	v41 =	vld [tilespmem:s15+$0x4000];
	[tilespmem:v53+s23+$0x0] =	vst.idx.msk $0xffff, v43  }
0x348: {  	s26 =	sor.u32 $0xC70, s3;
	[tilespmem:v55+s23+$0x0] =	vst.idx.msk $0xffff, v44;
	v43 =	vld [tilespmem:s16+$0x4000]  }
0x349: {  	v61 =	vor.u32 v32, v35;
	[tilespmem:v40+s23+$0x0] =	vst.idx.msk $0xffff, v47;
	v60 =	vld [tilespmem:s26+$0x4000]  }
0x34a: {  	[tilespmem:v33+s23+$0x0] =	vst.idx.msk $0xffff, v59  }
0x34b: {  	s0 =	sor.u32 $0xC70, s0;
	[tilespmem:v58+s23+$0x0] =	vst.idx.msk $0xffff, v57  }
0x34c: {  	s3 =	sor.u32 $0xC70, s6;
	v62 =	vor.u32 v32, v36;
	v63 =	vld [tilespmem:s0+$0x4000];
	[tilespmem:v56+s23+$0x0] =	vst.idx.msk $0xffff, v41  }
0x34d: {  	v45 =	vor.u32 v32, v37;
	s5 =	sor.u32 $0xC70, s5;
	[tilespmem:v39+s23+$0x0] =	vst.idx.msk $0xffff, v43;
	v43 =	vld [tilespmem:s3+$0x4000]  }
0x34e: {  	v46 =	vor.u32 v32, v38;
	[tilespmem:v61+s23+$0x0] =	vst.idx.msk $0xffff, v60;
	v47 =	vld [tilespmem:s5+$0x4000]  }
0x34f: {  	s6 =	rddreg [dreg:$0x3]  }
0x350: {  	s0 =	sadd.s32 s29, s6  }
0x351: {  	s7 =	rddreg [dreg:$0x1];
	[tilespmem:v62+s23+$0x0] =	vst.idx.msk $0xffff, v63;
	s0 =	sshll.u32 s0, $0x6  }
0x352: {  	s30 =	sadd.s32 s7, s0;
	[tilespmem:v45+s23+$0x0] =	vst.idx.msk $0xffff, v43  }
0x353: {  	s0 =	sadd.s32 $0x800, s30;
	[tilespmem:v46+s23+$0x0] =	vst.idx.msk $0xffff, v47  }
0x354: {  	[hbm4b:s0+s4] =	stream.linear.scatter [tilespmem:s23], [sflag:$0x6], $0x4000, $0x38;
	[tilespmem:$0x18000] =	vst v63  }
0x355: {  	p0 =	seq.s32 s28, $0x3;
	s0 =	rddreg [dreg:$0xa]  }
0x356: {  	s0 =	sadd.s32 @!p0 s29, s0  }
0x357: {  	s0 =	sshll.u32 @!p0 s0, $0x6  }
0x358: {  	s2 =	simm.s32 @!p0 $0x0;
	s3 =	simm.s32 @!p0 $0x4000;
	s0 =	sadd.s32 @!p0 s1, s0  }
0x359: {  	[tilespmem:s3], [sflag:$0x2] =	stream.linear.gather @!p0 [hbm4b:s0+s2], $0x4000, $0x38;
	[tilespmem:$0x18000] =	vst v63  }
0x35a: {  	_ =	swait.ge [sflag:s24], $0x4000  }
0x35b: {  	[sflag:s24] =	ssyncset.done $0x0  }
0x35c: {  	s8 =	simm.s32 $0x4;
	s3 =	simm.s32 $0x0;
	[sflag:s24] =	ssyncadd.s32 $0xFFFFC000  }
0x35d: {  	s9 =	simm.s32 $0x80;
	v49 =	vmov s8;
	s10 =	sand.u32 $0x3000, s3;
	_ =	swait.ge [sflag:s25], $0x4000  }
0x35e: {  	v33 =	vshll.u32 v49, $0x7;
	s2 =	sand.u32 $0x380, s9;
	s11 =	sor.u32 $0x8000, s10;
	[sflag:s25] =	ssyncset.done $0x0  }
0x35f: {  	v41 =	vor.u32 v1, v33;
	s5 =	sor.u32 s2, s11;
	[sflag:s25] =	ssyncadd.s32 $0xFFFFC000  }
0x360: {  	v33 =	vor.u32 v0, v41;
	v50 =	vld [tilespmem:s5+$0x0];
	_ =	sdelay $0x4  }
0x361: {  	[tilespmem:v33+s20+$0x0] =	vst.idx.msk $0xffff, v50  }
0x362: {  	v51 =	vor.u32 v2, v41;
	v34 =	vld [tilespmem:s5+$0x10];
	_ =	sdelay $0x4  }
0x363: {  	[tilespmem:v51+s20+$0x0] =	vst.idx.msk $0xffff, v34  }
0x364: {  	v52 =	vor.u32 v3, v41;
	v34 =	vld [tilespmem:s5+$0x20];
	_ =	sdelay $0x4  }
0x365: {  	[tilespmem:v52+s20+$0x0] =	vst.idx.msk $0xffff, v34  }
0x366: {  	v53 =	vor.u32 v4, v41;
	v34 =	vld [tilespmem:s5+$0x30];
	_ =	sdelay $0x4  }
0x367: {  	[tilespmem:v53+s20+$0x0] =	vst.idx.msk $0xffff, v34  }
0x368: {  	v54 =	vor.u32 v5, v41;
	v34 =	vld [tilespmem:s5+$0x40];
	_ =	sdelay $0x4  }
0x369: {  	[tilespmem:v54+s20+$0x0] =	vst.idx.msk $0xffff, v34  }
0x36a: {  	v55 =	vor.u32 v6, v41;
	v33 =	vld [tilespmem:s5+$0x50];
	_ =	sdelay $0x4  }
0x36b: {  	[tilespmem:v55+s20+$0x0] =	vst.idx.msk $0xffff, v33  }
0x36c: {  	v56 =	vor.u32 v7, v41;
	v33 =	vld [tilespmem:s5+$0x60];
	_ =	sdelay $0x4  }
0x36d: {  	[tilespmem:v56+s20+$0x0] =	vst.idx.msk $0xffff, v33  }
0x36e: {  	v57 =	vor.u32 v8, v41;
	v33 =	vld [tilespmem:s5+$0x70];
	_ =	sdelay $0x4  }
0x36f: {  	[tilespmem:v57+s20+$0x0] =	vst.idx.msk $0xffff, v33  }
0x370: {  	v58 =	vor.u32 v9, v41;
	v33 =	vld [tilespmem:s5+$0x400]  }
0x371: {  	s12 =	simm.s32 $0x0  }
0x372: {  	s13 =	simm.s32 $0x0;
	v59 =	vmov s12  }
0x373: {  	v35 =	vshll.u32 v59, $0x7;
	s2 =	sand.u32 $0x300, s13  }
0x374: {  	v42 =	vor.u32 v1, v35;
	s7 =	sor.u32 s2, s11  }
0x375: {  	v61 =	vor.u32 v0, v42;
	v60 =	vld [tilespmem:s7+$0x0];
	[tilespmem:v58+s20+$0x0] =	vst.idx.msk $0xffff, v33  }
0x376: {  	v62 =	vor.u32 v10, v41;
	v33 =	vld [tilespmem:s5+$0x410];
	_ =	sdelay $0x3  }
0x377: {  	s31 =	simm.s32 $0x400;
	s14 =	simm.s32 $0xC;
	[tilespmem:v61+s20+$0x0] =	vst.idx.msk $0xffff, v60  }
0x378: {  	v40 =	vmov s14;
	s15 =	sand.u32 $0x3000, s31;
	s16 =	simm.s32 $0x180;
	v63 =	vor.u32 v2, v42;
	v35 =	vld [tilespmem:s7+$0x10];
	[tilespmem:v62+s20+$0x0] =	vst.idx.msk $0xffff, v33  }
0x379: {  	s17 =	sor.u32 $0x8000, s15;
	s18 =	sand.u32 $0x380, s16;
	v44 =	vor.u32 v11, v41;
	v43 =	vshll.u32 v40, $0x7;
	v34 =	vld [tilespmem:s5+$0x420]  }
0x37a: {  	s6 =	sor.u32 s18, s17;
	v33 =	vor.u32 v1, v43  }
0x37b: {  	v46 =	vld [tilespmem:s6+$0x0];
	v45 =	vor.u32 v0, v33;
	_ =	sdelay $0x1  }
0x37c: {  	[tilespmem:v63+s20+$0x0] =	vst.idx.msk $0xffff, v35  }
0x37d: {  	v47 =	vor.u32 v3, v42;
	v35 =	vld [tilespmem:s7+$0x20];
	[tilespmem:v44+s20+$0x0] =	vst.idx.msk $0xffff, v34  }
0x37e: {  	v48 =	vor.u32 v12, v41;
	v34 =	vld [tilespmem:s5+$0x430]  }
0x37f: {  	[tilespmem:v45+s20+$0x0] =	vst.idx.msk $0xffff, v46  }
0x380: {  	v49 =	vor.u32 v2, v33;
	v39 =	vld [tilespmem:s6+$0x10];
	_ =	sdelay $0x1  }
0x381: {  	[tilespmem:v47+s20+$0x0] =	vst.idx.msk $0xffff, v35  }
0x382: {  	v50 =	vor.u32 v4, v42;
	v35 =	vld [tilespmem:s7+$0x30];
	[tilespmem:v48+s20+$0x0] =	vst.idx.msk $0xffff, v34  }
0x383: {  	v51 =	vor.u32 v13, v41;
	v34 =	vld [tilespmem:s5+$0x440]  }
0x384: {  	[tilespmem:v49+s20+$0x0] =	vst.idx.msk $0xffff, v39  }
0x385: {  	v52 =	vor.u32 v3, v33;
	v39 =	vld [tilespmem:s6+$0x20];
	_ =	sdelay $0x1  }
0x386: {  	[tilespmem:v50+s20+$0x0] =	vst.idx.msk $0xffff, v35  }
0x387: {  	v53 =	vor.u32 v5, v42;
	v35 =	vld [tilespmem:s7+$0x40];
	[tilespmem:v51+s20+$0x0] =	vst.idx.msk $0xffff, v34  }
0x388: {  	v54 =	vor.u32 v14, v41;
	v34 =	vld [tilespmem:s5+$0x450]  }
0x389: {  	[tilespmem:v52+s20+$0x0] =	vst.idx.msk $0xffff, v39  }
0x38a: {  	v55 =	vor.u32 v4, v33;
	v39 =	vld [tilespmem:s6+$0x30];
	_ =	sdelay $0x1  }
0x38b: {  	[tilespmem:v53+s20+$0x0] =	vst.idx.msk $0xffff, v35  }
0x38c: {  	v35 =	vld [tilespmem:s7+$0x50];
	v56 =	vor.u32 v6, v42;
	[tilespmem:v54+s20+$0x0] =	vst.idx.msk $0xffff, v34  }
0x38d: {  	v57 =	vor.u32 v15, v41;
	v34 =	vld [tilespmem:s5+$0x460]  }
0x38e: {  	[tilespmem:v55+s20+$0x0] =	vst.idx.msk $0xffff, v39  }
0x38f: {  	v58 =	vor.u32 v5, v33;
	v39 =	vld [tilespmem:s6+$0x40];
	_ =	sdelay $0x1  }
0x390: {  	[tilespmem:v56+s20+$0x0] =	vst.idx.msk $0xffff, v35  }
0x391: {  	v59 =	vor.u32 v7, v42;
	v35 =	vld [tilespmem:s7+$0x60];
	[tilespmem:v57+s20+$0x0] =	vst.idx.msk $0xffff, v34  }
0x392: {  	v60 =	vor.u32 v16, v41;
	v34 =	vld [tilespmem:s5+$0x470]  }
0x393: {  	[tilespmem:v58+s20+$0x0] =	vst.idx.msk $0xffff, v39  }
0x394: {  	v61 =	vor.u32 v6, v33;
	v38 =	vld [tilespmem:s6+$0x50];
	_ =	sdelay $0x1  }
0x395: {  	[tilespmem:v59+s20+$0x0] =	vst.idx.msk $0xffff, v35  }
0x396: {  	v35 =	vld [tilespmem:s7+$0x70];
	v62 =	vor.u32 v8, v42;
	[tilespmem:v60+s20+$0x0] =	vst.idx.msk $0xffff, v34  }
0x397: {  	v63 =	vor.u32 v17, v41;
	v34 =	vld [tilespmem:s5+$0x800]  }
0x398: {  	[tilespmem:v61+s20+$0x0] =	vst.idx.msk $0xffff, v38  }
0x399: {  	v43 =	vor.u32 v7, v33;
	v38 =	vld [tilespmem:s6+$0x60];
	_ =	sdelay $0x1  }
0x39a: {  	[tilespmem:v62+s20+$0x0] =	vst.idx.msk $0xffff, v35  }
0x39b: {  	v35 =	vld [tilespmem:s7+$0x400];
	v44 =	vor.u32 v9, v42;
	[tilespmem:v63+s20+$0x0] =	vst.idx.msk $0xffff, v34  }
0x39c: {  	v45 =	vor.u32 v18, v41;
	v34 =	vld [tilespmem:s5+$0x810]  }
0x39d: {  	[tilespmem:v43+s20+$0x0] =	vst.idx.msk $0xffff, v38  }
0x39e: {  	v46 =	vor.u32 v8, v33;
	v38 =	vld [tilespmem:s6+$0x70];
	_ =	sdelay $0x1  }
0x39f: {  	[tilespmem:v44+s20+$0x0] =	vst.idx.msk $0xffff, v35  }
0x3a0: {  	v47 =	vor.u32 v10, v42;
	v35 =	vld [tilespmem:s7+$0x410];
	[tilespmem:v45+s20+$0x0] =	vst.idx.msk $0xffff, v34  }
0x3a1: {  	v48 =	vor.u32 v19, v41;
	v34 =	vld [tilespmem:s5+$0x820]  }
0x3a2: {  	[tilespmem:v46+s20+$0x0] =	vst.idx.msk $0xffff, v38  }
0x3a3: {  	v49 =	vor.u32 v9, v33;
	v38 =	vld [tilespmem:s6+$0x400];
	_ =	sdelay $0x1  }
0x3a4: {  	[tilespmem:v47+s20+$0x0] =	vst.idx.msk $0xffff, v35  }
0x3a5: {  	s26 =	simm.s32 $0x8;
	v50 =	vor.u32 v11, v42;
	v35 =	vld [tilespmem:s7+$0x420];
	[tilespmem:v48+s20+$0x0] =	vst.idx.msk $0xffff, v34  }
0x3a6: {  	s8 =	simm.s32 $0x100;
	v51 =	vmov s26;
	v52 =	vor.u32 v20, v41;
	v37 =	vld [tilespmem:s5+$0x830]  }
0x3a7: {  	s2 =	sand.u32 $0x300, s8;
	v34 =	vshll.u32 v51, $0x7;
	[tilespmem:v49+s20+$0x0] =	vst.idx.msk $0xffff, v38  }
0x3a8: {  	s9 =	simm.s32 $0x10;
	s0 =	sor.u32 s2, s17;
	s2 =	simm.s32 $0x800;
	v53 =	vor.u32 v10, v33;
	v34 =	vor.u32 v1, v34;
	v38 =	vld [tilespmem:s6+$0x410]  }
0x3a9: {  	s11 =	simm.s32 $0x200;
	s10 =	sand.u32 $0x3000, s2;
	v56 =	vmov s9;
	v54 =	vld [tilespmem:s0+$0x0];
	v55 =	vor.u32 v0, v34  }
0x3aa: {  	s8 =	sand.u32 $0x300, s11;
	s9 =	sor.u32 $0x8000, s10;
	[tilespmem:v50+s20+$0x0] =	vst.idx.msk $0xffff, v35;
	v35 =	vshll.u32 v56, $0x7  }
0x3ab: {  	s16 =	sor.u32 s8, s9;
	v35 =	vor.u32 v1, v35;
	v57 =	vor.u32 v12, v42;
	[tilespmem:v52+s20+$0x0] =	vst.idx.msk $0xffff, v37;
	v37 =	vld [tilespmem:s7+$0x430]  }
0x3ac: {  	s12 =	simm.s32 $0x14;
	v62 =	vor.u32 v0, v35;
	v61 =	vld [tilespmem:s16+$0x0]  }
0x3ad: {  	s13 =	simm.s32 $0x280;
	v59 =	vor.u32 v21, v41;
	v60 =	vmov s12;
	[tilespmem:v53+s20+$0x0] =	vst.idx.msk $0xffff, v38;
	v58 =	vld [tilespmem:s5+$0x840]  }
0x3ae: {  	s8 =	sand.u32 $0x380, s13;
	v36 =	vshll.u32 v60, $0x7;
	v52 =	vor.u32 v11, v33;
	[tilespmem:v55+s20+$0x0] =	vst.idx.msk $0xffff, v54;
	v63 =	vld [tilespmem:s6+$0x420]  }
0x3af: {  	s17 =	sor.u32 s8, s9;
	v36 =	vor.u32 v1, v36;
	v54 =	vor.u32 v2, v34;
	v53 =	vld [tilespmem:s0+$0x10]  }
0x3b0: {  	v56 =	vld [tilespmem:s17+$0x0];
	v55 =	vor.u32 v0, v36;
	[tilespmem:v57+s20+$0x0] =	vst.idx.msk $0xffff, v37  }
0x3b1: {  	[tilespmem:v62+s20+$0x0] =	vst.idx.msk $0xffff, v61;
	v57 =	vor.u32 v13, v42;
	v37 =	vld [tilespmem:s7+$0x440]  }
0x3b2: {  	v38 =	vld [tilespmem:s16+$0x10];
	[tilespmem:v59+s20+$0x0] =	vst.idx.msk $0xffff, v58;
	v59 =	vor.u32 v2, v35  }
0x3b3: {  	v58 =	vor.u32 v22, v41;
	[tilespmem:v52+s20+$0x0] =	vst.idx.msk $0xffff, v63;
	v45 =	vld [tilespmem:s5+$0x850]  }
0x3b4: {  	v60 =	vor.u32 v12, v33;
	[tilespmem:v54+s20+$0x0] =	vst.idx.msk $0xffff, v53;
	v43 =	vld [tilespmem:s6+$0x430]  }
0x3b5: {  	v61 =	vor.u32 v3, v34;
	[tilespmem:v55+s20+$0x0] =	vst.idx.msk $0xffff, v56;
	v47 =	vld [tilespmem:s0+$0x20]  }
0x3b6: {  	v62 =	vor.u32 v2, v36;
	v50 =	vld [tilespmem:s17+$0x10];
	[tilespmem:v57+s20+$0x0] =	vst.idx.msk $0xffff, v37  }
0x3b7: {  	v63 =	vor.u32 v14, v42;
	[tilespmem:v59+s20+$0x0] =	vst.idx.msk $0xffff, v38;
	v37 =	vld [tilespmem:s7+$0x450]  }
0x3b8: {  	v53 =	vor.u32 v3, v35;
	[tilespmem:v58+s20+$0x0] =	vst.idx.msk $0xffff, v45;
	v38 =	vld [tilespmem:s16+$0x20]  }
0x3b9: {  	v52 =	vor.u32 v23, v41;
	[tilespmem:v60+s20+$0x0] =	vst.idx.msk $0xffff, v43;
	v45 =	vld [tilespmem:s5+$0x860]  }
0x3ba: {  	v54 =	vor.u32 v13, v33;
	[tilespmem:v61+s20+$0x0] =	vst.idx.msk $0xffff, v47;
	v43 =	vld [tilespmem:s6+$0x440]  }
0x3bb: {  	v55 =	vor.u32 v4, v34;
	[tilespmem:v62+s20+$0x0] =	vst.idx.msk $0xffff, v50;
	v47 =	vld [tilespmem:s0+$0x30]  }
0x3bc: {  	v56 =	vor.u32 v3, v36;
	v50 =	vld [tilespmem:s17+$0x20];
	[tilespmem:v63+s20+$0x0] =	vst.idx.msk $0xffff, v37  }
0x3bd: {  	v57 =	vor.u32 v15, v42;
	[tilespmem:v53+s20+$0x0] =	vst.idx.msk $0xffff, v38;
	v37 =	vld [tilespmem:s7+$0x460]  }
0x3be: {  	v59 =	vor.u32 v4, v35;
	[tilespmem:v52+s20+$0x0] =	vst.idx.msk $0xffff, v45;
	v38 =	vld [tilespmem:s16+$0x30]  }
0x3bf: {  	v58 =	vor.u32 v24, v41;
	[tilespmem:v54+s20+$0x0] =	vst.idx.msk $0xffff, v43;
	v45 =	vld [tilespmem:s5+$0x870]  }
0x3c0: {  	v60 =	vor.u32 v14, v33;
	[tilespmem:v55+s20+$0x0] =	vst.idx.msk $0xffff, v47;
	v43 =	vld [tilespmem:s6+$0x450]  }
0x3c1: {  	s14 =	sand.u32 $0x7, s3;
	v61 =	vor.u32 v5, v34;
	[tilespmem:v56+s20+$0x0] =	vst.idx.msk $0xffff, v50;
	v47 =	vld [tilespmem:s0+$0x40]  }
0x3c2: {  	v62 =	vor.u32 v4, v36;
	s5 =	sshll.u32 s14, $0x7;
	v50 =	vld [tilespmem:s17+$0x30];
	[tilespmem:v57+s20+$0x0] =	vst.idx.msk $0xffff, v37  }
0x3c3: {  	v63 =	vor.u32 v16, v42;
	s11 =	sadd.s32 $0x80, s5;
	[tilespmem:v59+s20+$0x0] =	vst.idx.msk $0xffff, v38;
	v37 =	vld [tilespmem:s7+$0x470]  }
0x3c4: {  	v53 =	vor.u32 v5, v35;
	s5 =	sor.u32 $0xC00, s11;
	[tilespmem:v58+s20+$0x0] =	vst.idx.msk $0xffff, v45;
	v38 =	vld [tilespmem:s16+$0x40]  }
0x3c5: {  	v52 =	vor.u32 v25, v41;
	[tilespmem:v60+s20+$0x0] =	vst.idx.msk $0xffff, v43;
	v45 =	vld [tilespmem:s5+$0x8000]  }
0x3c6: {  	v54 =	vor.u32 v15, v33;
	[tilespmem:v61+s20+$0x0] =	vst.idx.msk $0xffff, v47;
	v43 =	vld [tilespmem:s6+$0x460]  }
0x3c7: {  	v55 =	vor.u32 v6, v34;
	[tilespmem:v62+s20+$0x0] =	vst.idx.msk $0xffff, v50;
	v47 =	vld [tilespmem:s0+$0x50]  }
0x3c8: {  	v56 =	vor.u32 v5, v36;
	v50 =	vld [tilespmem:s17+$0x40];
	[tilespmem:v63+s20+$0x0] =	vst.idx.msk $0xffff, v37  }
0x3c9: {  	v57 =	vor.u32 v17, v42;
	[tilespmem:v53+s20+$0x0] =	vst.idx.msk $0xffff, v38;
	v37 =	vld [tilespmem:s7+$0x800]  }
0x3ca: {  	s15 =	sor.u32 $0xC10, s11;
	v59 =	vor.u32 v6, v35;
	[tilespmem:v52+s20+$0x0] =	vst.idx.msk $0xffff, v45;
	v38 =	vld [tilespmem:s16+$0x50]  }
0x3cb: {  	v58 =	vor.u32 v26, v41;
	[tilespmem:v54+s20+$0x0] =	vst.idx.msk $0xffff, v43;
	v45 =	vld [tilespmem:s15+$0x8000]  }
0x3cc: {  	v60 =	vor.u32 v16, v33;
	[tilespmem:v55+s20+$0x0] =	vst.idx.msk $0xffff, v47;
	v43 =	vld [tilespmem:s6+$0x470]  }
0x3cd: {  	v61 =	vor.u32 v7, v34;
	[tilespmem:v56+s20+$0x0] =	vst.idx.msk $0xffff, v50;
	v47 =	vld [tilespmem:s0+$0x60]  }
0x3ce: {  	v62 =	vor.u32 v6, v36;
	v49 =	vld [tilespmem:s17+$0x50];
	[tilespmem:v57+s20+$0x0] =	vst.idx.msk $0xffff, v37  }
0x3cf: {  	v63 =	vor.u32 v18, v42;
	[tilespmem:v59+s20+$0x0] =	vst.idx.msk $0xffff, v38;
	v37 =	vld [tilespmem:s7+$0x810]  }
0x3d0: {  	s18 =	sor.u32 $0xC20, s11;
	v53 =	vor.u32 v7, v35;
	[tilespmem:v58+s20+$0x0] =	vst.idx.msk $0xffff, v45;
	v38 =	vld [tilespmem:s16+$0x60]  }
0x3d1: {  	v52 =	vor.u32 v27, v41;
	[tilespmem:v60+s20+$0x0] =	vst.idx.msk $0xffff, v43;
	v45 =	vld [tilespmem:s18+$0x8000]  }
0x3d2: {  	v54 =	vor.u32 v17, v33;
	[tilespmem:v61+s20+$0x0] =	vst.idx.msk $0xffff, v47;
	v43 =	vld [tilespmem:s6+$0x800]  }
0x3d3: {  	v55 =	vor.u32 v8, v34;
	[tilespmem:v62+s20+$0x0] =	vst.idx.msk $0xffff, v49;
	v47 =	vld [tilespmem:s0+$0x70]  }
0x3d4: {  	v56 =	vor.u32 v7, v36;
	v49 =	vld [tilespmem:s17+$0x60];
	[tilespmem:v63+s20+$0x0] =	vst.idx.msk $0xffff, v37  }
0x3d5: {  	v57 =	vor.u32 v19, v42;
	[tilespmem:v53+s20+$0x0] =	vst.idx.msk $0xffff, v38;
	v37 =	vld [tilespmem:s7+$0x820]  }
0x3d6: {  	s26 =	sor.u32 $0xC30, s11;
	v59 =	vor.u32 v8, v35;
	[tilespmem:v52+s20+$0x0] =	vst.idx.msk $0xffff, v45;
	v38 =	vld [tilespmem:s16+$0x70]  }
0x3d7: {  	v58 =	vor.u32 v28, v41;
	[tilespmem:v54+s20+$0x0] =	vst.idx.msk $0xffff, v43;
	v45 =	vld [tilespmem:s26+$0x8000]  }
0x3d8: {  	v60 =	vor.u32 v18, v33;
	[tilespmem:v55+s20+$0x0] =	vst.idx.msk $0xffff, v47;
	v43 =	vld [tilespmem:s6+$0x810]  }
0x3d9: {  	v61 =	vor.u32 v9, v34;
	[tilespmem:v56+s20+$0x0] =	vst.idx.msk $0xffff, v49;
	v47 =	vld [tilespmem:s0+$0x400]  }
0x3da: {  	v62 =	vor.u32 v8, v36;
	v49 =	vld [tilespmem:s17+$0x70];
	[tilespmem:v57+s20+$0x0] =	vst.idx.msk $0xffff, v37  }
0x3db: {  	v63 =	vor.u32 v20, v42;
	[tilespmem:v59+s20+$0x0] =	vst.idx.msk $0xffff, v38;
	v37 =	vld [tilespmem:s7+$0x830]  }
0x3dc: {  	s8 =	sor.u32 $0xC40, s11;
	v53 =	vor.u32 v9, v35;
	[tilespmem:v58+s20+$0x0] =	vst.idx.msk $0xffff, v45;
	v38 =	vld [tilespmem:s16+$0x400]  }
0x3dd: {  	v52 =	vor.u32 v29, v41;
	[tilespmem:v60+s20+$0x0] =	vst.idx.msk $0xffff, v43;
	v45 =	vld [tilespmem:s8+$0x8000]  }
0x3de: {  	v54 =	vor.u32 v19, v33;
	[tilespmem:v61+s20+$0x0] =	vst.idx.msk $0xffff, v47;
	v43 =	vld [tilespmem:s6+$0x820]  }
0x3df: {  	v55 =	vor.u32 v10, v34;
	[tilespmem:v62+s20+$0x0] =	vst.idx.msk $0xffff, v49;
	v47 =	vld [tilespmem:s0+$0x410]  }
0x3e0: {  	v56 =	vor.u32 v9, v36;
	v49 =	vld [tilespmem:s17+$0x400];
	[tilespmem:v63+s20+$0x0] =	vst.idx.msk $0xffff, v37  }
0x3e1: {  	v57 =	vor.u32 v21, v42;
	[tilespmem:v53+s20+$0x0] =	vst.idx.msk $0xffff, v38;
	v37 =	vld [tilespmem:s7+$0x840]  }
0x3e2: {  	s9 =	sor.u32 $0xC50, s11;
	v59 =	vor.u32 v10, v35;
	[tilespmem:v52+s20+$0x0] =	vst.idx.msk $0xffff, v45;
	v38 =	vld [tilespmem:s16+$0x410]  }
0x3e3: {  	v58 =	vor.u32 v30, v41;
	[tilespmem:v54+s20+$0x0] =	vst.idx.msk $0xffff, v43;
	v45 =	vld [tilespmem:s9+$0x8000]  }
0x3e4: {  	v60 =	vor.u32 v20, v33;
	[tilespmem:v55+s20+$0x0] =	vst.idx.msk $0xffff, v47;
	v43 =	vld [tilespmem:s6+$0x830]  }
0x3e5: {  	v61 =	vor.u32 v11, v34;
	[tilespmem:v56+s20+$0x0] =	vst.idx.msk $0xffff, v49;
	v47 =	vld [tilespmem:s0+$0x420]  }
0x3e6: {  	v62 =	vor.u32 v10, v36;
	v49 =	vld [tilespmem:s17+$0x410];
	[tilespmem:v57+s20+$0x0] =	vst.idx.msk $0xffff, v37  }
0x3e7: {  	v63 =	vor.u32 v22, v42;
	[tilespmem:v59+s20+$0x0] =	vst.idx.msk $0xffff, v38;
	v40 =	vld [tilespmem:s7+$0x850]  }
0x3e8: {  	s12 =	simm.s32 $0x18;
	s10 =	sor.u32 $0xC60, s11;
	s8 =	simm.s32 $0xC00;
	v59 =	vor.u32 v11, v35;
	[tilespmem:v58+s20+$0x0] =	vst.idx.msk $0xffff, v45;
	v39 =	vld [tilespmem:s16+$0x420]  }
0x3e9: {  	s14 =	simm.s32 $0x300;
	s15 =	simm.s32 $0x1C;
	s13 =	sand.u32 $0x3000, s8;
	v56 =	vor.u32 v31, v41;
	v58 =	vmov s12;
	[tilespmem:v60+s20+$0x0] =	vst.idx.msk $0xffff, v43;
	v57 =	vld [tilespmem:s10+$0x8000]  }
0x3ea: {  	v44 =	vor.u32 v21, v33;
	s26 =	simm.s32 $0x380;
	s5 =	sor.u32 $0x8000, s13;
	s9 =	sand.u32 $0x300, s14;
	v60 =	vmov s15;
	[tilespmem:v61+s20+$0x0] =	vst.idx.msk $0xffff, v47;
	v37 =	vshll.u32 v58, $0x7;
	v43 =	vld [tilespmem:s6+$0x840]  }
0x3eb: {  	v48 =	vor.u32 v12, v34;
	s18 =	sand.u32 $0x380, s26;
	s9 =	sor.u32 s9, s5;
	[tilespmem:v62+s20+$0x0] =	vst.idx.msk $0xffff, v49;
	v62 =	vshll.u32 v60, $0x7;
	v37 =	vor.u32 v1, v37;
	v47 =	vld [tilespmem:s0+$0x430]  }
0x3ec: {  	v50 =	vld [tilespmem:s9+$0x0];
	s15 =	sor.u32 s18, s5;
	v38 =	vor.u32 v1, v62;
	v61 =	vor.u32 v0, v37;
	[tilespmem:v63+s20+$0x0] =	vst.idx.msk $0xffff, v40  }
0x3ed: {  	v58 =	vor.u32 v0, v38;
	[tilespmem:v59+s20+$0x0] =	vst.idx.msk $0xffff, v39;
	v59 =	vld [tilespmem:s15+$0x0]  }
0x3ee: {  	v63 =	vor.u32 v23, v42;
	v45 =	vld [tilespmem:s7+$0x860];
	[tilespmem:v56+s20+$0x0] =	vst.idx.msk $0xffff, v57  }
0x3ef: {  	v56 =	vld [tilespmem:s17+$0x420];
	v57 =	vor.u32 v11, v36;
	[tilespmem:v44+s20+$0x0] =	vst.idx.msk $0xffff, v43  }
0x3f0: {  	v60 =	vor.u32 v22, v33;
	[tilespmem:v48+s20+$0x0] =	vst.idx.msk $0xffff, v47;
	v43 =	vld [tilespmem:s6+$0x850]  }
0x3f1: {  	[tilespmem:v61+s20+$0x0] =	vst.idx.msk $0xffff, v50;
	v47 =	vld [tilespmem:s0+$0x440];
	v61 =	vor.u32 v13, v34  }
0x3f2: {  	v62 =	vor.u32 v2, v37;
	v50 =	vld [tilespmem:s9+$0x10];
	[tilespmem:v58+s20+$0x0] =	vst.idx.msk $0xffff, v59  }
0x3f3: {  	v59 =	vor.u32 v2, v38;
	[tilespmem:v63+s20+$0x0] =	vst.idx.msk $0xffff, v45;
	v51 =	vld [tilespmem:s15+$0x10]  }
0x3f4: {  	[tilespmem:v57+s20+$0x0] =	vst.idx.msk $0xffff, v56;
	v56 =	vor.u32 v24, v42;
	v63 =	vld [tilespmem:s7+$0x870]  }
0x3f5: {  	v58 =	vor.u32 v12, v36;
	v57 =	vld [tilespmem:s17+$0x430];
	[tilespmem:v60+s20+$0x0] =	vst.idx.msk $0xffff, v43  }
0x3f6: {  	[tilespmem:v61+s20+$0x0] =	vst.idx.msk $0xffff, v47  }
0x3f7: {  	s3 =	sand.u32 $0x3, s3;
	v60 =	vor.u32 v23, v33;
	v43 =	vld [tilespmem:s6+$0x860];
	[tilespmem:v62+s20+$0x0] =	vst.idx.msk $0xffff, v50  }
0x3f8: {  	s3 =	sshll.u32 s3, $0x8;
	v61 =	vor.u32 v14, v34;
	v47 =	vld [tilespmem:s0+$0x450];
	[tilespmem:v59+s20+$0x0] =	vst.idx.msk $0xffff, v51  }
0x3f9: {  	s3 =	sadd.s32 $0x0, s3;
	v62 =	vor.u32 v3, v37;
	v50 =	vld [tilespmem:s9+$0x20];
	[tilespmem:v56+s20+$0x0] =	vst.idx.msk $0xffff, v63  }
0x3fa: {  	s12 =	sor.u32 $0xC00, s3;
	[tilespmem:v58+s20+$0x0] =	vst.idx.msk $0xffff, v57;
	v57 =	vor.u32 v3, v38;
	v51 =	vld [tilespmem:s15+$0x20]  }
0x3fb: {  	v63 =	vor.u32 v25, v42;
	v39 =	vld [tilespmem:s12+$0x8000]  }
0x3fc: {  	v56 =	vor.u32 v13, v36;
	v45 =	vld [tilespmem:s17+$0x440];
	[tilespmem:v60+s20+$0x0] =	vst.idx.msk $0xffff, v43  }
0x3fd: {  	v58 =	vor.u32 v24, v33;
	[tilespmem:v61+s20+$0x0] =	vst.idx.msk $0xffff, v47;
	v43 =	vld [tilespmem:s6+$0x870]  }
0x3fe: {  	v59 =	vor.u32 v15, v34;
	s6 =	simm.s32 $0x2;
	[tilespmem:v62+s20+$0x0] =	vst.idx.msk $0xffff, v50;
	v47 =	vld [tilespmem:s0+$0x460]  }
0x3ff: {  	v60 =	vor.u32 v4, v37;
	s13 =	sand.u32 $0x7, s6;
	v50 =	vld [tilespmem:s9+$0x30];
	[tilespmem:v57+s20+$0x0] =	vst.idx.msk $0xffff, v51  }
0x400: {  	s14 =	sor.u32 $0xC10, s3;
	s5 =	sshll.u32 s13, $0x7;
	[tilespmem:v63+s20+$0x0] =	vst.idx.msk $0xffff, v39;
	v63 =	vor.u32 v4, v38;
	v51 =	vld [tilespmem:s15+$0x30]  }
0x401: {  	v61 =	vor.u32 v26, v42;
	s7 =	sadd.s32 $0x480, s5;
	[tilespmem:v56+s20+$0x0] =	vst.idx.msk $0xffff, v45;
	v39 =	vld [tilespmem:s14+$0x8000]  }
0x402: {  	v62 =	vor.u32 v14, v36;
	s5 =	sor.u32 $0xC00, s7;
	v45 =	vld [tilespmem:s17+$0x450];
	[tilespmem:v58+s20+$0x0] =	vst.idx.msk $0xffff, v43  }
0x403: {  	v56 =	vor.u32 v25, v33;
	[tilespmem:v59+s20+$0x0] =	vst.idx.msk $0xffff, v47;
	v43 =	vld [tilespmem:s5+$0x8000]  }
0x404: {  	v57 =	vor.u32 v16, v34;
	[tilespmem:v60+s20+$0x0] =	vst.idx.msk $0xffff, v50;
	v47 =	vld [tilespmem:s0+$0x470]  }
0x405: {  	v58 =	vor.u32 v5, v37;
	v50 =	vld [tilespmem:s9+$0x40];
	[tilespmem:v63+s20+$0x0] =	vst.idx.msk $0xffff, v51  }
0x406: {  	s18 =	sor.u32 $0xC20, s3;
	[tilespmem:v61+s20+$0x0] =	vst.idx.msk $0xffff, v39;
	v61 =	vor.u32 v5, v38;
	v51 =	vld [tilespmem:s15+$0x40]  }
0x407: {  	v59 =	vor.u32 v27, v42;
	[tilespmem:v62+s20+$0x0] =	vst.idx.msk $0xffff, v45;
	v39 =	vld [tilespmem:s18+$0x8000]  }
0x408: {  	s10 =	sor.u32 $0xC10, s7;
	v60 =	vor.u32 v15, v36;
	v45 =	vld [tilespmem:s17+$0x460];
	[tilespmem:v56+s20+$0x0] =	vst.idx.msk $0xffff, v43  }
0x409: {  	v62 =	vor.u32 v26, v33;
	[tilespmem:v57+s20+$0x0] =	vst.idx.msk $0xffff, v47;
	v43 =	vld [tilespmem:s10+$0x8000]  }
0x40a: {  	v63 =	vor.u32 v17, v34;
	[tilespmem:v58+s20+$0x0] =	vst.idx.msk $0xffff, v50;
	v47 =	vld [tilespmem:s0+$0x800]  }
0x40b: {  	v56 =	vor.u32 v6, v37;
	v50 =	vld [tilespmem:s9+$0x50];
	[tilespmem:v61+s20+$0x0] =	vst.idx.msk $0xffff, v51  }
0x40c: {  	s12 =	sor.u32 $0xC30, s3;
	[tilespmem:v59+s20+$0x0] =	vst.idx.msk $0xffff, v39;
	v49 =	vld [tilespmem:s15+$0x50];
	v59 =	vor.u32 v6, v38  }
0x40d: {  	v57 =	vor.u32 v28, v42;
	[tilespmem:v60+s20+$0x0] =	vst.idx.msk $0xffff, v45;
	v39 =	vld [tilespmem:s12+$0x8000]  }
0x40e: {  	s13 =	sor.u32 $0xC20, s7;
	v58 =	vor.u32 v16, v36;
	v45 =	vld [tilespmem:s17+$0x470];
	[tilespmem:v62+s20+$0x0] =	vst.idx.msk $0xffff, v43  }
0x40f: {  	v60 =	vor.u32 v27, v33;
	[tilespmem:v63+s20+$0x0] =	vst.idx.msk $0xffff, v47;
	v43 =	vld [tilespmem:s13+$0x8000]  }
0x410: {  	v61 =	vor.u32 v18, v34;
	[tilespmem:v56+s20+$0x0] =	vst.idx.msk $0xffff, v50;
	v47 =	vld [tilespmem:s0+$0x810]  }
0x411: {  	v62 =	vor.u32 v7, v37;
	v50 =	vld [tilespmem:s9+$0x60];
	[tilespmem:v59+s20+$0x0] =	vst.idx.msk $0xffff, v49  }
0x412: {  	s14 =	sor.u32 $0xC40, s3;
	[tilespmem:v57+s20+$0x0] =	vst.idx.msk $0xffff, v39;
	v49 =	vld [tilespmem:s15+$0x60];
	v57 =	vor.u32 v7, v38  }
0x413: {  	v63 =	vor.u32 v29, v42;
	[tilespmem:v58+s20+$0x0] =	vst.idx.msk $0xffff, v45;
	v39 =	vld [tilespmem:s14+$0x8000]  }
0x414: {  	s18 =	sor.u32 $0xC30, s7;
	v56 =	vor.u32 v17, v36;
	v45 =	vld [tilespmem:s17+$0x800];
	[tilespmem:v60+s20+$0x0] =	vst.idx.msk $0xffff, v43  }
0x415: {  	v58 =	vor.u32 v28, v33;
	[tilespmem:v61+s20+$0x0] =	vst.idx.msk $0xffff, v47;
	v43 =	vld [tilespmem:s18+$0x8000]  }
0x416: {  	v59 =	vor.u32 v19, v34;
	[tilespmem:v62+s20+$0x0] =	vst.idx.msk $0xffff, v50;
	v47 =	vld [tilespmem:s0+$0x820]  }
0x417: {  	v60 =	vor.u32 v8, v37;
	v50 =	vld [tilespmem:s9+$0x70];
	[tilespmem:v57+s20+$0x0] =	vst.idx.msk $0xffff, v49  }
0x418: {  	s10 =	sor.u32 $0xC50, s3;
	[tilespmem:v63+s20+$0x0] =	vst.idx.msk $0xffff, v39;
	v49 =	vld [tilespmem:s15+$0x70];
	v63 =	vor.u32 v8, v38  }
0x419: {  	v61 =	vor.u32 v30, v42;
	[tilespmem:v56+s20+$0x0] =	vst.idx.msk $0xffff, v45;
	v39 =	vld [tilespmem:s10+$0x8000]  }
0x41a: {  	s12 =	sor.u32 $0xC40, s7;
	v62 =	vor.u32 v18, v36;
	v45 =	vld [tilespmem:s17+$0x810];
	[tilespmem:v58+s20+$0x0] =	vst.idx.msk $0xffff, v43  }
0x41b: {  	v56 =	vor.u32 v29, v33;
	[tilespmem:v59+s20+$0x0] =	vst.idx.msk $0xffff, v47;
	v43 =	vld [tilespmem:s12+$0x8000]  }
0x41c: {  	v57 =	vor.u32 v20, v34;
	[tilespmem:v60+s20+$0x0] =	vst.idx.msk $0xffff, v50;
	v47 =	vld [tilespmem:s0+$0x830]  }
0x41d: {  	v58 =	vor.u32 v9, v37;
	v50 =	vld [tilespmem:s9+$0x400];
	[tilespmem:v63+s20+$0x0] =	vst.idx.msk $0xffff, v49  }
0x41e: {  	s13 =	sor.u32 $0xC60, s3;
	[tilespmem:v61+s20+$0x0] =	vst.idx.msk $0xffff, v39;
	v49 =	vld [tilespmem:s15+$0x400];
	v61 =	vor.u32 v9, v38  }
0x41f: {  	v59 =	vor.u32 v31, v42;
	[tilespmem:v62+s20+$0x0] =	vst.idx.msk $0xffff, v45;
	v39 =	vld [tilespmem:s13+$0x8000]  }
0x420: {  	v60 =	vor.u32 v19, v36;
	v45 =	vld [tilespmem:s17+$0x820];
	[tilespmem:v56+s20+$0x0] =	vst.idx.msk $0xffff, v43  }
0x421: {  	s14 =	sor.u32 $0xC50, s7;
	[tilespmem:v57+s20+$0x0] =	vst.idx.msk $0xffff, v47  }
0x422: {  	v62 =	vor.u32 v30, v33;
	v44 =	vld [tilespmem:s14+$0x8000];
	[tilespmem:v58+s20+$0x0] =	vst.idx.msk $0xffff, v50  }
0x423: {  	v63 =	vor.u32 v21, v34;
	v48 =	vld [tilespmem:s0+$0x840];
	[tilespmem:v61+s20+$0x0] =	vst.idx.msk $0xffff, v49  }
0x424: {  	v54 =	vor.u32 v10, v37;
	s3 =	sor.u32 $0xC70, s3;
	v53 =	vld [tilespmem:s9+$0x410];
	[tilespmem:v59+s20+$0x0] =	vst.idx.msk $0xffff, v39  }
0x425: {  	v49 =	vor.u32 v32, v42;
	[tilespmem:v60+s20+$0x0] =	vst.idx.msk $0xffff, v45;
	v45 =	vld [tilespmem:s3+$0x8000]  }
0x426: {  	s18 =	sor.u32 $0xC70, s11;
	v50 =	vor.u32 v20, v36;
	v46 =	vld [tilespmem:s17+$0x830]  }
0x427: {  	v52 =	vor.u32 v22, v34;
	v47 =	vld [tilespmem:s18+$0x8000];
	[tilespmem:v62+s20+$0x0] =	vst.idx.msk $0xffff, v44;
	v44 =	vor.u32 v32, v41  }
0x428: {  	v40 =	vor.u32 v31, v36;
	s5 =	sor.u32 $0xC60, s7;
	s11 =	simm.s32 $0x1;
	s10 =	simm.s32 $0x1000;
	v42 =	vld [tilespmem:s15+$0x410];
	[tilespmem:v63+s20+$0x0] =	vst.idx.msk $0xffff, v48;
	v48 =	vor.u32 v10, v38  }
0x429: {  	v43 =	vor.u32 v31, v33;
	s18 =	simm.s32 $0x6;
	s14 =	simm.s32 $0x24;
	v39 =	vor.u32 v31, v38;
	s3 =	simm.s32 $0x480;
	[tilespmem:v54+s20+$0x0] =	vst.idx.msk $0xffff, v53;
	v51 =	vld [tilespmem:s0+$0x850]  }
.LBB2_11:
0x42a: {  	s12 =	sadd.s32 $0xFFFFFFFC, s14;
	s13 =	sand.u32 $0x3000, s10;
	s26 =	sadd.s32 $0x100, s26;
	v53 =	vld [tilespmem:s5+$0x8000];
	[tilespmem:v49+s20+$0x0] =	vst.idx.msk $0xffff, v45  }
0x42b: {  	s18 =	sadd.s32 $0x2, s18;
	v49 =	vor.u32 v11, v37;
	v41 =	vmov s12;
	s5 =	sadd.s32 $0xFFFFFF80, s26;
	s12 =	sor.u32 $0x8000, s13;
	v45 =	vld [tilespmem:s9+$0x420];
	[tilespmem:v50+s20+$0x0] =	vst.idx.msk $0xffff, v46  }
0x42c: {  	p1 =	slt.u32 s18, $0x1E;
	v50 =	vor.u32 v21, v36;
	v41 =	vshll.u32 v41, $0x7;
	s5 =	sand.u32 $0x300, s5;
	v46 =	vld [tilespmem:s17+$0x840];
	[tilespmem:v44+s20+$0x0] =	vst.idx.msk $0xffff, v47  }
0x42d: {  	v44 =	vmov s14;
	s5 =	sor.u32 s5, s12;
	v41 =	vor.u32 v1, v41;
	[tilespmem:v48+s20+$0x0] =	vst.idx.msk $0xffff, v42;
	v47 =	vld [tilespmem:s16+$0x430];
	v48 =	vor.u32 v12, v35  }
0x42e: {  	s13 =	sand.u32 $0x380, s26;
	v42 =	vshll.u32 v44, $0x7;
	v54 =	vld [tilespmem:s5+$0x0];
	v55 =	vor.u32 v0, v41;
	[tilespmem:v52+s20+$0x0] =	vst.idx.msk $0xffff, v51  }
0x42f: {  	s12 =	sor.u32 s13, s12;
	v42 =	vor.u32 v1, v42;
	v51 =	vor.u32 v23, v34;
	v44 =	vld [tilespmem:s0+$0x860];
	[tilespmem:v43+s20+$0x0] =	vst.idx.msk $0xffff, v53;
	v43 =	vmov v40  }
0x430: {  	v52 =	vor.u32 v0, v42;
	v40 =	vmov v39;
	[tilespmem:v49+s20+$0x0] =	vst.idx.msk $0xffff, v45;
	v45 =	vld [tilespmem:s15+$0x420];
	v49 =	vor.u32 v11, v38  }
0x431: {  	v39 =	vor.u32 v31, v42;
	v53 =	vld [tilespmem:s12+$0x0];
	[tilespmem:v50+s20+$0x0] =	vst.idx.msk $0xffff, v46  }
0x432: {  	[tilespmem:v48+s20+$0x0] =	vst.idx.msk $0xffff, v47;
	v46 =	vld [tilespmem:s17+$0x850];
	v47 =	vor.u32 v22, v36  }
0x433: {  	v50 =	vor.u32 v13, v35;
	[tilespmem:v55+s20+$0x0] =	vst.idx.msk $0xffff, v54;
	v48 =	vld [tilespmem:s16+$0x440]  }
0x434: {  	v55 =	vor.u32 v2, v41;
	v54 =	vld [tilespmem:s5+$0x10];
	[tilespmem:v51+s20+$0x0] =	vst.idx.msk $0xffff, v44  }
0x435: {  	[tilespmem:v49+s20+$0x0] =	vst.idx.msk $0xffff, v45;
	v44 =	vld [tilespmem:s0+$0x870];
	v45 =	vor.u32 v24, v34;
	s0 =	smov.u32 s16;
	s16 =	smov.u32 s9;
	s9 =	smov.u32 s5  }
0x436: {  	v49 =	vor.u32 v2, v42;
	[tilespmem:v52+s20+$0x0] =	vst.idx.msk $0xffff, v53;
	v51 =	vld [tilespmem:s15+$0x430];
	v52 =	vor.u32 v12, v38  }
0x437: {  	s5 =	sand.u32 $0x3, s11;
	v53 =	vld [tilespmem:s12+$0x10];
	[tilespmem:v47+s20+$0x0] =	vst.idx.msk $0xffff, v46  }
0x438: {  	s5 =	sshll.u32 s5, $0x8;
	v47 =	vor.u32 v23, v36;
	[tilespmem:v50+s20+$0x0] =	vst.idx.msk $0xffff, v48;
	v46 =	vld [tilespmem:s17+$0x860]  }
0x439: {  	s5 =	sadd.s32 s5, s31;
	s31 =	smov.u32 s2;
	s2 =	smov.u32 s8;
	v50 =	vor.u32 v14, v35;
	[tilespmem:v55+s20+$0x0] =	vst.idx.msk $0xffff, v54;
	v48 =	vld [tilespmem:s0+$0x450]  }
0x43a: {  	s8 =	smov.u32 s10;
	s13 =	sor.u32 $0xC00, s5;
	v55 =	vor.u32 v3, v41;
	v54 =	vld [tilespmem:s9+$0x20];
	[tilespmem:v45+s20+$0x0] =	vst.idx.msk $0xffff, v44  }
0x43b: {  	v45 =	vor.u32 v25, v34;
	[tilespmem:v52+s20+$0x0] =	vst.idx.msk $0xffff, v51;
	v44 =	vld [tilespmem:s13+$0x8000]  }
0x43c: {  	v52 =	vor.u32 v13, v38;
	[tilespmem:v49+s20+$0x0] =	vst.idx.msk $0xffff, v53;
	v49 =	vor.u32 v3, v42;
	v51 =	vld [tilespmem:s15+$0x440]  }
0x43d: {  	v53 =	vld [tilespmem:s12+$0x20];
	[tilespmem:v47+s20+$0x0] =	vst.idx.msk $0xffff, v46  }
0x43e: {  	s6 =	sadd.s32 $0x2, s6;
	v47 =	vor.u32 v24, v36;
	[tilespmem:v50+s20+$0x0] =	vst.idx.msk $0xffff, v48;
	v46 =	vld [tilespmem:s17+$0x870];
	s17 =	smov.u32 s15;
	s15 =	smov.u32 s12  }
0x43f: {  	v50 =	vor.u32 v15, v35;
	[tilespmem:v55+s20+$0x0] =	vst.idx.msk $0xffff, v54;
	v48 =	vld [tilespmem:s0+$0x460]  }
0x440: {  	s3 =	sadd.s32 $0x400, s3;
	s13 =	sor.u32 $0xC10, s5;
	s12 =	sand.u32 $0x7, s6;
	v55 =	vor.u32 v4, v41;
	v54 =	vld [tilespmem:s9+$0x30];
	[tilespmem:v45+s20+$0x0] =	vst.idx.msk $0xffff, v44  }
0x441: {  	s12 =	sshll.u32 s12, $0x7;
	v45 =	vor.u32 v26, v34;
	[tilespmem:v52+s20+$0x0] =	vst.idx.msk $0xffff, v51;
	v44 =	vld [tilespmem:s13+$0x8000]  }
0x442: {  	s12 =	sadd.s32 s12, s3;
	v52 =	vor.u32 v14, v38;
	[tilespmem:v49+s20+$0x0] =	vst.idx.msk $0xffff, v53;
	v49 =	vor.u32 v4, v42;
	v51 =	vld [tilespmem:s17+$0x450]  }
0x443: {  	s13 =	sor.u32 $0xC00, s12;
	v53 =	vld [tilespmem:s15+$0x30];
	[tilespmem:v47+s20+$0x0] =	vst.idx.msk $0xffff, v46  }
0x444: {  	v47 =	vor.u32 v25, v36;
	[tilespmem:v50+s20+$0x0] =	vst.idx.msk $0xffff, v48;
	v46 =	vld [tilespmem:s13+$0x8000]  }
0x445: {  	v50 =	vor.u32 v16, v35;
	[tilespmem:v55+s20+$0x0] =	vst.idx.msk $0xffff, v54;
	v48 =	vld [tilespmem:s0+$0x470]  }
0x446: {  	s13 =	sor.u32 $0xC20, s5;
	v55 =	vor.u32 v5, v41;
	v54 =	vld [tilespmem:s9+$0x40];
	[tilespmem:v45+s20+$0x0] =	vst.idx.msk $0xffff, v44  }
0x447: {  	v45 =	vor.u32 v27, v34;
	[tilespmem:v52+s20+$0x0] =	vst.idx.msk $0xffff, v51;
	v44 =	vld [tilespmem:s13+$0x8000]  }
0x448: {  	v52 =	vor.u32 v15, v38;
	[tilespmem:v49+s20+$0x0] =	vst.idx.msk $0xffff, v53;
	v49 =	vor.u32 v5, v42;
	v51 =	vld [tilespmem:s17+$0x460]  }
0x449: {  	s13 =	sor.u32 $0xC10, s12;
	v53 =	vld [tilespmem:s15+$0x40];
	[tilespmem:v47+s20+$0x0] =	vst.idx.msk $0xffff, v46  }
0x44a: {  	v47 =	vor.u32 v26, v36;
	[tilespmem:v50+s20+$0x0] =	vst.idx.msk $0xffff, v48;
	v46 =	vld [tilespmem:s13+$0x8000]  }
0x44b: {  	v50 =	vor.u32 v17, v35;
	[tilespmem:v55+s20+$0x0] =	vst.idx.msk $0xffff, v54;
	v48 =	vld [tilespmem:s0+$0x800]  }
0x44c: {  	s13 =	sor.u32 $0xC30, s5;
	v55 =	vor.u32 v6, v41;
	v54 =	vld [tilespmem:s9+$0x50];
	[tilespmem:v45+s20+$0x0] =	vst.idx.msk $0xffff, v44  }
0x44d: {  	v45 =	vor.u32 v28, v34;
	[tilespmem:v52+s20+$0x0] =	vst.idx.msk $0xffff, v51;
	v44 =	vld [tilespmem:s13+$0x8000]  }
0x44e: {  	v51 =	vor.u32 v16, v38;
	[tilespmem:v49+s20+$0x0] =	vst.idx.msk $0xffff, v53;
	v49 =	vld [tilespmem:s17+$0x470]  }
0x44f: {  	s13 =	sor.u32 $0xC20, s12;
	v53 =	vor.u32 v6, v42;
	v52 =	vld [tilespmem:s15+$0x50];
	[tilespmem:v47+s20+$0x0] =	vst.idx.msk $0xffff, v46  }
0x450: {  	v47 =	vor.u32 v27, v36;
	[tilespmem:v50+s20+$0x0] =	vst.idx.msk $0xffff, v48;
	v46 =	vld [tilespmem:s13+$0x8000]  }
0x451: {  	v50 =	vor.u32 v18, v35;
	[tilespmem:v55+s20+$0x0] =	vst.idx.msk $0xffff, v54;
	v48 =	vld [tilespmem:s0+$0x810]  }
0x452: {  	s13 =	sor.u32 $0xC40, s5;
	v55 =	vor.u32 v7, v41;
	v54 =	vld [tilespmem:s9+$0x60];
	[tilespmem:v45+s20+$0x0] =	vst.idx.msk $0xffff, v44  }
0x453: {  	v45 =	vor.u32 v29, v34;
	[tilespmem:v51+s20+$0x0] =	vst.idx.msk $0xffff, v49;
	v44 =	vld [tilespmem:s13+$0x8000]  }
0x454: {  	v51 =	vor.u32 v17, v38;
	[tilespmem:v53+s20+$0x0] =	vst.idx.msk $0xffff, v52;
	v49 =	vld [tilespmem:s17+$0x800]  }
0x455: {  	s13 =	sor.u32 $0xC30, s12;
	v53 =	vor.u32 v7, v42;
	v52 =	vld [tilespmem:s15+$0x60];
	[tilespmem:v47+s20+$0x0] =	vst.idx.msk $0xffff, v46  }
0x456: {  	v47 =	vor.u32 v28, v36;
	[tilespmem:v50+s20+$0x0] =	vst.idx.msk $0xffff, v48;
	v46 =	vld [tilespmem:s13+$0x8000]  }
0x457: {  	v50 =	vor.u32 v19, v35;
	[tilespmem:v55+s20+$0x0] =	vst.idx.msk $0xffff, v54;
	v48 =	vld [tilespmem:s0+$0x820]  }
0x458: {  	s13 =	sor.u32 $0xC50, s5;
	v55 =	vor.u32 v8, v41;
	v54 =	vld [tilespmem:s9+$0x70];
	[tilespmem:v45+s20+$0x0] =	vst.idx.msk $0xffff, v44  }
0x459: {  	v45 =	vor.u32 v30, v34;
	[tilespmem:v51+s20+$0x0] =	vst.idx.msk $0xffff, v49;
	v44 =	vld [tilespmem:s13+$0x8000]  }
0x45a: {  	v51 =	vor.u32 v18, v38;
	[tilespmem:v53+s20+$0x0] =	vst.idx.msk $0xffff, v52;
	v49 =	vld [tilespmem:s17+$0x810]  }
0x45b: {  	s13 =	sor.u32 $0xC40, s12;
	v53 =	vor.u32 v8, v42;
	v52 =	vld [tilespmem:s15+$0x70];
	[tilespmem:v47+s20+$0x0] =	vst.idx.msk $0xffff, v46  }
0x45c: {  	v47 =	vor.u32 v29, v36;
	[tilespmem:v50+s20+$0x0] =	vst.idx.msk $0xffff, v48;
	v46 =	vld [tilespmem:s13+$0x8000]  }
0x45d: {  	v50 =	vor.u32 v20, v35;
	[tilespmem:v55+s20+$0x0] =	vst.idx.msk $0xffff, v54;
	v48 =	vld [tilespmem:s0+$0x830]  }
0x45e: {  	s13 =	sor.u32 $0xC60, s5;
	v55 =	vor.u32 v9, v41;
	v54 =	vld [tilespmem:s9+$0x400];
	[tilespmem:v45+s20+$0x0] =	vst.idx.msk $0xffff, v44  }
0x45f: {  	v45 =	vor.u32 v31, v34;
	[tilespmem:v51+s20+$0x0] =	vst.idx.msk $0xffff, v49;
	v44 =	vld [tilespmem:s13+$0x8000]  }
0x460: {  	v51 =	vor.u32 v19, v38;
	[tilespmem:v53+s20+$0x0] =	vst.idx.msk $0xffff, v52;
	v49 =	vld [tilespmem:s17+$0x820]  }
0x461: {  	s13 =	sor.u32 $0xC50, s12;
	v53 =	vor.u32 v9, v42;
	v52 =	vld [tilespmem:s15+$0x400];
	[tilespmem:v47+s20+$0x0] =	vst.idx.msk $0xffff, v46  }
0x462: {  	[tilespmem:v50+s20+$0x0] =	vst.idx.msk $0xffff, v48;
	v47 =	vld [tilespmem:s13+$0x8000];
	v48 =	vor.u32 v30, v36  }
0x463: {  	[tilespmem:v55+s20+$0x0] =	vst.idx.msk $0xffff, v54;
	v54 =	vld [tilespmem:s0+$0x840];
	v55 =	vor.u32 v21, v35  }
0x464: {  	v57 =	vor.u32 v10, v41;
	s5 =	sor.u32 $0xC70, s5;
	v56 =	vld [tilespmem:s9+$0x410];
	[tilespmem:v45+s20+$0x0] =	vst.idx.msk $0xffff, v44  }
.Ltmp7:
0x465: {  	v44 =	vor.u32 v32, v33;
	[tilespmem:v51+s20+$0x0] =	vst.idx.msk $0xffff, v49;
	v45 =	vld [tilespmem:s5+$0x8000];
	v49 =	vor.u32 v32, v34;
	s5 =	sor.u32 $0xC70, s7;
	v34 =	vmov v35;
	s7 =	smov.u32 s12;
	(pc) =	sbr.rel @p1 .LBB2_11-.Ltmp7, $4  }
0x466: {  	v50 =	vor.u32 v20, v38;
	v33 =	vmovc v36;
	v35 =	vmov v37;
	v37 =	vmov v41;
	[tilespmem:v53+s20+$0x0] =	vst.idx.msk $0xffff, v52;
	v46 =	vld [tilespmem:s17+$0x830]  }
0x467: {  	v36 =	vmov v38;
	v38 =	vmov v42;
	[tilespmem:v48+s20+$0x0] =	vst.idx.msk $0xffff, v47;
	v47 =	vld [tilespmem:s5+$0x8000]  }
0x468: {  	s11 =	sadd.s32 $0x1, s11;
	v48 =	vor.u32 v10, v38;
	v42 =	vld [tilespmem:s15+$0x410];
	[tilespmem:v55+s20+$0x0] =	vst.idx.msk $0xffff, v54  }
0x469: {  	s14 =	sadd.s32 $0x8, s14;
	s10 =	sadd.s32 $0x400, s10;
	v52 =	vor.u32 v22, v34;
	s5 =	sor.u32 $0xC60, s7;
	[tilespmem:v57+s20+$0x0] =	vst.idx.msk $0xffff, v56;
	v51 =	vld [tilespmem:s0+$0x850]  }
0x46a: {  	_ =	sdelay $0x3  }
0x46b: {  	v41 =	vld [tilespmem:s5+$0x8000];
	[tilespmem:v49+s20+$0x0] =	vst.idx.msk $0xffff, v45  }
0x46c: {  	v59 =	vld [tilespmem:s9+$0x420];
	v60 =	vor.u32 v11, v37;
	[tilespmem:v50+s20+$0x0] =	vst.idx.msk $0xffff, v46  }
0x46d: {  	v62 =	vld [tilespmem:s16+$0x430];
	v63 =	vor.u32 v12, v35;
	[tilespmem:v44+s20+$0x0] =	vst.idx.msk $0xffff, v47  }
0x46e: {  	v61 =	vor.u32 v21, v36;
	v46 =	vld [tilespmem:s17+$0x840];
	[tilespmem:v48+s20+$0x0] =	vst.idx.msk $0xffff, v42  }
0x46f: {  	v56 =	vor.u32 v11, v38;
	[tilespmem:v52+s20+$0x0] =	vst.idx.msk $0xffff, v51;
	v55 =	vld [tilespmem:s15+$0x420]  }
0x470: {  	v54 =	vor.u32 v23, v34;
	v53 =	vld [tilespmem:s0+$0x860];
	[tilespmem:v43+s20+$0x0] =	vst.idx.msk $0xffff, v41  }
0x471: {  	[tilespmem:v60+s20+$0x0] =	vst.idx.msk $0xffff, v59  }
0x472: {  	[tilespmem:v63+s20+$0x0] =	vst.idx.msk $0xffff, v62  }
0x473: {  	[tilespmem:v61+s20+$0x0] =	vst.idx.msk $0xffff, v46  }
0x474: {  	v57 =	vld [tilespmem:s16+$0x440];
	[tilespmem:v56+s20+$0x0] =	vst.idx.msk $0xffff, v55  }
0x475: {  	v44 =	vld [tilespmem:s17+$0x850];
	[tilespmem:v54+s20+$0x0] =	vst.idx.msk $0xffff, v53  }
0x476: {  	v58 =	vor.u32 v12, v37;
	v41 =	vld [tilespmem:s9+$0x430]  }
0x477: {  	v60 =	vor.u32 v12, v38;
	v59 =	vld [tilespmem:s15+$0x430];
	_ =	sdelay $0x3  }
0x478: {  	v61 =	vor.u32 v13, v35;
	[tilespmem:v58+s20+$0x0] =	vst.idx.msk $0xffff, v41  }
0x479: {  	v62 =	vor.u32 v13, v37;
	[tilespmem:v60+s20+$0x0] =	vst.idx.msk $0xffff, v59;
	v41 =	vld [tilespmem:s9+$0x440]  }
0x47a: {  	v63 =	vor.u32 v13, v38;
	v43 =	vld [tilespmem:s15+$0x440];
	_ =	sdelay $0x2  }
0x47b: {  	[tilespmem:v61+s20+$0x0] =	vst.idx.msk $0xffff, v57  }
0x47c: {  	v48 =	vor.u32 v14, v35;
	v45 =	vld [tilespmem:s16+$0x450];
	[tilespmem:v62+s20+$0x0] =	vst.idx.msk $0xffff, v41  }
0x47d: {  	v49 =	vor.u32 v14, v37;
	[tilespmem:v63+s20+$0x0] =	vst.idx.msk $0xffff, v43;
	v41 =	vld [tilespmem:s9+$0x450]  }
0x47e: {  	v50 =	vor.u32 v14, v38;
	v43 =	vld [tilespmem:s15+$0x450];
	_ =	sdelay $0x2  }
0x47f: {  	[tilespmem:v48+s20+$0x0] =	vst.idx.msk $0xffff, v45  }
0x480: {  	v51 =	vor.u32 v15, v35;
	v45 =	vld [tilespmem:s16+$0x460];
	[tilespmem:v49+s20+$0x0] =	vst.idx.msk $0xffff, v41  }
0x481: {  	v52 =	vor.u32 v15, v37;
	[tilespmem:v50+s20+$0x0] =	vst.idx.msk $0xffff, v43;
	v41 =	vld [tilespmem:s9+$0x460]  }
0x482: {  	v53 =	vor.u32 v15, v38;
	v43 =	vld [tilespmem:s15+$0x460];
	_ =	sdelay $0x2  }
0x483: {  	[tilespmem:v51+s20+$0x0] =	vst.idx.msk $0xffff, v45  }
0x484: {  	v54 =	vor.u32 v16, v35;
	v45 =	vld [tilespmem:s16+$0x470];
	[tilespmem:v52+s20+$0x0] =	vst.idx.msk $0xffff, v41  }
0x485: {  	v55 =	vor.u32 v16, v37;
	[tilespmem:v53+s20+$0x0] =	vst.idx.msk $0xffff, v43;
	v41 =	vld [tilespmem:s9+$0x470]  }
0x486: {  	v56 =	vor.u32 v16, v38;
	v43 =	vld [tilespmem:s15+$0x470];
	_ =	sdelay $0x2  }
0x487: {  	[tilespmem:v54+s20+$0x0] =	vst.idx.msk $0xffff, v45  }
0x488: {  	v57 =	vor.u32 v17, v35;
	v45 =	vld [tilespmem:s16+$0x800];
	[tilespmem:v55+s20+$0x0] =	vst.idx.msk $0xffff, v41  }
0x489: {  	v58 =	vor.u32 v17, v37;
	[tilespmem:v56+s20+$0x0] =	vst.idx.msk $0xffff, v43;
	v41 =	vld [tilespmem:s9+$0x800]  }
0x48a: {  	v59 =	vor.u32 v17, v38;
	v43 =	vld [tilespmem:s15+$0x800];
	_ =	sdelay $0x2  }
0x48b: {  	[tilespmem:v57+s20+$0x0] =	vst.idx.msk $0xffff, v45  }
0x48c: {  	v60 =	vor.u32 v18, v35;
	v45 =	vld [tilespmem:s16+$0x810];
	[tilespmem:v58+s20+$0x0] =	vst.idx.msk $0xffff, v41  }
0x48d: {  	v61 =	vor.u32 v18, v37;
	[tilespmem:v59+s20+$0x0] =	vst.idx.msk $0xffff, v43;
	v41 =	vld [tilespmem:s9+$0x810]  }
0x48e: {  	v62 =	vor.u32 v18, v38;
	v43 =	vld [tilespmem:s15+$0x810];
	_ =	sdelay $0x2  }
0x48f: {  	[tilespmem:v60+s20+$0x0] =	vst.idx.msk $0xffff, v45  }
0x490: {  	v63 =	vor.u32 v19, v35;
	v45 =	vld [tilespmem:s16+$0x820];
	[tilespmem:v61+s20+$0x0] =	vst.idx.msk $0xffff, v41  }
0x491: {  	v48 =	vor.u32 v19, v37;
	[tilespmem:v62+s20+$0x0] =	vst.idx.msk $0xffff, v43;
	v41 =	vld [tilespmem:s9+$0x820]  }
0x492: {  	v49 =	vor.u32 v19, v38;
	v43 =	vld [tilespmem:s15+$0x820];
	_ =	sdelay $0x2  }
0x493: {  	[tilespmem:v63+s20+$0x0] =	vst.idx.msk $0xffff, v45  }
0x494: {  	v50 =	vor.u32 v20, v35;
	v45 =	vld [tilespmem:s16+$0x830];
	[tilespmem:v48+s20+$0x0] =	vst.idx.msk $0xffff, v41  }
0x495: {  	v51 =	vor.u32 v20, v37;
	[tilespmem:v49+s20+$0x0] =	vst.idx.msk $0xffff, v43;
	v41 =	vld [tilespmem:s9+$0x830]  }
0x496: {  	v52 =	vor.u32 v20, v38;
	v43 =	vld [tilespmem:s15+$0x830];
	_ =	sdelay $0x2  }
0x497: {  	[tilespmem:v50+s20+$0x0] =	vst.idx.msk $0xffff, v45  }
0x498: {  	v53 =	vor.u32 v21, v35;
	v45 =	vld [tilespmem:s16+$0x840];
	[tilespmem:v51+s20+$0x0] =	vst.idx.msk $0xffff, v41  }
0x499: {  	v54 =	vor.u32 v21, v37;
	[tilespmem:v52+s20+$0x0] =	vst.idx.msk $0xffff, v43;
	v41 =	vld [tilespmem:s9+$0x840]  }
0x49a: {  	v55 =	vor.u32 v21, v38;
	v43 =	vld [tilespmem:s15+$0x840]  }
0x49b: {  	v57 =	vor.u32 v22, v36;
	_ =	sdelay $0x1  }
0x49c: {  	[tilespmem:v53+s20+$0x0] =	vst.idx.msk $0xffff, v45  }
0x49d: {  	v56 =	vor.u32 v22, v35;
	v45 =	vld [tilespmem:s16+$0x850];
	[tilespmem:v54+s20+$0x0] =	vst.idx.msk $0xffff, v41  }
0x49e: {  	v58 =	vor.u32 v22, v37;
	[tilespmem:v55+s20+$0x0] =	vst.idx.msk $0xffff, v43;
	v41 =	vld [tilespmem:s9+$0x850]  }
0x49f: {  	[tilespmem:v57+s20+$0x0] =	vst.idx.msk $0xffff, v44;
	v59 =	vor.u32 v22, v38;
	v43 =	vld [tilespmem:s15+$0x850]  }
0x4a0: {  	v63 =	vor.u32 v23, v36;
	v62 =	vld [tilespmem:s17+$0x860];
	_ =	sdelay $0x1  }
0x4a1: {  	[tilespmem:v56+s20+$0x0] =	vst.idx.msk $0xffff, v45  }
0x4a2: {  	v61 =	vor.u32 v23, v35;
	v60 =	vld [tilespmem:s16+$0x860];
	[tilespmem:v58+s20+$0x0] =	vst.idx.msk $0xffff, v41  }
0x4a3: {  	v52 =	vor.u32 v23, v37;
	[tilespmem:v59+s20+$0x0] =	vst.idx.msk $0xffff, v43;
	v41 =	vld [tilespmem:s9+$0x860]  }
0x4a4: {  	[tilespmem:v63+s20+$0x0] =	vst.idx.msk $0xffff, v62;
	v53 =	vor.u32 v23, v38;
	v43 =	vld [tilespmem:s15+$0x860]  }
0x4a5: {  	v57 =	vor.u32 v24, v36;
	v47 =	vld [tilespmem:s17+$0x870]  }
0x4a6: {  	s18 =	sand.u32 $0x3, s11;
	s26 =	sadd.s32 $0x2, s6;
	v54 =	vld [tilespmem:s0+$0x870];
	v55 =	vor.u32 v24, v34  }
0x4a7: {  	s10 =	sadd.s32 $0x400, s3;
	s13 =	sadd.s32 $0x1, s11;
	s6 =	sand.u32 $0x7, s26;
	[tilespmem:v61+s20+$0x0] =	vst.idx.msk $0xffff, v60  }
0x4a8: {  	s5 =	sadd.s32 $0x2, s26;
	s12 =	sshll.u32 s6, $0x7;
	s6 =	sadd.s32 $0x1, s13;
	v56 =	vor.u32 v24, v35;
	v44 =	vld [tilespmem:s16+$0x870];
	[tilespmem:v52+s20+$0x0] =	vst.idx.msk $0xffff, v41  }
0x4a9: {  	s5 =	sand.u32 $0x7, s5;
	s3 =	sadd.s32 s12, s10;
	s0 =	sshll.u32 s18, $0x8;
	v58 =	vor.u32 v24, v37;
	[tilespmem:v53+s20+$0x0] =	vst.idx.msk $0xffff, v43;
	v41 =	vld [tilespmem:s9+$0x870]  }
0x4aa: {  	s12 =	sand.u32 $0x3, s13;
	[tilespmem:v57+s20+$0x0] =	vst.idx.msk $0xffff, v47;
	s0 =	sadd.s32 s0, s31;
	s16 =	sor.u32 $0xC00, s3;
	v59 =	vor.u32 v24, v38;
	v43 =	vld [tilespmem:s15+$0x870]  }
0x4ab: {  	s6 =	sand.u32 $0x3, s6;
	s12 =	sshll.u32 s12, $0x8;
	v62 =	vor.u32 v25, v36;
	s14 =	sor.u32 $0xC00, s0;
	v47 =	vld [tilespmem:s16+$0x8000];
	[tilespmem:v55+s20+$0x0] =	vst.idx.msk $0xffff, v54  }
0x4ac: {  	s10 =	sadd.s32 $0x400, s10;
	s6 =	sshll.u32 s6, $0x8;
	s2 =	sadd.s32 s12, s2;
	v60 =	vor.u32 v25, v34;
	v49 =	vld [tilespmem:s14+$0x8000]  }
0x4ad: {  	s5 =	sshll.u32 s5, $0x7;
	s6 =	sadd.s32 s6, s8;
	s17 =	sor.u32 $0xC00, s2;
	[tilespmem:v56+s20+$0x0] =	vst.idx.msk $0xffff, v44  }
0x4ae: {  	s5 =	sadd.s32 s5, s10;
	s8 =	sor.u32 $0xC00, s6;
	v61 =	vor.u32 v25, v35;
	v44 =	vld [tilespmem:s17+$0x8000];
	[tilespmem:v58+s20+$0x0] =	vst.idx.msk $0xffff, v41  }
0x4af: {  	v63 =	vor.u32 v25, v37;
	s18 =	sor.u32 $0xC00, s5;
	[tilespmem:v59+s20+$0x0] =	vst.idx.msk $0xffff, v43;
	v41 =	vld [tilespmem:s8+$0x8000]  }
0x4b0: {  	s11 =	sor.u32 $0xC10, s3;
	[tilespmem:v62+s20+$0x0] =	vst.idx.msk $0xffff, v47;
	v52 =	vor.u32 v25, v38;
	v43 =	vld [tilespmem:s18+$0x8000]  }
0x4b1: {  	s26 =	sor.u32 $0xC10, s0;
	v55 =	vor.u32 v26, v36;
	v47 =	vld [tilespmem:s11+$0x8000];
	[tilespmem:v60+s20+$0x0] =	vst.idx.msk $0xffff, v49  }
0x4b2: {  	v49 =	vld [tilespmem:s26+$0x8000];
	v53 =	vor.u32 v26, v34  }
0x4b3: {  	s10 =	sor.u32 $0xC10, s2;
	[tilespmem:v61+s20+$0x0] =	vst.idx.msk $0xffff, v44  }
0x4b4: {  	s12 =	sor.u32 $0xC10, s6;
	v54 =	vor.u32 v26, v35;
	v44 =	vld [tilespmem:s10+$0x8000];
	[tilespmem:v63+s20+$0x0] =	vst.idx.msk $0xffff, v41  }
0x4b5: {  	s13 =	sor.u32 $0xC10, s5;
	v56 =	vor.u32 v26, v37;
	[tilespmem:v52+s20+$0x0] =	vst.idx.msk $0xffff, v43;
	v41 =	vld [tilespmem:s12+$0x8000]  }
0x4b6: {  	v57 =	vor.u32 v26, v38;
	s16 =	sor.u32 $0xC20, s3;
	[tilespmem:v55+s20+$0x0] =	vst.idx.msk $0xffff, v47;
	v43 =	vld [tilespmem:s13+$0x8000]  }
0x4b7: {  	s14 =	sor.u32 $0xC20, s0;
	v60 =	vor.u32 v27, v36;
	v47 =	vld [tilespmem:s16+$0x8000];
	[tilespmem:v53+s20+$0x0] =	vst.idx.msk $0xffff, v49  }
0x4b8: {  	v49 =	vld [tilespmem:s14+$0x8000];
	v58 =	vor.u32 v27, v34  }
0x4b9: {  	s15 =	sor.u32 $0xC20, s2;
	[tilespmem:v54+s20+$0x0] =	vst.idx.msk $0xffff, v44  }
0x4ba: {  	s17 =	sor.u32 $0xC20, s6;
	v59 =	vor.u32 v27, v35;
	v44 =	vld [tilespmem:s15+$0x8000];
	[tilespmem:v56+s20+$0x0] =	vst.idx.msk $0xffff, v41  }
0x4bb: {  	v61 =	vor.u32 v27, v37;
	s18 =	sor.u32 $0xC20, s5;
	[tilespmem:v57+s20+$0x0] =	vst.idx.msk $0xffff, v43;
	v41 =	vld [tilespmem:s17+$0x8000]  }
0x4bc: {  	v62 =	vor.u32 v27, v38;
	s11 =	sor.u32 $0xC30, s3;
	[tilespmem:v60+s20+$0x0] =	vst.idx.msk $0xffff, v47;
	v43 =	vld [tilespmem:s18+$0x8000]  }
0x4bd: {  	s26 =	sor.u32 $0xC30, s0;
	v53 =	vor.u32 v28, v36;
	v47 =	vld [tilespmem:s11+$0x8000];
	[tilespmem:v58+s20+$0x0] =	vst.idx.msk $0xffff, v49  }
0x4be: {  	v49 =	vld [tilespmem:s26+$0x8000];
	v63 =	vor.u32 v28, v34  }
0x4bf: {  	s10 =	sor.u32 $0xC30, s2;
	[tilespmem:v59+s20+$0x0] =	vst.idx.msk $0xffff, v44  }
0x4c0: {  	v52 =	vor.u32 v28, v35;
	s12 =	sor.u32 $0xC30, s6;
	v44 =	vld [tilespmem:s10+$0x8000];
	[tilespmem:v61+s20+$0x0] =	vst.idx.msk $0xffff, v41  }
0x4c1: {  	v54 =	vor.u32 v28, v37;
	s13 =	sor.u32 $0xC30, s5;
	[tilespmem:v62+s20+$0x0] =	vst.idx.msk $0xffff, v43;
	v41 =	vld [tilespmem:s12+$0x8000]  }
0x4c2: {  	v55 =	vor.u32 v28, v38;
	s16 =	sor.u32 $0xC40, s3;
	[tilespmem:v53+s20+$0x0] =	vst.idx.msk $0xffff, v47;
	v43 =	vld [tilespmem:s13+$0x8000]  }
0x4c3: {  	s14 =	sor.u32 $0xC40, s0;
	v58 =	vor.u32 v29, v36;
	v47 =	vld [tilespmem:s16+$0x8000];
	[tilespmem:v63+s20+$0x0] =	vst.idx.msk $0xffff, v49  }
0x4c4: {  	v49 =	vld [tilespmem:s14+$0x8000];
	v56 =	vor.u32 v29, v34  }
0x4c5: {  	s15 =	sor.u32 $0xC40, s2;
	[tilespmem:v52+s20+$0x0] =	vst.idx.msk $0xffff, v44  }
0x4c6: {  	v57 =	vor.u32 v29, v35;
	s17 =	sor.u32 $0xC40, s6;
	v44 =	vld [tilespmem:s15+$0x8000];
	[tilespmem:v54+s20+$0x0] =	vst.idx.msk $0xffff, v41  }
0x4c7: {  	v59 =	vor.u32 v29, v37;
	s18 =	sor.u32 $0xC40, s5;
	[tilespmem:v55+s20+$0x0] =	vst.idx.msk $0xffff, v43;
	v41 =	vld [tilespmem:s17+$0x8000]  }
0x4c8: {  	v60 =	vor.u32 v29, v38;
	s10 =	sor.u32 $0xC50, s3;
	[tilespmem:v58+s20+$0x0] =	vst.idx.msk $0xffff, v47;
	v43 =	vld [tilespmem:s18+$0x8000]  }
0x4c9: {  	s26 =	sor.u32 $0xC50, s0;
	v63 =	vor.u32 v30, v36;
	v47 =	vld [tilespmem:s10+$0x8000];
	[tilespmem:v56+s20+$0x0] =	vst.idx.msk $0xffff, v49  }
0x4ca: {  	v49 =	vld [tilespmem:s26+$0x8000];
	v61 =	vor.u32 v30, v34  }
0x4cb: {  	s9 =	sor.u32 $0xC50, s2;
	[tilespmem:v57+s20+$0x0] =	vst.idx.msk $0xffff, v44  }
0x4cc: {  	s11 =	sor.u32 $0xC50, s6;
	v62 =	vor.u32 v30, v35;
	v44 =	vld [tilespmem:s9+$0x8000];
	[tilespmem:v59+s20+$0x0] =	vst.idx.msk $0xffff, v41  }
0x4cd: {  	v52 =	vor.u32 v30, v37;
	s12 =	sor.u32 $0xC50, s5;
	[tilespmem:v60+s20+$0x0] =	vst.idx.msk $0xffff, v43;
	v41 =	vld [tilespmem:s11+$0x8000]  }
0x4ce: {  	v53 =	vor.u32 v30, v38;
	s15 =	sor.u32 $0xC60, s3;
	[tilespmem:v63+s20+$0x0] =	vst.idx.msk $0xffff, v47;
	v43 =	vld [tilespmem:s12+$0x8000]  }
0x4cf: {  	s13 =	sor.u32 $0xC60, s0;
	v47 =	vld [tilespmem:s15+$0x8000];
	[tilespmem:v61+s20+$0x0] =	vst.idx.msk $0xffff, v49  }
0x4d0: {  	v49 =	vld [tilespmem:s13+$0x8000];
	v54 =	vor.u32 v31, v34  }
0x4d1: {  	s14 =	sor.u32 $0xC60, s2;
	[tilespmem:v62+s20+$0x0] =	vst.idx.msk $0xffff, v44  }
0x4d2: {  	s16 =	sor.u32 $0xC60, s6;
	v55 =	vor.u32 v31, v35;
	v44 =	vld [tilespmem:s14+$0x8000];
	[tilespmem:v52+s20+$0x0] =	vst.idx.msk $0xffff, v41  }
0x4d3: {  	v56 =	vor.u32 v31, v37;
	s17 =	sor.u32 $0xC60, s5;
	[tilespmem:v53+s20+$0x0] =	vst.idx.msk $0xffff, v43;
	v41 =	vld [tilespmem:s16+$0x8000]  }
0x4d4: {  	s26 =	sor.u32 $0xC70, s2;
	s2 =	sor.u32 $0xC70, s3;
	[tilespmem:v40+s20+$0x0] =	vst.idx.msk $0xffff, v47;
	v43 =	vld [tilespmem:s17+$0x8000]  }
0x4d5: {  	s0 =	sor.u32 $0xC70, s0;
	v62 =	vor.u32 v32, v36;
	v63 =	vld [tilespmem:s2+$0x8000];
	[tilespmem:v54+s20+$0x0] =	vst.idx.msk $0xffff, v49  }
0x4d6: {  	v58 =	vor.u32 v32, v34;
	s18 =	sor.u32 $0xC70, s7;
	v57 =	vld [tilespmem:s0+$0x8000]  }
0x4d7: {  	v33 =	vor.u32 v32, v33;
	v59 =	vld [tilespmem:s18+$0x8000];
	[tilespmem:v55+s20+$0x0] =	vst.idx.msk $0xffff, v44  }
0x4d8: {  	s3 =	sor.u32 $0xC70, s6;
	v61 =	vor.u32 v32, v35;
	v60 =	vld [tilespmem:s26+$0x8000];
	[tilespmem:v56+s20+$0x0] =	vst.idx.msk $0xffff, v41  }
0x4d9: {  	v45 =	vor.u32 v32, v37;
	s6 =	sor.u32 $0xC70, s5;
	[tilespmem:v39+s20+$0x0] =	vst.idx.msk $0xffff, v43;
	v43 =	vld [tilespmem:s3+$0x8000]  }
0x4da: {  	v46 =	vor.u32 v32, v38;
	[tilespmem:v62+s20+$0x0] =	vst.idx.msk $0xffff, v63;
	v47 =	vld [tilespmem:s6+$0x8000]  }
0x4db: {  	[tilespmem:v58+s20+$0x0] =	vst.idx.msk $0xffff, v57  }
0x4dc: {  	[tilespmem:v33+s20+$0x0] =	vst.idx.msk $0xffff, v59  }
0x4dd: {  	[tilespmem:v61+s20+$0x0] =	vst.idx.msk $0xffff, v60  }
0x4de: {  	[tilespmem:v45+s20+$0x0] =	vst.idx.msk $0xffff, v43  }
0x4df: {  	s7 =	sadd.s32 $0x1000, s30;
	[tilespmem:v46+s20+$0x0] =	vst.idx.msk $0xffff, v47  }
0x4e0: {  	[hbm4b:s7+s4] =	stream.linear.scatter [tilespmem:s20], [sflag:$0x5], $0x4000, $0x38;
	[tilespmem:$0x18000] =	vst v63  }
0x4e1: {  	s0 =	rddreg [dreg:$0xb]  }
0x4e2: {  	s0 =	sadd.s32 @!p0 s29, s0  }
0x4e3: {  	s8 =	simm.s32 $0x4;
	s0 =	sshll.u32 @!p0 s0, $0x6  }
0x4e4: {  	s2 =	simm.s32 @!p0 $0x0;
	s3 =	simm.s32 @!p0 $0x8000;
	s0 =	sadd.s32 @!p0 s1, s0  }
0x4e5: {  	[tilespmem:s3], [sflag:$0x3] =	stream.linear.gather @!p0 [hbm4b:s0+s2], $0x4000, $0x38;
	[tilespmem:$0x18000] =	vst v63  }
0x4e6: {  	_ =	swait.ge [sflag:s8], $0x4000  }
0x4e7: {  	[sflag:s8] =	ssyncset.done $0x0  }
0x4e8: {  	s3 =	simm.s32 $0x0;
	[sflag:s8] =	ssyncadd.s32 $0xFFFFC000  }
0x4e9: {  	s9 =	simm.s32 $0x80;
	v49 =	vmov s8;
	s10 =	sand.u32 $0x3000, s3;
	_ =	swait.ge [sflag:s22], $0x4000  }
0x4ea: {  	v33 =	vshll.u32 v49, $0x7;
	s2 =	sand.u32 $0x380, s9;
	s11 =	sor.u32 $0xC000, s10;
	[sflag:s22] =	ssyncset.done $0x0  }
0x4eb: {  	v42 =	vor.u32 v1, v33;
	s5 =	sor.u32 s2, s11;
	[sflag:s22] =	ssyncadd.s32 $0xFFFFC000  }
0x4ec: {  	v33 =	vor.u32 v0, v42;
	v50 =	vld [tilespmem:s5+$0x0];
	_ =	sdelay $0x4  }
0x4ed: {  	[tilespmem:v33+s23+$0x0] =	vst.idx.msk $0xffff, v50  }
0x4ee: {  	v51 =	vor.u32 v2, v42;
	v34 =	vld [tilespmem:s5+$0x10];
	_ =	sdelay $0x4  }
0x4ef: {  	[tilespmem:v51+s23+$0x0] =	vst.idx.msk $0xffff, v34  }
0x4f0: {  	v52 =	vor.u32 v3, v42;
	v34 =	vld [tilespmem:s5+$0x20];
	_ =	sdelay $0x4  }
0x4f1: {  	[tilespmem:v52+s23+$0x0] =	vst.idx.msk $0xffff, v34  }
0x4f2: {  	v53 =	vor.u32 v4, v42;
	v34 =	vld [tilespmem:s5+$0x30];
	_ =	sdelay $0x4  }
0x4f3: {  	[tilespmem:v53+s23+$0x0] =	vst.idx.msk $0xffff, v34  }
0x4f4: {  	v54 =	vor.u32 v5, v42;
	v34 =	vld [tilespmem:s5+$0x40];
	_ =	sdelay $0x4  }
0x4f5: {  	[tilespmem:v54+s23+$0x0] =	vst.idx.msk $0xffff, v34  }
0x4f6: {  	v55 =	vor.u32 v6, v42;
	v33 =	vld [tilespmem:s5+$0x50];
	_ =	sdelay $0x4  }
0x4f7: {  	[tilespmem:v55+s23+$0x0] =	vst.idx.msk $0xffff, v33  }
0x4f8: {  	v56 =	vor.u32 v7, v42;
	v33 =	vld [tilespmem:s5+$0x60];
	_ =	sdelay $0x4  }
0x4f9: {  	[tilespmem:v56+s23+$0x0] =	vst.idx.msk $0xffff, v33  }
0x4fa: {  	v57 =	vor.u32 v8, v42;
	v33 =	vld [tilespmem:s5+$0x70];
	_ =	sdelay $0x3  }
0x4fb: {  	s12 =	simm.s32 $0x0  }
0x4fc: {  	s13 =	simm.s32 $0x0;
	v59 =	vmov s12;
	[tilespmem:v57+s23+$0x0] =	vst.idx.msk $0xffff, v33  }
0x4fd: {  	v35 =	vshll.u32 v59, $0x7;
	v58 =	vor.u32 v9, v42;
	s2 =	sand.u32 $0x300, s13;
	v33 =	vld [tilespmem:s5+$0x400]  }
0x4fe: {  	v43 =	vor.u32 v1, v35;
	s7 =	sor.u32 s2, s11  }
0x4ff: {  	v61 =	vor.u32 v0, v43;
	v60 =	vld [tilespmem:s7+$0x0];
	_ =	sdelay $0x2  }
0x500: {  	[tilespmem:v58+s23+$0x0] =	vst.idx.msk $0xffff, v33  }
0x501: {  	v62 =	vor.u32 v10, v42;
	v33 =	vld [tilespmem:s5+$0x410]  }
0x502: {  	[tilespmem:v61+s23+$0x0] =	vst.idx.msk $0xffff, v60  }
0x503: {  	v63 =	vor.u32 v2, v43;
	v35 =	vld [tilespmem:s7+$0x10]  }
0x504: {  	s31 =	simm.s32 $0x400;
	s14 =	simm.s32 $0xC  }
0x505: {  	s15 =	sand.u32 $0x3000, s31;
	v44 =	vmov s14;
	s16 =	simm.s32 $0x180  }
0x506: {  	s17 =	sor.u32 $0xC000, s15;
	s18 =	sand.u32 $0x380, s16;
	v45 =	vshll.u32 v44, $0x7;
	[tilespmem:v62+s23+$0x0] =	vst.idx.msk $0xffff, v33  }
0x507: {  	s6 =	sor.u32 s18, s17;
	v46 =	vor.u32 v11, v42;
	v33 =	vor.u32 v1, v45;
	v34 =	vld [tilespmem:s5+$0x420]  }
0x508: {  	v48 =	vld [tilespmem:s6+$0x0];
	[tilespmem:v63+s23+$0x0] =	vst.idx.msk $0xffff, v35;
	v47 =	vor.u32 v0, v33  }
0x509: {  	v49 =	vor.u32 v3, v43;
	v35 =	vld [tilespmem:s7+$0x20];
	_ =	sdelay $0x2  }
0x50a: {  	[tilespmem:v46+s23+$0x0] =	vst.idx.msk $0xffff, v34  }
0x50b: {  	v50 =	vor.u32 v12, v42;
	[tilespmem:v47+s23+$0x0] =	vst.idx.msk $0xffff, v48;
	v34 =	vld [tilespmem:s5+$0x430]  }
0x50c: {  	[tilespmem:v49+s23+$0x0] =	vst.idx.msk $0xffff, v35;
	v51 =	vor.u32 v2, v33;
	v39 =	vld [tilespmem:s6+$0x10]  }
0x50d: {  	v52 =	vor.u32 v4, v43;
	v35 =	vld [tilespmem:s7+$0x30];
	_ =	sdelay $0x2  }
0x50e: {  	[tilespmem:v50+s23+$0x0] =	vst.idx.msk $0xffff, v34  }
0x50f: {  	v53 =	vor.u32 v13, v42;
	[tilespmem:v51+s23+$0x0] =	vst.idx.msk $0xffff, v39;
	v34 =	vld [tilespmem:s5+$0x440]  }
0x510: {  	[tilespmem:v52+s23+$0x0] =	vst.idx.msk $0xffff, v35;
	v54 =	vor.u32 v3, v33;
	v39 =	vld [tilespmem:s6+$0x20]  }
0x511: {  	v35 =	vld [tilespmem:s7+$0x40];
	v55 =	vor.u32 v5, v43;
	_ =	sdelay $0x2  }
0x512: {  	[tilespmem:v53+s23+$0x0] =	vst.idx.msk $0xffff, v34  }
0x513: {  	v56 =	vor.u32 v14, v42;
	[tilespmem:v54+s23+$0x0] =	vst.idx.msk $0xffff, v39;
	v34 =	vld [tilespmem:s5+$0x450]  }
0x514: {  	[tilespmem:v55+s23+$0x0] =	vst.idx.msk $0xffff, v35;
	v57 =	vor.u32 v4, v33;
	v39 =	vld [tilespmem:s6+$0x30]  }
0x515: {  	v35 =	vld [tilespmem:s7+$0x50];
	v58 =	vor.u32 v6, v43;
	_ =	sdelay $0x2  }
0x516: {  	[tilespmem:v56+s23+$0x0] =	vst.idx.msk $0xffff, v34  }
0x517: {  	v59 =	vor.u32 v15, v42;
	[tilespmem:v57+s23+$0x0] =	vst.idx.msk $0xffff, v39;
	v34 =	vld [tilespmem:s5+$0x460]  }
0x518: {  	[tilespmem:v58+s23+$0x0] =	vst.idx.msk $0xffff, v35;
	v60 =	vor.u32 v5, v33;
	v39 =	vld [tilespmem:s6+$0x40]  }
0x519: {  	v61 =	vor.u32 v7, v43;
	v35 =	vld [tilespmem:s7+$0x60];
	_ =	sdelay $0x2  }
0x51a: {  	[tilespmem:v59+s23+$0x0] =	vst.idx.msk $0xffff, v34  }
0x51b: {  	v62 =	vor.u32 v16, v42;
	[tilespmem:v60+s23+$0x0] =	vst.idx.msk $0xffff, v39;
	v34 =	vld [tilespmem:s5+$0x470]  }
0x51c: {  	v63 =	vor.u32 v6, v33;
	[tilespmem:v61+s23+$0x0] =	vst.idx.msk $0xffff, v35;
	v38 =	vld [tilespmem:s6+$0x50]  }
0x51d: {  	v44 =	vor.u32 v8, v43;
	v35 =	vld [tilespmem:s7+$0x70];
	_ =	sdelay $0x2  }
0x51e: {  	[tilespmem:v62+s23+$0x0] =	vst.idx.msk $0xffff, v34  }
0x51f: {  	v45 =	vor.u32 v17, v42;
	[tilespmem:v63+s23+$0x0] =	vst.idx.msk $0xffff, v38;
	v34 =	vld [tilespmem:s5+$0x800]  }
0x520: {  	v46 =	vor.u32 v7, v33;
	[tilespmem:v44+s23+$0x0] =	vst.idx.msk $0xffff, v35;
	v38 =	vld [tilespmem:s6+$0x60]  }
0x521: {  	v47 =	vor.u32 v9, v43;
	v35 =	vld [tilespmem:s7+$0x400];
	_ =	sdelay $0x2  }
0x522: {  	[tilespmem:v45+s23+$0x0] =	vst.idx.msk $0xffff, v34  }
0x523: {  	v48 =	vor.u32 v18, v42;
	[tilespmem:v46+s23+$0x0] =	vst.idx.msk $0xffff, v38;
	v34 =	vld [tilespmem:s5+$0x810]  }
0x524: {  	v49 =	vor.u32 v8, v33;
	[tilespmem:v47+s23+$0x0] =	vst.idx.msk $0xffff, v35;
	v38 =	vld [tilespmem:s6+$0x70]  }
0x525: {  	v50 =	vor.u32 v10, v43;
	v35 =	vld [tilespmem:s7+$0x410];
	_ =	sdelay $0x2  }
0x526: {  	[tilespmem:v48+s23+$0x0] =	vst.idx.msk $0xffff, v34  }
0x527: {  	v51 =	vor.u32 v19, v42;
	[tilespmem:v49+s23+$0x0] =	vst.idx.msk $0xffff, v38;
	v34 =	vld [tilespmem:s5+$0x820]  }
0x528: {  	v52 =	vor.u32 v9, v33;
	[tilespmem:v50+s23+$0x0] =	vst.idx.msk $0xffff, v35;
	v38 =	vld [tilespmem:s6+$0x400]  }
0x529: {  	v53 =	vor.u32 v11, v43;
	v35 =	vld [tilespmem:s7+$0x420];
	_ =	sdelay $0x2  }
0x52a: {  	s8 =	simm.s32 $0x100;
	[tilespmem:v51+s23+$0x0] =	vst.idx.msk $0xffff, v34  }
0x52b: {  	s26 =	simm.s32 $0x8;
	s2 =	sand.u32 $0x300, s8;
	v55 =	vor.u32 v20, v42;
	[tilespmem:v52+s23+$0x0] =	vst.idx.msk $0xffff, v38;
	v37 =	vld [tilespmem:s5+$0x830]  }
0x52c: {  	s9 =	simm.s32 $0x10;
	s0 =	sor.u32 s2, s17;
	s2 =	simm.s32 $0x800;
	v54 =	vmov s26;
	v56 =	vor.u32 v10, v33;
	[tilespmem:v53+s23+$0x0] =	vst.idx.msk $0xffff, v35;
	v38 =	vld [tilespmem:s6+$0x410]  }
0x52d: {  	s11 =	simm.s32 $0x200;
	s10 =	sand.u32 $0x3000, s2;
	v61 =	vor.u32 v12, v43;
	v59 =	vmov s9;
	v60 =	vld [tilespmem:s7+$0x430];
	v34 =	vshll.u32 v54, $0x7  }
0x52e: {  	s8 =	sand.u32 $0x300, s11;
	s9 =	sor.u32 $0xC000, s10;
	v35 =	vshll.u32 v59, $0x7;
	v34 =	vor.u32 v1, v34  }
0x52f: {  	v57 =	vld [tilespmem:s0+$0x0];
	s16 =	sor.u32 s8, s9;
	v35 =	vor.u32 v1, v35;
	v58 =	vor.u32 v0, v34  }
0x530: {  	s12 =	simm.s32 $0x14;
	v53 =	vor.u32 v0, v35;
	v52 =	vld [tilespmem:s16+$0x0];
	[tilespmem:v55+s23+$0x0] =	vst.idx.msk $0xffff, v37  }
0x531: {  	s13 =	simm.s32 $0x280;
	v63 =	vor.u32 v21, v42;
	v51 =	vmov s12;
	[tilespmem:v56+s23+$0x0] =	vst.idx.msk $0xffff, v38;
	v62 =	vld [tilespmem:s5+$0x840]  }
0x532: {  	s8 =	sand.u32 $0x380, s13;
	[tilespmem:v61+s23+$0x0] =	vst.idx.msk $0xffff, v60;
	v36 =	vshll.u32 v51, $0x7;
	v55 =	vor.u32 v11, v33;
	v54 =	vld [tilespmem:s6+$0x420]  }
0x533: {  	s17 =	sor.u32 s8, s9;
	v60 =	vor.u32 v13, v43;
	v36 =	vor.u32 v1, v36;
	v37 =	vld [tilespmem:s7+$0x440]  }
0x534: {  	v59 =	vld [tilespmem:s17+$0x0];
	[tilespmem:v58+s23+$0x0] =	vst.idx.msk $0xffff, v57;
	v58 =	vor.u32 v0, v36  }
0x535: {  	[tilespmem:v53+s23+$0x0] =	vst.idx.msk $0xffff, v52;
	v57 =	vor.u32 v2, v34;
	v56 =	vld [tilespmem:s0+$0x10]  }
0x536: {  	v38 =	vld [tilespmem:s16+$0x10];
	[tilespmem:v63+s23+$0x0] =	vst.idx.msk $0xffff, v62;
	v62 =	vor.u32 v2, v35  }
0x537: {  	v61 =	vor.u32 v22, v42;
	[tilespmem:v55+s23+$0x0] =	vst.idx.msk $0xffff, v54;
	v45 =	vld [tilespmem:s5+$0x850]  }
0x538: {  	[tilespmem:v60+s23+$0x0] =	vst.idx.msk $0xffff, v37;
	v63 =	vor.u32 v12, v33;
	v41 =	vld [tilespmem:s6+$0x430]  }
0x539: {  	[tilespmem:v58+s23+$0x0] =	vst.idx.msk $0xffff, v59;
	v37 =	vld [tilespmem:s7+$0x450];
	v54 =	vor.u32 v14, v43  }
0x53a: {  	v53 =	vor.u32 v2, v36;
	[tilespmem:v57+s23+$0x0] =	vst.idx.msk $0xffff, v56;
	v50 =	vld [tilespmem:s17+$0x10]  }
0x53b: {  	v52 =	vor.u32 v3, v34;
	v47 =	vld [tilespmem:s0+$0x20];
	[tilespmem:v62+s23+$0x0] =	vst.idx.msk $0xffff, v38  }
0x53c: {  	v56 =	vor.u32 v3, v35;
	[tilespmem:v61+s23+$0x0] =	vst.idx.msk $0xffff, v45;
	v38 =	vld [tilespmem:s16+$0x20]  }
0x53d: {  	v55 =	vor.u32 v23, v42;
	[tilespmem:v63+s23+$0x0] =	vst.idx.msk $0xffff, v41;
	v45 =	vld [tilespmem:s5+$0x860]  }
0x53e: {  	v57 =	vor.u32 v13, v33;
	[tilespmem:v54+s23+$0x0] =	vst.idx.msk $0xffff, v37;
	v41 =	vld [tilespmem:s6+$0x440]  }
0x53f: {  	v60 =	vor.u32 v15, v43;
	[tilespmem:v53+s23+$0x0] =	vst.idx.msk $0xffff, v50;
	v37 =	vld [tilespmem:s7+$0x460]  }
0x540: {  	v59 =	vor.u32 v3, v36;
	[tilespmem:v52+s23+$0x0] =	vst.idx.msk $0xffff, v47;
	v50 =	vld [tilespmem:s17+$0x20]  }
0x541: {  	v58 =	vor.u32 v4, v34;
	v47 =	vld [tilespmem:s0+$0x30];
	[tilespmem:v56+s23+$0x0] =	vst.idx.msk $0xffff, v38  }
0x542: {  	v62 =	vor.u32 v4, v35;
	[tilespmem:v55+s23+$0x0] =	vst.idx.msk $0xffff, v45;
	v38 =	vld [tilespmem:s16+$0x30]  }
0x543: {  	v61 =	vor.u32 v24, v42;
	[tilespmem:v57+s23+$0x0] =	vst.idx.msk $0xffff, v41;
	v45 =	vld [tilespmem:s5+$0x870]  }
0x544: {  	v63 =	vor.u32 v14, v33;
	[tilespmem:v60+s23+$0x0] =	vst.idx.msk $0xffff, v37;
	v41 =	vld [tilespmem:s6+$0x450]  }
0x545: {  	s14 =	sand.u32 $0x7, s3;
	v54 =	vor.u32 v16, v43;
	[tilespmem:v59+s23+$0x0] =	vst.idx.msk $0xffff, v50;
	v37 =	vld [tilespmem:s7+$0x470]  }
0x546: {  	v53 =	vor.u32 v4, v36;
	[tilespmem:v58+s23+$0x0] =	vst.idx.msk $0xffff, v47;
	s5 =	sshll.u32 s14, $0x7;
	v50 =	vld [tilespmem:s17+$0x30]  }
0x547: {  	v52 =	vor.u32 v5, v34;
	v47 =	vld [tilespmem:s0+$0x40];
	s11 =	sadd.s32 $0x80, s5;
	[tilespmem:v62+s23+$0x0] =	vst.idx.msk $0xffff, v38  }
0x548: {  	v56 =	vor.u32 v5, v35;
	s5 =	sor.u32 $0xC00, s11;
	[tilespmem:v61+s23+$0x0] =	vst.idx.msk $0xffff, v45;
	v38 =	vld [tilespmem:s16+$0x40]  }
0x549: {  	v55 =	vor.u32 v25, v42;
	[tilespmem:v63+s23+$0x0] =	vst.idx.msk $0xffff, v41;
	v45 =	vld [tilespmem:s5+$0xC000]  }
0x54a: {  	v57 =	vor.u32 v15, v33;
	[tilespmem:v54+s23+$0x0] =	vst.idx.msk $0xffff, v37;
	v41 =	vld [tilespmem:s6+$0x460]  }
0x54b: {  	v60 =	vor.u32 v17, v43;
	[tilespmem:v53+s23+$0x0] =	vst.idx.msk $0xffff, v50;
	v37 =	vld [tilespmem:s7+$0x800]  }
0x54c: {  	v59 =	vor.u32 v5, v36;
	[tilespmem:v52+s23+$0x0] =	vst.idx.msk $0xffff, v47;
	v50 =	vld [tilespmem:s17+$0x40]  }
0x54d: {  	v58 =	vor.u32 v6, v34;
	v47 =	vld [tilespmem:s0+$0x50];
	[tilespmem:v56+s23+$0x0] =	vst.idx.msk $0xffff, v38  }
0x54e: {  	s15 =	sor.u32 $0xC10, s11;
	v62 =	vor.u32 v6, v35;
	[tilespmem:v55+s23+$0x0] =	vst.idx.msk $0xffff, v45;
	v38 =	vld [tilespmem:s16+$0x50]  }
0x54f: {  	v61 =	vor.u32 v26, v42;
	[tilespmem:v57+s23+$0x0] =	vst.idx.msk $0xffff, v41;
	v45 =	vld [tilespmem:s15+$0xC000]  }
0x550: {  	v63 =	vor.u32 v16, v33;
	[tilespmem:v60+s23+$0x0] =	vst.idx.msk $0xffff, v37;
	v41 =	vld [tilespmem:s6+$0x470]  }
0x551: {  	v54 =	vor.u32 v18, v43;
	[tilespmem:v59+s23+$0x0] =	vst.idx.msk $0xffff, v50;
	v37 =	vld [tilespmem:s7+$0x810]  }
0x552: {  	v53 =	vor.u32 v6, v36;
	[tilespmem:v58+s23+$0x0] =	vst.idx.msk $0xffff, v47;
	v49 =	vld [tilespmem:s17+$0x50]  }
0x553: {  	v52 =	vor.u32 v7, v34;
	v47 =	vld [tilespmem:s0+$0x60];
	[tilespmem:v62+s23+$0x0] =	vst.idx.msk $0xffff, v38  }
0x554: {  	s18 =	sor.u32 $0xC20, s11;
	v56 =	vor.u32 v7, v35;
	[tilespmem:v61+s23+$0x0] =	vst.idx.msk $0xffff, v45;
	v38 =	vld [tilespmem:s16+$0x60]  }
0x555: {  	v55 =	vor.u32 v27, v42;
	[tilespmem:v63+s23+$0x0] =	vst.idx.msk $0xffff, v41;
	v45 =	vld [tilespmem:s18+$0xC000]  }
0x556: {  	v57 =	vor.u32 v17, v33;
	[tilespmem:v54+s23+$0x0] =	vst.idx.msk $0xffff, v37;
	v41 =	vld [tilespmem:s6+$0x800]  }
0x557: {  	v60 =	vor.u32 v19, v43;
	[tilespmem:v53+s23+$0x0] =	vst.idx.msk $0xffff, v49;
	v37 =	vld [tilespmem:s7+$0x820]  }
0x558: {  	v59 =	vor.u32 v7, v36;
	[tilespmem:v52+s23+$0x0] =	vst.idx.msk $0xffff, v47;
	v49 =	vld [tilespmem:s17+$0x60]  }
0x559: {  	v58 =	vor.u32 v8, v34;
	v47 =	vld [tilespmem:s0+$0x70];
	[tilespmem:v56+s23+$0x0] =	vst.idx.msk $0xffff, v38  }
0x55a: {  	s26 =	sor.u32 $0xC30, s11;
	v62 =	vor.u32 v8, v35;
	[tilespmem:v55+s23+$0x0] =	vst.idx.msk $0xffff, v45;
	v38 =	vld [tilespmem:s16+$0x70]  }
0x55b: {  	v61 =	vor.u32 v28, v42;
	[tilespmem:v57+s23+$0x0] =	vst.idx.msk $0xffff, v41;
	v45 =	vld [tilespmem:s26+$0xC000]  }
0x55c: {  	v63 =	vor.u32 v18, v33;
	[tilespmem:v60+s23+$0x0] =	vst.idx.msk $0xffff, v37;
	v41 =	vld [tilespmem:s6+$0x810]  }
0x55d: {  	v54 =	vor.u32 v20, v43;
	[tilespmem:v59+s23+$0x0] =	vst.idx.msk $0xffff, v49;
	v37 =	vld [tilespmem:s7+$0x830]  }
0x55e: {  	v53 =	vor.u32 v8, v36;
	[tilespmem:v58+s23+$0x0] =	vst.idx.msk $0xffff, v47;
	v49 =	vld [tilespmem:s17+$0x70]  }
0x55f: {  	v52 =	vor.u32 v9, v34;
	v47 =	vld [tilespmem:s0+$0x400];
	[tilespmem:v62+s23+$0x0] =	vst.idx.msk $0xffff, v38  }
0x560: {  	s8 =	sor.u32 $0xC40, s11;
	v56 =	vor.u32 v9, v35;
	[tilespmem:v61+s23+$0x0] =	vst.idx.msk $0xffff, v45;
	v38 =	vld [tilespmem:s16+$0x400]  }
0x561: {  	v55 =	vor.u32 v29, v42;
	[tilespmem:v63+s23+$0x0] =	vst.idx.msk $0xffff, v41;
	v45 =	vld [tilespmem:s8+$0xC000]  }
0x562: {  	v57 =	vor.u32 v19, v33;
	[tilespmem:v54+s23+$0x0] =	vst.idx.msk $0xffff, v37;
	v41 =	vld [tilespmem:s6+$0x820]  }
0x563: {  	v60 =	vor.u32 v21, v43;
	[tilespmem:v53+s23+$0x0] =	vst.idx.msk $0xffff, v49;
	v37 =	vld [tilespmem:s7+$0x840]  }
0x564: {  	v59 =	vor.u32 v9, v36;
	[tilespmem:v52+s23+$0x0] =	vst.idx.msk $0xffff, v47;
	v49 =	vld [tilespmem:s17+$0x400]  }
0x565: {  	v58 =	vor.u32 v10, v34;
	v47 =	vld [tilespmem:s0+$0x410];
	[tilespmem:v56+s23+$0x0] =	vst.idx.msk $0xffff, v38  }
0x566: {  	s9 =	sor.u32 $0xC50, s11;
	v62 =	vor.u32 v10, v35;
	[tilespmem:v55+s23+$0x0] =	vst.idx.msk $0xffff, v45;
	v38 =	vld [tilespmem:s16+$0x410]  }
0x567: {  	v61 =	vor.u32 v30, v42;
	[tilespmem:v57+s23+$0x0] =	vst.idx.msk $0xffff, v41;
	v45 =	vld [tilespmem:s9+$0xC000]  }
0x568: {  	v63 =	vor.u32 v20, v33;
	[tilespmem:v60+s23+$0x0] =	vst.idx.msk $0xffff, v37;
	v41 =	vld [tilespmem:s6+$0x830]  }
0x569: {  	s12 =	simm.s32 $0x18;
	s8 =	simm.s32 $0xC00;
	v56 =	vor.u32 v22, v43;
	[tilespmem:v59+s23+$0x0] =	vst.idx.msk $0xffff, v49;
	v40 =	vld [tilespmem:s7+$0x850]  }
0x56a: {  	s14 =	simm.s32 $0x300;
	s13 =	sand.u32 $0x3000, s8;
	v55 =	vor.u32 v10, v36;
	v59 =	vmov s12;
	[tilespmem:v58+s23+$0x0] =	vst.idx.msk $0xffff, v47;
	v49 =	vld [tilespmem:s17+$0x410]  }
0x56b: {  	v54 =	vor.u32 v11, v34;
	s5 =	sor.u32 $0xC000, s13;
	v37 =	vshll.u32 v59, $0x7;
	s9 =	sand.u32 $0x300, s14;
	v47 =	vld [tilespmem:s0+$0x420];
	[tilespmem:v62+s23+$0x0] =	vst.idx.msk $0xffff, v38  }
0x56c: {  	v60 =	vor.u32 v11, v35;
	s9 =	sor.u32 s9, s5;
	v37 =	vor.u32 v1, v37;
	[tilespmem:v61+s23+$0x0] =	vst.idx.msk $0xffff, v45;
	v39 =	vld [tilespmem:s16+$0x420]  }
0x56d: {  	s10 =	sor.u32 $0xC60, s11;
	v62 =	vld [tilespmem:s9+$0x0];
	[tilespmem:v63+s23+$0x0] =	vst.idx.msk $0xffff, v41;
	v63 =	vor.u32 v0, v37  }
0x56e: {  	s15 =	simm.s32 $0x1C;
	v57 =	vor.u32 v31, v42;
	[tilespmem:v56+s23+$0x0] =	vst.idx.msk $0xffff, v40;
	v58 =	vld [tilespmem:s10+$0xC000]  }
0x56f: {  	s26 =	simm.s32 $0x380;
	v56 =	vor.u32 v23, v43;
	[tilespmem:v55+s23+$0x0] =	vst.idx.msk $0xffff, v49;
	v61 =	vmov s15;
	v45 =	vld [tilespmem:s7+$0x860]  }
0x570: {  	v44 =	vor.u32 v21, v33;
	s18 =	sand.u32 $0x380, s26;
	[tilespmem:v54+s23+$0x0] =	vst.idx.msk $0xffff, v47;
	v41 =	vld [tilespmem:s6+$0x840];
	v55 =	vshll.u32 v61, $0x7  }
0x571: {  	v48 =	vor.u32 v12, v34;
	s15 =	sor.u32 s18, s5;
	v47 =	vld [tilespmem:s0+$0x430];
	v38 =	vor.u32 v1, v55;
	[tilespmem:v60+s23+$0x0] =	vst.idx.msk $0xffff, v39  }
0x572: {  	v59 =	vor.u32 v0, v38;
	v60 =	vld [tilespmem:s15+$0x0];
	[tilespmem:v63+s23+$0x0] =	vst.idx.msk $0xffff, v62  }
0x573: {  	[tilespmem:v57+s23+$0x0] =	vst.idx.msk $0xffff, v58;
	v57 =	vld [tilespmem:s17+$0x420];
	v58 =	vor.u32 v11, v36  }
0x574: {  	[tilespmem:v56+s23+$0x0] =	vst.idx.msk $0xffff, v45  }
0x575: {  	v63 =	vor.u32 v2, v37;
	[tilespmem:v44+s23+$0x0] =	vst.idx.msk $0xffff, v41;
	v50 =	vld [tilespmem:s9+$0x10]  }
0x576: {  	v61 =	vor.u32 v22, v33;
	[tilespmem:v48+s23+$0x0] =	vst.idx.msk $0xffff, v47;
	v41 =	vld [tilespmem:s6+$0x850]  }
0x577: {  	v62 =	vor.u32 v13, v34;
	v47 =	vld [tilespmem:s0+$0x440];
	[tilespmem:v59+s23+$0x0] =	vst.idx.msk $0xffff, v60  }
0x578: {  	v56 =	vld [tilespmem:s7+$0x870];
	[tilespmem:v58+s23+$0x0] =	vst.idx.msk $0xffff, v57;
	v57 =	vor.u32 v24, v43  }
0x579: {  	v60 =	vor.u32 v2, v38;
	v51 =	vld [tilespmem:s15+$0x10]  }
0x57a: {  	s3 =	sand.u32 $0x3, s3;
	v59 =	vor.u32 v12, v36;
	[tilespmem:v63+s23+$0x0] =	vst.idx.msk $0xffff, v50;
	v58 =	vld [tilespmem:s17+$0x430]  }
0x57b: {  	s3 =	sshll.u32 s3, $0x8;
	v63 =	vor.u32 v3, v37;
	[tilespmem:v61+s23+$0x0] =	vst.idx.msk $0xffff, v41;
	v50 =	vld [tilespmem:s9+$0x20]  }
0x57c: {  	s3 =	sadd.s32 $0x0, s3;
	v61 =	vor.u32 v23, v33;
	[tilespmem:v62+s23+$0x0] =	vst.idx.msk $0xffff, v47;
	v41 =	vld [tilespmem:s6+$0x860]  }
0x57d: {  	s12 =	sor.u32 $0xC00, s3;
	v62 =	vor.u32 v14, v34;
	v47 =	vld [tilespmem:s0+$0x450];
	[tilespmem:v57+s23+$0x0] =	vst.idx.msk $0xffff, v56  }
0x57e: {  	v56 =	vor.u32 v25, v43;
	[tilespmem:v60+s23+$0x0] =	vst.idx.msk $0xffff, v51;
	v39 =	vld [tilespmem:s12+$0xC000]  }
0x57f: {  	[tilespmem:v59+s23+$0x0] =	vst.idx.msk $0xffff, v58;
	v58 =	vor.u32 v3, v38;
	v51 =	vld [tilespmem:s15+$0x20]  }
0x580: {  	v57 =	vor.u32 v13, v36;
	[tilespmem:v63+s23+$0x0] =	vst.idx.msk $0xffff, v50;
	v45 =	vld [tilespmem:s17+$0x440]  }
0x581: {  	[tilespmem:v61+s23+$0x0] =	vst.idx.msk $0xffff, v41;
	v50 =	vld [tilespmem:s9+$0x30];
	v61 =	vor.u32 v4, v37  }
0x582: {  	v59 =	vor.u32 v24, v33;
	[tilespmem:v62+s23+$0x0] =	vst.idx.msk $0xffff, v47;
	v41 =	vld [tilespmem:s6+$0x870]  }
0x583: {  	s14 =	sor.u32 $0xC10, s3;
	v60 =	vor.u32 v15, v34;
	s6 =	simm.s32 $0x2;
	v47 =	vld [tilespmem:s0+$0x460];
	[tilespmem:v56+s23+$0x0] =	vst.idx.msk $0xffff, v39  }
0x584: {  	v62 =	vor.u32 v26, v43;
	s13 =	sand.u32 $0x7, s6;
	[tilespmem:v58+s23+$0x0] =	vst.idx.msk $0xffff, v51;
	v39 =	vld [tilespmem:s14+$0xC000]  }
0x585: {  	s5 =	sshll.u32 s13, $0x7;
	v56 =	vor.u32 v4, v38;
	[tilespmem:v57+s23+$0x0] =	vst.idx.msk $0xffff, v45;
	v51 =	vld [tilespmem:s15+$0x30]  }
0x586: {  	v63 =	vor.u32 v14, v36;
	s7 =	sadd.s32 $0x480, s5;
	[tilespmem:v61+s23+$0x0] =	vst.idx.msk $0xffff, v50;
	v45 =	vld [tilespmem:s17+$0x450]  }
0x587: {  	s5 =	sor.u32 $0xC00, s7;
	[tilespmem:v59+s23+$0x0] =	vst.idx.msk $0xffff, v41;
	v50 =	vld [tilespmem:s9+$0x40];
	v59 =	vor.u32 v5, v37  }
0x588: {  	v57 =	vor.u32 v25, v33;
	[tilespmem:v60+s23+$0x0] =	vst.idx.msk $0xffff, v47;
	v41 =	vld [tilespmem:s5+$0xC000]  }
0x589: {  	s18 =	sor.u32 $0xC20, s3;
	v58 =	vor.u32 v16, v34;
	v47 =	vld [tilespmem:s0+$0x470];
	[tilespmem:v62+s23+$0x0] =	vst.idx.msk $0xffff, v39  }
0x58a: {  	v60 =	vor.u32 v27, v43;
	[tilespmem:v56+s23+$0x0] =	vst.idx.msk $0xffff, v51;
	v39 =	vld [tilespmem:s18+$0xC000]  }
0x58b: {  	v62 =	vor.u32 v5, v38;
	[tilespmem:v63+s23+$0x0] =	vst.idx.msk $0xffff, v45;
	v51 =	vld [tilespmem:s15+$0x40]  }
0x58c: {  	v61 =	vor.u32 v15, v36;
	[tilespmem:v59+s23+$0x0] =	vst.idx.msk $0xffff, v50;
	v45 =	vld [tilespmem:s17+$0x460]  }
0x58d: {  	s10 =	sor.u32 $0xC10, s7;
	[tilespmem:v57+s23+$0x0] =	vst.idx.msk $0xffff, v41;
	v50 =	vld [tilespmem:s9+$0x50];
	v57 =	vor.u32 v6, v37  }
0x58e: {  	v63 =	vor.u32 v26, v33;
	[tilespmem:v58+s23+$0x0] =	vst.idx.msk $0xffff, v47;
	v41 =	vld [tilespmem:s10+$0xC000]  }
0x58f: {  	s12 =	sor.u32 $0xC30, s3;
	v56 =	vor.u32 v17, v34;
	v47 =	vld [tilespmem:s0+$0x800];
	[tilespmem:v60+s23+$0x0] =	vst.idx.msk $0xffff, v39  }
0x590: {  	v58 =	vor.u32 v28, v43;
	[tilespmem:v62+s23+$0x0] =	vst.idx.msk $0xffff, v51;
	v39 =	vld [tilespmem:s12+$0xC000]  }
0x591: {  	v60 =	vor.u32 v6, v38;
	[tilespmem:v61+s23+$0x0] =	vst.idx.msk $0xffff, v45;
	v49 =	vld [tilespmem:s15+$0x50]  }
0x592: {  	v59 =	vor.u32 v16, v36;
	[tilespmem:v57+s23+$0x0] =	vst.idx.msk $0xffff, v50;
	v45 =	vld [tilespmem:s17+$0x470]  }
0x593: {  	s13 =	sor.u32 $0xC20, s7;
	[tilespmem:v63+s23+$0x0] =	vst.idx.msk $0xffff, v41;
	v50 =	vld [tilespmem:s9+$0x60];
	v63 =	vor.u32 v7, v37  }
0x594: {  	v61 =	vor.u32 v27, v33;
	[tilespmem:v56+s23+$0x0] =	vst.idx.msk $0xffff, v47;
	v41 =	vld [tilespmem:s13+$0xC000]  }
0x595: {  	s14 =	sor.u32 $0xC40, s3;
	v62 =	vor.u32 v18, v34;
	v47 =	vld [tilespmem:s0+$0x810];
	[tilespmem:v58+s23+$0x0] =	vst.idx.msk $0xffff, v39  }
0x596: {  	v56 =	vor.u32 v29, v43;
	[tilespmem:v60+s23+$0x0] =	vst.idx.msk $0xffff, v49;
	v39 =	vld [tilespmem:s14+$0xC000]  }
0x597: {  	v58 =	vor.u32 v7, v38;
	[tilespmem:v59+s23+$0x0] =	vst.idx.msk $0xffff, v45;
	v49 =	vld [tilespmem:s15+$0x60]  }
0x598: {  	v57 =	vor.u32 v17, v36;
	[tilespmem:v63+s23+$0x0] =	vst.idx.msk $0xffff, v50;
	v45 =	vld [tilespmem:s17+$0x800]  }
0x599: {  	s18 =	sor.u32 $0xC30, s7;
	[tilespmem:v61+s23+$0x0] =	vst.idx.msk $0xffff, v41;
	v50 =	vld [tilespmem:s9+$0x70];
	v61 =	vor.u32 v8, v37  }
0x59a: {  	v59 =	vor.u32 v28, v33;
	[tilespmem:v62+s23+$0x0] =	vst.idx.msk $0xffff, v47;
	v41 =	vld [tilespmem:s18+$0xC000]  }
0x59b: {  	v60 =	vor.u32 v19, v34;
	v47 =	vld [tilespmem:s0+$0x820];
	[tilespmem:v56+s23+$0x0] =	vst.idx.msk $0xffff, v39  }
0x59c: {  	s10 =	sor.u32 $0xC50, s3;
	[tilespmem:v58+s23+$0x0] =	vst.idx.msk $0xffff, v49  }
0x59d: {  	v62 =	vor.u32 v30, v43;
	[tilespmem:v57+s23+$0x0] =	vst.idx.msk $0xffff, v45;
	v39 =	vld [tilespmem:s10+$0xC000]  }
0x59e: {  	v63 =	vor.u32 v18, v36;
	[tilespmem:v61+s23+$0x0] =	vst.idx.msk $0xffff, v50;
	v45 =	vld [tilespmem:s17+$0x810]  }
0x59f: {  	v56 =	vor.u32 v8, v38;
	v49 =	vld [tilespmem:s15+$0x70];
	[tilespmem:v59+s23+$0x0] =	vst.idx.msk $0xffff, v41  }
0x5a0: {  	v50 =	vld [tilespmem:s9+$0x400];
	v59 =	vor.u32 v9, v37;
	[tilespmem:v60+s23+$0x0] =	vst.idx.msk $0xffff, v47  }
0x5a1: {  	s12 =	sor.u32 $0xC40, s7;
	v58 =	vor.u32 v20, v34;
	v47 =	vld [tilespmem:s0+$0x830]  }
0x5a2: {  	s13 =	sor.u32 $0xC60, s3;
	v57 =	vor.u32 v29, v33;
	v41 =	vld [tilespmem:s12+$0xC000];
	[tilespmem:v62+s23+$0x0] =	vst.idx.msk $0xffff, v39  }
0x5a3: {  	v40 =	vor.u32 v31, v43;
	[tilespmem:v63+s23+$0x0] =	vst.idx.msk $0xffff, v45;
	v39 =	vld [tilespmem:s13+$0xC000]  }
0x5a4: {  	v60 =	vor.u32 v19, v36;
	[tilespmem:v56+s23+$0x0] =	vst.idx.msk $0xffff, v49;
	v45 =	vld [tilespmem:s17+$0x820]  }
0x5a5: {  	v61 =	vor.u32 v9, v38;
	v49 =	vld [tilespmem:s15+$0x400];
	[tilespmem:v59+s23+$0x0] =	vst.idx.msk $0xffff, v50  }
0x5a6: {  	v56 =	vor.u32 v10, v37;
	v55 =	vld [tilespmem:s9+$0x410];
	[tilespmem:v58+s23+$0x0] =	vst.idx.msk $0xffff, v47  }
0x5a7: {  	v54 =	vor.u32 v21, v34;
	s14 =	sor.u32 $0xC50, s7;
	[tilespmem:v57+s23+$0x0] =	vst.idx.msk $0xffff, v41;
	v63 =	vld [tilespmem:s0+$0x840]  }
0x5a8: {  	v53 =	vor.u32 v30, v33;
	s3 =	sor.u32 $0xC70, s3;
	v62 =	vld [tilespmem:s14+$0xC000];
	[tilespmem:v40+s23+$0x0] =	vst.idx.msk $0xffff, v39  }
0x5a9: {  	[tilespmem:v60+s23+$0x0] =	vst.idx.msk $0xffff, v45;
	v44 =	vld [tilespmem:s3+$0xC000];
	v45 =	vor.u32 v32, v43  }
0x5aa: {  	s18 =	sor.u32 $0xC70, s11;
	[tilespmem:v61+s23+$0x0] =	vst.idx.msk $0xffff, v49;
	v49 =	vor.u32 v20, v36;
	v48 =	vld [tilespmem:s17+$0x830]  }
0x5ab: {  	v42 =	vor.u32 v32, v42;
	v51 =	vor.u32 v10, v38;
	v43 =	vld [tilespmem:s18+$0xC000];
	[tilespmem:v56+s23+$0x0] =	vst.idx.msk $0xffff, v55  }
0x5ac: {  	s5 =	sor.u32 $0xC60, s7;
	s11 =	simm.s32 $0x1;
	s10 =	simm.s32 $0x1000;
	v41 =	vor.u32 v31, v33;
	v47 =	vor.u32 v22, v34;
	v50 =	vld [tilespmem:s15+$0x410];
	[tilespmem:v54+s23+$0x0] =	vst.idx.msk $0xffff, v63  }
0x5ad: {  	s14 =	simm.s32 $0x24;
	v40 =	vor.u32 v31, v36;
	v39 =	vor.u32 v31, v38;
	s18 =	simm.s32 $0x6;
	s3 =	simm.s32 $0x480;
	[tilespmem:v53+s23+$0x0] =	vst.idx.msk $0xffff, v62;
	v46 =	vld [tilespmem:s0+$0x850]  }
.LBB2_13:
0x5ae: {  	s12 =	sadd.s32 $0xFFFFFFFC, s14;
	s13 =	sand.u32 $0x3000, s10;
	s26 =	sadd.s32 $0x100, s26;
	v52 =	vld [tilespmem:s5+$0xC000];
	[tilespmem:v45+s23+$0x0] =	vst.idx.msk $0xffff, v44  }
0x5af: {  	s18 =	sadd.s32 $0x2, s18;
	v53 =	vor.u32 v11, v37;
	v44 =	vmov s12;
	s5 =	sadd.s32 $0xFFFFFF80, s26;
	s12 =	sor.u32 $0xC000, s13;
	v45 =	vld [tilespmem:s9+$0x420];
	[tilespmem:v49+s23+$0x0] =	vst.idx.msk $0xffff, v48  }
0x5b0: {  	p1 =	slt.u32 s18, $0x1E;
	v49 =	vor.u32 v21, v36;
	v44 =	vshll.u32 v44, $0x7;
	s5 =	sand.u32 $0x300, s5;
	v48 =	vld [tilespmem:s17+$0x840];
	[tilespmem:v42+s23+$0x0] =	vst.idx.msk $0xffff, v43  }
0x5b1: {  	v42 =	vmov s14;
	s5 =	sor.u32 s5, s12;
	v43 =	vor.u32 v1, v44;
	[tilespmem:v51+s23+$0x0] =	vst.idx.msk $0xffff, v50;
	v44 =	vld [tilespmem:s16+$0x430];
	v50 =	vor.u32 v12, v35  }
0x5b2: {  	s13 =	sand.u32 $0x380, s26;
	v42 =	vshll.u32 v42, $0x7;
	v51 =	vld [tilespmem:s5+$0x0];
	v54 =	vor.u32 v0, v43;
	[tilespmem:v47+s23+$0x0] =	vst.idx.msk $0xffff, v46  }
0x5b3: {  	s12 =	sor.u32 s13, s12;
	v46 =	vor.u32 v1, v42;
	v47 =	vor.u32 v23, v34;
	v42 =	vld [tilespmem:s0+$0x860];
	[tilespmem:v41+s23+$0x0] =	vst.idx.msk $0xffff, v52;
	v41 =	vmov v40  }
0x5b4: {  	v52 =	vor.u32 v0, v46;
	v40 =	vmov v39;
	[tilespmem:v53+s23+$0x0] =	vst.idx.msk $0xffff, v45;
	v45 =	vld [tilespmem:s15+$0x420];
	v53 =	vor.u32 v11, v38  }
0x5b5: {  	v39 =	vor.u32 v31, v46;
	v55 =	vld [tilespmem:s12+$0x0];
	[tilespmem:v49+s23+$0x0] =	vst.idx.msk $0xffff, v48  }
0x5b6: {  	v48 =	vor.u32 v22, v36;
	[tilespmem:v50+s23+$0x0] =	vst.idx.msk $0xffff, v44;
	v44 =	vld [tilespmem:s17+$0x850]  }
0x5b7: {  	v50 =	vor.u32 v13, v35;
	[tilespmem:v54+s23+$0x0] =	vst.idx.msk $0xffff, v51;
	v49 =	vld [tilespmem:s16+$0x440]  }
0x5b8: {  	v54 =	vor.u32 v2, v43;
	v51 =	vld [tilespmem:s5+$0x10];
	[tilespmem:v47+s23+$0x0] =	vst.idx.msk $0xffff, v42  }
0x5b9: {  	[tilespmem:v53+s23+$0x0] =	vst.idx.msk $0xffff, v45;
	v42 =	vld [tilespmem:s0+$0x870];
	v45 =	vor.u32 v24, v34;
	s0 =	smov.u32 s16;
	s16 =	smov.u32 s9;
	s9 =	smov.u32 s5  }
0x5ba: {  	v47 =	vor.u32 v2, v46;
	v53 =	vor.u32 v12, v38;
	[tilespmem:v52+s23+$0x0] =	vst.idx.msk $0xffff, v55;
	v52 =	vld [tilespmem:s15+$0x430]  }
0x5bb: {  	s5 =	sand.u32 $0x3, s11;
	v55 =	vld [tilespmem:s12+$0x10];
	[tilespmem:v48+s23+$0x0] =	vst.idx.msk $0xffff, v44  }
0x5bc: {  	s5 =	sshll.u32 s5, $0x8;
	v48 =	vor.u32 v23, v36;
	[tilespmem:v50+s23+$0x0] =	vst.idx.msk $0xffff, v49;
	v44 =	vld [tilespmem:s17+$0x860]  }
0x5bd: {  	s5 =	sadd.s32 s5, s31;
	s31 =	smov.u32 s2;
	s2 =	smov.u32 s8;
	v50 =	vor.u32 v14, v35;
	[tilespmem:v54+s23+$0x0] =	vst.idx.msk $0xffff, v51;
	v49 =	vld [tilespmem:s0+$0x450]  }
0x5be: {  	s8 =	smov.u32 s10;
	s13 =	sor.u32 $0xC00, s5;
	v54 =	vor.u32 v3, v43;
	v51 =	vld [tilespmem:s9+$0x20];
	[tilespmem:v45+s23+$0x0] =	vst.idx.msk $0xffff, v42  }
0x5bf: {  	v45 =	vor.u32 v25, v34;
	[tilespmem:v53+s23+$0x0] =	vst.idx.msk $0xffff, v52;
	v42 =	vld [tilespmem:s13+$0xC000]  }
0x5c0: {  	v53 =	vor.u32 v13, v38;
	[tilespmem:v47+s23+$0x0] =	vst.idx.msk $0xffff, v55;
	v47 =	vor.u32 v3, v46;
	v52 =	vld [tilespmem:s15+$0x440]  }
0x5c1: {  	v55 =	vld [tilespmem:s12+$0x20];
	[tilespmem:v48+s23+$0x0] =	vst.idx.msk $0xffff, v44  }
0x5c2: {  	s6 =	sadd.s32 $0x2, s6;
	v48 =	vor.u32 v24, v36;
	[tilespmem:v50+s23+$0x0] =	vst.idx.msk $0xffff, v49;
	v44 =	vld [tilespmem:s17+$0x870];
	s17 =	smov.u32 s15;
	s15 =	smov.u32 s12  }
0x5c3: {  	v50 =	vor.u32 v15, v35;
	[tilespmem:v54+s23+$0x0] =	vst.idx.msk $0xffff, v51;
	v49 =	vld [tilespmem:s0+$0x460]  }
0x5c4: {  	s3 =	sadd.s32 $0x400, s3;
	s13 =	sor.u32 $0xC10, s5;
	s12 =	sand.u32 $0x7, s6;
	v54 =	vor.u32 v4, v43;
	v51 =	vld [tilespmem:s9+$0x30];
	[tilespmem:v45+s23+$0x0] =	vst.idx.msk $0xffff, v42  }
0x5c5: {  	s12 =	sshll.u32 s12, $0x7;
	v45 =	vor.u32 v26, v34;
	[tilespmem:v53+s23+$0x0] =	vst.idx.msk $0xffff, v52;
	v42 =	vld [tilespmem:s13+$0xC000]  }
0x5c6: {  	s12 =	sadd.s32 s12, s3;
	v53 =	vor.u32 v14, v38;
	[tilespmem:v47+s23+$0x0] =	vst.idx.msk $0xffff, v55;
	v47 =	vor.u32 v4, v46;
	v52 =	vld [tilespmem:s17+$0x450]  }
0x5c7: {  	s13 =	sor.u32 $0xC00, s12;
	v55 =	vld [tilespmem:s15+$0x30];
	[tilespmem:v48+s23+$0x0] =	vst.idx.msk $0xffff, v44  }
0x5c8: {  	v48 =	vor.u32 v25, v36;
	[tilespmem:v50+s23+$0x0] =	vst.idx.msk $0xffff, v49;
	v44 =	vld [tilespmem:s13+$0xC000]  }
0x5c9: {  	v50 =	vor.u32 v16, v35;
	[tilespmem:v54+s23+$0x0] =	vst.idx.msk $0xffff, v51;
	v49 =	vld [tilespmem:s0+$0x470]  }
0x5ca: {  	s13 =	sor.u32 $0xC20, s5;
	v54 =	vor.u32 v5, v43;
	v51 =	vld [tilespmem:s9+$0x40];
	[tilespmem:v45+s23+$0x0] =	vst.idx.msk $0xffff, v42  }
0x5cb: {  	v45 =	vor.u32 v27, v34;
	[tilespmem:v53+s23+$0x0] =	vst.idx.msk $0xffff, v52;
	v42 =	vld [tilespmem:s13+$0xC000]  }
0x5cc: {  	v53 =	vor.u32 v15, v38;
	[tilespmem:v47+s23+$0x0] =	vst.idx.msk $0xffff, v55;
	v47 =	vor.u32 v5, v46;
	v52 =	vld [tilespmem:s17+$0x460]  }
0x5cd: {  	s13 =	sor.u32 $0xC10, s12;
	v55 =	vld [tilespmem:s15+$0x40];
	[tilespmem:v48+s23+$0x0] =	vst.idx.msk $0xffff, v44  }
0x5ce: {  	v48 =	vor.u32 v26, v36;
	[tilespmem:v50+s23+$0x0] =	vst.idx.msk $0xffff, v49;
	v44 =	vld [tilespmem:s13+$0xC000]  }
0x5cf: {  	v50 =	vor.u32 v17, v35;
	[tilespmem:v54+s23+$0x0] =	vst.idx.msk $0xffff, v51;
	v49 =	vld [tilespmem:s0+$0x800]  }
0x5d0: {  	s13 =	sor.u32 $0xC30, s5;
	v54 =	vor.u32 v6, v43;
	v51 =	vld [tilespmem:s9+$0x50];
	[tilespmem:v45+s23+$0x0] =	vst.idx.msk $0xffff, v42  }
0x5d1: {  	v45 =	vor.u32 v28, v34;
	[tilespmem:v53+s23+$0x0] =	vst.idx.msk $0xffff, v52;
	v42 =	vld [tilespmem:s13+$0xC000]  }
0x5d2: {  	v52 =	vor.u32 v16, v38;
	[tilespmem:v47+s23+$0x0] =	vst.idx.msk $0xffff, v55;
	v47 =	vld [tilespmem:s17+$0x470]  }
0x5d3: {  	s13 =	sor.u32 $0xC20, s12;
	v55 =	vor.u32 v6, v46;
	v53 =	vld [tilespmem:s15+$0x50];
	[tilespmem:v48+s23+$0x0] =	vst.idx.msk $0xffff, v44  }
0x5d4: {  	v48 =	vor.u32 v27, v36;
	[tilespmem:v50+s23+$0x0] =	vst.idx.msk $0xffff, v49;
	v44 =	vld [tilespmem:s13+$0xC000]  }
0x5d5: {  	v50 =	vor.u32 v18, v35;
	[tilespmem:v54+s23+$0x0] =	vst.idx.msk $0xffff, v51;
	v49 =	vld [tilespmem:s0+$0x810]  }
0x5d6: {  	s13 =	sor.u32 $0xC40, s5;
	v54 =	vor.u32 v7, v43;
	v51 =	vld [tilespmem:s9+$0x60];
	[tilespmem:v45+s23+$0x0] =	vst.idx.msk $0xffff, v42  }
0x5d7: {  	v45 =	vor.u32 v29, v34;
	[tilespmem:v52+s23+$0x0] =	vst.idx.msk $0xffff, v47;
	v42 =	vld [tilespmem:s13+$0xC000]  }
0x5d8: {  	v52 =	vor.u32 v17, v38;
	[tilespmem:v55+s23+$0x0] =	vst.idx.msk $0xffff, v53;
	v47 =	vld [tilespmem:s17+$0x800]  }
0x5d9: {  	s13 =	sor.u32 $0xC30, s12;
	v55 =	vor.u32 v7, v46;
	v53 =	vld [tilespmem:s15+$0x60];
	[tilespmem:v48+s23+$0x0] =	vst.idx.msk $0xffff, v44  }
0x5da: {  	v48 =	vor.u32 v28, v36;
	[tilespmem:v50+s23+$0x0] =	vst.idx.msk $0xffff, v49;
	v44 =	vld [tilespmem:s13+$0xC000]  }
0x5db: {  	v50 =	vor.u32 v19, v35;
	[tilespmem:v54+s23+$0x0] =	vst.idx.msk $0xffff, v51;
	v49 =	vld [tilespmem:s0+$0x820]  }
0x5dc: {  	s13 =	sor.u32 $0xC50, s5;
	v54 =	vor.u32 v8, v43;
	v51 =	vld [tilespmem:s9+$0x70];
	[tilespmem:v45+s23+$0x0] =	vst.idx.msk $0xffff, v42  }
0x5dd: {  	v45 =	vor.u32 v30, v34;
	[tilespmem:v52+s23+$0x0] =	vst.idx.msk $0xffff, v47;
	v42 =	vld [tilespmem:s13+$0xC000]  }
0x5de: {  	v52 =	vor.u32 v18, v38;
	[tilespmem:v55+s23+$0x0] =	vst.idx.msk $0xffff, v53;
	v47 =	vld [tilespmem:s17+$0x810]  }
0x5df: {  	s13 =	sor.u32 $0xC40, s12;
	v55 =	vor.u32 v8, v46;
	v53 =	vld [tilespmem:s15+$0x70];
	[tilespmem:v48+s23+$0x0] =	vst.idx.msk $0xffff, v44  }
0x5e0: {  	v48 =	vor.u32 v29, v36;
	[tilespmem:v50+s23+$0x0] =	vst.idx.msk $0xffff, v49;
	v44 =	vld [tilespmem:s13+$0xC000]  }
0x5e1: {  	v50 =	vor.u32 v20, v35;
	[tilespmem:v54+s23+$0x0] =	vst.idx.msk $0xffff, v51;
	v49 =	vld [tilespmem:s0+$0x830]  }
0x5e2: {  	s13 =	sor.u32 $0xC60, s5;
	v54 =	vor.u32 v9, v43;
	v51 =	vld [tilespmem:s9+$0x400];
	[tilespmem:v45+s23+$0x0] =	vst.idx.msk $0xffff, v42  }
0x5e3: {  	v45 =	vor.u32 v31, v34;
	[tilespmem:v52+s23+$0x0] =	vst.idx.msk $0xffff, v47;
	v42 =	vld [tilespmem:s13+$0xC000]  }
0x5e4: {  	v52 =	vor.u32 v19, v38;
	[tilespmem:v55+s23+$0x0] =	vst.idx.msk $0xffff, v53;
	v47 =	vld [tilespmem:s17+$0x820]  }
0x5e5: {  	s13 =	sor.u32 $0xC50, s12;
	v55 =	vor.u32 v9, v46;
	v53 =	vld [tilespmem:s15+$0x400];
	[tilespmem:v48+s23+$0x0] =	vst.idx.msk $0xffff, v44  }
0x5e6: {  	v56 =	vor.u32 v30, v36;
	[tilespmem:v50+s23+$0x0] =	vst.idx.msk $0xffff, v49;
	v50 =	vld [tilespmem:s13+$0xC000]  }
0x5e7: {  	v57 =	vor.u32 v21, v35;
	[tilespmem:v54+s23+$0x0] =	vst.idx.msk $0xffff, v51;
	v54 =	vld [tilespmem:s0+$0x840]  }
0x5e8: {  	v59 =	vor.u32 v10, v43;
	s5 =	sor.u32 $0xC70, s5;
	v58 =	vld [tilespmem:s9+$0x410];
	[tilespmem:v45+s23+$0x0] =	vst.idx.msk $0xffff, v42  }
.Ltmp8:
0x5e9: {  	v45 =	vor.u32 v32, v34;
	v42 =	vor.u32 v32, v33;
	v34 =	vmov v35;
	[tilespmem:v52+s23+$0x0] =	vst.idx.msk $0xffff, v47;
	v44 =	vld [tilespmem:s5+$0xC000];
	s5 =	sor.u32 $0xC70, s7;
	s7 =	smov.u32 s12;
	(pc) =	sbr.rel @p1 .LBB2_13-.Ltmp8, $4  }
0x5ea: {  	v49 =	vor.u32 v20, v38;
	v35 =	vmovc v37;
	v37 =	vmov v43;
	v33 =	vmov v36;
	[tilespmem:v55+s23+$0x0] =	vst.idx.msk $0xffff, v53;
	v48 =	vld [tilespmem:s17+$0x830]  }
0x5eb: {  	v36 =	vmov v38;
	v38 =	vmov v46;
	[tilespmem:v56+s23+$0x0] =	vst.idx.msk $0xffff, v50;
	v43 =	vld [tilespmem:s5+$0xC000]  }
0x5ec: {  	s11 =	sadd.s32 $0x1, s11;
	v51 =	vor.u32 v10, v38;
	v50 =	vld [tilespmem:s15+$0x410];
	[tilespmem:v57+s23+$0x0] =	vst.idx.msk $0xffff, v54  }
0x5ed: {  	s14 =	sadd.s32 $0x8, s14;
	s10 =	sadd.s32 $0x400, s10;
	v47 =	vor.u32 v22, v34;
	s5 =	sor.u32 $0xC60, s7;
	[tilespmem:v59+s23+$0x0] =	vst.idx.msk $0xffff, v58;
	v46 =	vld [tilespmem:s0+$0x850]  }
0x5ee: {  	_ =	sdelay $0x3  }
0x5ef: {  	v52 =	vld [tilespmem:s9+$0x420];
	v53 =	vor.u32 v11, v37;
	[tilespmem:v51+s23+$0x0] =	vst.idx.msk $0xffff, v50  }
0x5f0: {  	v59 =	vor.u32 v11, v38;
	v50 =	vld [tilespmem:s15+$0x420];
	_ =	sdelay $0x2  }
0x5f1: {  	v54 =	vld [tilespmem:s16+$0x430];
	v55 =	vor.u32 v12, v35  }
0x5f2: {  	[tilespmem:v53+s23+$0x0] =	vst.idx.msk $0xffff, v52  }
0x5f3: {  	v61 =	vor.u32 v12, v37;
	v60 =	vld [tilespmem:s9+$0x430];
	[tilespmem:v59+s23+$0x0] =	vst.idx.msk $0xffff, v50  }
0x5f4: {  	v63 =	vor.u32 v12, v38;
	v62 =	vld [tilespmem:s15+$0x430];
	_ =	sdelay $0x1  }
0x5f5: {  	[tilespmem:v55+s23+$0x0] =	vst.idx.msk $0xffff, v54  }
0x5f6: {  	v57 =	vor.u32 v13, v35;
	v54 =	vld [tilespmem:s16+$0x440]  }
0x5f7: {  	[tilespmem:v61+s23+$0x0] =	vst.idx.msk $0xffff, v60  }
0x5f8: {  	v58 =	vor.u32 v13, v37;
	v50 =	vld [tilespmem:s9+$0x440];
	[tilespmem:v63+s23+$0x0] =	vst.idx.msk $0xffff, v62  }
0x5f9: {  	v59 =	vor.u32 v13, v38;
	v52 =	vld [tilespmem:s15+$0x440];
	_ =	sdelay $0x1  }
0x5fa: {  	[tilespmem:v57+s23+$0x0] =	vst.idx.msk $0xffff, v54  }
0x5fb: {  	v60 =	vor.u32 v14, v35;
	v54 =	vld [tilespmem:s16+$0x450]  }
0x5fc: {  	[tilespmem:v58+s23+$0x0] =	vst.idx.msk $0xffff, v50  }
0x5fd: {  	v61 =	vor.u32 v14, v37;
	v50 =	vld [tilespmem:s9+$0x450];
	[tilespmem:v59+s23+$0x0] =	vst.idx.msk $0xffff, v52  }
0x5fe: {  	v62 =	vor.u32 v14, v38;
	v52 =	vld [tilespmem:s15+$0x450];
	_ =	sdelay $0x1  }
0x5ff: {  	[tilespmem:v60+s23+$0x0] =	vst.idx.msk $0xffff, v54  }
0x600: {  	v63 =	vor.u32 v15, v35;
	v54 =	vld [tilespmem:s16+$0x460]  }
0x601: {  	[tilespmem:v61+s23+$0x0] =	vst.idx.msk $0xffff, v50  }
0x602: {  	v57 =	vor.u32 v15, v37;
	v50 =	vld [tilespmem:s9+$0x460];
	[tilespmem:v62+s23+$0x0] =	vst.idx.msk $0xffff, v52  }
0x603: {  	v58 =	vor.u32 v15, v38;
	v52 =	vld [tilespmem:s15+$0x460];
	_ =	sdelay $0x1  }
0x604: {  	[tilespmem:v63+s23+$0x0] =	vst.idx.msk $0xffff, v54  }
0x605: {  	v59 =	vor.u32 v16, v35;
	v54 =	vld [tilespmem:s16+$0x470]  }
0x606: {  	[tilespmem:v57+s23+$0x0] =	vst.idx.msk $0xffff, v50  }
0x607: {  	v60 =	vor.u32 v16, v37;
	v50 =	vld [tilespmem:s9+$0x470];
	[tilespmem:v58+s23+$0x0] =	vst.idx.msk $0xffff, v52  }
0x608: {  	v61 =	vor.u32 v16, v38;
	v52 =	vld [tilespmem:s15+$0x470];
	_ =	sdelay $0x1  }
0x609: {  	[tilespmem:v59+s23+$0x0] =	vst.idx.msk $0xffff, v54  }
0x60a: {  	v62 =	vor.u32 v17, v35;
	v54 =	vld [tilespmem:s16+$0x800]  }
0x60b: {  	[tilespmem:v60+s23+$0x0] =	vst.idx.msk $0xffff, v50  }
0x60c: {  	v63 =	vor.u32 v17, v37;
	v50 =	vld [tilespmem:s9+$0x800];
	[tilespmem:v61+s23+$0x0] =	vst.idx.msk $0xffff, v52  }
0x60d: {  	v57 =	vor.u32 v17, v38;
	v52 =	vld [tilespmem:s15+$0x800];
	_ =	sdelay $0x1  }
0x60e: {  	[tilespmem:v62+s23+$0x0] =	vst.idx.msk $0xffff, v54  }
0x60f: {  	v58 =	vor.u32 v18, v35;
	v54 =	vld [tilespmem:s16+$0x810]  }
0x610: {  	[tilespmem:v63+s23+$0x0] =	vst.idx.msk $0xffff, v50  }
0x611: {  	v59 =	vor.u32 v18, v37;
	v50 =	vld [tilespmem:s9+$0x810];
	[tilespmem:v57+s23+$0x0] =	vst.idx.msk $0xffff, v52  }
0x612: {  	v60 =	vor.u32 v18, v38;
	v52 =	vld [tilespmem:s15+$0x810];
	_ =	sdelay $0x1  }
0x613: {  	[tilespmem:v58+s23+$0x0] =	vst.idx.msk $0xffff, v54  }
0x614: {  	v61 =	vor.u32 v19, v35;
	v54 =	vld [tilespmem:s16+$0x820]  }
0x615: {  	[tilespmem:v59+s23+$0x0] =	vst.idx.msk $0xffff, v50  }
0x616: {  	v62 =	vor.u32 v19, v37;
	v50 =	vld [tilespmem:s9+$0x820];
	[tilespmem:v60+s23+$0x0] =	vst.idx.msk $0xffff, v52  }
0x617: {  	v63 =	vor.u32 v19, v38;
	v52 =	vld [tilespmem:s15+$0x820];
	_ =	sdelay $0x1  }
0x618: {  	[tilespmem:v61+s23+$0x0] =	vst.idx.msk $0xffff, v54  }
0x619: {  	v57 =	vor.u32 v20, v35;
	v54 =	vld [tilespmem:s16+$0x830]  }
0x61a: {  	[tilespmem:v62+s23+$0x0] =	vst.idx.msk $0xffff, v50  }
0x61b: {  	v58 =	vor.u32 v20, v37;
	v50 =	vld [tilespmem:s9+$0x830];
	[tilespmem:v63+s23+$0x0] =	vst.idx.msk $0xffff, v52  }
0x61c: {  	v59 =	vor.u32 v20, v38;
	v52 =	vld [tilespmem:s15+$0x830];
	_ =	sdelay $0x1  }
0x61d: {  	[tilespmem:v57+s23+$0x0] =	vst.idx.msk $0xffff, v54  }
0x61e: {  	[tilespmem:v49+s23+$0x0] =	vst.idx.msk $0xffff, v48;
	v61 =	vor.u32 v21, v35;
	v60 =	vld [tilespmem:s16+$0x840]  }
0x61f: {  	v62 =	vld [tilespmem:s17+$0x840];
	v63 =	vor.u32 v21, v36;
	[tilespmem:v58+s23+$0x0] =	vst.idx.msk $0xffff, v50  }
0x620: {  	v57 =	vor.u32 v21, v37;
	v50 =	vld [tilespmem:s9+$0x840];
	[tilespmem:v59+s23+$0x0] =	vst.idx.msk $0xffff, v52  }
0x621: {  	v58 =	vor.u32 v21, v38;
	v52 =	vld [tilespmem:s15+$0x840];
	_ =	sdelay $0x1  }
0x622: {  	[tilespmem:v61+s23+$0x0] =	vst.idx.msk $0xffff, v60  }
0x623: {  	v48 =	vld [tilespmem:s16+$0x850];
	[tilespmem:v63+s23+$0x0] =	vst.idx.msk $0xffff, v62;
	v59 =	vor.u32 v22, v35  }
0x624: {  	v60 =	vor.u32 v22, v36;
	v54 =	vld [tilespmem:s17+$0x850];
	[tilespmem:v57+s23+$0x0] =	vst.idx.msk $0xffff, v50  }
0x625: {  	v61 =	vor.u32 v22, v37;
	v50 =	vld [tilespmem:s9+$0x850];
	[tilespmem:v58+s23+$0x0] =	vst.idx.msk $0xffff, v52  }
0x626: {  	[tilespmem:v47+s23+$0x0] =	vst.idx.msk $0xffff, v46;
	v63 =	vor.u32 v22, v38;
	v62 =	vld [tilespmem:s15+$0x850]  }
0x627: {  	v57 =	vld [tilespmem:s0+$0x860];
	v58 =	vor.u32 v23, v34  }
0x628: {  	[tilespmem:v59+s23+$0x0] =	vst.idx.msk $0xffff, v48  }
0x629: {  	[tilespmem:v60+s23+$0x0] =	vst.idx.msk $0xffff, v54;
	v59 =	vor.u32 v23, v35;
	v48 =	vld [tilespmem:s16+$0x860]  }
0x62a: {  	v60 =	vor.u32 v23, v36;
	v54 =	vld [tilespmem:s17+$0x860];
	[tilespmem:v61+s23+$0x0] =	vst.idx.msk $0xffff, v50  }
0x62b: {  	v61 =	vld [tilespmem:s9+$0x860];
	[tilespmem:v63+s23+$0x0] =	vst.idx.msk $0xffff, v62;
	v62 =	vor.u32 v23, v37  }
0x62c: {  	[tilespmem:v58+s23+$0x0] =	vst.idx.msk $0xffff, v57;
	v57 =	vor.u32 v23, v38;
	v63 =	vld [tilespmem:s15+$0x860];
	_ =	sdelay $0x1  }
0x62d: {  	s14 =	sand.u32 $0x3, s11;
	s10 =	sadd.s32 $0x2, s6;
	v58 =	vor.u32 v24, v34;
	[tilespmem:v59+s23+$0x0] =	vst.idx.msk $0xffff, v48;
	v52 =	vld [tilespmem:s0+$0x870]  }
0x62e: {  	s3 =	sadd.s32 $0x400, s3;
	s26 =	sadd.s32 $0x1, s11;
	s18 =	sand.u32 $0x7, s10;
	[tilespmem:v60+s23+$0x0] =	vst.idx.msk $0xffff, v54;
	v59 =	vor.u32 v24, v35;
	v48 =	vld [tilespmem:s16+$0x870]  }
0x62f: {  	s13 =	sand.u32 $0x3, s26;
	s11 =	sadd.s32 $0x1, s26;
	s10 =	sadd.s32 $0x2, s10;
	v60 =	vor.u32 v24, v36;
	v54 =	vld [tilespmem:s17+$0x870];
	[tilespmem:v62+s23+$0x0] =	vst.idx.msk $0xffff, v61  }
0x630: {  	s13 =	sshll.u32 s13, $0x8;
	s11 =	sand.u32 $0x3, s11;
	s0 =	sshll.u32 s14, $0x8;
	v61 =	vor.u32 v24, v37;
	[tilespmem:v57+s23+$0x0] =	vst.idx.msk $0xffff, v63;
	v46 =	vld [tilespmem:s9+$0x870]  }
0x631: {  	s10 =	sand.u32 $0x7, s10;
	s2 =	sadd.s32 s13, s2;
	s6 =	sadd.s32 s0, s31;
	v62 =	vor.u32 v24, v38;
	v50 =	vld [tilespmem:s15+$0x870]  }
0x632: {  	s11 =	sshll.u32 s11, $0x8;
	s0 =	sshll.u32 s18, $0x7;
	s12 =	sor.u32 $0xC00, s6;
	[tilespmem:v58+s23+$0x0] =	vst.idx.msk $0xffff, v52  }
0x633: {  	s10 =	sshll.u32 s10, $0x7;
	s14 =	sor.u32 $0xC00, s2;
	s0 =	sadd.s32 s0, s3;
	[tilespmem:v59+s23+$0x0] =	vst.idx.msk $0xffff, v48;
	v52 =	vld [tilespmem:s12+$0xC000];
	v63 =	vor.u32 v25, v34  }
0x634: {  	s8 =	sadd.s32 s11, s8;
	s3 =	sadd.s32 $0x400, s3;
	s31 =	sor.u32 $0xC00, s0;
	[tilespmem:v60+s23+$0x0] =	vst.idx.msk $0xffff, v54;
	v48 =	vld [tilespmem:s14+$0xC000];
	v57 =	vor.u32 v25, v35  }
0x635: {  	s3 =	sadd.s32 s10, s3;
	v58 =	vor.u32 v25, v36;
	v54 =	vld [tilespmem:s31+$0xC000];
	s15 =	sor.u32 $0xC00, s8;
	[tilespmem:v61+s23+$0x0] =	vst.idx.msk $0xffff, v46  }
0x636: {  	s10 =	sor.u32 $0xC00, s3;
	v59 =	vor.u32 v25, v37;
	[tilespmem:v62+s23+$0x0] =	vst.idx.msk $0xffff, v50;
	v46 =	vld [tilespmem:s15+$0xC000]  }
0x637: {  	v60 =	vor.u32 v25, v38;
	v50 =	vld [tilespmem:s10+$0xC000]  }
0x638: {  	s16 =	sor.u32 $0xC10, s6;
	[tilespmem:v63+s23+$0x0] =	vst.idx.msk $0xffff, v52  }
0x639: {  	s17 =	sor.u32 $0xC10, s2;
	v61 =	vor.u32 v26, v34;
	[tilespmem:v57+s23+$0x0] =	vst.idx.msk $0xffff, v48;
	v52 =	vld [tilespmem:s16+$0xC000]  }
0x63a: {  	s18 =	sor.u32 $0xC10, s0;
	[tilespmem:v58+s23+$0x0] =	vst.idx.msk $0xffff, v54;
	v48 =	vld [tilespmem:s17+$0xC000];
	v62 =	vor.u32 v26, v35  }
0x63b: {  	s26 =	sor.u32 $0xC10, s8;
	v63 =	vor.u32 v26, v36;
	v54 =	vld [tilespmem:s18+$0xC000];
	[tilespmem:v59+s23+$0x0] =	vst.idx.msk $0xffff, v46  }
0x63c: {  	s31 =	sor.u32 $0xC10, s3;
	v57 =	vor.u32 v26, v37;
	[tilespmem:v60+s23+$0x0] =	vst.idx.msk $0xffff, v50;
	v46 =	vld [tilespmem:s26+$0xC000]  }
0x63d: {  	v58 =	vor.u32 v26, v38;
	v50 =	vld [tilespmem:s31+$0xC000]  }
0x63e: {  	s11 =	sor.u32 $0xC20, s6;
	[tilespmem:v61+s23+$0x0] =	vst.idx.msk $0xffff, v52  }
0x63f: {  	s12 =	sor.u32 $0xC20, s2;
	v59 =	vor.u32 v27, v34;
	[tilespmem:v62+s23+$0x0] =	vst.idx.msk $0xffff, v48;
	v52 =	vld [tilespmem:s11+$0xC000]  }
0x640: {  	s13 =	sor.u32 $0xC20, s0;
	[tilespmem:v63+s23+$0x0] =	vst.idx.msk $0xffff, v54;
	v48 =	vld [tilespmem:s12+$0xC000];
	v60 =	vor.u32 v27, v35  }
0x641: {  	s14 =	sor.u32 $0xC20, s8;
	v61 =	vor.u32 v27, v36;
	v54 =	vld [tilespmem:s13+$0xC000];
	[tilespmem:v57+s23+$0x0] =	vst.idx.msk $0xffff, v46  }
0x642: {  	s15 =	sor.u32 $0xC20, s3;
	v62 =	vor.u32 v27, v37;
	[tilespmem:v58+s23+$0x0] =	vst.idx.msk $0xffff, v50;
	v46 =	vld [tilespmem:s14+$0xC000]  }
0x643: {  	v63 =	vor.u32 v27, v38;
	v50 =	vld [tilespmem:s15+$0xC000]  }
0x644: {  	s16 =	sor.u32 $0xC30, s6;
	[tilespmem:v59+s23+$0x0] =	vst.idx.msk $0xffff, v52  }
0x645: {  	s17 =	sor.u32 $0xC30, s2;
	v57 =	vor.u32 v28, v34;
	[tilespmem:v60+s23+$0x0] =	vst.idx.msk $0xffff, v48;
	v52 =	vld [tilespmem:s16+$0xC000]  }
0x646: {  	s18 =	sor.u32 $0xC30, s0;
	[tilespmem:v61+s23+$0x0] =	vst.idx.msk $0xffff, v54;
	v48 =	vld [tilespmem:s17+$0xC000];
	v58 =	vor.u32 v28, v35  }
0x647: {  	s26 =	sor.u32 $0xC30, s8;
	v59 =	vor.u32 v28, v36;
	v54 =	vld [tilespmem:s18+$0xC000];
	[tilespmem:v62+s23+$0x0] =	vst.idx.msk $0xffff, v46  }
0x648: {  	s31 =	sor.u32 $0xC30, s3;
	v60 =	vor.u32 v28, v37;
	[tilespmem:v63+s23+$0x0] =	vst.idx.msk $0xffff, v50;
	v46 =	vld [tilespmem:s26+$0xC000]  }
0x649: {  	v61 =	vor.u32 v28, v38;
	v50 =	vld [tilespmem:s31+$0xC000]  }
0x64a: {  	s11 =	sor.u32 $0xC40, s6;
	[tilespmem:v57+s23+$0x0] =	vst.idx.msk $0xffff, v52  }
0x64b: {  	s12 =	sor.u32 $0xC40, s2;
	v62 =	vor.u32 v29, v34;
	[tilespmem:v58+s23+$0x0] =	vst.idx.msk $0xffff, v48;
	v52 =	vld [tilespmem:s11+$0xC000]  }
0x64c: {  	v49 =	vor.u32 v29, v35;
	s13 =	sor.u32 $0xC40, s0;
	[tilespmem:v59+s23+$0x0] =	vst.idx.msk $0xffff, v54;
	v48 =	vld [tilespmem:s12+$0xC000]  }
0x64d: {  	v56 =	vor.u32 v29, v36;
	s14 =	sor.u32 $0xC40, s8;
	v63 =	vld [tilespmem:s13+$0xC000];
	[tilespmem:v60+s23+$0x0] =	vst.idx.msk $0xffff, v46  }
0x64e: {  	s15 =	sor.u32 $0xC40, s3;
	v58 =	vor.u32 v29, v37;
	[tilespmem:v61+s23+$0x0] =	vst.idx.msk $0xffff, v50;
	v57 =	vld [tilespmem:s14+$0xC000]  }
0x64f: {  	[tilespmem:v45+s23+$0x0] =	vst.idx.msk $0xffff, v44;
	v60 =	vor.u32 v29, v38;
	v59 =	vld [tilespmem:s15+$0xC000]  }
0x650: {  	s16 =	sor.u32 $0xC50, s6;
	[tilespmem:v62+s23+$0x0] =	vst.idx.msk $0xffff, v52  }
0x651: {  	s17 =	sor.u32 $0xC50, s2;
	v62 =	vor.u32 v30, v34;
	[tilespmem:v49+s23+$0x0] =	vst.idx.msk $0xffff, v48;
	v61 =	vld [tilespmem:s16+$0xC000]  }
0x652: {  	v47 =	vor.u32 v30, v35;
	s18 =	sor.u32 $0xC50, s0;
	[tilespmem:v56+s23+$0x0] =	vst.idx.msk $0xffff, v63;
	v46 =	vld [tilespmem:s17+$0xC000]  }
0x653: {  	s26 =	sor.u32 $0xC50, s8;
	v56 =	vor.u32 v30, v36;
	v63 =	vld [tilespmem:s18+$0xC000];
	[tilespmem:v58+s23+$0x0] =	vst.idx.msk $0xffff, v57  }
0x654: {  	s31 =	sor.u32 $0xC50, s3;
	v57 =	vor.u32 v30, v37;
	[tilespmem:v60+s23+$0x0] =	vst.idx.msk $0xffff, v59;
	v50 =	vld [tilespmem:s26+$0xC000]  }
0x655: {  	[tilespmem:v42+s23+$0x0] =	vst.idx.msk $0xffff, v43;
	v59 =	vor.u32 v30, v38;
	v58 =	vld [tilespmem:s31+$0xC000]  }
0x656: {  	s11 =	sor.u32 $0xC60, s6;
	[tilespmem:v62+s23+$0x0] =	vst.idx.msk $0xffff, v61;
	v62 =	vld [tilespmem:s5+$0xC000]  }
0x657: {  	s12 =	sor.u32 $0xC60, s2;
	v61 =	vor.u32 v31, v34;
	[tilespmem:v47+s23+$0x0] =	vst.idx.msk $0xffff, v46;
	v60 =	vld [tilespmem:s11+$0xC000]  }
0x658: {  	s13 =	sor.u32 $0xC60, s0;
	[tilespmem:v56+s23+$0x0] =	vst.idx.msk $0xffff, v63;
	v63 =	vor.u32 v31, v35;
	v46 =	vld [tilespmem:s12+$0xC000]  }
0x659: {  	s14 =	sor.u32 $0xC60, s8;
	v48 =	vld [tilespmem:s13+$0xC000];
	[tilespmem:v57+s23+$0x0] =	vst.idx.msk $0xffff, v50  }
0x65a: {  	s15 =	sor.u32 $0xC60, s3;
	v50 =	vor.u32 v31, v37;
	[tilespmem:v59+s23+$0x0] =	vst.idx.msk $0xffff, v58;
	v49 =	vld [tilespmem:s14+$0xC000]  }
0x65b: {  	s17 =	sor.u32 $0xC70, s7;
	[tilespmem:v41+s23+$0x0] =	vst.idx.msk $0xffff, v62;
	v51 =	vld [tilespmem:s15+$0xC000]  }
0x65c: {  	v33 =	vor.u32 v32, v33;
	s16 =	sor.u32 $0xC70, s6;
	[tilespmem:v61+s23+$0x0] =	vst.idx.msk $0xffff, v60;
	v55 =	vld [tilespmem:s17+$0xC000]  }
0x65d: {  	v54 =	vor.u32 v32, v34;
	s2 =	sor.u32 $0xC70, s2;
	[tilespmem:v63+s23+$0x0] =	vst.idx.msk $0xffff, v46;
	v53 =	vld [tilespmem:s16+$0xC000]  }
0x65e: {  	s0 =	sor.u32 $0xC70, s0;
	[tilespmem:v40+s23+$0x0] =	vst.idx.msk $0xffff, v48;
	v57 =	vor.u32 v32, v35;
	v56 =	vld [tilespmem:s2+$0xC000]  }
0x65f: {  	s18 =	sor.u32 $0xC70, s8;
	v58 =	vor.u32 v32, v36;
	v59 =	vld [tilespmem:s0+$0xC000];
	[tilespmem:v50+s23+$0x0] =	vst.idx.msk $0xffff, v49  }
0x660: {  	s26 =	sor.u32 $0xC70, s3;
	v61 =	vor.u32 v32, v37;
	[tilespmem:v39+s23+$0x0] =	vst.idx.msk $0xffff, v51;
	v60 =	vld [tilespmem:s18+$0xC000]  }
0x661: {  	v62 =	vor.u32 v32, v38;
	[tilespmem:v33+s23+$0x0] =	vst.idx.msk $0xffff, v55;
	v63 =	vld [tilespmem:s26+$0xC000]  }
0x662: {  	[tilespmem:v54+s23+$0x0] =	vst.idx.msk $0xffff, v53  }
.Ltmp9:
0x663: {  	[tilespmem:v57+s23+$0x0] =	vst.idx.msk $0xffff, v56;
	(pc) =	sbr.rel @p0 .LBB2_16-.Ltmp9, $4  }
0x664: {  	[tilespmem:v58+s23+$0x0] =	vst.idx.msk $0xffff, v59  }
0x665: {  	[tilespmem:v61+s23+$0x0] =	vst.idx.msk $0xffff, v60  }
0x666: {  	s31 =	sadd.s32 $0x1800, s30;
	[tilespmem:v62+s23+$0x0] =	vst.idx.msk $0xffff, v63  }
0x667: {  	[hbm4b:s31+s4] =	stream.linear.scatter [tilespmem:s23], [sflag:$0x6], $0x4000, $0x38;
	[tilespmem:$0x18000] =	vst v63  }
.Ltmp10:
0x668: {  	s0 =	rddreg [dreg:$0xc];
	(pc) =	sbr.rel .LBB2_2-.Ltmp10, $4  }
0x669: {  	s0 =	sadd.s32 s29, s0  }
0x66a: {  	s0 =	sshll.u32 s0, $0x6  }
0x66b: {  	s2 =	simm.s32 $0xC000;
	s28 =	sadd.s32 $0x1, s28;
	s0 =	sadd.s32 s1, s0  }
0x66c: {  	[tilespmem:s2], [sflag:$0x4] =	stream.linear.gather [hbm4b:s0+s4], $0x4000, $0x38;
	[tilespmem:$0x18000] =	vst v63  }
.LBB2_17:
0x66d: {  	_ =	sfence.sel $0x180000  }
0x66e: {  	[bflag:$0x0] =	sbarrier.arrive $0xFFFF  }
0x66f: {  	_ =	strace $0x90000047  }
0x670: {  	s0 =	stileid.u32;
	[bflag:$0x2] =	sbarrier.arrive $0xFFFF  }
0x671: {  	p0 =	sne.s32 s0, $0x0;
	s0 =	rddreg [dreg:$0x2]  }
0x672: {  	s0 =	sadd.s32 @!p0 $0x100000, s0  }
0x673: {  	[sflag:s0] =	ssyncadd.tile.s32 @!p0 $0x1;
	_ =	shalt  }
.Lfunc_end2:
_tile_overlayer_lowered:
.L_overlay_start_2:
0x674: {  	(tag) =	ssettag $0x2  }
0x675: {  	s0 =	rddreg [dreg:$0x0];
	s2 =	stileid.u32  }
0x676: {  	s1 =	rddreg [dreg:$0x1];
	p0 =	sne.s32 s2, $0x0  }
0x677: {  	s3 =	rddreg [dreg:$0x2];
	[bflag:$0x3] =	sbarrier.arrive $0xFFFF;
	s2 =	simm.s32 @!p0 $0x1C07  }
0x678: {  	[timem:s3], [sflag:s2] =	dma.local @!p0 [hbm:s0], s1  }
0x679: {  	s0 =	simm.s32 @!p0 $0x7  }
0x67a: {  	_ =	swait.ge @!p0 [sflag:s0], s1  }
0x67b: {  	s1 =	ssub.s32 @!p0 $0x0, s1;
	[sflag:s0] =	ssyncset.done @!p0 $0x0  }
0x67c: {  	[sflag:s0] =	ssyncadd.s32 @!p0 s1  }
0x67d: {  	[bflag:$0x3] =	sbarrier.arrive $0xFFFF  }
0x67e: {  	_ =	shalt  }

</sc_bundles>
